<compile_context>
chip_gen: v7x
topology: tpu7x:2x2x1
jax: 0.10.2.dev20260603
libtpu: 0.0.44.dev20260713+nightly
codegen_flags: <defaults>
</compile_context>

<pallas_src>
import math
import functools

import jax
import jax.numpy as jnp
from jax import lax
from jax.experimental import pallas as pl
from jax.experimental.pallas import tpu as pltpu
from jax.experimental.pallas import tpu_sc as plsc

D_MODEL = 128
SCALE = math.sqrt(float(D_MODEL))

def _scale_body(t_ref, o_ref):
    o_ref[...] = t_ref[...] * SCALE


def _scale_table(table):
    v, d = table.shape
    block = 2000
    return pl.pallas_call(
        _scale_body,
        grid=(v // block,),
        in_specs=[pl.BlockSpec((block, d), lambda i: (i, 0))],
        out_specs=pl.BlockSpec((block, d), lambda i: (i, 0)),
        out_shape=jax.ShapeDtypeStruct((v, d), table.dtype),
    )(table)


NC, NS = 2, 16
NW = NC * NS
CHUNK = 128


NBUF = 5
LOOKAHEAD = 3


def _make_gather(n_rows):
    per_w = n_rows // NW
    n_chunks = per_w // CHUNK
    assert n_chunks % NBUF == 0
    mesh = plsc.VectorSubcoreMesh(core_axis_name="c", subcore_axis_name="s")

    @functools.partial(
        pl.kernel,
        out_type=jax.ShapeDtypeStruct((n_rows, D_MODEL), jnp.float32),
        mesh=mesh,
        scratch_types=[
            pltpu.VMEM((n_chunks, CHUNK), jnp.int32),
            pltpu.VMEM((NBUF, CHUNK, D_MODEL), jnp.float32),
        ]
        + [pltpu.SemaphoreType.DMA] * (2 * NBUF),
    )
    def gather(x_hbm, table_hbm, out_hbm, idx_v, rows_v, *sems):
        sem_in, sem_out = sems[:NBUF], sems[NBUF:]
        wid = lax.axis_index("s") * NC + lax.axis_index("c")
        pltpu.sync_copy(x_hbm.at[pl.ds(wid * n_chunks, n_chunks)], idx_v)
        base = wid * per_w

        def start_gather(g, b):
            pltpu.async_copy(table_hbm.at[idx_v.at[g]], rows_v.at[b],
                             sem_in[b])

        def wait_gather(b):
            pltpu.make_async_copy(table_hbm.at[idx_v.at[0]], rows_v.at[b],
                                  sem_in[b]).wait()

        def start_out(g, b):
            pltpu.async_copy(rows_v.at[b],
                             out_hbm.at[pl.ds(base + g * CHUNK, CHUNK)],
                             sem_out[b])

        def wait_out(b):
            pltpu.make_async_copy(rows_v.at[b],
                                  out_hbm.at[pl.ds(base, CHUNK)],
                                  sem_out[b]).wait()

        ROWS_PER_STEP = 4

        def scale_buf(b):
            def srow(r, _):
                for rr in range(ROWS_PER_STEP):
                    for l in range(D_MODEL // 16):
                        sl = pl.ds(l * 16, 16)
                        rows_v[b, r + rr, sl] = rows_v[b, r + rr, sl] * SCALE
                return ()

            lax.fori_loop(0, CHUNK // ROWS_PER_STEP,
                          lambda r, c: srow(r * ROWS_PER_STEP, c), (),
                          unroll=False)

        for g in range(LOOKAHEAD):
            start_gather(g, g % NBUF)

        def body(p, _):
            for b in range(NBUF):
                g = p + b
                h = g + LOOKAHEAD
                hb = (b + LOOKAHEAD) % NBUF

                wait_gather(b)
                scale_buf(b)
                start_out(g, b)

                @pl.when(h < n_chunks)
                def _():
                    @pl.when(h >= NBUF)
                    def _():
                        wait_out(hb)
                    start_gather(h, hb)
            return ()

        lax.fori_loop(0, n_chunks // NBUF, lambda p, c: body(p * NBUF, c),
                      (), unroll=False)

        for b in range(NBUF):
            wait_out(b)

    return gather


def kernel(x, table):
    b, s = x.shape
    n_rows = b * s
    x_flat = x.reshape(n_rows // CHUNK, CHUNK).astype(jnp.int32)
    out = _make_gather(n_rows)(x_flat, table)
    return out.reshape(b, s, D_MODEL)

# --- scband reference (transcript-rebuilt; emitter-appended) ---
"""Pipeline reference for scband-embeddings-14121852469550 (READ-ONLY COPY).

The authoritative reference and input builder live on the scoring server;
editing this copy changes nothing except your own understanding.
"""

import math
import jax, jax.numpy as jnp
import numpy as np

VOCAB_SIZE = 100000
D_MODEL = 128

def setup_inputs(seed: int = 0) -> dict:
    key = jax.random.key(seed)
    k1, k2 = jax.random.split(key)
    x = jax.random.randint(k1, (4096, 200), 0, VOCAB_SIZE, dtype=jnp.int64 if jax.config.jax_enable_x64 else jnp.int32)
    table = jax.random.normal(k2, (VOCAB_SIZE, D_MODEL), dtype=jnp.float32)
    return {"x": x, "table": table}

def reference(x, table):
    # Embeddings.forward: embedding lookup scaled by sqrt(d_model)
    emb = jnp.take(table, x, axis=0)
    return emb * math.sqrt(D_MODEL)

if __name__ == "__main__":
    import jax
    _d = setup_inputs()
    print(jax.jit(kernel)(*tuple(_d.values())))

</pallas_src>

<mosaic_0001>
#map = affine_map<(d0, d1) -> (0, 0)>
module attributes {stable_mosaic.version = 14 : i64} {
  func.func @gather(%arg0: i32, %arg1: i32, %arg2: memref<6400x128xi32, #tpu.memory_space<hbm>>, %arg3: memref<100000x128xf32, #tpu.memory_space<hbm>>, %arg4: memref<819200x128xf32, #tpu.memory_space<hbm>>, %arg5: memref<200x128xi32, #tpu.memory_space<vmem>>, %arg6: memref<5x128x128xf32, #tpu.memory_space<vmem>>, %arg7: memref<!tpu.dma_semaphore, #tpu.memory_space<semaphore_mem>>, %arg8: memref<!tpu.dma_semaphore, #tpu.memory_space<semaphore_mem>>, %arg9: memref<!tpu.dma_semaphore, #tpu.memory_space<semaphore_mem>>, %arg10: memref<!tpu.dma_semaphore, #tpu.memory_space<semaphore_mem>>, %arg11: memref<!tpu.dma_semaphore, #tpu.memory_space<semaphore_mem>>, %arg12: memref<!tpu.dma_semaphore, #tpu.memory_space<semaphore_mem>>, %arg13: memref<!tpu.dma_semaphore, #tpu.memory_space<semaphore_mem>>, %arg14: memref<!tpu.dma_semaphore, #tpu.memory_space<semaphore_mem>>, %arg15: memref<!tpu.dma_semaphore, #tpu.memory_space<semaphore_mem>>, %arg16: memref<!tpu.dma_semaphore, #tpu.memory_space<semaphore_mem>>) attributes {dimension_semantics = [#tpu.dimension_semantics<core_parallel>, #tpu.dimension_semantics<subcore_parallel>], iteration_bounds = array<i64: 2, 16>, scalar_prefetch = 0 : i64, scratch_operands = 12 : i64, tpu.core_type = #tpu.core_type<sc_vector_subcore>, window_params = [{transform_indices = #map}, {transform_indices = #map}, {transform_indices = #map}]} {
    %mul3A = arith.constant 2 : i32
    %mul3A_0 = arith.muli %arg1, %mul3A : i32
    %add3A = arith.addi %mul3A_0, %arg0 : i32
    %mul3A_1 = arith.constant 200 : i32
    %mul3A_2 = arith.muli %add3A, %mul3A_1 : i32
    "tpu.region"() ({
      %run_scoped3A = tpu.sem_alloc : memref<!tpu.dma_semaphore, #tpu.memory_space<semaphore_mem>>
      %dma_start3A_108 = arith.constant 0 : i32
      %dma_start3A_109 = tpu.memref_slice %arg2[%mul3A_2, %dma_start3A_108] : memref<6400x128xi32, #tpu.memory_space<hbm>> -> memref<200x128xi32, #tpu.memory_space<hbm>>
      %dma_start3A_110 = arith.constant 0 : i32
      %dma_start3A_111 = tpu.memref_slice %arg2[%mul3A_2, %dma_start3A_110] : memref<6400x128xi32, #tpu.memory_space<hbm>> -> memref<200x128xi32, #tpu.memory_space<hbm>>
      tpu.enqueue_dma source(%dma_start3A_111 : memref<200x128xi32, #tpu.memory_space<hbm>>) target(%arg5 : memref<200x128xi32, #tpu.memory_space<vmem>>) target_semaphore(%run_scoped3A : memref<!tpu.dma_semaphore, #tpu.memory_space<semaphore_mem>>)
      %dma_wait3A_112 = arith.constant 0 : i32
      %dma_wait3A_113 = tpu.memref_slice %arg2[%mul3A_2, %dma_wait3A_112] : memref<6400x128xi32, #tpu.memory_space<hbm>> -> memref<200x128xi32, #tpu.memory_space<hbm>>
      %dma_wait3A_114 = arith.constant 0 : i32
      %dma_wait3A_115 = tpu.memref_slice %arg2[%mul3A_2, %dma_wait3A_114] : memref<6400x128xi32, #tpu.memory_space<hbm>> -> memref<200x128xi32, #tpu.memory_space<hbm>>
      tpu.wait_dma2 semaphore(%run_scoped3A : memref<!tpu.dma_semaphore, #tpu.memory_space<semaphore_mem>>) src(%dma_wait3A_115 : memref<200x128xi32, #tpu.memory_space<hbm>>) dst(%arg5 : memref<200x128xi32, #tpu.memory_space<vmem>>)
      tpu.yield
    }) : () -> ()
    %mul3A_3 = arith.constant 25600 : i32
    %mul3A_4 = arith.muli %add3A, %mul3A_3 : i32
    %dma_start3A = arith.constant 0 : i32
    %dma_start3A_5 = arith.constant 0 : i32
    %dma_start3A_6 = arith.constant 0 : i32
    %dma_start3A_7 = arith.constant 0 : i32
    %dma_start3A_8 = tpu.memref_slice %arg6[%dma_start3A_5, %dma_start3A_6, %dma_start3A_7] : memref<5x128x128xf32, #tpu.memory_space<vmem>> -> memref<1x128x128xf32, #tpu.memory_space<vmem>>
    %dma_start3A_9 = tpu.memref_squeeze %dma_start3A_8 : memref<1x128x128xf32, #tpu.memory_space<vmem>> -> memref<128x128xf32, #tpu.memory_space<vmem>>
    %dma_start3A_10 = arith.constant 0 : i32
    %dma_start3A_11 = tpu.memref_slice %arg5[%dma_start3A, %dma_start3A_10] : memref<200x128xi32, #tpu.memory_space<vmem>> -> memref<1x128xi32, #tpu.memory_space<vmem>>
    %dma_start3A_12 = tpu.memref_squeeze %dma_start3A_11 : memref<1x128xi32, #tpu.memory_space<vmem>> -> memref<128xi32, #tpu.memory_space<vmem>>
    %dma_start3A_13 = arith.constant 0 : i32
    %dma_start3A_14 = arith.constant 0 : i32
    %dma_start3A_15 = tpu.memref_slice %arg3[%dma_start3A_13, %dma_start3A_14] : memref<100000x128xf32, #tpu.memory_space<hbm>> -> memref<100000x128xf32, #tpu.memory_space<hbm>>
    tpu.enqueue_indirect_dma source(%dma_start3A_15 : memref<100000x128xf32, #tpu.memory_space<hbm>>) target(%dma_start3A_9 : memref<128x128xf32, #tpu.memory_space<vmem>>) offsets(%dma_start3A_12 : memref<128xi32, #tpu.memory_space<vmem>>) semaphore(%arg7 : memref<!tpu.dma_semaphore, #tpu.memory_space<semaphore_mem>>)
    %dma_start3A_16 = arith.constant 1 : i32
    %dma_start3A_17 = arith.constant 1 : i32
    %dma_start3A_18 = arith.constant 0 : i32
    %dma_start3A_19 = arith.constant 0 : i32
    %dma_start3A_20 = tpu.memref_slice %arg6[%dma_start3A_17, %dma_start3A_18, %dma_start3A_19] : memref<5x128x128xf32, #tpu.memory_space<vmem>> -> memref<1x128x128xf32, #tpu.memory_space<vmem>>
    %dma_start3A_21 = tpu.memref_squeeze %dma_start3A_20 : memref<1x128x128xf32, #tpu.memory_space<vmem>> -> memref<128x128xf32, #tpu.memory_space<vmem>>
    %dma_start3A_22 = arith.constant 0 : i32
    %dma_start3A_23 = tpu.memref_slice %arg5[%dma_start3A_16, %dma_start3A_22] : memref<200x128xi32, #tpu.memory_space<vmem>> -> memref<1x128xi32, #tpu.memory_space<vmem>>
    %dma_start3A_24 = tpu.memref_squeeze %dma_start3A_23 : memref<1x128xi32, #tpu.memory_space<vmem>> -> memref<128xi32, #tpu.memory_space<vmem>>
    %dma_start3A_25 = arith.constant 0 : i32
    %dma_start3A_26 = arith.constant 0 : i32
    %dma_start3A_27 = tpu.memref_slice %arg3[%dma_start3A_25, %dma_start3A_26] : memref<100000x128xf32, #tpu.memory_space<hbm>> -> memref<100000x128xf32, #tpu.memory_space<hbm>>
    tpu.enqueue_indirect_dma source(%dma_start3A_27 : memref<100000x128xf32, #tpu.memory_space<hbm>>) target(%dma_start3A_21 : memref<128x128xf32, #tpu.memory_space<vmem>>) offsets(%dma_start3A_24 : memref<128xi32, #tpu.memory_space<vmem>>) semaphore(%arg8 : memref<!tpu.dma_semaphore, #tpu.memory_space<semaphore_mem>>)
    %dma_start3A_28 = arith.constant 2 : i32
    %dma_start3A_29 = arith.constant 2 : i32
    %dma_start3A_30 = arith.constant 0 : i32
    %dma_start3A_31 = arith.constant 0 : i32
    %dma_start3A_32 = tpu.memref_slice %arg6[%dma_start3A_29, %dma_start3A_30, %dma_start3A_31] : memref<5x128x128xf32, #tpu.memory_space<vmem>> -> memref<1x128x128xf32, #tpu.memory_space<vmem>>
    %dma_start3A_33 = tpu.memref_squeeze %dma_start3A_32 : memref<1x128x128xf32, #tpu.memory_space<vmem>> -> memref<128x128xf32, #tpu.memory_space<vmem>>
    %dma_start3A_34 = arith.constant 0 : i32
    %dma_start3A_35 = tpu.memref_slice %arg5[%dma_start3A_28, %dma_start3A_34] : memref<200x128xi32, #tpu.memory_space<vmem>> -> memref<1x128xi32, #tpu.memory_space<vmem>>
    %dma_start3A_36 = tpu.memref_squeeze %dma_start3A_35 : memref<1x128xi32, #tpu.memory_space<vmem>> -> memref<128xi32, #tpu.memory_space<vmem>>
    %dma_start3A_37 = arith.constant 0 : i32
    %dma_start3A_38 = arith.constant 0 : i32
    %dma_start3A_39 = tpu.memref_slice %arg3[%dma_start3A_37, %dma_start3A_38] : memref<100000x128xf32, #tpu.memory_space<hbm>> -> memref<100000x128xf32, #tpu.memory_space<hbm>>
    tpu.enqueue_indirect_dma source(%dma_start3A_39 : memref<100000x128xf32, #tpu.memory_space<hbm>>) target(%dma_start3A_33 : memref<128x128xf32, #tpu.memory_space<vmem>>) offsets(%dma_start3A_36 : memref<128xi32, #tpu.memory_space<vmem>>) semaphore(%arg9 : memref<!tpu.dma_semaphore, #tpu.memory_space<semaphore_mem>>)
    %scan3A = arith.constant 0 : i32
    %scan3A_40 = arith.constant 40 : i32
    %scan3A_41 = arith.addi %scan3A, %scan3A_40 : i32
    %scan3A_42 = arith.constant 1 : i32
    scf.for %scan3A_108 = %scan3A to %scan3A_41 step %scan3A_42  : i32 {
      %mul3A_109 = arith.constant 5 : i32
      %mul3A_110 = arith.muli %scan3A_108, %mul3A_109 : i32
      %add3A_111 = arith.constant 0 : i32
      %add3A_112 = arith.addi %mul3A_110, %add3A_111 : i32
      %add3A_113 = arith.constant 3 : i32
      %add3A_114 = arith.addi %add3A_112, %add3A_113 : i32
      %dma_wait3A_115 = arith.constant 0 : i32
      %dma_wait3A_116 = arith.constant 0 : i32
      %dma_wait3A_117 = arith.constant 0 : i32
      %dma_wait3A_118 = arith.constant 0 : i32
      %dma_wait3A_119 = tpu.memref_slice %arg6[%dma_wait3A_116, %dma_wait3A_117, %dma_wait3A_118] : memref<5x128x128xf32, #tpu.memory_space<vmem>> -> memref<1x128x128xf32, #tpu.memory_space<vmem>>
      %dma_wait3A_120 = tpu.memref_squeeze %dma_wait3A_119 : memref<1x128x128xf32, #tpu.memory_space<vmem>> -> memref<128x128xf32, #tpu.memory_space<vmem>>
      %dma_wait3A_121 = arith.constant 0 : i32
      %dma_wait3A_122 = tpu.memref_slice %arg5[%dma_wait3A_115, %dma_wait3A_121] : memref<200x128xi32, #tpu.memory_space<vmem>> -> memref<1x128xi32, #tpu.memory_space<vmem>>
      %dma_wait3A_123 = tpu.memref_squeeze %dma_wait3A_122 : memref<1x128xi32, #tpu.memory_space<vmem>> -> memref<128xi32, #tpu.memory_space<vmem>>
      %dma_wait3A_124 = arith.constant 0 : i32
      %dma_wait3A_125 = arith.constant 0 : i32
      %dma_wait3A_126 = tpu.memref_slice %arg3[%dma_wait3A_124, %dma_wait3A_125] : memref<100000x128xf32, #tpu.memory_space<hbm>> -> memref<100000x128xf32, #tpu.memory_space<hbm>>
      tpu.wait_indirect_dma semaphore(%arg7 : memref<!tpu.dma_semaphore, #tpu.memory_space<semaphore_mem>>) src(%dma_wait3A_126 : memref<100000x128xf32, #tpu.memory_space<hbm>>) dst(%dma_wait3A_120 : memref<128x128xf32, #tpu.memory_space<vmem>>)
      %scan3A_127 = arith.constant 0 : i32
      %scan3A_128 = arith.constant 32 : i32
      %scan3A_129 = arith.addi %scan3A_127, %scan3A_128 : i32
      %scan3A_130 = arith.constant 1 : i32
      scf.for %scan3A_318 = %scan3A_127 to %scan3A_129 step %scan3A_130  : i32 {
        %mul3A_319 = arith.constant 4 : i32
        %mul3A_320 = arith.muli %scan3A_318, %mul3A_319 : i32
        %add3A_321 = arith.constant 0 : i32
        %add3A_322 = arith.addi %mul3A_320, %add3A_321 : i32
        %get3A = arith.constant 0 : i32
        %get3A_323 = arith.index_cast %get3A : i32 to index
        %get3A_324 = arith.index_cast %add3A_322 : i32 to index
        %get3A_325 = arith.constant 0 : index
        %get3A_326 = tpu.vector_load %arg6[%get3A_323, %get3A_324, %get3A_325] {strides = array<i32>} : memref<5x128x128xf32, #tpu.memory_space<vmem>>, vector<1x1x16xf32>,
        %get3A_327 = vector.shape_cast %get3A_326 : vector<1x1x16xf32> to vector<16xf32>
        %mul3A_328 = arith.constant 11.3137083 : f32
        %mul3A_329 = vector.broadcast %mul3A_328 : f32 to vector<16xf32>
        %mul3A_330 = arith.mulf %get3A_327, %mul3A_329 : vector<16xf32>
        %add3A_331 = arith.constant 0 : i32
        %add3A_332 = arith.addi %mul3A_320, %add3A_331 : i32
        %swap3A = arith.constant 0 : i32
        %swap3A_333 = arith.index_cast %swap3A : i32 to index
        %swap3A_334 = arith.index_cast %add3A_332 : i32 to index
        %swap3A_335 = arith.constant 0 : index
        %swap3A_336 = tpu.vector_load %arg6[%swap3A_333, %swap3A_334, %swap3A_335] {strides = array<i32>} : memref<5x128x128xf32, #tpu.memory_space<vmem>>, vector<1x1x16xf32>,
        %swap3A_337 = vector.shape_cast %swap3A_336 : vector<1x1x16xf32> to vector<16xf32>
        %swap3A_338 = vector.shape_cast %mul3A_330 : vector<16xf32> to vector<1x1x16xf32>
        tpu.vector_store %arg6[%swap3A_333, %swap3A_334, %swap3A_335], %swap3A_338 {strides = array<i32>} : memref<5x128x128xf32, #tpu.memory_space<vmem>>, vector<1x1x16xf32>,
        %add3A_339 = arith.constant 0 : i32
        %add3A_340 = arith.addi %mul3A_320, %add3A_339 : i32
        %get3A_341 = arith.constant 0 : i32
        %get3A_342 = arith.index_cast %get3A_341 : i32 to index
        %get3A_343 = arith.index_cast %add3A_340 : i32 to index
        %get3A_344 = arith.constant 16 : index
        %get3A_345 = tpu.vector_load %arg6[%get3A_342, %get3A_343, %get3A_344] {strides = array<i32>} : memref<5x128x128xf32, #tpu.memory_space<vmem>>, vector<1x1x16xf32>,
        %get3A_346 = vector.shape_cast %get3A_345 : vector<1x1x16xf32> to vector<16xf32>
        %mul3A_347 = arith.constant 11.3137083 : f32
        %mul3A_348 = vector.broadcast %mul3A_347 : f32 to vector<16xf32>
        %mul3A_349 = arith.mulf %get3A_346, %mul3A_348 : vector<16xf32>
        %add3A_350 = arith.constant 0 : i32
        %add3A_351 = arith.addi %mul3A_320, %add3A_350 : i32
        %swap3A_352 = arith.constant 0 : i32
        %swap3A_353 = arith.index_cast %swap3A_352 : i32 to index
        %swap3A_354 = arith.index_cast %add3A_351 : i32 to index
        %swap3A_355 = arith.constant 16 : index
        %swap3A_356 = tpu.vector_load %arg6[%swap3A_353, %swap3A_354, %swap3A_355] {strides = array<i32>} : memref<5x128x128xf32, #tpu.memory_space<vmem>>, vector<1x1x16xf32>,
        %swap3A_357 = vector.shape_cast %swap3A_356 : vector<1x1x16xf32> to vector<16xf32>
        %swap3A_358 = vector.shape_cast %mul3A_349 : vector<16xf32> to vector<1x1x16xf32>
        tpu.vector_store %arg6[%swap3A_353, %swap3A_354, %swap3A_355], %swap3A_358 {strides = array<i32>} : memref<5x128x128xf32, #tpu.memory_space<vmem>>, vector<1x1x16xf32>,
        %add3A_359 = arith.constant 0 : i32
        %add3A_360 = arith.addi %mul3A_320, %add3A_359 : i32
        %get3A_361 = arith.constant 0 : i32
        %get3A_362 = arith.index_cast %get3A_361 : i32 to index
        %get3A_363 = arith.index_cast %add3A_360 : i32 to index
        %get3A_364 = arith.constant 32 : index
        %get3A_365 = tpu.vector_load %arg6[%get3A_362, %get3A_363, %get3A_364] {strides = array<i32>} : memref<5x128x128xf32, #tpu.memory_space<vmem>>, vector<1x1x16xf32>,
        %get3A_366 = vector.shape_cast %get3A_365 : vector<1x1x16xf32> to vector<16xf32>
        %mul3A_367 = arith.constant 11.3137083 : f32
        %mul3A_368 = vector.broadcast %mul3A_367 : f32 to vector<16xf32>
        %mul3A_369 = arith.mulf %get3A_366, %mul3A_368 : vector<16xf32>
        %add3A_370 = arith.constant 0 : i32
        %add3A_371 = arith.addi %mul3A_320, %add3A_370 : i32
        %swap3A_372 = arith.constant 0 : i32
        %swap3A_373 = arith.index_cast %swap3A_372 : i32 to index
        %swap3A_374 = arith.index_cast %add3A_371 : i32 to index
        %swap3A_375 = arith.constant 32 : index
        %swap3A_376 = tpu.vector_load %arg6[%swap3A_373, %swap3A_374, %swap3A_375] {strides = array<i32>} : memref<5x128x128xf32, #tpu.memory_space<vmem>>, vector<1x1x16xf32>,
        %swap3A_377 = vector.shape_cast %swap3A_376 : vector<1x1x16xf32> to vector<16xf32>
        %swap3A_378 = vector.shape_cast %mul3A_369 : vector<16xf32> to vector<1x1x16xf32>
        tpu.vector_store %arg6[%swap3A_373, %swap3A_374, %swap3A_375], %swap3A_378 {strides = array<i32>} : memref<5x128x128xf32, #tpu.memory_space<vmem>>, vector<1x1x16xf32>,
        %add3A_379 = arith.constant 0 : i32
        %add3A_380 = arith.addi %mul3A_320, %add3A_379 : i32
        %get3A_381 = arith.constant 0 : i32
        %get3A_382 = arith.index_cast %get3A_381 : i32 to index
        %get3A_383 = arith.index_cast %add3A_380 : i32 to index
        %get3A_384 = arith.constant 48 : index
        %get3A_385 = tpu.vector_load %arg6[%get3A_382, %get3A_383, %get3A_384] {strides = array<i32>} : memref<5x128x128xf32, #tpu.memory_space<vmem>>, vector<1x1x16xf32>,
        %get3A_386 = vector.shape_cast %get3A_385 : vector<1x1x16xf32> to vector<16xf32>
        %mul3A_387 = arith.constant 11.3137083 : f32
        %mul3A_388 = vector.broadcast %mul3A_387 : f32 to vector<16xf32>
        %mul3A_389 = arith.mulf %get3A_386, %mul3A_388 : vector<16xf32>
        %add3A_390 = arith.constant 0 : i32
        %add3A_391 = arith.addi %mul3A_320, %add3A_390 : i32
        %swap3A_392 = arith.constant 0 : i32
        %swap3A_393 = arith.index_cast %swap3A_392 : i32 to index
        %swap3A_394 = arith.index_cast %add3A_391 : i32 to index
        %swap3A_395 = arith.constant 48 : index
        %swap3A_396 = tpu.vector_load %arg6[%swap3A_393, %swap3A_394, %swap3A_395] {strides = array<i32>} : memref<5x128x128xf32, #tpu.memory_space<vmem>>, vector<1x1x16xf32>,
        %swap3A_397 = vector.shape_cast %swap3A_396 : vector<1x1x16xf32> to vector<16xf32>
        %swap3A_398 = vector.shape_cast %mul3A_389 : vector<16xf32> to vector<1x1x16xf32>
        tpu.vector_store %arg6[%swap3A_393, %swap3A_394, %swap3A_395], %swap3A_398 {strides = array<i32>} : memref<5x128x128xf32, #tpu.memory_space<vmem>>, vector<1x1x16xf32>,
        %add3A_399 = arith.constant 0 : i32
        %add3A_400 = arith.addi %mul3A_320, %add3A_399 : i32
        %get3A_401 = arith.constant 0 : i32
        %get3A_402 = arith.index_cast %get3A_401 : i32 to index
        %get3A_403 = arith.index_cast %add3A_400 : i32 to index
        %get3A_404 = arith.constant 64 : index
        %get3A_405 = tpu.vector_load %arg6[%get3A_402, %get3A_403, %get3A_404] {strides = array<i32>} : memref<5x128x128xf32, #tpu.memory_space<vmem>>, vector<1x1x16xf32>,
        %get3A_406 = vector.shape_cast %get3A_405 : vector<1x1x16xf32> to vector<16xf32>
        %mul3A_407 = arith.constant 11.3137083 : f32
        %mul3A_408 = vector.broadcast %mul3A_407 : f32 to vector<16xf32>
        %mul3A_409 = arith.mulf %get3A_406, %mul3A_408 : vector<16xf32>
        %add3A_410 = arith.constant 0 : i32
        %add3A_411 = arith.addi %mul3A_320, %add3A_410 : i32
        %swap3A_412 = arith.constant 0 : i32
        %swap3A_413 = arith.index_cast %swap3A_412 : i32 to index
        %swap3A_414 = arith.index_cast %add3A_411 : i32 to index
        %swap3A_415 = arith.constant 64 : index
        %swap3A_416 = tpu.vector_load %arg6[%swap3A_413, %swap3A_414, %swap3A_415] {strides = array<i32>} : memref<5x128x128xf32, #tpu.memory_space<vmem>>, vector<1x1x16xf32>,
        %swap3A_417 = vector.shape_cast %swap3A_416 : vector<1x1x16xf32> to vector<16xf32>
        %swap3A_418 = vector.shape_cast %mul3A_409 : vector<16xf32> to vector<1x1x16xf32>
        tpu.vector_store %arg6[%swap3A_413, %swap3A_414, %swap3A_415], %swap3A_418 {strides = array<i32>} : memref<5x128x128xf32, #tpu.memory_space<vmem>>, vector<1x1x16xf32>,
        %add3A_419 = arith.constant 0 : i32
        %add3A_420 = arith.addi %mul3A_320, %add3A_419 : i32
        %get3A_421 = arith.constant 0 : i32
        %get3A_422 = arith.index_cast %get3A_421 : i32 to index
        %get3A_423 = arith.index_cast %add3A_420 : i32 to index
        %get3A_424 = arith.constant 80 : index
        %get3A_425 = tpu.vector_load %arg6[%get3A_422, %get3A_423, %get3A_424] {strides = array<i32>} : memref<5x128x128xf32, #tpu.memory_space<vmem>>, vector<1x1x16xf32>,
        %get3A_426 = vector.shape_cast %get3A_425 : vector<1x1x16xf32> to vector<16xf32>
        %mul3A_427 = arith.constant 11.3137083 : f32
        %mul3A_428 = vector.broadcast %mul3A_427 : f32 to vector<16xf32>
        %mul3A_429 = arith.mulf %get3A_426, %mul3A_428 : vector<16xf32>
        %add3A_430 = arith.constant 0 : i32
        %add3A_431 = arith.addi %mul3A_320, %add3A_430 : i32
        %swap3A_432 = arith.constant 0 : i32
        %swap3A_433 = arith.index_cast %swap3A_432 : i32 to index
        %swap3A_434 = arith.index_cast %add3A_431 : i32 to index
        %swap3A_435 = arith.constant 80 : index
        %swap3A_436 = tpu.vector_load %arg6[%swap3A_433, %swap3A_434, %swap3A_435] {strides = array<i32>} : memref<5x128x128xf32, #tpu.memory_space<vmem>>, vector<1x1x16xf32>,
        %swap3A_437 = vector.shape_cast %swap3A_436 : vector<1x1x16xf32> to vector<16xf32>
        %swap3A_438 = vector.shape_cast %mul3A_429 : vector<16xf32> to vector<1x1x16xf32>
        tpu.vector_store %arg6[%swap3A_433, %swap3A_434, %swap3A_435], %swap3A_438 {strides = array<i32>} : memref<5x128x128xf32, #tpu.memory_space<vmem>>, vector<1x1x16xf32>,
        %add3A_439 = arith.constant 0 : i32
        %add3A_440 = arith.addi %mul3A_320, %add3A_439 : i32
        %get3A_441 = arith.constant 0 : i32
        %get3A_442 = arith.index_cast %get3A_441 : i32 to index
        %get3A_443 = arith.index_cast %add3A_440 : i32 to index
        %get3A_444 = arith.constant 96 : index
        %get3A_445 = tpu.vector_load %arg6[%get3A_442, %get3A_443, %get3A_444] {strides = array<i32>} : memref<5x128x128xf32, #tpu.memory_space<vmem>>, vector<1x1x16xf32>,
        %get3A_446 = vector.shape_cast %get3A_445 : vector<1x1x16xf32> to vector<16xf32>
        %mul3A_447 = arith.constant 11.3137083 : f32
        %mul3A_448 = vector.broadcast %mul3A_447 : f32 to vector<16xf32>
        %mul3A_449 = arith.mulf %get3A_446, %mul3A_448 : vector<16xf32>
        %add3A_450 = arith.constant 0 : i32
        %add3A_451 = arith.addi %mul3A_320, %add3A_450 : i32
        %swap3A_452 = arith.constant 0 : i32
        %swap3A_453 = arith.index_cast %swap3A_452 : i32 to index
        %swap3A_454 = arith.index_cast %add3A_451 : i32 to index
        %swap3A_455 = arith.constant 96 : index
        %swap3A_456 = tpu.vector_load %arg6[%swap3A_453, %swap3A_454, %swap3A_455] {strides = array<i32>} : memref<5x128x128xf32, #tpu.memory_space<vmem>>, vector<1x1x16xf32>,
        %swap3A_457 = vector.shape_cast %swap3A_456 : vector<1x1x16xf32> to vector<16xf32>
        %swap3A_458 = vector.shape_cast %mul3A_449 : vector<16xf32> to vector<1x1x16xf32>
        tpu.vector_store %arg6[%swap3A_453, %swap3A_454, %swap3A_455], %swap3A_458 {strides = array<i32>} : memref<5x128x128xf32, #tpu.memory_space<vmem>>, vector<1x1x16xf32>,
        %add3A_459 = arith.constant 0 : i32
        %add3A_460 = arith.addi %mul3A_320, %add3A_459 : i32
        %get3A_461 = arith.constant 0 : i32
        %get3A_462 = arith.index_cast %get3A_461 : i32 to index
        %get3A_463 = arith.index_cast %add3A_460 : i32 to index
        %get3A_464 = arith.constant 112 : index
        %get3A_465 = tpu.vector_load %arg6[%get3A_462, %get3A_463, %get3A_464] {strides = array<i32>} : memref<5x128x128xf32, #tpu.memory_space<vmem>>, vector<1x1x16xf32>,
        %get3A_466 = vector.shape_cast %get3A_465 : vector<1x1x16xf32> to vector<16xf32>
        %mul3A_467 = arith.constant 11.3137083 : f32
        %mul3A_468 = vector.broadcast %mul3A_467 : f32 to vector<16xf32>
        %mul3A_469 = arith.mulf %get3A_466, %mul3A_468 : vector<16xf32>
        %add3A_470 = arith.constant 0 : i32
        %add3A_471 = arith.addi %mul3A_320, %add3A_470 : i32
        %swap3A_472 = arith.constant 0 : i32
        %swap3A_473 = arith.index_cast %swap3A_472 : i32 to index
        %swap3A_474 = arith.index_cast %add3A_471 : i32 to index
        %swap3A_475 = arith.constant 112 : index
        %swap3A_476 = tpu.vector_load %arg6[%swap3A_473, %swap3A_474, %swap3A_475] {strides = array<i32>} : memref<5x128x128xf32, #tpu.memory_space<vmem>>, vector<1x1x16xf32>,
        %swap3A_477 = vector.shape_cast %swap3A_476 : vector<1x1x16xf32> to vector<16xf32>
        %swap3A_478 = vector.shape_cast %mul3A_469 : vector<16xf32> to vector<1x1x16xf32>
        tpu.vector_store %arg6[%swap3A_473, %swap3A_474, %swap3A_475], %swap3A_478 {strides = array<i32>} : memref<5x128x128xf32, #tpu.memory_space<vmem>>, vector<1x1x16xf32>,
        %add3A_479 = arith.constant 1 : i32
        %add3A_480 = arith.addi %mul3A_320, %add3A_479 : i32
        %get3A_481 = arith.constant 0 : i32
        %get3A_482 = arith.index_cast %get3A_481 : i32 to index
        %get3A_483 = arith.index_cast %add3A_480 : i32 to index
        %get3A_484 = arith.constant 0 : index
        %get3A_485 = tpu.vector_load %arg6[%get3A_482, %get3A_483, %get3A_484] {strides = array<i32>} : memref<5x128x128xf32, #tpu.memory_space<vmem>>, vector<1x1x16xf32>,
        %get3A_486 = vector.shape_cast %get3A_485 : vector<1x1x16xf32> to vector<16xf32>
        %mul3A_487 = arith.constant 11.3137083 : f32
        %mul3A_488 = vector.broadcast %mul3A_487 : f32 to vector<16xf32>
        %mul3A_489 = arith.mulf %get3A_486, %mul3A_488 : vector<16xf32>
        %add3A_490 = arith.constant 1 : i32
        %add3A_491 = arith.addi %mul3A_320, %add3A_490 : i32
        %swap3A_492 = arith.constant 0 : i32
        %swap3A_493 = arith.index_cast %swap3A_492 : i32 to index
        %swap3A_494 = arith.index_cast %add3A_491 : i32 to index
        %swap3A_495 = arith.constant 0 : index
        %swap3A_496 = tpu.vector_load %arg6[%swap3A_493, %swap3A_494, %swap3A_495] {strides = array<i32>} : memref<5x128x128xf32, #tpu.memory_space<vmem>>, vector<1x1x16xf32>,
        %swap3A_497 = vector.shape_cast %swap3A_496 : vector<1x1x16xf32> to vector<16xf32>
        %swap3A_498 = vector.shape_cast %mul3A_489 : vector<16xf32> to vector<1x1x16xf32>
        tpu.vector_store %arg6[%swap3A_493, %swap3A_494, %swap3A_495], %swap3A_498 {strides = array<i32>} : memref<5x128x128xf32, #tpu.memory_space<vmem>>, vector<1x1x16xf32>,
        %add3A_499 = arith.constant 1 : i32
        %add3A_500 = arith.addi %mul3A_320, %add3A_499 : i32
        %get3A_501 = arith.constant 0 : i32
        %get3A_502 = arith.index_cast %get3A_501 : i32 to index
        %get3A_503 = arith.index_cast %add3A_500 : i32 to index
        %get3A_504 = arith.constant 16 : index
        %get3A_505 = tpu.vector_load %arg6[%get3A_502, %get3A_503, %get3A_504] {strides = array<i32>} : memref<5x128x128xf32, #tpu.memory_space<vmem>>, vector<1x1x16xf32>,
        %get3A_506 = vector.shape_cast %get3A_505 : vector<1x1x16xf32> to vector<16xf32>
        %mul3A_507 = arith.constant 11.3137083 : f32
        %mul3A_508 = vector.broadcast %mul3A_507 : f32 to vector<16xf32>
        %mul3A_509 = arith.mulf %get3A_506, %mul3A_508 : vector<16xf32>
        %add3A_510 = arith.constant 1 : i32
        %add3A_511 = arith.addi %mul3A_320, %add3A_510 : i32
        %swap3A_512 = arith.constant 0 : i32
        %swap3A_513 = arith.index_cast %swap3A_512 : i32 to index
        %swap3A_514 = arith.index_cast %add3A_511 : i32 to index
        %swap3A_515 = arith.constant 16 : index
        %swap3A_516 = tpu.vector_load %arg6[%swap3A_513, %swap3A_514, %swap3A_515] {strides = array<i32>} : memref<5x128x128xf32, #tpu.memory_space<vmem>>, vector<1x1x16xf32>,
        %swap3A_517 = vector.shape_cast %swap3A_516 : vector<1x1x16xf32> to vector<16xf32>
        %swap3A_518 = vector.shape_cast %mul3A_509 : vector<16xf32> to vector<1x1x16xf32>
        tpu.vector_store %arg6[%swap3A_513, %swap3A_514, %swap3A_515], %swap3A_518 {strides = array<i32>} : memref<5x128x128xf32, #tpu.memory_space<vmem>>, vector<1x1x16xf32>,
        %add3A_519 = arith.constant 1 : i32
        %add3A_520 = arith.addi %mul3A_320, %add3A_519 : i32
        %get3A_521 = arith.constant 0 : i32
        %get3A_522 = arith.index_cast %get3A_521 : i32 to index
        %get3A_523 = arith.index_cast %add3A_520 : i32 to index
        %get3A_524 = arith.constant 32 : index
        %get3A_525 = tpu.vector_load %arg6[%get3A_522, %get3A_523, %get3A_524] {strides = array<i32>} : memref<5x128x128xf32, #tpu.memory_space<vmem>>, vector<1x1x16xf32>,
        %get3A_526 = vector.shape_cast %get3A_525 : vector<1x1x16xf32> to vector<16xf32>
        %mul3A_527 = arith.constant 11.3137083 : f32
        %mul3A_528 = vector.broadcast %mul3A_527 : f32 to vector<16xf32>
        %mul3A_529 = arith.mulf %get3A_526, %mul3A_528 : vector<16xf32>
        %add3A_530 = arith.constant 1 : i32
        %add3A_531 = arith.addi %mul3A_320, %add3A_530 : i32
        %swap3A_532 = arith.constant 0 : i32
        %swap3A_533 = arith.index_cast %swap3A_532 : i32 to index
        %swap3A_534 = arith.index_cast %add3A_531 : i32 to index
        %swap3A_535 = arith.constant 32 : index
        %swap3A_536 = tpu.vector_load %arg6[%swap3A_533, %swap3A_534, %swap3A_535] {strides = array<i32>} : memref<5x128x128xf32, #tpu.memory_space<vmem>>, vector<1x1x16xf32>,
        %swap3A_537 = vector.shape_cast %swap3A_536 : vector<1x1x16xf32> to vector<16xf32>
        %swap3A_538 = vector.shape_cast %mul3A_529 : vector<16xf32> to vector<1x1x16xf32>
        tpu.vector_store %arg6[%swap3A_533, %swap3A_534, %swap3A_535], %swap3A_538 {strides = array<i32>} : memref<5x128x128xf32, #tpu.memory_space<vmem>>, vector<1x1x16xf32>,
        %add3A_539 = arith.constant 1 : i32
        %add3A_540 = arith.addi %mul3A_320, %add3A_539 : i32
        %get3A_541 = arith.constant 0 : i32
        %get3A_542 = arith.index_cast %get3A_541 : i32 to index
        %get3A_543 = arith.index_cast %add3A_540 : i32 to index
        %get3A_544 = arith.constant 48 : index
        %get3A_545 = tpu.vector_load %arg6[%get3A_542, %get3A_543, %get3A_544] {strides = array<i32>} : memref<5x128x128xf32, #tpu.memory_space<vmem>>, vector<1x1x16xf32>,
        %get3A_546 = vector.shape_cast %get3A_545 : vector<1x1x16xf32> to vector<16xf32>
        %mul3A_547 = arith.constant 11.3137083 : f32
        %mul3A_548 = vector.broadcast %mul3A_547 : f32 to vector<16xf32>
        %mul3A_549 = arith.mulf %get3A_546, %mul3A_548 : vector<16xf32>
        %add3A_550 = arith.constant 1 : i32
        %add3A_551 = arith.addi %mul3A_320, %add3A_550 : i32
        %swap3A_552 = arith.constant 0 : i32
        %swap3A_553 = arith.index_cast %swap3A_552 : i32 to index
        %swap3A_554 = arith.index_cast %add3A_551 : i32 to index
        %swap3A_555 = arith.constant 48 : index
        %swap3A_556 = tpu.vector_load %arg6[%swap3A_553, %swap3A_554, %swap3A_555] {strides = array<i32>} : memref<5x128x128xf32, #tpu.memory_space<vmem>>, vector<1x1x16xf32>,
        %swap3A_557 = vector.shape_cast %swap3A_556 : vector<1x1x16xf32> to vector<16xf32>
        %swap3A_558 = vector.shape_cast %mul3A_549 : vector<16xf32> to vector<1x1x16xf32>
        tpu.vector_store %arg6[%swap3A_553, %swap3A_554, %swap3A_555], %swap3A_558 {strides = array<i32>} : memref<5x128x128xf32, #tpu.memory_space<vmem>>, vector<1x1x16xf32>,
        %add3A_559 = arith.constant 1 : i32
        %add3A_560 = arith.addi %mul3A_320, %add3A_559 : i32
        %get3A_561 = arith.constant 0 : i32
        %get3A_562 = arith.index_cast %get3A_561 : i32 to index
        %get3A_563 = arith.index_cast %add3A_560 : i32 to index
        %get3A_564 = arith.constant 64 : index
        %get3A_565 = tpu.vector_load %arg6[%get3A_562, %get3A_563, %get3A_564] {strides = array<i32>} : memref<5x128x128xf32, #tpu.memory_space<vmem>>, vector<1x1x16xf32>,
        %get3A_566 = vector.shape_cast %get3A_565 : vector<1x1x16xf32> to vector<16xf32>
        %mul3A_567 = arith.constant 11.3137083 : f32
        %mul3A_568 = vector.broadcast %mul3A_567 : f32 to vector<16xf32>
        %mul3A_569 = arith.mulf %get3A_566, %mul3A_568 : vector<16xf32>
        %add3A_570 = arith.constant 1 : i32
        %add3A_571 = arith.addi %mul3A_320, %add3A_570 : i32
        %swap3A_572 = arith.constant 0 : i32
        %swap3A_573 = arith.index_cast %swap3A_572 : i32 to index
        %swap3A_574 = arith.index_cast %add3A_571 : i32 to index
        %swap3A_575 = arith.constant 64 : index
        %swap3A_576 = tpu.vector_load %arg6[%swap3A_573, %swap3A_574, %swap3A_575] {strides = array<i32>} : memref<5x128x128xf32, #tpu.memory_space<vmem>>, vector<1x1x16xf32>,
        %swap3A_577 = vector.shape_cast %swap3A_576 : vector<1x1x16xf32> to vector<16xf32>
        %swap3A_578 = vector.shape_cast %mul3A_569 : vector<16xf32> to vector<1x1x16xf32>
        tpu.vector_store %arg6[%swap3A_573, %swap3A_574, %swap3A_575], %swap3A_578 {strides = array<i32>} : memref<5x128x128xf32, #tpu.memory_space<vmem>>, vector<1x1x16xf32>,
        %add3A_579 = arith.constant 1 : i32
        %add3A_580 = arith.addi %mul3A_320, %add3A_579 : i32
        %get3A_581 = arith.constant 0 : i32
        %get3A_582 = arith.index_cast %get3A_581 : i32 to index
        %get3A_583 = arith.index_cast %add3A_580 : i32 to index
        %get3A_584 = arith.constant 80 : index
        %get3A_585 = tpu.vector_load %arg6[%get3A_582, %get3A_583, %get3A_584] {strides = array<i32>} : memref<5x128x128xf32, #tpu.memory_space<vmem>>, vector<1x1x16xf32>,
        %get3A_586 = vector.shape_cast %get3A_585 : vector<1x1x16xf32> to vector<16xf32>
        %mul3A_587 = arith.constant 11.3137083 : f32
        %mul3A_588 = vector.broadcast %mul3A_587 : f32 to vector<16xf32>
        %mul3A_589 = arith.mulf %get3A_586, %mul3A_588 : vector<16xf32>
        %add3A_590 = arith.constant 1 : i32
        %add3A_591 = arith.addi %mul3A_320, %add3A_590 : i32
        %swap3A_592 = arith.constant 0 : i32
        %swap3A_593 = arith.index_cast %swap3A_592 : i32 to index
        %swap3A_594 = arith.index_cast %add3A_591 : i32 to index
        %swap3A_595 = arith.constant 80 : index
        %swap3A_596 = tpu.vector_load %arg6[%swap3A_593, %swap3A_594, %swap3A_595] {strides = array<i32>} : memref<5x128x128xf32, #tpu.memory_space<vmem>>, vector<1x1x16xf32>,
        %swap3A_597 = vector.shape_cast %swap3A_596 : vector<1x1x16xf32> to vector<16xf32>
        %swap3A_598 = vector.shape_cast %mul3A_589 : vector<16xf32> to vector<1x1x16xf32>
        tpu.vector_store %arg6[%swap3A_593, %swap3A_594, %swap3A_595], %swap3A_598 {strides = array<i32>} : memref<5x128x128xf32, #tpu.memory_space<vmem>>, vector<1x1x16xf32>,
        %add3A_599 = arith.constant 1 : i32
        %add3A_600 = arith.addi %mul3A_320, %add3A_599 : i32
        %get3A_601 = arith.constant 0 : i32
        %get3A_602 = arith.index_cast %get3A_601 : i32 to index
        %get3A_603 = arith.index_cast %add3A_600 : i32 to index
        %get3A_604 = arith.constant 96 : index
        %get3A_605 = tpu.vector_load %arg6[%get3A_602, %get3A_603, %get3A_604] {strides = array<i32>} : memref<5x128x128xf32, #tpu.memory_space<vmem>>, vector<1x1x16xf32>,
        %get3A_606 = vector.shape_cast %get3A_605 : vector<1x1x16xf32> to vector<16xf32>
        %mul3A_607 = arith.constant 11.3137083 : f32
        %mul3A_608 = vector.broadcast %mul3A_607 : f32 to vector<16xf32>
        %mul3A_609 = arith.mulf %get3A_606, %mul3A_608 : vector<16xf32>
        %add3A_610 = arith.constant 1 : i32
        %add3A_611 = arith.addi %mul3A_320, %add3A_610 : i32
        %swap3A_612 = arith.constant 0 : i32
        %swap3A_613 = arith.index_cast %swap3A_612 : i32 to index
        %swap3A_614 = arith.index_cast %add3A_611 : i32 to index
        %swap3A_615 = arith.constant 96 : index
        %swap3A_616 = tpu.vector_load %arg6[%swap3A_613, %swap3A_614, %swap3A_615] {strides = array<i32>} : memref<5x128x128xf32, #tpu.memory_space<vmem>>, vector<1x1x16xf32>,
        %swap3A_617 = vector.shape_cast %swap3A_616 : vector<1x1x16xf32> to vector<16xf32>
        %swap3A_618 = vector.shape_cast %mul3A_609 : vector<16xf32> to vector<1x1x16xf32>
        tpu.vector_store %arg6[%swap3A_613, %swap3A_614, %swap3A_615], %swap3A_618 {strides = array<i32>} : memref<5x128x128xf32, #tpu.memory_space<vmem>>, vector<1x1x16xf32>,
        %add3A_619 = arith.constant 1 : i32
        %add3A_620 = arith.addi %mul3A_320, %add3A_619 : i32
        %get3A_621 = arith.constant 0 : i32
        %get3A_622 = arith.index_cast %get3A_621 : i32 to index
        %get3A_623 = arith.index_cast %add3A_620 : i32 to index
        %get3A_624 = arith.constant 112 : index
        %get3A_625 = tpu.vector_load %arg6[%get3A_622, %get3A_623, %get3A_624] {strides = array<i32>} : memref<5x128x128xf32, #tpu.memory_space<vmem>>, vector<1x1x16xf32>,
        %get3A_626 = vector.shape_cast %get3A_625 : vector<1x1x16xf32> to vector<16xf32>
        %mul3A_627 = arith.constant 11.3137083 : f32
        %mul3A_628 = vector.broadcast %mul3A_627 : f32 to vector<16xf32>
        %mul3A_629 = arith.mulf %get3A_626, %mul3A_628 : vector<16xf32>
        %add3A_630 = arith.constant 1 : i32
        %add3A_631 = arith.addi %mul3A_320, %add3A_630 : i32
        %swap3A_632 = arith.constant 0 : i32
        %swap3A_633 = arith.index_cast %swap3A_632 : i32 to index
        %swap3A_634 = arith.index_cast %add3A_631 : i32 to index
        %swap3A_635 = arith.constant 112 : index
        %swap3A_636 = tpu.vector_load %arg6[%swap3A_633, %swap3A_634, %swap3A_635] {strides = array<i32>} : memref<5x128x128xf32, #tpu.memory_space<vmem>>, vector<1x1x16xf32>,
        %swap3A_637 = vector.shape_cast %swap3A_636 : vector<1x1x16xf32> to vector<16xf32>
        %swap3A_638 = vector.shape_cast %mul3A_629 : vector<16xf32> to vector<1x1x16xf32>
        tpu.vector_store %arg6[%swap3A_633, %swap3A_634, %swap3A_635], %swap3A_638 {strides = array<i32>} : memref<5x128x128xf32, #tpu.memory_space<vmem>>, vector<1x1x16xf32>,
        %add3A_639 = arith.constant 2 : i32
        %add3A_640 = arith.addi %mul3A_320, %add3A_639 : i32
        %get3A_641 = arith.constant 0 : i32
        %get3A_642 = arith.index_cast %get3A_641 : i32 to index
        %get3A_643 = arith.index_cast %add3A_640 : i32 to index
        %get3A_644 = arith.constant 0 : index
        %get3A_645 = tpu.vector_load %arg6[%get3A_642, %get3A_643, %get3A_644] {strides = array<i32>} : memref<5x128x128xf32, #tpu.memory_space<vmem>>, vector<1x1x16xf32>,
        %get3A_646 = vector.shape_cast %get3A_645 : vector<1x1x16xf32> to vector<16xf32>
        %mul3A_647 = arith.constant 11.3137083 : f32
        %mul3A_648 = vector.broadcast %mul3A_647 : f32 to vector<16xf32>
        %mul3A_649 = arith.mulf %get3A_646, %mul3A_648 : vector<16xf32>
        %add3A_650 = arith.constant 2 : i32
        %add3A_651 = arith.addi %mul3A_320, %add3A_650 : i32
        %swap3A_652 = arith.constant 0 : i32
        %swap3A_653 = arith.index_cast %swap3A_652 : i32 to index
        %swap3A_654 = arith.index_cast %add3A_651 : i32 to index
        %swap3A_655 = arith.constant 0 : index
        %swap3A_656 = tpu.vector_load %arg6[%swap3A_653, %swap3A_654, %swap3A_655] {strides = array<i32>} : memref<5x128x128xf32, #tpu.memory_space<vmem>>, vector<1x1x16xf32>,
        %swap3A_657 = vector.shape_cast %swap3A_656 : vector<1x1x16xf32> to vector<16xf32>
        %swap3A_658 = vector.shape_cast %mul3A_649 : vector<16xf32> to vector<1x1x16xf32>
        tpu.vector_store %arg6[%swap3A_653, %swap3A_654, %swap3A_655], %swap3A_658 {strides = array<i32>} : memref<5x128x128xf32, #tpu.memory_space<vmem>>, vector<1x1x16xf32>,
        %add3A_659 = arith.constant 2 : i32
        %add3A_660 = arith.addi %mul3A_320, %add3A_659 : i32
        %get3A_661 = arith.constant 0 : i32
        %get3A_662 = arith.index_cast %get3A_661 : i32 to index
        %get3A_663 = arith.index_cast %add3A_660 : i32 to index
        %get3A_664 = arith.constant 16 : index
        %get3A_665 = tpu.vector_load %arg6[%get3A_662, %get3A_663, %get3A_664] {strides = array<i32>} : memref<5x128x128xf32, #tpu.memory_space<vmem>>, vector<1x1x16xf32>,
        %get3A_666 = vector.shape_cast %get3A_665 : vector<1x1x16xf32> to vector<16xf32>
        %mul3A_667 = arith.constant 11.3137083 : f32
        %mul3A_668 = vector.broadcast %mul3A_667 : f32 to vector<16xf32>
        %mul3A_669 = arith.mulf %get3A_666, %mul3A_668 : vector<16xf32>
        %add3A_670 = arith.constant 2 : i32
        %add3A_671 = arith.addi %mul3A_320, %add3A_670 : i32
        %swap3A_672 = arith.constant 0 : i32
        %swap3A_673 = arith.index_cast %swap3A_672 : i32 to index
        %swap3A_674 = arith.index_cast %add3A_671 : i32 to index
        %swap3A_675 = arith.constant 16 : index
        %swap3A_676 = tpu.vector_load %arg6[%swap3A_673, %swap3A_674, %swap3A_675] {strides = array<i32>} : memref<5x128x128xf32, #tpu.memory_space<vmem>>, vector<1x1x16xf32>,
        %swap3A_677 = vector.shape_cast %swap3A_676 : vector<1x1x16xf32> to vector<16xf32>
        %swap3A_678 = vector.shape_cast %mul3A_669 : vector<16xf32> to vector<1x1x16xf32>
        tpu.vector_store %arg6[%swap3A_673, %swap3A_674, %swap3A_675], %swap3A_678 {strides = array<i32>} : memref<5x128x128xf32, #tpu.memory_space<vmem>>, vector<1x1x16xf32>,
        %add3A_679 = arith.constant 2 : i32
        %add3A_680 = arith.addi %mul3A_320, %add3A_679 : i32
        %get3A_681 = arith.constant 0 : i32
        %get3A_682 = arith.index_cast %get3A_681 : i32 to index
        %get3A_683 = arith.index_cast %add3A_680 : i32 to index
        %get3A_684 = arith.constant 32 : index
        %get3A_685 = tpu.vector_load %arg6[%get3A_682, %get3A_683, %get3A_684] {strides = array<i32>} : memref<5x128x128xf32, #tpu.memory_space<vmem>>, vector<1x1x16xf32>,
        %get3A_686 = vector.shape_cast %get3A_685 : vector<1x1x16xf32> to vector<16xf32>
        %mul3A_687 = arith.constant 11.3137083 : f32
        %mul3A_688 = vector.broadcast %mul3A_687 : f32 to vector<16xf32>
        %mul3A_689 = arith.mulf %get3A_686, %mul3A_688 : vector<16xf32>
        %add3A_690 = arith.constant 2 : i32
        %add3A_691 = arith.addi %mul3A_320, %add3A_690 : i32
        %swap3A_692 = arith.constant 0 : i32
        %swap3A_693 = arith.index_cast %swap3A_692 : i32 to index
        %swap3A_694 = arith.index_cast %add3A_691 : i32 to index
        %swap3A_695 = arith.constant 32 : index
        %swap3A_696 = tpu.vector_load %arg6[%swap3A_693, %swap3A_694, %swap3A_695] {strides = array<i32>} : memref<5x128x128xf32, #tpu.memory_space<vmem>>, vector<1x1x16xf32>,
        %swap3A_697 = vector.shape_cast %swap3A_696 : vector<1x1x16xf32> to vector<16xf32>
        %swap3A_698 = vector.shape_cast %mul3A_689 : vector<16xf32> to vector<1x1x16xf32>
        tpu.vector_store %arg6[%swap3A_693, %swap3A_694, %swap3A_695], %swap3A_698 {strides = array<i32>} : memref<5x128x128xf32, #tpu.memory_space<vmem>>, vector<1x1x16xf32>,
        %add3A_699 = arith.constant 2 : i32
        %add3A_700 = arith.addi %mul3A_320, %add3A_699 : i32
        %get3A_701 = arith.constant 0 : i32
        %get3A_702 = arith.index_cast %get3A_701 : i32 to index
        %get3A_703 = arith.index_cast %add3A_700 : i32 to index
        %get3A_704 = arith.constant 48 : index
        %get3A_705 = tpu.vector_load %arg6[%get3A_702, %get3A_703, %get3A_704] {strides = array<i32>} : memref<5x128x128xf32, #tpu.memory_space<vmem>>, vector<1x1x16xf32>,
        %get3A_706 = vector.shape_cast %get3A_705 : vector<1x1x16xf32> to vector<16xf32>
        %mul3A_707 = arith.constant 11.3137083 : f32
        %mul3A_708 = vector.broadcast %mul3A_707 : f32 to vector<16xf32>
        %mul3A_709 = arith.mulf %get3A_706, %mul3A_708 : vector<16xf32>
        %add3A_710 = arith.constant 2 : i32
        %add3A_711 = arith.addi %mul3A_320, %add3A_710 : i32
        %swap3A_712 = arith.constant 0 : i32
        %swap3A_713 = arith.index_cast %swap3A_712 : i32 to index
        %swap3A_714 = arith.index_cast %add3A_711 : i32 to index
        %swap3A_715 = arith.constant 48 : index
        %swap3A_716 = tpu.vector_load %arg6[%swap3A_713, %swap3A_714, %swap3A_715] {strides = array<i32>} : memref<5x128x128xf32, #tpu.memory_space<vmem>>, vector<1x1x16xf32>,
        %swap3A_717 = vector.shape_cast %swap3A_716 : vector<1x1x16xf32> to vector<16xf32>
        %swap3A_718 = vector.shape_cast %mul3A_709 : vector<16xf32> to vector<1x1x16xf32>
        tpu.vector_store %arg6[%swap3A_713, %swap3A_714, %swap3A_715], %swap3A_718 {strides = array<i32>} : memref<5x128x128xf32, #tpu.memory_space<vmem>>, vector<1x1x16xf32>,
        %add3A_719 = arith.constant 2 : i32
        %add3A_720 = arith.addi %mul3A_320, %add3A_719 : i32
        %get3A_721 = arith.constant 0 : i32
        %get3A_722 = arith.index_cast %get3A_721 : i32 to index
        %get3A_723 = arith.index_cast %add3A_720 : i32 to index
        %get3A_724 = arith.constant 64 : index
        %get3A_725 = tpu.vector_load %arg6[%get3A_722, %get3A_723, %get3A_724] {strides = array<i32>} : memref<5x128x128xf32, #tpu.memory_space<vmem>>, vector<1x1x16xf32>,
        %get3A_726 = vector.shape_cast %get3A_725 : vector<1x1x16xf32> to vector<16xf32>
        %mul3A_727 = arith.constant 11.3137083 : f32
        %mul3A_728 = vector.broadcast %mul3A_727 : f32 to vector<16xf32>
        %mul3A_729 = arith.mulf %get3A_726, %mul3A_728 : vector<16xf32>
        %add3A_730 = arith.constant 2 : i32
        %add3A_731 = arith.addi %mul3A_320, %add3A_730 : i32
        %swap3A_732 = arith.constant 0 : i32
        %swap3A_733 = arith.index_cast %swap3A_732 : i32 to index
        %swap3A_734 = arith.index_cast %add3A_731 : i32 to index
        %swap3A_735 = arith.constant 64 : index
        %swap3A_736 = tpu.vector_load %arg6[%swap3A_733, %swap3A_734, %swap3A_735] {strides = array<i32>} : memref<5x128x128xf32, #tpu.memory_space<vmem>>, vector<1x1x16xf32>,
        %swap3A_737 = vector.shape_cast %swap3A_736 : vector<1x1x16xf32> to vector<16xf32>
        %swap3A_738 = vector.shape_cast %mul3A_729 : vector<16xf32> to vector<1x1x16xf32>
        tpu.vector_store %arg6[%swap3A_733, %swap3A_734, %swap3A_735], %swap3A_738 {strides = array<i32>} : memref<5x128x128xf32, #tpu.memory_space<vmem>>, vector<1x1x16xf32>,
        %add3A_739 = arith.constant 2 : i32
        %add3A_740 = arith.addi %mul3A_320, %add3A_739 : i32
        %get3A_741 = arith.constant 0 : i32
        %get3A_742 = arith.index_cast %get3A_741 : i32 to index
        %get3A_743 = arith.index_cast %add3A_740 : i32 to index
        %get3A_744 = arith.constant 80 : index
        %get3A_745 = tpu.vector_load %arg6[%get3A_742, %get3A_743, %get3A_744] {strides = array<i32>} : memref<5x128x128xf32, #tpu.memory_space<vmem>>, vector<1x1x16xf32>,
        %get3A_746 = vector.shape_cast %get3A_745 : vector<1x1x16xf32> to vector<16xf32>
        %mul3A_747 = arith.constant 11.3137083 : f32
        %mul3A_748 = vector.broadcast %mul3A_747 : f32 to vector<16xf32>
        %mul3A_749 = arith.mulf %get3A_746, %mul3A_748 : vector<16xf32>
        %add3A_750 = arith.constant 2 : i32
        %add3A_751 = arith.addi %mul3A_320, %add3A_750 : i32
        %swap3A_752 = arith.constant 0 : i32
        %swap3A_753 = arith.index_cast %swap3A_752 : i32 to index
        %swap3A_754 = arith.index_cast %add3A_751 : i32 to index
        %swap3A_755 = arith.constant 80 : index
        %swap3A_756 = tpu.vector_load %arg6[%swap3A_753, %swap3A_754, %swap3A_755] {strides = array<i32>} : memref<5x128x128xf32, #tpu.memory_space<vmem>>, vector<1x1x16xf32>,
        %swap3A_757 = vector.shape_cast %swap3A_756 : vector<1x1x16xf32> to vector<16xf32>
        %swap3A_758 = vector.shape_cast %mul3A_749 : vector<16xf32> to vector<1x1x16xf32>
        tpu.vector_store %arg6[%swap3A_753, %swap3A_754, %swap3A_755], %swap3A_758 {strides = array<i32>} : memref<5x128x128xf32, #tpu.memory_space<vmem>>, vector<1x1x16xf32>,
        %add3A_759 = arith.constant 2 : i32
        %add3A_760 = arith.addi %mul3A_320, %add3A_759 : i32
        %get3A_761 = arith.constant 0 : i32
        %get3A_762 = arith.index_cast %get3A_761 : i32 to index
        %get3A_763 = arith.index_cast %add3A_760 : i32 to index
        %get3A_764 = arith.constant 96 : index
        %get3A_765 = tpu.vector_load %arg6[%get3A_762, %get3A_763, %get3A_764] {strides = array<i32>} : memref<5x128x128xf32, #tpu.memory_space<vmem>>, vector<1x1x16xf32>,
        %get3A_766 = vector.shape_cast %get3A_765 : vector<1x1x16xf32> to vector<16xf32>
        %mul3A_767 = arith.constant 11.3137083 : f32
        %mul3A_768 = vector.broadcast %mul3A_767 : f32 to vector<16xf32>
        %mul3A_769 = arith.mulf %get3A_766, %mul3A_768 : vector<16xf32>
        %add3A_770 = arith.constant 2 : i32
        %add3A_771 = arith.addi %mul3A_320, %add3A_770 : i32
        %swap3A_772 = arith.constant 0 : i32
        %swap3A_773 = arith.index_cast %swap3A_772 : i32 to index
        %swap3A_774 = arith.index_cast %add3A_771 : i32 to index
        %swap3A_775 = arith.constant 96 : index
        %swap3A_776 = tpu.vector_load %arg6[%swap3A_773, %swap3A_774, %swap3A_775] {strides = array<i32>} : memref<5x128x128xf32, #tpu.memory_space<vmem>>, vector<1x1x16xf32>,
        %swap3A_777 = vector.shape_cast %swap3A_776 : vector<1x1x16xf32> to vector<16xf32>
        %swap3A_778 = vector.shape_cast %mul3A_769 : vector<16xf32> to vector<1x1x16xf32>
        tpu.vector_store %arg6[%swap3A_773, %swap3A_774, %swap3A_775], %swap3A_778 {strides = array<i32>} : memref<5x128x128xf32, #tpu.memory_space<vmem>>, vector<1x1x16xf32>,
        %add3A_779 = arith.constant 2 : i32
        %add3A_780 = arith.addi %mul3A_320, %add3A_779 : i32
        %get3A_781 = arith.constant 0 : i32
        %get3A_782 = arith.index_cast %get3A_781 : i32 to index
        %get3A_783 = arith.index_cast %add3A_780 : i32 to index
        %get3A_784 = arith.constant 112 : index
        %get3A_785 = tpu.vector_load %arg6[%get3A_782, %get3A_783, %get3A_784] {strides = array<i32>} : memref<5x128x128xf32, #tpu.memory_space<vmem>>, vector<1x1x16xf32>,
        %get3A_786 = vector.shape_cast %get3A_785 : vector<1x1x16xf32> to vector<16xf32>
        %mul3A_787 = arith.constant 11.3137083 : f32
        %mul3A_788 = vector.broadcast %mul3A_787 : f32 to vector<16xf32>
        %mul3A_789 = arith.mulf %get3A_786, %mul3A_788 : vector<16xf32>
        %add3A_790 = arith.constant 2 : i32
        %add3A_791 = arith.addi %mul3A_320, %add3A_790 : i32
        %swap3A_792 = arith.constant 0 : i32
        %swap3A_793 = arith.index_cast %swap3A_792 : i32 to index
        %swap3A_794 = arith.index_cast %add3A_791 : i32 to index
        %swap3A_795 = arith.constant 112 : index
        %swap3A_796 = tpu.vector_load %arg6[%swap3A_793, %swap3A_794, %swap3A_795] {strides = array<i32>} : memref<5x128x128xf32, #tpu.memory_space<vmem>>, vector<1x1x16xf32>,
        %swap3A_797 = vector.shape_cast %swap3A_796 : vector<1x1x16xf32> to vector<16xf32>
        %swap3A_798 = vector.shape_cast %mul3A_789 : vector<16xf32> to vector<1x1x16xf32>
        tpu.vector_store %arg6[%swap3A_793, %swap3A_794, %swap3A_795], %swap3A_798 {strides = array<i32>} : memref<5x128x128xf32, #tpu.memory_space<vmem>>, vector<1x1x16xf32>,
        %add3A_799 = arith.constant 3 : i32
        %add3A_800 = arith.addi %mul3A_320, %add3A_799 : i32
        %get3A_801 = arith.constant 0 : i32
        %get3A_802 = arith.index_cast %get3A_801 : i32 to index
        %get3A_803 = arith.index_cast %add3A_800 : i32 to index
        %get3A_804 = arith.constant 0 : index
        %get3A_805 = tpu.vector_load %arg6[%get3A_802, %get3A_803, %get3A_804] {strides = array<i32>} : memref<5x128x128xf32, #tpu.memory_space<vmem>>, vector<1x1x16xf32>,
        %get3A_806 = vector.shape_cast %get3A_805 : vector<1x1x16xf32> to vector<16xf32>
        %mul3A_807 = arith.constant 11.3137083 : f32
        %mul3A_808 = vector.broadcast %mul3A_807 : f32 to vector<16xf32>
        %mul3A_809 = arith.mulf %get3A_806, %mul3A_808 : vector<16xf32>
        %add3A_810 = arith.constant 3 : i32
        %add3A_811 = arith.addi %mul3A_320, %add3A_810 : i32
        %swap3A_812 = arith.constant 0 : i32
        %swap3A_813 = arith.index_cast %swap3A_812 : i32 to index
        %swap3A_814 = arith.index_cast %add3A_811 : i32 to index
        %swap3A_815 = arith.constant 0 : index
        %swap3A_816 = tpu.vector_load %arg6[%swap3A_813, %swap3A_814, %swap3A_815] {strides = array<i32>} : memref<5x128x128xf32, #tpu.memory_space<vmem>>, vector<1x1x16xf32>,
        %swap3A_817 = vector.shape_cast %swap3A_816 : vector<1x1x16xf32> to vector<16xf32>
        %swap3A_818 = vector.shape_cast %mul3A_809 : vector<16xf32> to vector<1x1x16xf32>
        tpu.vector_store %arg6[%swap3A_813, %swap3A_814, %swap3A_815], %swap3A_818 {strides = array<i32>} : memref<5x128x128xf32, #tpu.memory_space<vmem>>, vector<1x1x16xf32>,
        %add3A_819 = arith.constant 3 : i32
        %add3A_820 = arith.addi %mul3A_320, %add3A_819 : i32
        %get3A_821 = arith.constant 0 : i32
        %get3A_822 = arith.index_cast %get3A_821 : i32 to index
        %get3A_823 = arith.index_cast %add3A_820 : i32 to index
        %get3A_824 = arith.constant 16 : index
        %get3A_825 = tpu.vector_load %arg6[%get3A_822, %get3A_823, %get3A_824] {strides = array<i32>} : memref<5x128x128xf32, #tpu.memory_space<vmem>>, vector<1x1x16xf32>,
        %get3A_826 = vector.shape_cast %get3A_825 : vector<1x1x16xf32> to vector<16xf32>
        %mul3A_827 = arith.constant 11.3137083 : f32
        %mul3A_828 = vector.broadcast %mul3A_827 : f32 to vector<16xf32>
        %mul3A_829 = arith.mulf %get3A_826, %mul3A_828 : vector<16xf32>
        %add3A_830 = arith.constant 3 : i32
        %add3A_831 = arith.addi %mul3A_320, %add3A_830 : i32
        %swap3A_832 = arith.constant 0 : i32
        %swap3A_833 = arith.index_cast %swap3A_832 : i32 to index
        %swap3A_834 = arith.index_cast %add3A_831 : i32 to index
        %swap3A_835 = arith.constant 16 : index
        %swap3A_836 = tpu.vector_load %arg6[%swap3A_833, %swap3A_834, %swap3A_835] {strides = array<i32>} : memref<5x128x128xf32, #tpu.memory_space<vmem>>, vector<1x1x16xf32>,
        %swap3A_837 = vector.shape_cast %swap3A_836 : vector<1x1x16xf32> to vector<16xf32>
        %swap3A_838 = vector.shape_cast %mul3A_829 : vector<16xf32> to vector<1x1x16xf32>
        tpu.vector_store %arg6[%swap3A_833, %swap3A_834, %swap3A_835], %swap3A_838 {strides = array<i32>} : memref<5x128x128xf32, #tpu.memory_space<vmem>>, vector<1x1x16xf32>,
        %add3A_839 = arith.constant 3 : i32
        %add3A_840 = arith.addi %mul3A_320, %add3A_839 : i32
        %get3A_841 = arith.constant 0 : i32
        %get3A_842 = arith.index_cast %get3A_841 : i32 to index
        %get3A_843 = arith.index_cast %add3A_840 : i32 to index
        %get3A_844 = arith.constant 32 : index
        %get3A_845 = tpu.vector_load %arg6[%get3A_842, %get3A_843, %get3A_844] {strides = array<i32>} : memref<5x128x128xf32, #tpu.memory_space<vmem>>, vector<1x1x16xf32>,
        %get3A_846 = vector.shape_cast %get3A_845 : vector<1x1x16xf32> to vector<16xf32>
        %mul3A_847 = arith.constant 11.3137083 : f32
        %mul3A_848 = vector.broadcast %mul3A_847 : f32 to vector<16xf32>
        %mul3A_849 = arith.mulf %get3A_846, %mul3A_848 : vector<16xf32>
        %add3A_850 = arith.constant 3 : i32
        %add3A_851 = arith.addi %mul3A_320, %add3A_850 : i32
        %swap3A_852 = arith.constant 0 : i32
        %swap3A_853 = arith.index_cast %swap3A_852 : i32 to index
        %swap3A_854 = arith.index_cast %add3A_851 : i32 to index
        %swap3A_855 = arith.constant 32 : index
        %swap3A_856 = tpu.vector_load %arg6[%swap3A_853, %swap3A_854, %swap3A_855] {strides = array<i32>} : memref<5x128x128xf32, #tpu.memory_space<vmem>>, vector<1x1x16xf32>,
        %swap3A_857 = vector.shape_cast %swap3A_856 : vector<1x1x16xf32> to vector<16xf32>
        %swap3A_858 = vector.shape_cast %mul3A_849 : vector<16xf32> to vector<1x1x16xf32>
        tpu.vector_store %arg6[%swap3A_853, %swap3A_854, %swap3A_855], %swap3A_858 {strides = array<i32>} : memref<5x128x128xf32, #tpu.memory_space<vmem>>, vector<1x1x16xf32>,
        %add3A_859 = arith.constant 3 : i32
        %add3A_860 = arith.addi %mul3A_320, %add3A_859 : i32
        %get3A_861 = arith.constant 0 : i32
        %get3A_862 = arith.index_cast %get3A_861 : i32 to index
        %get3A_863 = arith.index_cast %add3A_860 : i32 to index
        %get3A_864 = arith.constant 48 : index
        %get3A_865 = tpu.vector_load %arg6[%get3A_862, %get3A_863, %get3A_864] {strides = array<i32>} : memref<5x128x128xf32, #tpu.memory_space<vmem>>, vector<1x1x16xf32>,
        %get3A_866 = vector.shape_cast %get3A_865 : vector<1x1x16xf32> to vector<16xf32>
        %mul3A_867 = arith.constant 11.3137083 : f32
        %mul3A_868 = vector.broadcast %mul3A_867 : f32 to vector<16xf32>
        %mul3A_869 = arith.mulf %get3A_866, %mul3A_868 : vector<16xf32>
        %add3A_870 = arith.constant 3 : i32
        %add3A_871 = arith.addi %mul3A_320, %add3A_870 : i32
        %swap3A_872 = arith.constant 0 : i32
        %swap3A_873 = arith.index_cast %swap3A_872 : i32 to index
        %swap3A_874 = arith.index_cast %add3A_871 : i32 to index
        %swap3A_875 = arith.constant 48 : index
        %swap3A_876 = tpu.vector_load %arg6[%swap3A_873, %swap3A_874, %swap3A_875] {strides = array<i32>} : memref<5x128x128xf32, #tpu.memory_space<vmem>>, vector<1x1x16xf32>,
        %swap3A_877 = vector.shape_cast %swap3A_876 : vector<1x1x16xf32> to vector<16xf32>
        %swap3A_878 = vector.shape_cast %mul3A_869 : vector<16xf32> to vector<1x1x16xf32>
        tpu.vector_store %arg6[%swap3A_873, %swap3A_874, %swap3A_875], %swap3A_878 {strides = array<i32>} : memref<5x128x128xf32, #tpu.memory_space<vmem>>, vector<1x1x16xf32>,
        %add3A_879 = arith.constant 3 : i32
        %add3A_880 = arith.addi %mul3A_320, %add3A_879 : i32
        %get3A_881 = arith.constant 0 : i32
        %get3A_882 = arith.index_cast %get3A_881 : i32 to index
        %get3A_883 = arith.index_cast %add3A_880 : i32 to index
        %get3A_884 = arith.constant 64 : index
        %get3A_885 = tpu.vector_load %arg6[%get3A_882, %get3A_883, %get3A_884] {strides = array<i32>} : memref<5x128x128xf32, #tpu.memory_space<vmem>>, vector<1x1x16xf32>,
        %get3A_886 = vector.shape_cast %get3A_885 : vector<1x1x16xf32> to vector<16xf32>
        %mul3A_887 = arith.constant 11.3137083 : f32
        %mul3A_888 = vector.broadcast %mul3A_887 : f32 to vector<16xf32>
        %mul3A_889 = arith.mulf %get3A_886, %mul3A_888 : vector<16xf32>
        %add3A_890 = arith.constant 3 : i32
        %add3A_891 = arith.addi %mul3A_320, %add3A_890 : i32
        %swap3A_892 = arith.constant 0 : i32
        %swap3A_893 = arith.index_cast %swap3A_892 : i32 to index
        %swap3A_894 = arith.index_cast %add3A_891 : i32 to index
        %swap3A_895 = arith.constant 64 : index
        %swap3A_896 = tpu.vector_load %arg6[%swap3A_893, %swap3A_894, %swap3A_895] {strides = array<i32>} : memref<5x128x128xf32, #tpu.memory_space<vmem>>, vector<1x1x16xf32>,
        %swap3A_897 = vector.shape_cast %swap3A_896 : vector<1x1x16xf32> to vector<16xf32>
        %swap3A_898 = vector.shape_cast %mul3A_889 : vector<16xf32> to vector<1x1x16xf32>
        tpu.vector_store %arg6[%swap3A_893, %swap3A_894, %swap3A_895], %swap3A_898 {strides = array<i32>} : memref<5x128x128xf32, #tpu.memory_space<vmem>>, vector<1x1x16xf32>,
        %add3A_899 = arith.constant 3 : i32
        %add3A_900 = arith.addi %mul3A_320, %add3A_899 : i32
        %get3A_901 = arith.constant 0 : i32
        %get3A_902 = arith.index_cast %get3A_901 : i32 to index
        %get3A_903 = arith.index_cast %add3A_900 : i32 to index
        %get3A_904 = arith.constant 80 : index
        %get3A_905 = tpu.vector_load %arg6[%get3A_902, %get3A_903, %get3A_904] {strides = array<i32>} : memref<5x128x128xf32, #tpu.memory_space<vmem>>, vector<1x1x16xf32>,
        %get3A_906 = vector.shape_cast %get3A_905 : vector<1x1x16xf32> to vector<16xf32>
        %mul3A_907 = arith.constant 11.3137083 : f32
        %mul3A_908 = vector.broadcast %mul3A_907 : f32 to vector<16xf32>
        %mul3A_909 = arith.mulf %get3A_906, %mul3A_908 : vector<16xf32>
        %add3A_910 = arith.constant 3 : i32
        %add3A_911 = arith.addi %mul3A_320, %add3A_910 : i32
        %swap3A_912 = arith.constant 0 : i32
        %swap3A_913 = arith.index_cast %swap3A_912 : i32 to index
        %swap3A_914 = arith.index_cast %add3A_911 : i32 to index
        %swap3A_915 = arith.constant 80 : index
        %swap3A_916 = tpu.vector_load %arg6[%swap3A_913, %swap3A_914, %swap3A_915] {strides = array<i32>} : memref<5x128x128xf32, #tpu.memory_space<vmem>>, vector<1x1x16xf32>,
        %swap3A_917 = vector.shape_cast %swap3A_916 : vector<1x1x16xf32> to vector<16xf32>
        %swap3A_918 = vector.shape_cast %mul3A_909 : vector<16xf32> to vector<1x1x16xf32>
        tpu.vector_store %arg6[%swap3A_913, %swap3A_914, %swap3A_915], %swap3A_918 {strides = array<i32>} : memref<5x128x128xf32, #tpu.memory_space<vmem>>, vector<1x1x16xf32>,
        %add3A_919 = arith.constant 3 : i32
        %add3A_920 = arith.addi %mul3A_320, %add3A_919 : i32
        %get3A_921 = arith.constant 0 : i32
        %get3A_922 = arith.index_cast %get3A_921 : i32 to index
        %get3A_923 = arith.index_cast %add3A_920 : i32 to index
        %get3A_924 = arith.constant 96 : index
        %get3A_925 = tpu.vector_load %arg6[%get3A_922, %get3A_923, %get3A_924] {strides = array<i32>} : memref<5x128x128xf32, #tpu.memory_space<vmem>>, vector<1x1x16xf32>,
        %get3A_926 = vector.shape_cast %get3A_925 : vector<1x1x16xf32> to vector<16xf32>
        %mul3A_927 = arith.constant 11.3137083 : f32
        %mul3A_928 = vector.broadcast %mul3A_927 : f32 to vector<16xf32>
        %mul3A_929 = arith.mulf %get3A_926, %mul3A_928 : vector<16xf32>
        %add3A_930 = arith.constant 3 : i32
        %add3A_931 = arith.addi %mul3A_320, %add3A_930 : i32
        %swap3A_932 = arith.constant 0 : i32
        %swap3A_933 = arith.index_cast %swap3A_932 : i32 to index
        %swap3A_934 = arith.index_cast %add3A_931 : i32 to index
        %swap3A_935 = arith.constant 96 : index
        %swap3A_936 = tpu.vector_load %arg6[%swap3A_933, %swap3A_934, %swap3A_935] {strides = array<i32>} : memref<5x128x128xf32, #tpu.memory_space<vmem>>, vector<1x1x16xf32>,
        %swap3A_937 = vector.shape_cast %swap3A_936 : vector<1x1x16xf32> to vector<16xf32>
        %swap3A_938 = vector.shape_cast %mul3A_929 : vector<16xf32> to vector<1x1x16xf32>
        tpu.vector_store %arg6[%swap3A_933, %swap3A_934, %swap3A_935], %swap3A_938 {strides = array<i32>} : memref<5x128x128xf32, #tpu.memory_space<vmem>>, vector<1x1x16xf32>,
        %add3A_939 = arith.constant 3 : i32
        %add3A_940 = arith.addi %mul3A_320, %add3A_939 : i32
        %get3A_941 = arith.constant 0 : i32
        %get3A_942 = arith.index_cast %get3A_941 : i32 to index
        %get3A_943 = arith.index_cast %add3A_940 : i32 to index
        %get3A_944 = arith.constant 112 : index
        %get3A_945 = tpu.vector_load %arg6[%get3A_942, %get3A_943, %get3A_944] {strides = array<i32>} : memref<5x128x128xf32, #tpu.memory_space<vmem>>, vector<1x1x16xf32>,
        %get3A_946 = vector.shape_cast %get3A_945 : vector<1x1x16xf32> to vector<16xf32>
        %mul3A_947 = arith.constant 11.3137083 : f32
        %mul3A_948 = vector.broadcast %mul3A_947 : f32 to vector<16xf32>
        %mul3A_949 = arith.mulf %get3A_946, %mul3A_948 : vector<16xf32>
        %add3A_950 = arith.constant 3 : i32
        %add3A_951 = arith.addi %mul3A_320, %add3A_950 : i32
        %swap3A_952 = arith.constant 0 : i32
        %swap3A_953 = arith.index_cast %swap3A_952 : i32 to index
        %swap3A_954 = arith.index_cast %add3A_951 : i32 to index
        %swap3A_955 = arith.constant 112 : index
        %swap3A_956 = tpu.vector_load %arg6[%swap3A_953, %swap3A_954, %swap3A_955] {strides = array<i32>} : memref<5x128x128xf32, #tpu.memory_space<vmem>>, vector<1x1x16xf32>,
        %swap3A_957 = vector.shape_cast %swap3A_956 : vector<1x1x16xf32> to vector<16xf32>
        %swap3A_958 = vector.shape_cast %mul3A_949 : vector<16xf32> to vector<1x1x16xf32>
        tpu.vector_store %arg6[%swap3A_953, %swap3A_954, %swap3A_955], %swap3A_958 {strides = array<i32>} : memref<5x128x128xf32, #tpu.memory_space<vmem>>, vector<1x1x16xf32>,
      }
      %scan3A_131 = arith.constant 32 : i32
      %mul3A_132 = arith.constant 128 : i32
      %mul3A_133 = arith.muli %add3A_112, %mul3A_132 : i32
      %add3A_134 = arith.addi %mul3A_4, %mul3A_133 : i32
      %dma_start3A_135 = arith.constant 0 : i32
      %dma_start3A_136 = arith.constant 0 : i32
      %dma_start3A_137 = arith.constant 0 : i32
      %dma_start3A_138 = tpu.memref_slice %arg6[%dma_start3A_135, %dma_start3A_136, %dma_start3A_137] : memref<5x128x128xf32, #tpu.memory_space<vmem>> -> memref<1x128x128xf32, #tpu.memory_space<vmem>>
      %dma_start3A_139 = tpu.memref_squeeze %dma_start3A_138 : memref<1x128x128xf32, #tpu.memory_space<vmem>> -> memref<128x128xf32, #tpu.memory_space<vmem>>
      %dma_start3A_140 = arith.constant 0 : i32
      %dma_start3A_141 = tpu.memref_slice %arg4[%add3A_134, %dma_start3A_140] : memref<819200x128xf32, #tpu.memory_space<hbm>> -> memref<128x128xf32, #tpu.memory_space<hbm>>
      %dma_start3A_142 = arith.constant 0 : i32
      %dma_start3A_143 = tpu.memref_slice %arg4[%add3A_134, %dma_start3A_142] : memref<819200x128xf32, #tpu.memory_space<hbm>> -> memref<128x128xf32, #tpu.memory_space<hbm>>
      %dma_start3A_144 = arith.constant 0 : i32
      %dma_start3A_145 = arith.constant 0 : i32
      %dma_start3A_146 = tpu.memref_slice %arg6[%dma_start3A_135, %dma_start3A_144, %dma_start3A_145] : memref<5x128x128xf32, #tpu.memory_space<vmem>> -> memref<1x128x128xf32, #tpu.memory_space<vmem>>
      %dma_start3A_147 = tpu.memref_squeeze %dma_start3A_146 : memref<1x128x128xf32, #tpu.memory_space<vmem>> -> memref<128x128xf32, #tpu.memory_space<vmem>>
      tpu.enqueue_dma source(%dma_start3A_147 : memref<128x128xf32, #tpu.memory_space<vmem>>) target(%dma_start3A_143 : memref<128x128xf32, #tpu.memory_space<hbm>>) target_semaphore(%arg12 : memref<!tpu.dma_semaphore, #tpu.memory_space<semaphore_mem>>)
      %lt3A = arith.constant 200 : i32
      %lt3A_148 = arith.cmpi slt, %add3A_114, %lt3A : i32
      %convert_element_type3A = arith.extui %lt3A_148 : i1 to i32
      %cond3A = arith.constant 0 : i32
      %cond3A_149 = arith.cmpi ne, %convert_element_type3A, %cond3A : i32
      scf.if %cond3A_149 {
        %ge3A = arith.constant 5 : i32
        %ge3A_318 = arith.cmpi sge, %add3A_114, %ge3A : i32
        %convert_element_type3A_319 = arith.extui %ge3A_318 : i1 to i32
        %cond3A_320 = arith.constant 0 : i32
        %cond3A_321 = arith.cmpi ne, %convert_element_type3A_319, %cond3A_320 : i32
        scf.if %cond3A_321 {
          %dma_wait3A_333 = arith.constant 3 : i32
          %dma_wait3A_334 = arith.constant 0 : i32
          %dma_wait3A_335 = arith.constant 0 : i32
          %dma_wait3A_336 = tpu.memref_slice %arg6[%dma_wait3A_333, %dma_wait3A_334, %dma_wait3A_335] : memref<5x128x128xf32, #tpu.memory_space<vmem>> -> memref<1x128x128xf32, #tpu.memory_space<vmem>>
          %dma_wait3A_337 = tpu.memref_squeeze %dma_wait3A_336 : memref<1x128x128xf32, #tpu.memory_space<vmem>> -> memref<128x128xf32, #tpu.memory_space<vmem>>
          %dma_wait3A_338 = arith.constant 0 : i32
          %dma_wait3A_339 = tpu.memref_slice %arg4[%mul3A_4, %dma_wait3A_338] : memref<819200x128xf32, #tpu.memory_space<hbm>> -> memref<128x128xf32, #tpu.memory_space<hbm>>
          %dma_wait3A_340 = arith.constant 0 : i32
          %dma_wait3A_341 = tpu.memref_slice %arg4[%mul3A_4, %dma_wait3A_340] : memref<819200x128xf32, #tpu.memory_space<hbm>> -> memref<128x128xf32, #tpu.memory_space<hbm>>
          %dma_wait3A_342 = arith.constant 0 : i32
          %dma_wait3A_343 = arith.constant 0 : i32
          %dma_wait3A_344 = tpu.memref_slice %arg6[%dma_wait3A_333, %dma_wait3A_342, %dma_wait3A_343] : memref<5x128x128xf32, #tpu.memory_space<vmem>> -> memref<1x128x128xf32, #tpu.memory_space<vmem>>
          %dma_wait3A_345 = tpu.memref_squeeze %dma_wait3A_344 : memref<1x128x128xf32, #tpu.memory_space<vmem>> -> memref<128x128xf32, #tpu.memory_space<vmem>>
          tpu.wait_dma2 semaphore(%arg15 : memref<!tpu.dma_semaphore, #tpu.memory_space<semaphore_mem>>) src(%dma_wait3A_345 : memref<128x128xf32, #tpu.memory_space<vmem>>) dst(%dma_wait3A_341 : memref<128x128xf32, #tpu.memory_space<hbm>>)
        } else {
        }
        %dma_start3A_322 = arith.constant 3 : i32
        %dma_start3A_323 = arith.constant 0 : i32
        %dma_start3A_324 = arith.constant 0 : i32
        %dma_start3A_325 = tpu.memref_slice %arg6[%dma_start3A_322, %dma_start3A_323, %dma_start3A_324] : memref<5x128x128xf32, #tpu.memory_space<vmem>> -> memref<1x128x128xf32, #tpu.memory_space<vmem>>
        %dma_start3A_326 = tpu.memref_squeeze %dma_start3A_325 : memref<1x128x128xf32, #tpu.memory_space<vmem>> -> memref<128x128xf32, #tpu.memory_space<vmem>>
        %dma_start3A_327 = arith.constant 0 : i32
        %dma_start3A_328 = tpu.memref_slice %arg5[%add3A_114, %dma_start3A_327] : memref<200x128xi32, #tpu.memory_space<vmem>> -> memref<1x128xi32, #tpu.memory_space<vmem>>
        %dma_start3A_329 = tpu.memref_squeeze %dma_start3A_328 : memref<1x128xi32, #tpu.memory_space<vmem>> -> memref<128xi32, #tpu.memory_space<vmem>>
        %dma_start3A_330 = arith.constant 0 : i32
        %dma_start3A_331 = arith.constant 0 : i32
        %dma_start3A_332 = tpu.memref_slice %arg3[%dma_start3A_330, %dma_start3A_331] : memref<100000x128xf32, #tpu.memory_space<hbm>> -> memref<100000x128xf32, #tpu.memory_space<hbm>>
        tpu.enqueue_indirect_dma source(%dma_start3A_332 : memref<100000x128xf32, #tpu.memory_space<hbm>>) target(%dma_start3A_326 : memref<128x128xf32, #tpu.memory_space<vmem>>) offsets(%dma_start3A_329 : memref<128xi32, #tpu.memory_space<vmem>>) semaphore(%arg10 : memref<!tpu.dma_semaphore, #tpu.memory_space<semaphore_mem>>)
      } else {
      }
      %add3A_150 = arith.constant 1 : i32
      %add3A_151 = arith.addi %mul3A_110, %add3A_150 : i32
      %add3A_152 = arith.constant 3 : i32
      %add3A_153 = arith.addi %add3A_151, %add3A_152 : i32
      %dma_wait3A_154 = arith.constant 0 : i32
      %dma_wait3A_155 = arith.constant 1 : i32
      %dma_wait3A_156 = arith.constant 0 : i32
      %dma_wait3A_157 = arith.constant 0 : i32
      %dma_wait3A_158 = tpu.memref_slice %arg6[%dma_wait3A_155, %dma_wait3A_156, %dma_wait3A_157] : memref<5x128x128xf32, #tpu.memory_space<vmem>> -> memref<1x128x128xf32, #tpu.memory_space<vmem>>
      %dma_wait3A_159 = tpu.memref_squeeze %dma_wait3A_158 : memref<1x128x128xf32, #tpu.memory_space<vmem>> -> memref<128x128xf32, #tpu.memory_space<vmem>>
      %dma_wait3A_160 = arith.constant 0 : i32
      %dma_wait3A_161 = tpu.memref_slice %arg5[%dma_wait3A_154, %dma_wait3A_160] : memref<200x128xi32, #tpu.memory_space<vmem>> -> memref<1x128xi32, #tpu.memory_space<vmem>>
      %dma_wait3A_162 = tpu.memref_squeeze %dma_wait3A_161 : memref<1x128xi32, #tpu.memory_space<vmem>> -> memref<128xi32, #tpu.memory_space<vmem>>
      %dma_wait3A_163 = arith.constant 0 : i32
      %dma_wait3A_164 = arith.constant 0 : i32
      %dma_wait3A_165 = tpu.memref_slice %arg3[%dma_wait3A_163, %dma_wait3A_164] : memref<100000x128xf32, #tpu.memory_space<hbm>> -> memref<100000x128xf32, #tpu.memory_space<hbm>>
      tpu.wait_indirect_dma semaphore(%arg8 : memref<!tpu.dma_semaphore, #tpu.memory_space<semaphore_mem>>) src(%dma_wait3A_165 : memref<100000x128xf32, #tpu.memory_space<hbm>>) dst(%dma_wait3A_159 : memref<128x128xf32, #tpu.memory_space<vmem>>)
      %scan3A_166 = arith.constant 0 : i32
      %scan3A_167 = arith.constant 32 : i32
      %scan3A_168 = arith.addi %scan3A_166, %scan3A_167 : i32
      %scan3A_169 = arith.constant 1 : i32
      scf.for %scan3A_318 = %scan3A_166 to %scan3A_168 step %scan3A_169  : i32 {
        %mul3A_319 = arith.constant 4 : i32
        %mul3A_320 = arith.muli %scan3A_318, %mul3A_319 : i32
        %add3A_321 = arith.constant 0 : i32
        %add3A_322 = arith.addi %mul3A_320, %add3A_321 : i32
        %get3A = arith.constant 1 : i32
        %get3A_323 = arith.index_cast %get3A : i32 to index
        %get3A_324 = arith.index_cast %add3A_322 : i32 to index
        %get3A_325 = arith.constant 0 : index
        %get3A_326 = tpu.vector_load %arg6[%get3A_323, %get3A_324, %get3A_325] {strides = array<i32>} : memref<5x128x128xf32, #tpu.memory_space<vmem>>, vector<1x1x16xf32>,
        %get3A_327 = vector.shape_cast %get3A_326 : vector<1x1x16xf32> to vector<16xf32>
        %mul3A_328 = arith.constant 11.3137083 : f32
        %mul3A_329 = vector.broadcast %mul3A_328 : f32 to vector<16xf32>
        %mul3A_330 = arith.mulf %get3A_327, %mul3A_329 : vector<16xf32>
        %add3A_331 = arith.constant 0 : i32
        %add3A_332 = arith.addi %mul3A_320, %add3A_331 : i32
        %swap3A = arith.constant 1 : i32
        %swap3A_333 = arith.index_cast %swap3A : i32 to index
        %swap3A_334 = arith.index_cast %add3A_332 : i32 to index
        %swap3A_335 = arith.constant 0 : index
        %swap3A_336 = tpu.vector_load %arg6[%swap3A_333, %swap3A_334, %swap3A_335] {strides = array<i32>} : memref<5x128x128xf32, #tpu.memory_space<vmem>>, vector<1x1x16xf32>,
        %swap3A_337 = vector.shape_cast %swap3A_336 : vector<1x1x16xf32> to vector<16xf32>
        %swap3A_338 = vector.shape_cast %mul3A_330 : vector<16xf32> to vector<1x1x16xf32>
        tpu.vector_store %arg6[%swap3A_333, %swap3A_334, %swap3A_335], %swap3A_338 {strides = array<i32>} : memref<5x128x128xf32, #tpu.memory_space<vmem>>, vector<1x1x16xf32>,
        %add3A_339 = arith.constant 0 : i32
        %add3A_340 = arith.addi %mul3A_320, %add3A_339 : i32
        %get3A_341 = arith.constant 1 : i32
        %get3A_342 = arith.index_cast %get3A_341 : i32 to index
        %get3A_343 = arith.index_cast %add3A_340 : i32 to index
        %get3A_344 = arith.constant 16 : index
        %get3A_345 = tpu.vector_load %arg6[%get3A_342, %get3A_343, %get3A_344] {strides = array<i32>} : memref<5x128x128xf32, #tpu.memory_space<vmem>>, vector<1x1x16xf32>,
        %get3A_346 = vector.shape_cast %get3A_345 : vector<1x1x16xf32> to vector<16xf32>
        %mul3A_347 = arith.constant 11.3137083 : f32
        %mul3A_348 = vector.broadcast %mul3A_347 : f32 to vector<16xf32>
        %mul3A_349 = arith.mulf %get3A_346, %mul3A_348 : vector<16xf32>
        %add3A_350 = arith.constant 0 : i32
        %add3A_351 = arith.addi %mul3A_320, %add3A_350 : i32
        %swap3A_352 = arith.constant 1 : i32
        %swap3A_353 = arith.index_cast %swap3A_352 : i32 to index
        %swap3A_354 = arith.index_cast %add3A_351 : i32 to index
        %swap3A_355 = arith.constant 16 : index
        %swap3A_356 = tpu.vector_load %arg6[%swap3A_353, %swap3A_354, %swap3A_355] {strides = array<i32>} : memref<5x128x128xf32, #tpu.memory_space<vmem>>, vector<1x1x16xf32>,
        %swap3A_357 = vector.shape_cast %swap3A_356 : vector<1x1x16xf32> to vector<16xf32>
        %swap3A_358 = vector.shape_cast %mul3A_349 : vector<16xf32> to vector<1x1x16xf32>
        tpu.vector_store %arg6[%swap3A_353, %swap3A_354, %swap3A_355], %swap3A_358 {strides = array<i32>} : memref<5x128x128xf32, #tpu.memory_space<vmem>>, vector<1x1x16xf32>,
        %add3A_359 = arith.constant 0 : i32
        %add3A_360 = arith.addi %mul3A_320, %add3A_359 : i32
        %get3A_361 = arith.constant 1 : i32
        %get3A_362 = arith.index_cast %get3A_361 : i32 to index
        %get3A_363 = arith.index_cast %add3A_360 : i32 to index
        %get3A_364 = arith.constant 32 : index
        %get3A_365 = tpu.vector_load %arg6[%get3A_362, %get3A_363, %get3A_364] {strides = array<i32>} : memref<5x128x128xf32, #tpu.memory_space<vmem>>, vector<1x1x16xf32>,
        %get3A_366 = vector.shape_cast %get3A_365 : vector<1x1x16xf32> to vector<16xf32>
        %mul3A_367 = arith.constant 11.3137083 : f32
        %mul3A_368 = vector.broadcast %mul3A_367 : f32 to vector<16xf32>
        %mul3A_369 = arith.mulf %get3A_366, %mul3A_368 : vector<16xf32>
        %add3A_370 = arith.constant 0 : i32
        %add3A_371 = arith.addi %mul3A_320, %add3A_370 : i32
        %swap3A_372 = arith.constant 1 : i32
        %swap3A_373 = arith.index_cast %swap3A_372 : i32 to index
        %swap3A_374 = arith.index_cast %add3A_371 : i32 to index
        %swap3A_375 = arith.constant 32 : index
        %swap3A_376 = tpu.vector_load %arg6[%swap3A_373, %swap3A_374, %swap3A_375] {strides = array<i32>} : memref<5x128x128xf32, #tpu.memory_space<vmem>>, vector<1x1x16xf32>,
        %swap3A_377 = vector.shape_cast %swap3A_376 : vector<1x1x16xf32> to vector<16xf32>
        %swap3A_378 = vector.shape_cast %mul3A_369 : vector<16xf32> to vector<1x1x16xf32>
        tpu.vector_store %arg6[%swap3A_373, %swap3A_374, %swap3A_375], %swap3A_378 {strides = array<i32>} : memref<5x128x128xf32, #tpu.memory_space<vmem>>, vector<1x1x16xf32>,
        %add3A_379 = arith.constant 0 : i32
        %add3A_380 = arith.addi %mul3A_320, %add3A_379 : i32
        %get3A_381 = arith.constant 1 : i32
        %get3A_382 = arith.index_cast %get3A_381 : i32 to index
        %get3A_383 = arith.index_cast %add3A_380 : i32 to index
        %get3A_384 = arith.constant 48 : index
        %get3A_385 = tpu.vector_load %arg6[%get3A_382, %get3A_383, %get3A_384] {strides = array<i32>} : memref<5x128x128xf32, #tpu.memory_space<vmem>>, vector<1x1x16xf32>,
        %get3A_386 = vector.shape_cast %get3A_385 : vector<1x1x16xf32> to vector<16xf32>
        %mul3A_387 = arith.constant 11.3137083 : f32
        %mul3A_388 = vector.broadcast %mul3A_387 : f32 to vector<16xf32>
        %mul3A_389 = arith.mulf %get3A_386, %mul3A_388 : vector<16xf32>
        %add3A_390 = arith.constant 0 : i32
        %add3A_391 = arith.addi %mul3A_320, %add3A_390 : i32
        %swap3A_392 = arith.constant 1 : i32
        %swap3A_393 = arith.index_cast %swap3A_392 : i32 to index
        %swap3A_394 = arith.index_cast %add3A_391 : i32 to index
        %swap3A_395 = arith.constant 48 : index
        %swap3A_396 = tpu.vector_load %arg6[%swap3A_393, %swap3A_394, %swap3A_395] {strides = array<i32>} : memref<5x128x128xf32, #tpu.memory_space<vmem>>, vector<1x1x16xf32>,
        %swap3A_397 = vector.shape_cast %swap3A_396 : vector<1x1x16xf32> to vector<16xf32>
        %swap3A_398 = vector.shape_cast %mul3A_389 : vector<16xf32> to vector<1x1x16xf32>
        tpu.vector_store %arg6[%swap3A_393, %swap3A_394, %swap3A_395], %swap3A_398 {strides = array<i32>} : memref<5x128x128xf32, #tpu.memory_space<vmem>>, vector<1x1x16xf32>,
        %add3A_399 = arith.constant 0 : i32
        %add3A_400 = arith.addi %mul3A_320, %add3A_399 : i32
        %get3A_401 = arith.constant 1 : i32
        %get3A_402 = arith.index_cast %get3A_401 : i32 to index
        %get3A_403 = arith.index_cast %add3A_400 : i32 to index
        %get3A_404 = arith.constant 64 : index
        %get3A_405 = tpu.vector_load %arg6[%get3A_402, %get3A_403, %get3A_404] {strides = array<i32>} : memref<5x128x128xf32, #tpu.memory_space<vmem>>, vector<1x1x16xf32>,
        %get3A_406 = vector.shape_cast %get3A_405 : vector<1x1x16xf32> to vector<16xf32>
        %mul3A_407 = arith.constant 11.3137083 : f32
        %mul3A_408 = vector.broadcast %mul3A_407 : f32 to vector<16xf32>
        %mul3A_409 = arith.mulf %get3A_406, %mul3A_408 : vector<16xf32>
        %add3A_410 = arith.constant 0 : i32
        %add3A_411 = arith.addi %mul3A_320, %add3A_410 : i32
        %swap3A_412 = arith.constant 1 : i32
        %swap3A_413 = arith.index_cast %swap3A_412 : i32 to index
        %swap3A_414 = arith.index_cast %add3A_411 : i32 to index
        %swap3A_415 = arith.constant 64 : index
        %swap3A_416 = tpu.vector_load %arg6[%swap3A_413, %swap3A_414, %swap3A_415] {strides = array<i32>} : memref<5x128x128xf32, #tpu.memory_space<vmem>>, vector<1x1x16xf32>,
        %swap3A_417 = vector.shape_cast %swap3A_416 : vector<1x1x16xf32> to vector<16xf32>
        %swap3A_418 = vector.shape_cast %mul3A_409 : vector<16xf32> to vector<1x1x16xf32>
        tpu.vector_store %arg6[%swap3A_413, %swap3A_414, %swap3A_415], %swap3A_418 {strides = array<i32>} : memref<5x128x128xf32, #tpu.memory_space<vmem>>, vector<1x1x16xf32>,
        %add3A_419 = arith.constant 0 : i32
        %add3A_420 = arith.addi %mul3A_320, %add3A_419 : i32
        %get3A_421 = arith.constant 1 : i32
        %get3A_422 = arith.index_cast %get3A_421 : i32 to index
        %get3A_423 = arith.index_cast %add3A_420 : i32 to index
        %get3A_424 = arith.constant 80 : index
        %get3A_425 = tpu.vector_load %arg6[%get3A_422, %get3A_423, %get3A_424] {strides = array<i32>} : memref<5x128x128xf32, #tpu.memory_space<vmem>>, vector<1x1x16xf32>,
        %get3A_426 = vector.shape_cast %get3A_425 : vector<1x1x16xf32> to vector<16xf32>
        %mul3A_427 = arith.constant 11.3137083 : f32
        %mul3A_428 = vector.broadcast %mul3A_427 : f32 to vector<16xf32>
        %mul3A_429 = arith.mulf %get3A_426, %mul3A_428 : vector<16xf32>
        %add3A_430 = arith.constant 0 : i32
        %add3A_431 = arith.addi %mul3A_320, %add3A_430 : i32
        %swap3A_432 = arith.constant 1 : i32
        %swap3A_433 = arith.index_cast %swap3A_432 : i32 to index
        %swap3A_434 = arith.index_cast %add3A_431 : i32 to index
        %swap3A_435 = arith.constant 80 : index
        %swap3A_436 = tpu.vector_load %arg6[%swap3A_433, %swap3A_434, %swap3A_435] {strides = array<i32>} : memref<5x128x128xf32, #tpu.memory_space<vmem>>, vector<1x1x16xf32>,
        %swap3A_437 = vector.shape_cast %swap3A_436 : vector<1x1x16xf32> to vector<16xf32>
        %swap3A_438 = vector.shape_cast %mul3A_429 : vector<16xf32> to vector<1x1x16xf32>
        tpu.vector_store %arg6[%swap3A_433, %swap3A_434, %swap3A_435], %swap3A_438 {strides = array<i32>} : memref<5x128x128xf32, #tpu.memory_space<vmem>>, vector<1x1x16xf32>,
        %add3A_439 = arith.constant 0 : i32
        %add3A_440 = arith.addi %mul3A_320, %add3A_439 : i32
        %get3A_441 = arith.constant 1 : i32
        %get3A_442 = arith.index_cast %get3A_441 : i32 to index
        %get3A_443 = arith.index_cast %add3A_440 : i32 to index
        %get3A_444 = arith.constant 96 : index
        %get3A_445 = tpu.vector_load %arg6[%get3A_442, %get3A_443, %get3A_444] {strides = array<i32>} : memref<5x128x128xf32, #tpu.memory_space<vmem>>, vector<1x1x16xf32>,
        %get3A_446 = vector.shape_cast %get3A_445 : vector<1x1x16xf32> to vector<16xf32>
        %mul3A_447 = arith.constant 11.3137083 : f32
        %mul3A_448 = vector.broadcast %mul3A_447 : f32 to vector<16xf32>
        %mul3A_449 = arith.mulf %get3A_446, %mul3A_448 : vector<16xf32>
        %add3A_450 = arith.constant 0 : i32
        %add3A_451 = arith.addi %mul3A_320, %add3A_450 : i32
        %swap3A_452 = arith.constant 1 : i32
        %swap3A_453 = arith.index_cast %swap3A_452 : i32 to index
        %swap3A_454 = arith.index_cast %add3A_451 : i32 to index
        %swap3A_455 = arith.constant 96 : index
        %swap3A_456 = tpu.vector_load %arg6[%swap3A_453, %swap3A_454, %swap3A_455] {strides = array<i32>} : memref<5x128x128xf32, #tpu.memory_space<vmem>>, vector<1x1x16xf32>,
        %swap3A_457 = vector.shape_cast %swap3A_456 : vector<1x1x16xf32> to vector<16xf32>
        %swap3A_458 = vector.shape_cast %mul3A_449 : vector<16xf32> to vector<1x1x16xf32>
        tpu.vector_store %arg6[%swap3A_453, %swap3A_454, %swap3A_455], %swap3A_458 {strides = array<i32>} : memref<5x128x128xf32, #tpu.memory_space<vmem>>, vector<1x1x16xf32>,
        %add3A_459 = arith.constant 0 : i32
        %add3A_460 = arith.addi %mul3A_320, %add3A_459 : i32
        %get3A_461 = arith.constant 1 : i32
        %get3A_462 = arith.index_cast %get3A_461 : i32 to index
        %get3A_463 = arith.index_cast %add3A_460 : i32 to index
        %get3A_464 = arith.constant 112 : index
        %get3A_465 = tpu.vector_load %arg6[%get3A_462, %get3A_463, %get3A_464] {strides = array<i32>} : memref<5x128x128xf32, #tpu.memory_space<vmem>>, vector<1x1x16xf32>,
        %get3A_466 = vector.shape_cast %get3A_465 : vector<1x1x16xf32> to vector<16xf32>
        %mul3A_467 = arith.constant 11.3137083 : f32
        %mul3A_468 = vector.broadcast %mul3A_467 : f32 to vector<16xf32>
        %mul3A_469 = arith.mulf %get3A_466, %mul3A_468 : vector<16xf32>
        %add3A_470 = arith.constant 0 : i32
        %add3A_471 = arith.addi %mul3A_320, %add3A_470 : i32
        %swap3A_472 = arith.constant 1 : i32
        %swap3A_473 = arith.index_cast %swap3A_472 : i32 to index
        %swap3A_474 = arith.index_cast %add3A_471 : i32 to index
        %swap3A_475 = arith.constant 112 : index
        %swap3A_476 = tpu.vector_load %arg6[%swap3A_473, %swap3A_474, %swap3A_475] {strides = array<i32>} : memref<5x128x128xf32, #tpu.memory_space<vmem>>, vector<1x1x16xf32>,
        %swap3A_477 = vector.shape_cast %swap3A_476 : vector<1x1x16xf32> to vector<16xf32>
        %swap3A_478 = vector.shape_cast %mul3A_469 : vector<16xf32> to vector<1x1x16xf32>
        tpu.vector_store %arg6[%swap3A_473, %swap3A_474, %swap3A_475], %swap3A_478 {strides = array<i32>} : memref<5x128x128xf32, #tpu.memory_space<vmem>>, vector<1x1x16xf32>,
        %add3A_479 = arith.constant 1 : i32
        %add3A_480 = arith.addi %mul3A_320, %add3A_479 : i32
        %get3A_481 = arith.constant 1 : i32
        %get3A_482 = arith.index_cast %get3A_481 : i32 to index
        %get3A_483 = arith.index_cast %add3A_480 : i32 to index
        %get3A_484 = arith.constant 0 : index
        %get3A_485 = tpu.vector_load %arg6[%get3A_482, %get3A_483, %get3A_484] {strides = array<i32>} : memref<5x128x128xf32, #tpu.memory_space<vmem>>, vector<1x1x16xf32>,
        %get3A_486 = vector.shape_cast %get3A_485 : vector<1x1x16xf32> to vector<16xf32>
        %mul3A_487 = arith.constant 11.3137083 : f32
        %mul3A_488 = vector.broadcast %mul3A_487 : f32 to vector<16xf32>
        %mul3A_489 = arith.mulf %get3A_486, %mul3A_488 : vector<16xf32>
        %add3A_490 = arith.constant 1 : i32
        %add3A_491 = arith.addi %mul3A_320, %add3A_490 : i32
        %swap3A_492 = arith.constant 1 : i32
        %swap3A_493 = arith.index_cast %swap3A_492 : i32 to index
        %swap3A_494 = arith.index_cast %add3A_491 : i32 to index
        %swap3A_495 = arith.constant 0 : index
        %swap3A_496 = tpu.vector_load %arg6[%swap3A_493, %swap3A_494, %swap3A_495] {strides = array<i32>} : memref<5x128x128xf32, #tpu.memory_space<vmem>>, vector<1x1x16xf32>,
        %swap3A_497 = vector.shape_cast %swap3A_496 : vector<1x1x16xf32> to vector<16xf32>
        %swap3A_498 = vector.shape_cast %mul3A_489 : vector<16xf32> to vector<1x1x16xf32>
        tpu.vector_store %arg6[%swap3A_493, %swap3A_494, %swap3A_495], %swap3A_498 {strides = array<i32>} : memref<5x128x128xf32, #tpu.memory_space<vmem>>, vector<1x1x16xf32>,
        %add3A_499 = arith.constant 1 : i32
        %add3A_500 = arith.addi %mul3A_320, %add3A_499 : i32
        %get3A_501 = arith.constant 1 : i32
        %get3A_502 = arith.index_cast %get3A_501 : i32 to index
        %get3A_503 = arith.index_cast %add3A_500 : i32 to index
        %get3A_504 = arith.constant 16 : index
        %get3A_505 = tpu.vector_load %arg6[%get3A_502, %get3A_503, %get3A_504] {strides = array<i32>} : memref<5x128x128xf32, #tpu.memory_space<vmem>>, vector<1x1x16xf32>,
        %get3A_506 = vector.shape_cast %get3A_505 : vector<1x1x16xf32> to vector<16xf32>
        %mul3A_507 = arith.constant 11.3137083 : f32
        %mul3A_508 = vector.broadcast %mul3A_507 : f32 to vector<16xf32>
        %mul3A_509 = arith.mulf %get3A_506, %mul3A_508 : vector<16xf32>
        %add3A_510 = arith.constant 1 : i32
        %add3A_511 = arith.addi %mul3A_320, %add3A_510 : i32
        %swap3A_512 = arith.constant 1 : i32
        %swap3A_513 = arith.index_cast %swap3A_512 : i32 to index
        %swap3A_514 = arith.index_cast %add3A_511 : i32 to index
        %swap3A_515 = arith.constant 16 : index
        %swap3A_516 = tpu.vector_load %arg6[%swap3A_513, %swap3A_514, %swap3A_515] {strides = array<i32>} : memref<5x128x128xf32, #tpu.memory_space<vmem>>, vector<1x1x16xf32>,
        %swap3A_517 = vector.shape_cast %swap3A_516 : vector<1x1x16xf32> to vector<16xf32>
        %swap3A_518 = vector.shape_cast %mul3A_509 : vector<16xf32> to vector<1x1x16xf32>
        tpu.vector_store %arg6[%swap3A_513, %swap3A_514, %swap3A_515], %swap3A_518 {strides = array<i32>} : memref<5x128x128xf32, #tpu.memory_space<vmem>>, vector<1x1x16xf32>,
        %add3A_519 = arith.constant 1 : i32
        %add3A_520 = arith.addi %mul3A_320, %add3A_519 : i32
        %get3A_521 = arith.constant 1 : i32
        %get3A_522 = arith.index_cast %get3A_521 : i32 to index
        %get3A_523 = arith.index_cast %add3A_520 : i32 to index
        %get3A_524 = arith.constant 32 : index
        %get3A_525 = tpu.vector_load %arg6[%get3A_522, %get3A_523, %get3A_524] {strides = array<i32>} : memref<5x128x128xf32, #tpu.memory_space<vmem>>, vector<1x1x16xf32>,
        %get3A_526 = vector.shape_cast %get3A_525 : vector<1x1x16xf32> to vector<16xf32>
        %mul3A_527 = arith.constant 11.3137083 : f32
        %mul3A_528 = vector.broadcast %mul3A_527 : f32 to vector<16xf32>
        %mul3A_529 = arith.mulf %get3A_526, %mul3A_528 : vector<16xf32>
        %add3A_530 = arith.constant 1 : i32
        %add3A_531 = arith.addi %mul3A_320, %add3A_530 : i32
        %swap3A_532 = arith.constant 1 : i32
        %swap3A_533 = arith.index_cast %swap3A_532 : i32 to index
        %swap3A_534 = arith.index_cast %add3A_531 : i32 to index
        %swap3A_535 = arith.constant 32 : index
        %swap3A_536 = tpu.vector_load %arg6[%swap3A_533, %swap3A_534, %swap3A_535] {strides = array<i32>} : memref<5x128x128xf32, #tpu.memory_space<vmem>>, vector<1x1x16xf32>,
        %swap3A_537 = vector.shape_cast %swap3A_536 : vector<1x1x16xf32> to vector<16xf32>
        %swap3A_538 = vector.shape_cast %mul3A_529 : vector<16xf32> to vector<1x1x16xf32>
        tpu.vector_store %arg6[%swap3A_533, %swap3A_534, %swap3A_535], %swap3A_538 {strides = array<i32>} : memref<5x128x128xf32, #tpu.memory_space<vmem>>, vector<1x1x16xf32>,
        %add3A_539 = arith.constant 1 : i32
        %add3A_540 = arith.addi %mul3A_320, %add3A_539 : i32
        %get3A_541 = arith.constant 1 : i32
        %get3A_542 = arith.index_cast %get3A_541 : i32 to index
        %get3A_543 = arith.index_cast %add3A_540 : i32 to index
        %get3A_544 = arith.constant 48 : index
        %get3A_545 = tpu.vector_load %arg6[%get3A_542, %get3A_543, %get3A_544] {strides = array<i32>} : memref<5x128x128xf32, #tpu.memory_space<vmem>>, vector<1x1x16xf32>,
        %get3A_546 = vector.shape_cast %get3A_545 : vector<1x1x16xf32> to vector<16xf32>
        %mul3A_547 = arith.constant 11.3137083 : f32
        %mul3A_548 = vector.broadcast %mul3A_547 : f32 to vector<16xf32>
        %mul3A_549 = arith.mulf %get3A_546, %mul3A_548 : vector<16xf32>
        %add3A_550 = arith.constant 1 : i32
        %add3A_551 = arith.addi %mul3A_320, %add3A_550 : i32
        %swap3A_552 = arith.constant 1 : i32
        %swap3A_553 = arith.index_cast %swap3A_552 : i32 to index
        %swap3A_554 = arith.index_cast %add3A_551 : i32 to index
        %swap3A_555 = arith.constant 48 : index
        %swap3A_556 = tpu.vector_load %arg6[%swap3A_553, %swap3A_554, %swap3A_555] {strides = array<i32>} : memref<5x128x128xf32, #tpu.memory_space<vmem>>, vector<1x1x16xf32>,
        %swap3A_557 = vector.shape_cast %swap3A_556 : vector<1x1x16xf32> to vector<16xf32>
        %swap3A_558 = vector.shape_cast %mul3A_549 : vector<16xf32> to vector<1x1x16xf32>
        tpu.vector_store %arg6[%swap3A_553, %swap3A_554, %swap3A_555], %swap3A_558 {strides = array<i32>} : memref<5x128x128xf32, #tpu.memory_space<vmem>>, vector<1x1x16xf32>,
        %add3A_559 = arith.constant 1 : i32
        %add3A_560 = arith.addi %mul3A_320, %add3A_559 : i32
        %get3A_561 = arith.constant 1 : i32
        %get3A_562 = arith.index_cast %get3A_561 : i32 to index
        %get3A_563 = arith.index_cast %add3A_560 : i32 to index
        %get3A_564 = arith.constant 64 : index
        %get3A_565 = tpu.vector_load %arg6[%get3A_562, %get3A_563, %get3A_564] {strides = array<i32>} : memref<5x128x128xf32, #tpu.memory_space<vmem>>, vector<1x1x16xf32>,
        %get3A_566 = vector.shape_cast %get3A_565 : vector<1x1x16xf32> to vector<16xf32>
        %mul3A_567 = arith.constant 11.3137083 : f32
        %mul3A_568 = vector.broadcast %mul3A_567 : f32 to vector<16xf32>
        %mul3A_569 = arith.mulf %get3A_566, %mul3A_568 : vector<16xf32>
        %add3A_570 = arith.constant 1 : i32
        %add3A_571 = arith.addi %mul3A_320, %add3A_570 : i32
        %swap3A_572 = arith.constant 1 : i32
        %swap3A_573 = arith.index_cast %swap3A_572 : i32 to index
        %swap3A_574 = arith.index_cast %add3A_571 : i32 to index
        %swap3A_575 = arith.constant 64 : index
        %swap3A_576 = tpu.vector_load %arg6[%swap3A_573, %swap3A_574, %swap3A_575] {strides = array<i32>} : memref<5x128x128xf32, #tpu.memory_space<vmem>>, vector<1x1x16xf32>,
        %swap3A_577 = vector.shape_cast %swap3A_576 : vector<1x1x16xf32> to vector<16xf32>
        %swap3A_578 = vector.shape_cast %mul3A_569 : vector<16xf32> to vector<1x1x16xf32>
        tpu.vector_store %arg6[%swap3A_573, %swap3A_574, %swap3A_575], %swap3A_578 {strides = array<i32>} : memref<5x128x128xf32, #tpu.memory_space<vmem>>, vector<1x1x16xf32>,
        %add3A_579 = arith.constant 1 : i32
        %add3A_580 = arith.addi %mul3A_320, %add3A_579 : i32
        %get3A_581 = arith.constant 1 : i32
        %get3A_582 = arith.index_cast %get3A_581 : i32 to index
        %get3A_583 = arith.index_cast %add3A_580 : i32 to index
        %get3A_584 = arith.constant 80 : index
        %get3A_585 = tpu.vector_load %arg6[%get3A_582, %get3A_583, %get3A_584] {strides = array<i32>} : memref<5x128x128xf32, #tpu.memory_space<vmem>>, vector<1x1x16xf32>,
        %get3A_586 = vector.shape_cast %get3A_585 : vector<1x1x16xf32> to vector<16xf32>
        %mul3A_587 = arith.constant 11.3137083 : f32
        %mul3A_588 = vector.broadcast %mul3A_587 : f32 to vector<16xf32>
        %mul3A_589 = arith.mulf %get3A_586, %mul3A_588 : vector<16xf32>
        %add3A_590 = arith.constant 1 : i32
        %add3A_591 = arith.addi %mul3A_320, %add3A_590 : i32
        %swap3A_592 = arith.constant 1 : i32
        %swap3A_593 = arith.index_cast %swap3A_592 : i32 to index
        %swap3A_594 = arith.index_cast %add3A_591 : i32 to index
        %swap3A_595 = arith.constant 80 : index
        %swap3A_596 = tpu.vector_load %arg6[%swap3A_593, %swap3A_594, %swap3A_595] {strides = array<i32>} : memref<5x128x128xf32, #tpu.memory_space<vmem>>, vector<1x1x16xf32>,
        %swap3A_597 = vector.shape_cast %swap3A_596 : vector<1x1x16xf32> to vector<16xf32>
        %swap3A_598 = vector.shape_cast %mul3A_589 : vector<16xf32> to vector<1x1x16xf32>
        tpu.vector_store %arg6[%swap3A_593, %swap3A_594, %swap3A_595], %swap3A_598 {strides = array<i32>} : memref<5x128x128xf32, #tpu.memory_space<vmem>>, vector<1x1x16xf32>,
        %add3A_599 = arith.constant 1 : i32
        %add3A_600 = arith.addi %mul3A_320, %add3A_599 : i32
        %get3A_601 = arith.constant 1 : i32
        %get3A_602 = arith.index_cast %get3A_601 : i32 to index
        %get3A_603 = arith.index_cast %add3A_600 : i32 to index
        %get3A_604 = arith.constant 96 : index
        %get3A_605 = tpu.vector_load %arg6[%get3A_602, %get3A_603, %get3A_604] {strides = array<i32>} : memref<5x128x128xf32, #tpu.memory_space<vmem>>, vector<1x1x16xf32>,
        %get3A_606 = vector.shape_cast %get3A_605 : vector<1x1x16xf32> to vector<16xf32>
        %mul3A_607 = arith.constant 11.3137083 : f32
        %mul3A_608 = vector.broadcast %mul3A_607 : f32 to vector<16xf32>
        %mul3A_609 = arith.mulf %get3A_606, %mul3A_608 : vector<16xf32>
        %add3A_610 = arith.constant 1 : i32
        %add3A_611 = arith.addi %mul3A_320, %add3A_610 : i32
        %swap3A_612 = arith.constant 1 : i32
        %swap3A_613 = arith.index_cast %swap3A_612 : i32 to index
        %swap3A_614 = arith.index_cast %add3A_611 : i32 to index
        %swap3A_615 = arith.constant 96 : index
        %swap3A_616 = tpu.vector_load %arg6[%swap3A_613, %swap3A_614, %swap3A_615] {strides = array<i32>} : memref<5x128x128xf32, #tpu.memory_space<vmem>>, vector<1x1x16xf32>,
        %swap3A_617 = vector.shape_cast %swap3A_616 : vector<1x1x16xf32> to vector<16xf32>
        %swap3A_618 = vector.shape_cast %mul3A_609 : vector<16xf32> to vector<1x1x16xf32>
        tpu.vector_store %arg6[%swap3A_613, %swap3A_614, %swap3A_615], %swap3A_618 {strides = array<i32>} : memref<5x128x128xf32, #tpu.memory_space<vmem>>, vector<1x1x16xf32>,
        %add3A_619 = arith.constant 1 : i32
        %add3A_620 = arith.addi %mul3A_320, %add3A_619 : i32
        %get3A_621 = arith.constant 1 : i32
        %get3A_622 = arith.index_cast %get3A_621 : i32 to index
        %get3A_623 = arith.index_cast %add3A_620 : i32 to index
        %get3A_624 = arith.constant 112 : index
        %get3A_625 = tpu.vector_load %arg6[%get3A_622, %get3A_623, %get3A_624] {strides = array<i32>} : memref<5x128x128xf32, #tpu.memory_space<vmem>>, vector<1x1x16xf32>,
        %get3A_626 = vector.shape_cast %get3A_625 : vector<1x1x16xf32> to vector<16xf32>
        %mul3A_627 = arith.constant 11.3137083 : f32
        %mul3A_628 = vector.broadcast %mul3A_627 : f32 to vector<16xf32>
        %mul3A_629 = arith.mulf %get3A_626, %mul3A_628 : vector<16xf32>
        %add3A_630 = arith.constant 1 : i32
        %add3A_631 = arith.addi %mul3A_320, %add3A_630 : i32
        %swap3A_632 = arith.constant 1 : i32
        %swap3A_633 = arith.index_cast %swap3A_632 : i32 to index
        %swap3A_634 = arith.index_cast %add3A_631 : i32 to index
        %swap3A_635 = arith.constant 112 : index
        %swap3A_636 = tpu.vector_load %arg6[%swap3A_633, %swap3A_634, %swap3A_635] {strides = array<i32>} : memref<5x128x128xf32, #tpu.memory_space<vmem>>, vector<1x1x16xf32>,
        %swap3A_637 = vector.shape_cast %swap3A_636 : vector<1x1x16xf32> to vector<16xf32>
        %swap3A_638 = vector.shape_cast %mul3A_629 : vector<16xf32> to vector<1x1x16xf32>
        tpu.vector_store %arg6[%swap3A_633, %swap3A_634, %swap3A_635], %swap3A_638 {strides = array<i32>} : memref<5x128x128xf32, #tpu.memory_space<vmem>>, vector<1x1x16xf32>,
        %add3A_639 = arith.constant 2 : i32
        %add3A_640 = arith.addi %mul3A_320, %add3A_639 : i32
        %get3A_641 = arith.constant 1 : i32
        %get3A_642 = arith.index_cast %get3A_641 : i32 to index
        %get3A_643 = arith.index_cast %add3A_640 : i32 to index
        %get3A_644 = arith.constant 0 : index
        %get3A_645 = tpu.vector_load %arg6[%get3A_642, %get3A_643, %get3A_644] {strides = array<i32>} : memref<5x128x128xf32, #tpu.memory_space<vmem>>, vector<1x1x16xf32>,
        %get3A_646 = vector.shape_cast %get3A_645 : vector<1x1x16xf32> to vector<16xf32>
        %mul3A_647 = arith.constant 11.3137083 : f32
        %mul3A_648 = vector.broadcast %mul3A_647 : f32 to vector<16xf32>
        %mul3A_649 = arith.mulf %get3A_646, %mul3A_648 : vector<16xf32>
        %add3A_650 = arith.constant 2 : i32
        %add3A_651 = arith.addi %mul3A_320, %add3A_650 : i32
        %swap3A_652 = arith.constant 1 : i32
        %swap3A_653 = arith.index_cast %swap3A_652 : i32 to index
        %swap3A_654 = arith.index_cast %add3A_651 : i32 to index
        %swap3A_655 = arith.constant 0 : index
        %swap3A_656 = tpu.vector_load %arg6[%swap3A_653, %swap3A_654, %swap3A_655] {strides = array<i32>} : memref<5x128x128xf32, #tpu.memory_space<vmem>>, vector<1x1x16xf32>,
        %swap3A_657 = vector.shape_cast %swap3A_656 : vector<1x1x16xf32> to vector<16xf32>
        %swap3A_658 = vector.shape_cast %mul3A_649 : vector<16xf32> to vector<1x1x16xf32>
        tpu.vector_store %arg6[%swap3A_653, %swap3A_654, %swap3A_655], %swap3A_658 {strides = array<i32>} : memref<5x128x128xf32, #tpu.memory_space<vmem>>, vector<1x1x16xf32>,
        %add3A_659 = arith.constant 2 : i32
        %add3A_660 = arith.addi %mul3A_320, %add3A_659 : i32
        %get3A_661 = arith.constant 1 : i32
        %get3A_662 = arith.index_cast %get3A_661 : i32 to index
        %get3A_663 = arith.index_cast %add3A_660 : i32 to index
        %get3A_664 = arith.constant 16 : index
        %get3A_665 = tpu.vector_load %arg6[%get3A_662, %get3A_663, %get3A_664] {strides = array<i32>} : memref<5x128x128xf32, #tpu.memory_space<vmem>>, vector<1x1x16xf32>,
        %get3A_666 = vector.shape_cast %get3A_665 : vector<1x1x16xf32> to vector<16xf32>
        %mul3A_667 = arith.constant 11.3137083 : f32
        %mul3A_668 = vector.broadcast %mul3A_667 : f32 to vector<16xf32>
        %mul3A_669 = arith.mulf %get3A_666, %mul3A_668 : vector<16xf32>
        %add3A_670 = arith.constant 2 : i32
        %add3A_671 = arith.addi %mul3A_320, %add3A_670 : i32
        %swap3A_672 = arith.constant 1 : i32
        %swap3A_673 = arith.index_cast %swap3A_672 : i32 to index
        %swap3A_674 = arith.index_cast %add3A_671 : i32 to index
        %swap3A_675 = arith.constant 16 : index
        %swap3A_676 = tpu.vector_load %arg6[%swap3A_673, %swap3A_674, %swap3A_675] {strides = array<i32>} : memref<5x128x128xf32, #tpu.memory_space<vmem>>, vector<1x1x16xf32>,
        %swap3A_677 = vector.shape_cast %swap3A_676 : vector<1x1x16xf32> to vector<16xf32>
        %swap3A_678 = vector.shape_cast %mul3A_669 : vector<16xf32> to vector<1x1x16xf32>
        tpu.vector_store %arg6[%swap3A_673, %swap3A_674, %swap3A_675], %swap3A_678 {strides = array<i32>} : memref<5x128x128xf32, #tpu.memory_space<vmem>>, vector<1x1x16xf32>,
        %add3A_679 = arith.constant 2 : i32
        %add3A_680 = arith.addi %mul3A_320, %add3A_679 : i32
        %get3A_681 = arith.constant 1 : i32
        %get3A_682 = arith.index_cast %get3A_681 : i32 to index
        %get3A_683 = arith.index_cast %add3A_680 : i32 to index
        %get3A_684 = arith.constant 32 : index
        %get3A_685 = tpu.vector_load %arg6[%get3A_682, %get3A_683, %get3A_684] {strides = array<i32>} : memref<5x128x128xf32, #tpu.memory_space<vmem>>, vector<1x1x16xf32>,
        %get3A_686 = vector.shape_cast %get3A_685 : vector<1x1x16xf32> to vector<16xf32>
        %mul3A_687 = arith.constant 11.3137083 : f32
        %mul3A_688 = vector.broadcast %mul3A_687 : f32 to vector<16xf32>
        %mul3A_689 = arith.mulf %get3A_686, %mul3A_688 : vector<16xf32>
        %add3A_690 = arith.constant 2 : i32
        %add3A_691 = arith.addi %mul3A_320, %add3A_690 : i32
        %swap3A_692 = arith.constant 1 : i32
        %swap3A_693 = arith.index_cast %swap3A_692 : i32 to index
        %swap3A_694 = arith.index_cast %add3A_691 : i32 to index
        %swap3A_695 = arith.constant 32 : index
        %swap3A_696 = tpu.vector_load %arg6[%swap3A_693, %swap3A_694, %swap3A_695] {strides = array<i32>} : memref<5x128x128xf32, #tpu.memory_space<vmem>>, vector<1x1x16xf32>,
        %swap3A_697 = vector.shape_cast %swap3A_696 : vector<1x1x16xf32> to vector<16xf32>
        %swap3A_698 = vector.shape_cast %mul3A_689 : vector<16xf32> to vector<1x1x16xf32>
        tpu.vector_store %arg6[%swap3A_693, %swap3A_694, %swap3A_695], %swap3A_698 {strides = array<i32>} : memref<5x128x128xf32, #tpu.memory_space<vmem>>, vector<1x1x16xf32>,
        %add3A_699 = arith.constant 2 : i32
        %add3A_700 = arith.addi %mul3A_320, %add3A_699 : i32
        %get3A_701 = arith.constant 1 : i32
        %get3A_702 = arith.index_cast %get3A_701 : i32 to index
        %get3A_703 = arith.index_cast %add3A_700 : i32 to index
        %get3A_704 = arith.constant 48 : index
        %get3A_705 = tpu.vector_load %arg6[%get3A_702, %get3A_703, %get3A_704] {strides = array<i32>} : memref<5x128x128xf32, #tpu.memory_space<vmem>>, vector<1x1x16xf32>,
        %get3A_706 = vector.shape_cast %get3A_705 : vector<1x1x16xf32> to vector<16xf32>
        %mul3A_707 = arith.constant 11.3137083 : f32
        %mul3A_708 = vector.broadcast %mul3A_707 : f32 to vector<16xf32>
        %mul3A_709 = arith.mulf %get3A_706, %mul3A_708 : vector<16xf32>
        %add3A_710 = arith.constant 2 : i32
        %add3A_711 = arith.addi %mul3A_320, %add3A_710 : i32
        %swap3A_712 = arith.constant 1 : i32
        %swap3A_713 = arith.index_cast %swap3A_712 : i32 to index
        %swap3A_714 = arith.index_cast %add3A_711 : i32 to index
        %swap3A_715 = arith.constant 48 : index
        %swap3A_716 = tpu.vector_load %arg6[%swap3A_713, %swap3A_714, %swap3A_715] {strides = array<i32>} : memref<5x128x128xf32, #tpu.memory_space<vmem>>, vector<1x1x16xf32>,
        %swap3A_717 = vector.shape_cast %swap3A_716 : vector<1x1x16xf32> to vector<16xf32>
        %swap3A_718 = vector.shape_cast %mul3A_709 : vector<16xf32> to vector<1x1x16xf32>
        tpu.vector_store %arg6[%swap3A_713, %swap3A_714, %swap3A_715], %swap3A_718 {strides = array<i32>} : memref<5x128x128xf32, #tpu.memory_space<vmem>>, vector<1x1x16xf32>,
        %add3A_719 = arith.constant 2 : i32
        %add3A_720 = arith.addi %mul3A_320, %add3A_719 : i32
        %get3A_721 = arith.constant 1 : i32
        %get3A_722 = arith.index_cast %get3A_721 : i32 to index
        %get3A_723 = arith.index_cast %add3A_720 : i32 to index
        %get3A_724 = arith.constant 64 : index
        %get3A_725 = tpu.vector_load %arg6[%get3A_722, %get3A_723, %get3A_724] {strides = array<i32>} : memref<5x128x128xf32, #tpu.memory_space<vmem>>, vector<1x1x16xf32>,
        %get3A_726 = vector.shape_cast %get3A_725 : vector<1x1x16xf32> to vector<16xf32>
        %mul3A_727 = arith.constant 11.3137083 : f32
        %mul3A_728 = vector.broadcast %mul3A_727 : f32 to vector<16xf32>
        %mul3A_729 = arith.mulf %get3A_726, %mul3A_728 : vector<16xf32>
        %add3A_730 = arith.constant 2 : i32
        %add3A_731 = arith.addi %mul3A_320, %add3A_730 : i32
        %swap3A_732 = arith.constant 1 : i32
        %swap3A_733 = arith.index_cast %swap3A_732 : i32 to index
        %swap3A_734 = arith.index_cast %add3A_731 : i32 to index
        %swap3A_735 = arith.constant 64 : index
        %swap3A_736 = tpu.vector_load %arg6[%swap3A_733, %swap3A_734, %swap3A_735] {strides = array<i32>} : memref<5x128x128xf32, #tpu.memory_space<vmem>>, vector<1x1x16xf32>,
        %swap3A_737 = vector.shape_cast %swap3A_736 : vector<1x1x16xf32> to vector<16xf32>
        %swap3A_738 = vector.shape_cast %mul3A_729 : vector<16xf32> to vector<1x1x16xf32>
        tpu.vector_store %arg6[%swap3A_733, %swap3A_734, %swap3A_735], %swap3A_738 {strides = array<i32>} : memref<5x128x128xf32, #tpu.memory_space<vmem>>, vector<1x1x16xf32>,
        %add3A_739 = arith.constant 2 : i32
        %add3A_740 = arith.addi %mul3A_320, %add3A_739 : i32
        %get3A_741 = arith.constant 1 : i32
        %get3A_742 = arith.index_cast %get3A_741 : i32 to index
        %get3A_743 = arith.index_cast %add3A_740 : i32 to index
        %get3A_744 = arith.constant 80 : index
        %get3A_745 = tpu.vector_load %arg6[%get3A_742, %get3A_743, %get3A_744] {strides = array<i32>} : memref<5x128x128xf32, #tpu.memory_space<vmem>>, vector<1x1x16xf32>,
        %get3A_746 = vector.shape_cast %get3A_745 : vector<1x1x16xf32> to vector<16xf32>
        %mul3A_747 = arith.constant 11.3137083 : f32
        %mul3A_748 = vector.broadcast %mul3A_747 : f32 to vector<16xf32>
        %mul3A_749 = arith.mulf %get3A_746, %mul3A_748 : vector<16xf32>
        %add3A_750 = arith.constant 2 : i32
        %add3A_751 = arith.addi %mul3A_320, %add3A_750 : i32
        %swap3A_752 = arith.constant 1 : i32
        %swap3A_753 = arith.index_cast %swap3A_752 : i32 to index
        %swap3A_754 = arith.index_cast %add3A_751 : i32 to index
        %swap3A_755 = arith.constant 80 : index
        %swap3A_756 = tpu.vector_load %arg6[%swap3A_753, %swap3A_754, %swap3A_755] {strides = array<i32>} : memref<5x128x128xf32, #tpu.memory_space<vmem>>, vector<1x1x16xf32>,
        %swap3A_757 = vector.shape_cast %swap3A_756 : vector<1x1x16xf32> to vector<16xf32>
        %swap3A_758 = vector.shape_cast %mul3A_749 : vector<16xf32> to vector<1x1x16xf32>
        tpu.vector_store %arg6[%swap3A_753, %swap3A_754, %swap3A_755], %swap3A_758 {strides = array<i32>} : memref<5x128x128xf32, #tpu.memory_space<vmem>>, vector<1x1x16xf32>,
        %add3A_759 = arith.constant 2 : i32
        %add3A_760 = arith.addi %mul3A_320, %add3A_759 : i32
        %get3A_761 = arith.constant 1 : i32
        %get3A_762 = arith.index_cast %get3A_761 : i32 to index
        %get3A_763 = arith.index_cast %add3A_760 : i32 to index
        %get3A_764 = arith.constant 96 : index
        %get3A_765 = tpu.vector_load %arg6[%get3A_762, %get3A_763, %get3A_764] {strides = array<i32>} : memref<5x128x128xf32, #tpu.memory_space<vmem>>, vector<1x1x16xf32>,
        %get3A_766 = vector.shape_cast %get3A_765 : vector<1x1x16xf32> to vector<16xf32>
        %mul3A_767 = arith.constant 11.3137083 : f32
        %mul3A_768 = vector.broadcast %mul3A_767 : f32 to vector<16xf32>
        %mul3A_769 = arith.mulf %get3A_766, %mul3A_768 : vector<16xf32>
        %add3A_770 = arith.constant 2 : i32
        %add3A_771 = arith.addi %mul3A_320, %add3A_770 : i32
        %swap3A_772 = arith.constant 1 : i32
        %swap3A_773 = arith.index_cast %swap3A_772 : i32 to index
        %swap3A_774 = arith.index_cast %add3A_771 : i32 to index
        %swap3A_775 = arith.constant 96 : index
        %swap3A_776 = tpu.vector_load %arg6[%swap3A_773, %swap3A_774, %swap3A_775] {strides = array<i32>} : memref<5x128x128xf32, #tpu.memory_space<vmem>>, vector<1x1x16xf32>,
        %swap3A_777 = vector.shape_cast %swap3A_776 : vector<1x1x16xf32> to vector<16xf32>
        %swap3A_778 = vector.shape_cast %mul3A_769 : vector<16xf32> to vector<1x1x16xf32>
        tpu.vector_store %arg6[%swap3A_773, %swap3A_774, %swap3A_775], %swap3A_778 {strides = array<i32>} : memref<5x128x128xf32, #tpu.memory_space<vmem>>, vector<1x1x16xf32>,
        %add3A_779 = arith.constant 2 : i32
        %add3A_780 = arith.addi %mul3A_320, %add3A_779 : i32
        %get3A_781 = arith.constant 1 : i32
        %get3A_782 = arith.index_cast %get3A_781 : i32 to index
        %get3A_783 = arith.index_cast %add3A_780 : i32 to index
        %get3A_784 = arith.constant 112 : index
        %get3A_785 = tpu.vector_load %arg6[%get3A_782, %get3A_783, %get3A_784] {strides = array<i32>} : memref<5x128x128xf32, #tpu.memory_space<vmem>>, vector<1x1x16xf32>,
        %get3A_786 = vector.shape_cast %get3A_785 : vector<1x1x16xf32> to vector<16xf32>
        %mul3A_787 = arith.constant 11.3137083 : f32
        %mul3A_788 = vector.broadcast %mul3A_787 : f32 to vector<16xf32>
        %mul3A_789 = arith.mulf %get3A_786, %mul3A_788 : vector<16xf32>
        %add3A_790 = arith.constant 2 : i32
        %add3A_791 = arith.addi %mul3A_320, %add3A_790 : i32
        %swap3A_792 = arith.constant 1 : i32
        %swap3A_793 = arith.index_cast %swap3A_792 : i32 to index
        %swap3A_794 = arith.index_cast %add3A_791 : i32 to index
        %swap3A_795 = arith.constant 112 : index
        %swap3A_796 = tpu.vector_load %arg6[%swap3A_793, %swap3A_794, %swap3A_795] {strides = array<i32>} : memref<5x128x128xf32, #tpu.memory_space<vmem>>, vector<1x1x16xf32>,
        %swap3A_797 = vector.shape_cast %swap3A_796 : vector<1x1x16xf32> to vector<16xf32>
        %swap3A_798 = vector.shape_cast %mul3A_789 : vector<16xf32> to vector<1x1x16xf32>
        tpu.vector_store %arg6[%swap3A_793, %swap3A_794, %swap3A_795], %swap3A_798 {strides = array<i32>} : memref<5x128x128xf32, #tpu.memory_space<vmem>>, vector<1x1x16xf32>,
        %add3A_799 = arith.constant 3 : i32
        %add3A_800 = arith.addi %mul3A_320, %add3A_799 : i32
        %get3A_801 = arith.constant 1 : i32
        %get3A_802 = arith.index_cast %get3A_801 : i32 to index
        %get3A_803 = arith.index_cast %add3A_800 : i32 to index
        %get3A_804 = arith.constant 0 : index
        %get3A_805 = tpu.vector_load %arg6[%get3A_802, %get3A_803, %get3A_804] {strides = array<i32>} : memref<5x128x128xf32, #tpu.memory_space<vmem>>, vector<1x1x16xf32>,
        %get3A_806 = vector.shape_cast %get3A_805 : vector<1x1x16xf32> to vector<16xf32>
        %mul3A_807 = arith.constant 11.3137083 : f32
        %mul3A_808 = vector.broadcast %mul3A_807 : f32 to vector<16xf32>
        %mul3A_809 = arith.mulf %get3A_806, %mul3A_808 : vector<16xf32>
        %add3A_810 = arith.constant 3 : i32
        %add3A_811 = arith.addi %mul3A_320, %add3A_810 : i32
        %swap3A_812 = arith.constant 1 : i32
        %swap3A_813 = arith.index_cast %swap3A_812 : i32 to index
        %swap3A_814 = arith.index_cast %add3A_811 : i32 to index
        %swap3A_815 = arith.constant 0 : index
        %swap3A_816 = tpu.vector_load %arg6[%swap3A_813, %swap3A_814, %swap3A_815] {strides = array<i32>} : memref<5x128x128xf32, #tpu.memory_space<vmem>>, vector<1x1x16xf32>,
        %swap3A_817 = vector.shape_cast %swap3A_816 : vector<1x1x16xf32> to vector<16xf32>
        %swap3A_818 = vector.shape_cast %mul3A_809 : vector<16xf32> to vector<1x1x16xf32>
        tpu.vector_store %arg6[%swap3A_813, %swap3A_814, %swap3A_815], %swap3A_818 {strides = array<i32>} : memref<5x128x128xf32, #tpu.memory_space<vmem>>, vector<1x1x16xf32>,
        %add3A_819 = arith.constant 3 : i32
        %add3A_820 = arith.addi %mul3A_320, %add3A_819 : i32
        %get3A_821 = arith.constant 1 : i32
        %get3A_822 = arith.index_cast %get3A_821 : i32 to index
        %get3A_823 = arith.index_cast %add3A_820 : i32 to index
        %get3A_824 = arith.constant 16 : index
        %get3A_825 = tpu.vector_load %arg6[%get3A_822, %get3A_823, %get3A_824] {strides = array<i32>} : memref<5x128x128xf32, #tpu.memory_space<vmem>>, vector<1x1x16xf32>,
        %get3A_826 = vector.shape_cast %get3A_825 : vector<1x1x16xf32> to vector<16xf32>
        %mul3A_827 = arith.constant 11.3137083 : f32
        %mul3A_828 = vector.broadcast %mul3A_827 : f32 to vector<16xf32>
        %mul3A_829 = arith.mulf %get3A_826, %mul3A_828 : vector<16xf32>
        %add3A_830 = arith.constant 3 : i32
        %add3A_831 = arith.addi %mul3A_320, %add3A_830 : i32
        %swap3A_832 = arith.constant 1 : i32
        %swap3A_833 = arith.index_cast %swap3A_832 : i32 to index
        %swap3A_834 = arith.index_cast %add3A_831 : i32 to index
        %swap3A_835 = arith.constant 16 : index
        %swap3A_836 = tpu.vector_load %arg6[%swap3A_833, %swap3A_834, %swap3A_835] {strides = array<i32>} : memref<5x128x128xf32, #tpu.memory_space<vmem>>, vector<1x1x16xf32>,
        %swap3A_837 = vector.shape_cast %swap3A_836 : vector<1x1x16xf32> to vector<16xf32>
        %swap3A_838 = vector.shape_cast %mul3A_829 : vector<16xf32> to vector<1x1x16xf32>
        tpu.vector_store %arg6[%swap3A_833, %swap3A_834, %swap3A_835], %swap3A_838 {strides = array<i32>} : memref<5x128x128xf32, #tpu.memory_space<vmem>>, vector<1x1x16xf32>,
        %add3A_839 = arith.constant 3 : i32
        %add3A_840 = arith.addi %mul3A_320, %add3A_839 : i32
        %get3A_841 = arith.constant 1 : i32
        %get3A_842 = arith.index_cast %get3A_841 : i32 to index
        %get3A_843 = arith.index_cast %add3A_840 : i32 to index
        %get3A_844 = arith.constant 32 : index
        %get3A_845 = tpu.vector_load %arg6[%get3A_842, %get3A_843, %get3A_844] {strides = array<i32>} : memref<5x128x128xf32, #tpu.memory_space<vmem>>, vector<1x1x16xf32>,
        %get3A_846 = vector.shape_cast %get3A_845 : vector<1x1x16xf32> to vector<16xf32>
        %mul3A_847 = arith.constant 11.3137083 : f32
        %mul3A_848 = vector.broadcast %mul3A_847 : f32 to vector<16xf32>
        %mul3A_849 = arith.mulf %get3A_846, %mul3A_848 : vector<16xf32>
        %add3A_850 = arith.constant 3 : i32
        %add3A_851 = arith.addi %mul3A_320, %add3A_850 : i32
        %swap3A_852 = arith.constant 1 : i32
        %swap3A_853 = arith.index_cast %swap3A_852 : i32 to index
        %swap3A_854 = arith.index_cast %add3A_851 : i32 to index
        %swap3A_855 = arith.constant 32 : index
        %swap3A_856 = tpu.vector_load %arg6[%swap3A_853, %swap3A_854, %swap3A_855] {strides = array<i32>} : memref<5x128x128xf32, #tpu.memory_space<vmem>>, vector<1x1x16xf32>,
        %swap3A_857 = vector.shape_cast %swap3A_856 : vector<1x1x16xf32> to vector<16xf32>
        %swap3A_858 = vector.shape_cast %mul3A_849 : vector<16xf32> to vector<1x1x16xf32>
        tpu.vector_store %arg6[%swap3A_853, %swap3A_854, %swap3A_855], %swap3A_858 {strides = array<i32>} : memref<5x128x128xf32, #tpu.memory_space<vmem>>, vector<1x1x16xf32>,
        %add3A_859 = arith.constant 3 : i32
        %add3A_860 = arith.addi %mul3A_320, %add3A_859 : i32
        %get3A_861 = arith.constant 1 : i32
        %get3A_862 = arith.index_cast %get3A_861 : i32 to index
        %get3A_863 = arith.index_cast %add3A_860 : i32 to index
        %get3A_864 = arith.constant 48 : index
        %get3A_865 = tpu.vector_load %arg6[%get3A_862, %get3A_863, %get3A_864] {strides = array<i32>} : memref<5x128x128xf32, #tpu.memory_space<vmem>>, vector<1x1x16xf32>,
        %get3A_866 = vector.shape_cast %get3A_865 : vector<1x1x16xf32> to vector<16xf32>
        %mul3A_867 = arith.constant 11.3137083 : f32
        %mul3A_868 = vector.broadcast %mul3A_867 : f32 to vector<16xf32>
        %mul3A_869 = arith.mulf %get3A_866, %mul3A_868 : vector<16xf32>
        %add3A_870 = arith.constant 3 : i32
        %add3A_871 = arith.addi %mul3A_320, %add3A_870 : i32
        %swap3A_872 = arith.constant 1 : i32
        %swap3A_873 = arith.index_cast %swap3A_872 : i32 to index
        %swap3A_874 = arith.index_cast %add3A_871 : i32 to index
        %swap3A_875 = arith.constant 48 : index
        %swap3A_876 = tpu.vector_load %arg6[%swap3A_873, %swap3A_874, %swap3A_875] {strides = array<i32>} : memref<5x128x128xf32, #tpu.memory_space<vmem>>, vector<1x1x16xf32>,
        %swap3A_877 = vector.shape_cast %swap3A_876 : vector<1x1x16xf32> to vector<16xf32>
        %swap3A_878 = vector.shape_cast %mul3A_869 : vector<16xf32> to vector<1x1x16xf32>
        tpu.vector_store %arg6[%swap3A_873, %swap3A_874, %swap3A_875], %swap3A_878 {strides = array<i32>} : memref<5x128x128xf32, #tpu.memory_space<vmem>>, vector<1x1x16xf32>,
        %add3A_879 = arith.constant 3 : i32
        %add3A_880 = arith.addi %mul3A_320, %add3A_879 : i32
        %get3A_881 = arith.constant 1 : i32
        %get3A_882 = arith.index_cast %get3A_881 : i32 to index
        %get3A_883 = arith.index_cast %add3A_880 : i32 to index
        %get3A_884 = arith.constant 64 : index
        %get3A_885 = tpu.vector_load %arg6[%get3A_882, %get3A_883, %get3A_884] {strides = array<i32>} : memref<5x128x128xf32, #tpu.memory_space<vmem>>, vector<1x1x16xf32>,
        %get3A_886 = vector.shape_cast %get3A_885 : vector<1x1x16xf32> to vector<16xf32>
        %mul3A_887 = arith.constant 11.3137083 : f32
        %mul3A_888 = vector.broadcast %mul3A_887 : f32 to vector<16xf32>
        %mul3A_889 = arith.mulf %get3A_886, %mul3A_888 : vector<16xf32>
        %add3A_890 = arith.constant 3 : i32
        %add3A_891 = arith.addi %mul3A_320, %add3A_890 : i32
        %swap3A_892 = arith.constant 1 : i32
        %swap3A_893 = arith.index_cast %swap3A_892 : i32 to index
        %swap3A_894 = arith.index_cast %add3A_891 : i32 to index
        %swap3A_895 = arith.constant 64 : index
        %swap3A_896 = tpu.vector_load %arg6[%swap3A_893, %swap3A_894, %swap3A_895] {strides = array<i32>} : memref<5x128x128xf32, #tpu.memory_space<vmem>>, vector<1x1x16xf32>,
        %swap3A_897 = vector.shape_cast %swap3A_896 : vector<1x1x16xf32> to vector<16xf32>
        %swap3A_898 = vector.shape_cast %mul3A_889 : vector<16xf32> to vector<1x1x16xf32>
        tpu.vector_store %arg6[%swap3A_893, %swap3A_894, %swap3A_895], %swap3A_898 {strides = array<i32>} : memref<5x128x128xf32, #tpu.memory_space<vmem>>, vector<1x1x16xf32>,
        %add3A_899 = arith.constant 3 : i32
        %add3A_900 = arith.addi %mul3A_320, %add3A_899 : i32
        %get3A_901 = arith.constant 1 : i32
        %get3A_902 = arith.index_cast %get3A_901 : i32 to index
        %get3A_903 = arith.index_cast %add3A_900 : i32 to index
        %get3A_904 = arith.constant 80 : index
        %get3A_905 = tpu.vector_load %arg6[%get3A_902, %get3A_903, %get3A_904] {strides = array<i32>} : memref<5x128x128xf32, #tpu.memory_space<vmem>>, vector<1x1x16xf32>,
        %get3A_906 = vector.shape_cast %get3A_905 : vector<1x1x16xf32> to vector<16xf32>
        %mul3A_907 = arith.constant 11.3137083 : f32
        %mul3A_908 = vector.broadcast %mul3A_907 : f32 to vector<16xf32>
        %mul3A_909 = arith.mulf %get3A_906, %mul3A_908 : vector<16xf32>
        %add3A_910 = arith.constant 3 : i32
        %add3A_911 = arith.addi %mul3A_320, %add3A_910 : i32
        %swap3A_912 = arith.constant 1 : i32
        %swap3A_913 = arith.index_cast %swap3A_912 : i32 to index
        %swap3A_914 = arith.index_cast %add3A_911 : i32 to index
        %swap3A_915 = arith.constant 80 : index
        %swap3A_916 = tpu.vector_load %arg6[%swap3A_913, %swap3A_914, %swap3A_915] {strides = array<i32>} : memref<5x128x128xf32, #tpu.memory_space<vmem>>, vector<1x1x16xf32>,
        %swap3A_917 = vector.shape_cast %swap3A_916 : vector<1x1x16xf32> to vector<16xf32>
        %swap3A_918 = vector.shape_cast %mul3A_909 : vector<16xf32> to vector<1x1x16xf32>
        tpu.vector_store %arg6[%swap3A_913, %swap3A_914, %swap3A_915], %swap3A_918 {strides = array<i32>} : memref<5x128x128xf32, #tpu.memory_space<vmem>>, vector<1x1x16xf32>,
        %add3A_919 = arith.constant 3 : i32
        %add3A_920 = arith.addi %mul3A_320, %add3A_919 : i32
        %get3A_921 = arith.constant 1 : i32
        %get3A_922 = arith.index_cast %get3A_921 : i32 to index
        %get3A_923 = arith.index_cast %add3A_920 : i32 to index
        %get3A_924 = arith.constant 96 : index
        %get3A_925 = tpu.vector_load %arg6[%get3A_922, %get3A_923, %get3A_924] {strides = array<i32>} : memref<5x128x128xf32, #tpu.memory_space<vmem>>, vector<1x1x16xf32>,
        %get3A_926 = vector.shape_cast %get3A_925 : vector<1x1x16xf32> to vector<16xf32>
        %mul3A_927 = arith.constant 11.3137083 : f32
        %mul3A_928 = vector.broadcast %mul3A_927 : f32 to vector<16xf32>
        %mul3A_929 = arith.mulf %get3A_926, %mul3A_928 : vector<16xf32>
        %add3A_930 = arith.constant 3 : i32
        %add3A_931 = arith.addi %mul3A_320, %add3A_930 : i32
        %swap3A_932 = arith.constant 1 : i32
        %swap3A_933 = arith.index_cast %swap3A_932 : i32 to index
        %swap3A_934 = arith.index_cast %add3A_931 : i32 to index
        %swap3A_935 = arith.constant 96 : index
        %swap3A_936 = tpu.vector_load %arg6[%swap3A_933, %swap3A_934, %swap3A_935] {strides = array<i32>} : memref<5x128x128xf32, #tpu.memory_space<vmem>>, vector<1x1x16xf32>,
        %swap3A_937 = vector.shape_cast %swap3A_936 : vector<1x1x16xf32> to vector<16xf32>
        %swap3A_938 = vector.shape_cast %mul3A_929 : vector<16xf32> to vector<1x1x16xf32>
        tpu.vector_store %arg6[%swap3A_933, %swap3A_934, %swap3A_935], %swap3A_938 {strides = array<i32>} : memref<5x128x128xf32, #tpu.memory_space<vmem>>, vector<1x1x16xf32>,
        %add3A_939 = arith.constant 3 : i32
        %add3A_940 = arith.addi %mul3A_320, %add3A_939 : i32
        %get3A_941 = arith.constant 1 : i32
        %get3A_942 = arith.index_cast %get3A_941 : i32 to index
        %get3A_943 = arith.index_cast %add3A_940 : i32 to index
        %get3A_944 = arith.constant 112 : index
        %get3A_945 = tpu.vector_load %arg6[%get3A_942, %get3A_943, %get3A_944] {strides = array<i32>} : memref<5x128x128xf32, #tpu.memory_space<vmem>>, vector<1x1x16xf32>,
        %get3A_946 = vector.shape_cast %get3A_945 : vector<1x1x16xf32> to vector<16xf32>
        %mul3A_947 = arith.constant 11.3137083 : f32
        %mul3A_948 = vector.broadcast %mul3A_947 : f32 to vector<16xf32>
        %mul3A_949 = arith.mulf %get3A_946, %mul3A_948 : vector<16xf32>
        %add3A_950 = arith.constant 3 : i32
        %add3A_951 = arith.addi %mul3A_320, %add3A_950 : i32
        %swap3A_952 = arith.constant 1 : i32
        %swap3A_953 = arith.index_cast %swap3A_952 : i32 to index
        %swap3A_954 = arith.index_cast %add3A_951 : i32 to index
        %swap3A_955 = arith.constant 112 : index
        %swap3A_956 = tpu.vector_load %arg6[%swap3A_953, %swap3A_954, %swap3A_955] {strides = array<i32>} : memref<5x128x128xf32, #tpu.memory_space<vmem>>, vector<1x1x16xf32>,
        %swap3A_957 = vector.shape_cast %swap3A_956 : vector<1x1x16xf32> to vector<16xf32>
        %swap3A_958 = vector.shape_cast %mul3A_949 : vector<16xf32> to vector<1x1x16xf32>
        tpu.vector_store %arg6[%swap3A_953, %swap3A_954, %swap3A_955], %swap3A_958 {strides = array<i32>} : memref<5x128x128xf32, #tpu.memory_space<vmem>>, vector<1x1x16xf32>,
      }
      %scan3A_170 = arith.constant 32 : i32
      %mul3A_171 = arith.constant 128 : i32
      %mul3A_172 = arith.muli %add3A_151, %mul3A_171 : i32
      %add3A_173 = arith.addi %mul3A_4, %mul3A_172 : i32
      %dma_start3A_174 = arith.constant 1 : i32
      %dma_start3A_175 = arith.constant 0 : i32
      %dma_start3A_176 = arith.constant 0 : i32
      %dma_start3A_177 = tpu.memref_slice %arg6[%dma_start3A_174, %dma_start3A_175, %dma_start3A_176] : memref<5x128x128xf32, #tpu.memory_space<vmem>> -> memref<1x128x128xf32, #tpu.memory_space<vmem>>
      %dma_start3A_178 = tpu.memref_squeeze %dma_start3A_177 : memref<1x128x128xf32, #tpu.memory_space<vmem>> -> memref<128x128xf32, #tpu.memory_space<vmem>>
      %dma_start3A_179 = arith.constant 0 : i32
      %dma_start3A_180 = tpu.memref_slice %arg4[%add3A_173, %dma_start3A_179] : memref<819200x128xf32, #tpu.memory_space<hbm>> -> memref<128x128xf32, #tpu.memory_space<hbm>>
      %dma_start3A_181 = arith.constant 0 : i32
      %dma_start3A_182 = tpu.memref_slice %arg4[%add3A_173, %dma_start3A_181] : memref<819200x128xf32, #tpu.memory_space<hbm>> -> memref<128x128xf32, #tpu.memory_space<hbm>>
      %dma_start3A_183 = arith.constant 0 : i32
      %dma_start3A_184 = arith.constant 0 : i32
      %dma_start3A_185 = tpu.memref_slice %arg6[%dma_start3A_174, %dma_start3A_183, %dma_start3A_184] : memref<5x128x128xf32, #tpu.memory_space<vmem>> -> memref<1x128x128xf32, #tpu.memory_space<vmem>>
      %dma_start3A_186 = tpu.memref_squeeze %dma_start3A_185 : memref<1x128x128xf32, #tpu.memory_space<vmem>> -> memref<128x128xf32, #tpu.memory_space<vmem>>
      tpu.enqueue_dma source(%dma_start3A_186 : memref<128x128xf32, #tpu.memory_space<vmem>>) target(%dma_start3A_182 : memref<128x128xf32, #tpu.memory_space<hbm>>) target_semaphore(%arg13 : memref<!tpu.dma_semaphore, #tpu.memory_space<semaphore_mem>>)
      %lt3A_187 = arith.constant 200 : i32
      %lt3A_188 = arith.cmpi slt, %add3A_153, %lt3A_187 : i32
      %convert_element_type3A_189 = arith.extui %lt3A_188 : i1 to i32
      %cond3A_190 = arith.constant 0 : i32
      %cond3A_191 = arith.cmpi ne, %convert_element_type3A_189, %cond3A_190 : i32
      scf.if %cond3A_191 {
        %ge3A = arith.constant 5 : i32
        %ge3A_318 = arith.cmpi sge, %add3A_153, %ge3A : i32
        %convert_element_type3A_319 = arith.extui %ge3A_318 : i1 to i32
        %cond3A_320 = arith.constant 0 : i32
        %cond3A_321 = arith.cmpi ne, %convert_element_type3A_319, %cond3A_320 : i32
        scf.if %cond3A_321 {
          %dma_wait3A_333 = arith.constant 4 : i32
          %dma_wait3A_334 = arith.constant 0 : i32
          %dma_wait3A_335 = arith.constant 0 : i32
          %dma_wait3A_336 = tpu.memref_slice %arg6[%dma_wait3A_333, %dma_wait3A_334, %dma_wait3A_335] : memref<5x128x128xf32, #tpu.memory_space<vmem>> -> memref<1x128x128xf32, #tpu.memory_space<vmem>>
          %dma_wait3A_337 = tpu.memref_squeeze %dma_wait3A_336 : memref<1x128x128xf32, #tpu.memory_space<vmem>> -> memref<128x128xf32, #tpu.memory_space<vmem>>
          %dma_wait3A_338 = arith.constant 0 : i32
          %dma_wait3A_339 = tpu.memref_slice %arg4[%mul3A_4, %dma_wait3A_338] : memref<819200x128xf32, #tpu.memory_space<hbm>> -> memref<128x128xf32, #tpu.memory_space<hbm>>
          %dma_wait3A_340 = arith.constant 0 : i32
          %dma_wait3A_341 = tpu.memref_slice %arg4[%mul3A_4, %dma_wait3A_340] : memref<819200x128xf32, #tpu.memory_space<hbm>> -> memref<128x128xf32, #tpu.memory_space<hbm>>
          %dma_wait3A_342 = arith.constant 0 : i32
          %dma_wait3A_343 = arith.constant 0 : i32
          %dma_wait3A_344 = tpu.memref_slice %arg6[%dma_wait3A_333, %dma_wait3A_342, %dma_wait3A_343] : memref<5x128x128xf32, #tpu.memory_space<vmem>> -> memref<1x128x128xf32, #tpu.memory_space<vmem>>
          %dma_wait3A_345 = tpu.memref_squeeze %dma_wait3A_344 : memref<1x128x128xf32, #tpu.memory_space<vmem>> -> memref<128x128xf32, #tpu.memory_space<vmem>>
          tpu.wait_dma2 semaphore(%arg16 : memref<!tpu.dma_semaphore, #tpu.memory_space<semaphore_mem>>) src(%dma_wait3A_345 : memref<128x128xf32, #tpu.memory_space<vmem>>) dst(%dma_wait3A_341 : memref<128x128xf32, #tpu.memory_space<hbm>>)
        } else {
        }
        %dma_start3A_322 = arith.constant 4 : i32
        %dma_start3A_323 = arith.constant 0 : i32
        %dma_start3A_324 = arith.constant 0 : i32
        %dma_start3A_325 = tpu.memref_slice %arg6[%dma_start3A_322, %dma_start3A_323, %dma_start3A_324] : memref<5x128x128xf32, #tpu.memory_space<vmem>> -> memref<1x128x128xf32, #tpu.memory_space<vmem>>
        %dma_start3A_326 = tpu.memref_squeeze %dma_start3A_325 : memref<1x128x128xf32, #tpu.memory_space<vmem>> -> memref<128x128xf32, #tpu.memory_space<vmem>>
        %dma_start3A_327 = arith.constant 0 : i32
        %dma_start3A_328 = tpu.memref_slice %arg5[%add3A_153, %dma_start3A_327] : memref<200x128xi32, #tpu.memory_space<vmem>> -> memref<1x128xi32, #tpu.memory_space<vmem>>
        %dma_start3A_329 = tpu.memref_squeeze %dma_start3A_328 : memref<1x128xi32, #tpu.memory_space<vmem>> -> memref<128xi32, #tpu.memory_space<vmem>>
        %dma_start3A_330 = arith.constant 0 : i32
        %dma_start3A_331 = arith.constant 0 : i32
        %dma_start3A_332 = tpu.memref_slice %arg3[%dma_start3A_330, %dma_start3A_331] : memref<100000x128xf32, #tpu.memory_space<hbm>> -> memref<100000x128xf32, #tpu.memory_space<hbm>>
        tpu.enqueue_indirect_dma source(%dma_start3A_332 : memref<100000x128xf32, #tpu.memory_space<hbm>>) target(%dma_start3A_326 : memref<128x128xf32, #tpu.memory_space<vmem>>) offsets(%dma_start3A_329 : memref<128xi32, #tpu.memory_space<vmem>>) semaphore(%arg11 : memref<!tpu.dma_semaphore, #tpu.memory_space<semaphore_mem>>)
      } else {
      }
      %add3A_192 = arith.constant 2 : i32
      %add3A_193 = arith.addi %mul3A_110, %add3A_192 : i32
      %add3A_194 = arith.constant 3 : i32
      %add3A_195 = arith.addi %add3A_193, %add3A_194 : i32
      %dma_wait3A_196 = arith.constant 0 : i32
      %dma_wait3A_197 = arith.constant 2 : i32
      %dma_wait3A_198 = arith.constant 0 : i32
      %dma_wait3A_199 = arith.constant 0 : i32
      %dma_wait3A_200 = tpu.memref_slice %arg6[%dma_wait3A_197, %dma_wait3A_198, %dma_wait3A_199] : memref<5x128x128xf32, #tpu.memory_space<vmem>> -> memref<1x128x128xf32, #tpu.memory_space<vmem>>
      %dma_wait3A_201 = tpu.memref_squeeze %dma_wait3A_200 : memref<1x128x128xf32, #tpu.memory_space<vmem>> -> memref<128x128xf32, #tpu.memory_space<vmem>>
      %dma_wait3A_202 = arith.constant 0 : i32
      %dma_wait3A_203 = tpu.memref_slice %arg5[%dma_wait3A_196, %dma_wait3A_202] : memref<200x128xi32, #tpu.memory_space<vmem>> -> memref<1x128xi32, #tpu.memory_space<vmem>>
      %dma_wait3A_204 = tpu.memref_squeeze %dma_wait3A_203 : memref<1x128xi32, #tpu.memory_space<vmem>> -> memref<128xi32, #tpu.memory_space<vmem>>
      %dma_wait3A_205 = arith.constant 0 : i32
      %dma_wait3A_206 = arith.constant 0 : i32
      %dma_wait3A_207 = tpu.memref_slice %arg3[%dma_wait3A_205, %dma_wait3A_206] : memref<100000x128xf32, #tpu.memory_space<hbm>> -> memref<100000x128xf32, #tpu.memory_space<hbm>>
      tpu.wait_indirect_dma semaphore(%arg9 : memref<!tpu.dma_semaphore, #tpu.memory_space<semaphore_mem>>) src(%dma_wait3A_207 : memref<100000x128xf32, #tpu.memory_space<hbm>>) dst(%dma_wait3A_201 : memref<128x128xf32, #tpu.memory_space<vmem>>)
      %scan3A_208 = arith.constant 0 : i32
      %scan3A_209 = arith.constant 32 : i32
      %scan3A_210 = arith.addi %scan3A_208, %scan3A_209 : i32
      %scan3A_211 = arith.constant 1 : i32
      scf.for %scan3A_318 = %scan3A_208 to %scan3A_210 step %scan3A_211  : i32 {
        %mul3A_319 = arith.constant 4 : i32
        %mul3A_320 = arith.muli %scan3A_318, %mul3A_319 : i32
        %add3A_321 = arith.constant 0 : i32
        %add3A_322 = arith.addi %mul3A_320, %add3A_321 : i32
        %get3A = arith.constant 2 : i32
        %get3A_323 = arith.index_cast %get3A : i32 to index
        %get3A_324 = arith.index_cast %add3A_322 : i32 to index
        %get3A_325 = arith.constant 0 : index
        %get3A_326 = tpu.vector_load %arg6[%get3A_323, %get3A_324, %get3A_325] {strides = array<i32>} : memref<5x128x128xf32, #tpu.memory_space<vmem>>, vector<1x1x16xf32>,
        %get3A_327 = vector.shape_cast %get3A_326 : vector<1x1x16xf32> to vector<16xf32>
        %mul3A_328 = arith.constant 11.3137083 : f32
        %mul3A_329 = vector.broadcast %mul3A_328 : f32 to vector<16xf32>
        %mul3A_330 = arith.mulf %get3A_327, %mul3A_329 : vector<16xf32>
        %add3A_331 = arith.constant 0 : i32
        %add3A_332 = arith.addi %mul3A_320, %add3A_331 : i32
        %swap3A = arith.constant 2 : i32
        %swap3A_333 = arith.index_cast %swap3A : i32 to index
        %swap3A_334 = arith.index_cast %add3A_332 : i32 to index
        %swap3A_335 = arith.constant 0 : index
        %swap3A_336 = tpu.vector_load %arg6[%swap3A_333, %swap3A_334, %swap3A_335] {strides = array<i32>} : memref<5x128x128xf32, #tpu.memory_space<vmem>>, vector<1x1x16xf32>,
        %swap3A_337 = vector.shape_cast %swap3A_336 : vector<1x1x16xf32> to vector<16xf32>
        %swap3A_338 = vector.shape_cast %mul3A_330 : vector<16xf32> to vector<1x1x16xf32>
        tpu.vector_store %arg6[%swap3A_333, %swap3A_334, %swap3A_335], %swap3A_338 {strides = array<i32>} : memref<5x128x128xf32, #tpu.memory_space<vmem>>, vector<1x1x16xf32>,
        %add3A_339 = arith.constant 0 : i32
        %add3A_340 = arith.addi %mul3A_320, %add3A_339 : i32
        %get3A_341 = arith.constant 2 : i32
        %get3A_342 = arith.index_cast %get3A_341 : i32 to index
        %get3A_343 = arith.index_cast %add3A_340 : i32 to index
        %get3A_344 = arith.constant 16 : index
        %get3A_345 = tpu.vector_load %arg6[%get3A_342, %get3A_343, %get3A_344] {strides = array<i32>} : memref<5x128x128xf32, #tpu.memory_space<vmem>>, vector<1x1x16xf32>,
        %get3A_346 = vector.shape_cast %get3A_345 : vector<1x1x16xf32> to vector<16xf32>
        %mul3A_347 = arith.constant 11.3137083 : f32
        %mul3A_348 = vector.broadcast %mul3A_347 : f32 to vector<16xf32>
        %mul3A_349 = arith.mulf %get3A_346, %mul3A_348 : vector<16xf32>
        %add3A_350 = arith.constant 0 : i32
        %add3A_351 = arith.addi %mul3A_320, %add3A_350 : i32
        %swap3A_352 = arith.constant 2 : i32
        %swap3A_353 = arith.index_cast %swap3A_352 : i32 to index
        %swap3A_354 = arith.index_cast %add3A_351 : i32 to index
        %swap3A_355 = arith.constant 16 : index
        %swap3A_356 = tpu.vector_load %arg6[%swap3A_353, %swap3A_354, %swap3A_355] {strides = array<i32>} : memref<5x128x128xf32, #tpu.memory_space<vmem>>, vector<1x1x16xf32>,
        %swap3A_357 = vector.shape_cast %swap3A_356 : vector<1x1x16xf32> to vector<16xf32>
        %swap3A_358 = vector.shape_cast %mul3A_349 : vector<16xf32> to vector<1x1x16xf32>
        tpu.vector_store %arg6[%swap3A_353, %swap3A_354, %swap3A_355], %swap3A_358 {strides = array<i32>} : memref<5x128x128xf32, #tpu.memory_space<vmem>>, vector<1x1x16xf32>,
        %add3A_359 = arith.constant 0 : i32
        %add3A_360 = arith.addi %mul3A_320, %add3A_359 : i32
        %get3A_361 = arith.constant 2 : i32
        %get3A_362 = arith.index_cast %get3A_361 : i32 to index
        %get3A_363 = arith.index_cast %add3A_360 : i32 to index
        %get3A_364 = arith.constant 32 : index
        %get3A_365 = tpu.vector_load %arg6[%get3A_362, %get3A_363, %get3A_364] {strides = array<i32>} : memref<5x128x128xf32, #tpu.memory_space<vmem>>, vector<1x1x16xf32>,
        %get3A_366 = vector.shape_cast %get3A_365 : vector<1x1x16xf32> to vector<16xf32>
        %mul3A_367 = arith.constant 11.3137083 : f32
        %mul3A_368 = vector.broadcast %mul3A_367 : f32 to vector<16xf32>
        %mul3A_369 = arith.mulf %get3A_366, %mul3A_368 : vector<16xf32>
        %add3A_370 = arith.constant 0 : i32
        %add3A_371 = arith.addi %mul3A_320, %add3A_370 : i32
        %swap3A_372 = arith.constant 2 : i32
        %swap3A_373 = arith.index_cast %swap3A_372 : i32 to index
        %swap3A_374 = arith.index_cast %add3A_371 : i32 to index
        %swap3A_375 = arith.constant 32 : index
        %swap3A_376 = tpu.vector_load %arg6[%swap3A_373, %swap3A_374, %swap3A_375] {strides = array<i32>} : memref<5x128x128xf32, #tpu.memory_space<vmem>>, vector<1x1x16xf32>,
        %swap3A_377 = vector.shape_cast %swap3A_376 : vector<1x1x16xf32> to vector<16xf32>
        %swap3A_378 = vector.shape_cast %mul3A_369 : vector<16xf32> to vector<1x1x16xf32>
        tpu.vector_store %arg6[%swap3A_373, %swap3A_374, %swap3A_375], %swap3A_378 {strides = array<i32>} : memref<5x128x128xf32, #tpu.memory_space<vmem>>, vector<1x1x16xf32>,
        %add3A_379 = arith.constant 0 : i32
        %add3A_380 = arith.addi %mul3A_320, %add3A_379 : i32
        %get3A_381 = arith.constant 2 : i32
        %get3A_382 = arith.index_cast %get3A_381 : i32 to index
        %get3A_383 = arith.index_cast %add3A_380 : i32 to index
        %get3A_384 = arith.constant 48 : index
        %get3A_385 = tpu.vector_load %arg6[%get3A_382, %get3A_383, %get3A_384] {strides = array<i32>} : memref<5x128x128xf32, #tpu.memory_space<vmem>>, vector<1x1x16xf32>,
        %get3A_386 = vector.shape_cast %get3A_385 : vector<1x1x16xf32> to vector<16xf32>
        %mul3A_387 = arith.constant 11.3137083 : f32
        %mul3A_388 = vector.broadcast %mul3A_387 : f32 to vector<16xf32>
        %mul3A_389 = arith.mulf %get3A_386, %mul3A_388 : vector<16xf32>
        %add3A_390 = arith.constant 0 : i32
        %add3A_391 = arith.addi %mul3A_320, %add3A_390 : i32
        %swap3A_392 = arith.constant 2 : i32
        %swap3A_393 = arith.index_cast %swap3A_392 : i32 to index
        %swap3A_394 = arith.index_cast %add3A_391 : i32 to index
        %swap3A_395 = arith.constant 48 : index
        %swap3A_396 = tpu.vector_load %arg6[%swap3A_393, %swap3A_394, %swap3A_395] {strides = array<i32>} : memref<5x128x128xf32, #tpu.memory_space<vmem>>, vector<1x1x16xf32>,
        %swap3A_397 = vector.shape_cast %swap3A_396 : vector<1x1x16xf32> to vector<16xf32>
        %swap3A_398 = vector.shape_cast %mul3A_389 : vector<16xf32> to vector<1x1x16xf32>
        tpu.vector_store %arg6[%swap3A_393, %swap3A_394, %swap3A_395], %swap3A_398 {strides = array<i32>} : memref<5x128x128xf32, #tpu.memory_space<vmem>>, vector<1x1x16xf32>,
        %add3A_399 = arith.constant 0 : i32
        %add3A_400 = arith.addi %mul3A_320, %add3A_399 : i32
        %get3A_401 = arith.constant 2 : i32
        %get3A_402 = arith.index_cast %get3A_401 : i32 to index
        %get3A_403 = arith.index_cast %add3A_400 : i32 to index
        %get3A_404 = arith.constant 64 : index
        %get3A_405 = tpu.vector_load %arg6[%get3A_402, %get3A_403, %get3A_404] {strides = array<i32>} : memref<5x128x128xf32, #tpu.memory_space<vmem>>, vector<1x1x16xf32>,
        %get3A_406 = vector.shape_cast %get3A_405 : vector<1x1x16xf32> to vector<16xf32>
        %mul3A_407 = arith.constant 11.3137083 : f32
        %mul3A_408 = vector.broadcast %mul3A_407 : f32 to vector<16xf32>
        %mul3A_409 = arith.mulf %get3A_406, %mul3A_408 : vector<16xf32>
        %add3A_410 = arith.constant 0 : i32
        %add3A_411 = arith.addi %mul3A_320, %add3A_410 : i32
        %swap3A_412 = arith.constant 2 : i32
        %swap3A_413 = arith.index_cast %swap3A_412 : i32 to index
        %swap3A_414 = arith.index_cast %add3A_411 : i32 to index
        %swap3A_415 = arith.constant 64 : index
        %swap3A_416 = tpu.vector_load %arg6[%swap3A_413, %swap3A_414, %swap3A_415] {strides = array<i32>} : memref<5x128x128xf32, #tpu.memory_space<vmem>>, vector<1x1x16xf32>,
        %swap3A_417 = vector.shape_cast %swap3A_416 : vector<1x1x16xf32> to vector<16xf32>
        %swap3A_418 = vector.shape_cast %mul3A_409 : vector<16xf32> to vector<1x1x16xf32>
        tpu.vector_store %arg6[%swap3A_413, %swap3A_414, %swap3A_415], %swap3A_418 {strides = array<i32>} : memref<5x128x128xf32, #tpu.memory_space<vmem>>, vector<1x1x16xf32>,
        %add3A_419 = arith.constant 0 : i32
        %add3A_420 = arith.addi %mul3A_320, %add3A_419 : i32
        %get3A_421 = arith.constant 2 : i32
        %get3A_422 = arith.index_cast %get3A_421 : i32 to index
        %get3A_423 = arith.index_cast %add3A_420 : i32 to index
        %get3A_424 = arith.constant 80 : index
        %get3A_425 = tpu.vector_load %arg6[%get3A_422, %get3A_423, %get3A_424] {strides = array<i32>} : memref<5x128x128xf32, #tpu.memory_space<vmem>>, vector<1x1x16xf32>,
        %get3A_426 = vector.shape_cast %get3A_425 : vector<1x1x16xf32> to vector<16xf32>
        %mul3A_427 = arith.constant 11.3137083 : f32
        %mul3A_428 = vector.broadcast %mul3A_427 : f32 to vector<16xf32>
        %mul3A_429 = arith.mulf %get3A_426, %mul3A_428 : vector<16xf32>
        %add3A_430 = arith.constant 0 : i32
        %add3A_431 = arith.addi %mul3A_320, %add3A_430 : i32
        %swap3A_432 = arith.constant 2 : i32
        %swap3A_433 = arith.index_cast %swap3A_432 : i32 to index
        %swap3A_434 = arith.index_cast %add3A_431 : i32 to index
        %swap3A_435 = arith.constant 80 : index
        %swap3A_436 = tpu.vector_load %arg6[%swap3A_433, %swap3A_434, %swap3A_435] {strides = array<i32>} : memref<5x128x128xf32, #tpu.memory_space<vmem>>, vector<1x1x16xf32>,
        %swap3A_437 = vector.shape_cast %swap3A_436 : vector<1x1x16xf32> to vector<16xf32>
        %swap3A_438 = vector.shape_cast %mul3A_429 : vector<16xf32> to vector<1x1x16xf32>
        tpu.vector_store %arg6[%swap3A_433, %swap3A_434, %swap3A_435], %swap3A_438 {strides = array<i32>} : memref<5x128x128xf32, #tpu.memory_space<vmem>>, vector<1x1x16xf32>,
        %add3A_439 = arith.constant 0 : i32
        %add3A_440 = arith.addi %mul3A_320, %add3A_439 : i32
        %get3A_441 = arith.constant 2 : i32
        %get3A_442 = arith.index_cast %get3A_441 : i32 to index
        %get3A_443 = arith.index_cast %add3A_440 : i32 to index
        %get3A_444 = arith.constant 96 : index
        %get3A_445 = tpu.vector_load %arg6[%get3A_442, %get3A_443, %get3A_444] {strides = array<i32>} : memref<5x128x128xf32, #tpu.memory_space<vmem>>, vector<1x1x16xf32>,
        %get3A_446 = vector.shape_cast %get3A_445 : vector<1x1x16xf32> to vector<16xf32>
        %mul3A_447 = arith.constant 11.3137083 : f32
        %mul3A_448 = vector.broadcast %mul3A_447 : f32 to vector<16xf32>
        %mul3A_449 = arith.mulf %get3A_446, %mul3A_448 : vector<16xf32>
        %add3A_450 = arith.constant 0 : i32
        %add3A_451 = arith.addi %mul3A_320, %add3A_450 : i32
        %swap3A_452 = arith.constant 2 : i32
        %swap3A_453 = arith.index_cast %swap3A_452 : i32 to index
        %swap3A_454 = arith.index_cast %add3A_451 : i32 to index
        %swap3A_455 = arith.constant 96 : index
        %swap3A_456 = tpu.vector_load %arg6[%swap3A_453, %swap3A_454, %swap3A_455] {strides = array<i32>} : memref<5x128x128xf32, #tpu.memory_space<vmem>>, vector<1x1x16xf32>,
        %swap3A_457 = vector.shape_cast %swap3A_456 : vector<1x1x16xf32> to vector<16xf32>
        %swap3A_458 = vector.shape_cast %mul3A_449 : vector<16xf32> to vector<1x1x16xf32>
        tpu.vector_store %arg6[%swap3A_453, %swap3A_454, %swap3A_455], %swap3A_458 {strides = array<i32>} : memref<5x128x128xf32, #tpu.memory_space<vmem>>, vector<1x1x16xf32>,
        %add3A_459 = arith.constant 0 : i32
        %add3A_460 = arith.addi %mul3A_320, %add3A_459 : i32
        %get3A_461 = arith.constant 2 : i32
        %get3A_462 = arith.index_cast %get3A_461 : i32 to index
        %get3A_463 = arith.index_cast %add3A_460 : i32 to index
        %get3A_464 = arith.constant 112 : index
        %get3A_465 = tpu.vector_load %arg6[%get3A_462, %get3A_463, %get3A_464] {strides = array<i32>} : memref<5x128x128xf32, #tpu.memory_space<vmem>>, vector<1x1x16xf32>,
        %get3A_466 = vector.shape_cast %get3A_465 : vector<1x1x16xf32> to vector<16xf32>
        %mul3A_467 = arith.constant 11.3137083 : f32
        %mul3A_468 = vector.broadcast %mul3A_467 : f32 to vector<16xf32>
        %mul3A_469 = arith.mulf %get3A_466, %mul3A_468 : vector<16xf32>
        %add3A_470 = arith.constant 0 : i32
        %add3A_471 = arith.addi %mul3A_320, %add3A_470 : i32
        %swap3A_472 = arith.constant 2 : i32
        %swap3A_473 = arith.index_cast %swap3A_472 : i32 to index
        %swap3A_474 = arith.index_cast %add3A_471 : i32 to index
        %swap3A_475 = arith.constant 112 : index
        %swap3A_476 = tpu.vector_load %arg6[%swap3A_473, %swap3A_474, %swap3A_475] {strides = array<i32>} : memref<5x128x128xf32, #tpu.memory_space<vmem>>, vector<1x1x16xf32>,
        %swap3A_477 = vector.shape_cast %swap3A_476 : vector<1x1x16xf32> to vector<16xf32>
        %swap3A_478 = vector.shape_cast %mul3A_469 : vector<16xf32> to vector<1x1x16xf32>
        tpu.vector_store %arg6[%swap3A_473, %swap3A_474, %swap3A_475], %swap3A_478 {strides = array<i32>} : memref<5x128x128xf32, #tpu.memory_space<vmem>>, vector<1x1x16xf32>,
        %add3A_479 = arith.constant 1 : i32
        %add3A_480 = arith.addi %mul3A_320, %add3A_479 : i32
        %get3A_481 = arith.constant 2 : i32
        %get3A_482 = arith.index_cast %get3A_481 : i32 to index
        %get3A_483 = arith.index_cast %add3A_480 : i32 to index
        %get3A_484 = arith.constant 0 : index
        %get3A_485 = tpu.vector_load %arg6[%get3A_482, %get3A_483, %get3A_484] {strides = array<i32>} : memref<5x128x128xf32, #tpu.memory_space<vmem>>, vector<1x1x16xf32>,
        %get3A_486 = vector.shape_cast %get3A_485 : vector<1x1x16xf32> to vector<16xf32>
        %mul3A_487 = arith.constant 11.3137083 : f32
        %mul3A_488 = vector.broadcast %mul3A_487 : f32 to vector<16xf32>
        %mul3A_489 = arith.mulf %get3A_486, %mul3A_488 : vector<16xf32>
        %add3A_490 = arith.constant 1 : i32
        %add3A_491 = arith.addi %mul3A_320, %add3A_490 : i32
        %swap3A_492 = arith.constant 2 : i32
        %swap3A_493 = arith.index_cast %swap3A_492 : i32 to index
        %swap3A_494 = arith.index_cast %add3A_491 : i32 to index
        %swap3A_495 = arith.constant 0 : index
        %swap3A_496 = tpu.vector_load %arg6[%swap3A_493, %swap3A_494, %swap3A_495] {strides = array<i32>} : memref<5x128x128xf32, #tpu.memory_space<vmem>>, vector<1x1x16xf32>,
        %swap3A_497 = vector.shape_cast %swap3A_496 : vector<1x1x16xf32> to vector<16xf32>
        %swap3A_498 = vector.shape_cast %mul3A_489 : vector<16xf32> to vector<1x1x16xf32>
        tpu.vector_store %arg6[%swap3A_493, %swap3A_494, %swap3A_495], %swap3A_498 {strides = array<i32>} : memref<5x128x128xf32, #tpu.memory_space<vmem>>, vector<1x1x16xf32>,
        %add3A_499 = arith.constant 1 : i32
        %add3A_500 = arith.addi %mul3A_320, %add3A_499 : i32
        %get3A_501 = arith.constant 2 : i32
        %get3A_502 = arith.index_cast %get3A_501 : i32 to index
        %get3A_503 = arith.index_cast %add3A_500 : i32 to index
        %get3A_504 = arith.constant 16 : index
        %get3A_505 = tpu.vector_load %arg6[%get3A_502, %get3A_503, %get3A_504] {strides = array<i32>} : memref<5x128x128xf32, #tpu.memory_space<vmem>>, vector<1x1x16xf32>,
        %get3A_506 = vector.shape_cast %get3A_505 : vector<1x1x16xf32> to vector<16xf32>
        %mul3A_507 = arith.constant 11.3137083 : f32
        %mul3A_508 = vector.broadcast %mul3A_507 : f32 to vector<16xf32>
        %mul3A_509 = arith.mulf %get3A_506, %mul3A_508 : vector<16xf32>
        %add3A_510 = arith.constant 1 : i32
        %add3A_511 = arith.addi %mul3A_320, %add3A_510 : i32
        %swap3A_512 = arith.constant 2 : i32
        %swap3A_513 = arith.index_cast %swap3A_512 : i32 to index
        %swap3A_514 = arith.index_cast %add3A_511 : i32 to index
        %swap3A_515 = arith.constant 16 : index
        %swap3A_516 = tpu.vector_load %arg6[%swap3A_513, %swap3A_514, %swap3A_515] {strides = array<i32>} : memref<5x128x128xf32, #tpu.memory_space<vmem>>, vector<1x1x16xf32>,
        %swap3A_517 = vector.shape_cast %swap3A_516 : vector<1x1x16xf32> to vector<16xf32>
        %swap3A_518 = vector.shape_cast %mul3A_509 : vector<16xf32> to vector<1x1x16xf32>
        tpu.vector_store %arg6[%swap3A_513, %swap3A_514, %swap3A_515], %swap3A_518 {strides = array<i32>} : memref<5x128x128xf32, #tpu.memory_space<vmem>>, vector<1x1x16xf32>,
        %add3A_519 = arith.constant 1 : i32
        %add3A_520 = arith.addi %mul3A_320, %add3A_519 : i32
        %get3A_521 = arith.constant 2 : i32
        %get3A_522 = arith.index_cast %get3A_521 : i32 to index
        %get3A_523 = arith.index_cast %add3A_520 : i32 to index
        %get3A_524 = arith.constant 32 : index
        %get3A_525 = tpu.vector_load %arg6[%get3A_522, %get3A_523, %get3A_524] {strides = array<i32>} : memref<5x128x128xf32, #tpu.memory_space<vmem>>, vector<1x1x16xf32>,
        %get3A_526 = vector.shape_cast %get3A_525 : vector<1x1x16xf32> to vector<16xf32>
        %mul3A_527 = arith.constant 11.3137083 : f32
        %mul3A_528 = vector.broadcast %mul3A_527 : f32 to vector<16xf32>
        %mul3A_529 = arith.mulf %get3A_526, %mul3A_528 : vector<16xf32>
        %add3A_530 = arith.constant 1 : i32
        %add3A_531 = arith.addi %mul3A_320, %add3A_530 : i32
        %swap3A_532 = arith.constant 2 : i32
        %swap3A_533 = arith.index_cast %swap3A_532 : i32 to index
        %swap3A_534 = arith.index_cast %add3A_531 : i32 to index
        %swap3A_535 = arith.constant 32 : index
        %swap3A_536 = tpu.vector_load %arg6[%swap3A_533, %swap3A_534, %swap3A_535] {strides = array<i32>} : memref<5x128x128xf32, #tpu.memory_space<vmem>>, vector<1x1x16xf32>,
        %swap3A_537 = vector.shape_cast %swap3A_536 : vector<1x1x16xf32> to vector<16xf32>
        %swap3A_538 = vector.shape_cast %mul3A_529 : vector<16xf32> to vector<1x1x16xf32>
        tpu.vector_store %arg6[%swap3A_533, %swap3A_534, %swap3A_535], %swap3A_538 {strides = array<i32>} : memref<5x128x128xf32, #tpu.memory_space<vmem>>, vector<1x1x16xf32>,
        %add3A_539 = arith.constant 1 : i32
        %add3A_540 = arith.addi %mul3A_320, %add3A_539 : i32
        %get3A_541 = arith.constant 2 : i32
        %get3A_542 = arith.index_cast %get3A_541 : i32 to index
        %get3A_543 = arith.index_cast %add3A_540 : i32 to index
        %get3A_544 = arith.constant 48 : index
        %get3A_545 = tpu.vector_load %arg6[%get3A_542, %get3A_543, %get3A_544] {strides = array<i32>} : memref<5x128x128xf32, #tpu.memory_space<vmem>>, vector<1x1x16xf32>,
        %get3A_546 = vector.shape_cast %get3A_545 : vector<1x1x16xf32> to vector<16xf32>
        %mul3A_547 = arith.constant 11.3137083 : f32
        %mul3A_548 = vector.broadcast %mul3A_547 : f32 to vector<16xf32>
        %mul3A_549 = arith.mulf %get3A_546, %mul3A_548 : vector<16xf32>
        %add3A_550 = arith.constant 1 : i32
        %add3A_551 = arith.addi %mul3A_320, %add3A_550 : i32
        %swap3A_552 = arith.constant 2 : i32
        %swap3A_553 = arith.index_cast %swap3A_552 : i32 to index
        %swap3A_554 = arith.index_cast %add3A_551 : i32 to index
        %swap3A_555 = arith.constant 48 : index
        %swap3A_556 = tpu.vector_load %arg6[%swap3A_553, %swap3A_554, %swap3A_555] {strides = array<i32>} : memref<5x128x128xf32, #tpu.memory_space<vmem>>, vector<1x1x16xf32>,
        %swap3A_557 = vector.shape_cast %swap3A_556 : vector<1x1x16xf32> to vector<16xf32>
        %swap3A_558 = vector.shape_cast %mul3A_549 : vector<16xf32> to vector<1x1x16xf32>
        tpu.vector_store %arg6[%swap3A_553, %swap3A_554, %swap3A_555], %swap3A_558 {strides = array<i32>} : memref<5x128x128xf32, #tpu.memory_space<vmem>>, vector<1x1x16xf32>,
        %add3A_559 = arith.constant 1 : i32
        %add3A_560 = arith.addi %mul3A_320, %add3A_559 : i32
        %get3A_561 = arith.constant 2 : i32
        %get3A_562 = arith.index_cast %get3A_561 : i32 to index
        %get3A_563 = arith.index_cast %add3A_560 : i32 to index
        %get3A_564 = arith.constant 64 : index
        %get3A_565 = tpu.vector_load %arg6[%get3A_562, %get3A_563, %get3A_564] {strides = array<i32>} : memref<5x128x128xf32, #tpu.memory_space<vmem>>, vector<1x1x16xf32>,
        %get3A_566 = vector.shape_cast %get3A_565 : vector<1x1x16xf32> to vector<16xf32>
        %mul3A_567 = arith.constant 11.3137083 : f32
        %mul3A_568 = vector.broadcast %mul3A_567 : f32 to vector<16xf32>
        %mul3A_569 = arith.mulf %get3A_566, %mul3A_568 : vector<16xf32>
        %add3A_570 = arith.constant 1 : i32
        %add3A_571 = arith.addi %mul3A_320, %add3A_570 : i32
        %swap3A_572 = arith.constant 2 : i32
        %swap3A_573 = arith.index_cast %swap3A_572 : i32 to index
        %swap3A_574 = arith.index_cast %add3A_571 : i32 to index
        %swap3A_575 = arith.constant 64 : index
        %swap3A_576 = tpu.vector_load %arg6[%swap3A_573, %swap3A_574, %swap3A_575] {strides = array<i32>} : memref<5x128x128xf32, #tpu.memory_space<vmem>>, vector<1x1x16xf32>,
        %swap3A_577 = vector.shape_cast %swap3A_576 : vector<1x1x16xf32> to vector<16xf32>
        %swap3A_578 = vector.shape_cast %mul3A_569 : vector<16xf32> to vector<1x1x16xf32>
        tpu.vector_store %arg6[%swap3A_573, %swap3A_574, %swap3A_575], %swap3A_578 {strides = array<i32>} : memref<5x128x128xf32, #tpu.memory_space<vmem>>, vector<1x1x16xf32>,
        %add3A_579 = arith.constant 1 : i32
        %add3A_580 = arith.addi %mul3A_320, %add3A_579 : i32
        %get3A_581 = arith.constant 2 : i32
        %get3A_582 = arith.index_cast %get3A_581 : i32 to index
        %get3A_583 = arith.index_cast %add3A_580 : i32 to index
        %get3A_584 = arith.constant 80 : index
        %get3A_585 = tpu.vector_load %arg6[%get3A_582, %get3A_583, %get3A_584] {strides = array<i32>} : memref<5x128x128xf32, #tpu.memory_space<vmem>>, vector<1x1x16xf32>,
        %get3A_586 = vector.shape_cast %get3A_585 : vector<1x1x16xf32> to vector<16xf32>
        %mul3A_587 = arith.constant 11.3137083 : f32
        %mul3A_588 = vector.broadcast %mul3A_587 : f32 to vector<16xf32>
        %mul3A_589 = arith.mulf %get3A_586, %mul3A_588 : vector<16xf32>
        %add3A_590 = arith.constant 1 : i32
        %add3A_591 = arith.addi %mul3A_320, %add3A_590 : i32
        %swap3A_592 = arith.constant 2 : i32
        %swap3A_593 = arith.index_cast %swap3A_592 : i32 to index
        %swap3A_594 = arith.index_cast %add3A_591 : i32 to index
        %swap3A_595 = arith.constant 80 : index
        %swap3A_596 = tpu.vector_load %arg6[%swap3A_593, %swap3A_594, %swap3A_595] {strides = array<i32>} : memref<5x128x128xf32, #tpu.memory_space<vmem>>, vector<1x1x16xf32>,
        %swap3A_597 = vector.shape_cast %swap3A_596 : vector<1x1x16xf32> to vector<16xf32>
        %swap3A_598 = vector.shape_cast %mul3A_589 : vector<16xf32> to vector<1x1x16xf32>
        tpu.vector_store %arg6[%swap3A_593, %swap3A_594, %swap3A_595], %swap3A_598 {strides = array<i32>} : memref<5x128x128xf32, #tpu.memory_space<vmem>>, vector<1x1x16xf32>,
        %add3A_599 = arith.constant 1 : i32
        %add3A_600 = arith.addi %mul3A_320, %add3A_599 : i32
        %get3A_601 = arith.constant 2 : i32
        %get3A_602 = arith.index_cast %get3A_601 : i32 to index
        %get3A_603 = arith.index_cast %add3A_600 : i32 to index
        %get3A_604 = arith.constant 96 : index
        %get3A_605 = tpu.vector_load %arg6[%get3A_602, %get3A_603, %get3A_604] {strides = array<i32>} : memref<5x128x128xf32, #tpu.memory_space<vmem>>, vector<1x1x16xf32>,
        %get3A_606 = vector.shape_cast %get3A_605 : vector<1x1x16xf32> to vector<16xf32>
        %mul3A_607 = arith.constant 11.3137083 : f32
        %mul3A_608 = vector.broadcast %mul3A_607 : f32 to vector<16xf32>
        %mul3A_609 = arith.mulf %get3A_606, %mul3A_608 : vector<16xf32>
        %add3A_610 = arith.constant 1 : i32
        %add3A_611 = arith.addi %mul3A_320, %add3A_610 : i32
        %swap3A_612 = arith.constant 2 : i32
        %swap3A_613 = arith.index_cast %swap3A_612 : i32 to index
        %swap3A_614 = arith.index_cast %add3A_611 : i32 to index
        %swap3A_615 = arith.constant 96 : index
        %swap3A_616 = tpu.vector_load %arg6[%swap3A_613, %swap3A_614, %swap3A_615] {strides = array<i32>} : memref<5x128x128xf32, #tpu.memory_space<vmem>>, vector<1x1x16xf32>,
        %swap3A_617 = vector.shape_cast %swap3A_616 : vector<1x1x16xf32> to vector<16xf32>
        %swap3A_618 = vector.shape_cast %mul3A_609 : vector<16xf32> to vector<1x1x16xf32>
        tpu.vector_store %arg6[%swap3A_613, %swap3A_614, %swap3A_615], %swap3A_618 {strides = array<i32>} : memref<5x128x128xf32, #tpu.memory_space<vmem>>, vector<1x1x16xf32>,
        %add3A_619 = arith.constant 1 : i32
        %add3A_620 = arith.addi %mul3A_320, %add3A_619 : i32
        %get3A_621 = arith.constant 2 : i32
        %get3A_622 = arith.index_cast %get3A_621 : i32 to index
        %get3A_623 = arith.index_cast %add3A_620 : i32 to index
        %get3A_624 = arith.constant 112 : index
        %get3A_625 = tpu.vector_load %arg6[%get3A_622, %get3A_623, %get3A_624] {strides = array<i32>} : memref<5x128x128xf32, #tpu.memory_space<vmem>>, vector<1x1x16xf32>,
        %get3A_626 = vector.shape_cast %get3A_625 : vector<1x1x16xf32> to vector<16xf32>
        %mul3A_627 = arith.constant 11.3137083 : f32
        %mul3A_628 = vector.broadcast %mul3A_627 : f32 to vector<16xf32>
        %mul3A_629 = arith.mulf %get3A_626, %mul3A_628 : vector<16xf32>
        %add3A_630 = arith.constant 1 : i32
        %add3A_631 = arith.addi %mul3A_320, %add3A_630 : i32
        %swap3A_632 = arith.constant 2 : i32
        %swap3A_633 = arith.index_cast %swap3A_632 : i32 to index
        %swap3A_634 = arith.index_cast %add3A_631 : i32 to index
        %swap3A_635 = arith.constant 112 : index
        %swap3A_636 = tpu.vector_load %arg6[%swap3A_633, %swap3A_634, %swap3A_635] {strides = array<i32>} : memref<5x128x128xf32, #tpu.memory_space<vmem>>, vector<1x1x16xf32>,
        %swap3A_637 = vector.shape_cast %swap3A_636 : vector<1x1x16xf32> to vector<16xf32>
        %swap3A_638 = vector.shape_cast %mul3A_629 : vector<16xf32> to vector<1x1x16xf32>
        tpu.vector_store %arg6[%swap3A_633, %swap3A_634, %swap3A_635], %swap3A_638 {strides = array<i32>} : memref<5x128x128xf32, #tpu.memory_space<vmem>>, vector<1x1x16xf32>,
        %add3A_639 = arith.constant 2 : i32
        %add3A_640 = arith.addi %mul3A_320, %add3A_639 : i32
        %get3A_641 = arith.constant 2 : i32
        %get3A_642 = arith.index_cast %get3A_641 : i32 to index
        %get3A_643 = arith.index_cast %add3A_640 : i32 to index
        %get3A_644 = arith.constant 0 : index
        %get3A_645 = tpu.vector_load %arg6[%get3A_642, %get3A_643, %get3A_644] {strides = array<i32>} : memref<5x128x128xf32, #tpu.memory_space<vmem>>, vector<1x1x16xf32>,
        %get3A_646 = vector.shape_cast %get3A_645 : vector<1x1x16xf32> to vector<16xf32>
        %mul3A_647 = arith.constant 11.3137083 : f32
        %mul3A_648 = vector.broadcast %mul3A_647 : f32 to vector<16xf32>
        %mul3A_649 = arith.mulf %get3A_646, %mul3A_648 : vector<16xf32>
        %add3A_650 = arith.constant 2 : i32
        %add3A_651 = arith.addi %mul3A_320, %add3A_650 : i32
        %swap3A_652 = arith.constant 2 : i32
        %swap3A_653 = arith.index_cast %swap3A_652 : i32 to index
        %swap3A_654 = arith.index_cast %add3A_651 : i32 to index
        %swap3A_655 = arith.constant 0 : index
        %swap3A_656 = tpu.vector_load %arg6[%swap3A_653, %swap3A_654, %swap3A_655] {strides = array<i32>} : memref<5x128x128xf32, #tpu.memory_space<vmem>>, vector<1x1x16xf32>,
        %swap3A_657 = vector.shape_cast %swap3A_656 : vector<1x1x16xf32> to vector<16xf32>
        %swap3A_658 = vector.shape_cast %mul3A_649 : vector<16xf32> to vector<1x1x16xf32>
        tpu.vector_store %arg6[%swap3A_653, %swap3A_654, %swap3A_655], %swap3A_658 {strides = array<i32>} : memref<5x128x128xf32, #tpu.memory_space<vmem>>, vector<1x1x16xf32>,
        %add3A_659 = arith.constant 2 : i32
        %add3A_660 = arith.addi %mul3A_320, %add3A_659 : i32
        %get3A_661 = arith.constant 2 : i32
        %get3A_662 = arith.index_cast %get3A_661 : i32 to index
        %get3A_663 = arith.index_cast %add3A_660 : i32 to index
        %get3A_664 = arith.constant 16 : index
        %get3A_665 = tpu.vector_load %arg6[%get3A_662, %get3A_663, %get3A_664] {strides = array<i32>} : memref<5x128x128xf32, #tpu.memory_space<vmem>>, vector<1x1x16xf32>,
        %get3A_666 = vector.shape_cast %get3A_665 : vector<1x1x16xf32> to vector<16xf32>
        %mul3A_667 = arith.constant 11.3137083 : f32
        %mul3A_668 = vector.broadcast %mul3A_667 : f32 to vector<16xf32>
        %mul3A_669 = arith.mulf %get3A_666, %mul3A_668 : vector<16xf32>
        %add3A_670 = arith.constant 2 : i32
        %add3A_671 = arith.addi %mul3A_320, %add3A_670 : i32
        %swap3A_672 = arith.constant 2 : i32
        %swap3A_673 = arith.index_cast %swap3A_672 : i32 to index
        %swap3A_674 = arith.index_cast %add3A_671 : i32 to index
        %swap3A_675 = arith.constant 16 : index
        %swap3A_676 = tpu.vector_load %arg6[%swap3A_673, %swap3A_674, %swap3A_675] {strides = array<i32>} : memref<5x128x128xf32, #tpu.memory_space<vmem>>, vector<1x1x16xf32>,
        %swap3A_677 = vector.shape_cast %swap3A_676 : vector<1x1x16xf32> to vector<16xf32>
        %swap3A_678 = vector.shape_cast %mul3A_669 : vector<16xf32> to vector<1x1x16xf32>
        tpu.vector_store %arg6[%swap3A_673, %swap3A_674, %swap3A_675], %swap3A_678 {strides = array<i32>} : memref<5x128x128xf32, #tpu.memory_space<vmem>>, vector<1x1x16xf32>,
        %add3A_679 = arith.constant 2 : i32
        %add3A_680 = arith.addi %mul3A_320, %add3A_679 : i32
        %get3A_681 = arith.constant 2 : i32
        %get3A_682 = arith.index_cast %get3A_681 : i32 to index
        %get3A_683 = arith.index_cast %add3A_680 : i32 to index
        %get3A_684 = arith.constant 32 : index
        %get3A_685 = tpu.vector_load %arg6[%get3A_682, %get3A_683, %get3A_684] {strides = array<i32>} : memref<5x128x128xf32, #tpu.memory_space<vmem>>, vector<1x1x16xf32>,
        %get3A_686 = vector.shape_cast %get3A_685 : vector<1x1x16xf32> to vector<16xf32>
        %mul3A_687 = arith.constant 11.3137083 : f32
        %mul3A_688 = vector.broadcast %mul3A_687 : f32 to vector<16xf32>
        %mul3A_689 = arith.mulf %get3A_686, %mul3A_688 : vector<16xf32>
        %add3A_690 = arith.constant 2 : i32
        %add3A_691 = arith.addi %mul3A_320, %add3A_690 : i32
        %swap3A_692 = arith.constant 2 : i32
        %swap3A_693 = arith.index_cast %swap3A_692 : i32 to index
        %swap3A_694 = arith.index_cast %add3A_691 : i32 to index
        %swap3A_695 = arith.constant 32 : index
        %swap3A_696 = tpu.vector_load %arg6[%swap3A_693, %swap3A_694, %swap3A_695] {strides = array<i32>} : memref<5x128x128xf32, #tpu.memory_space<vmem>>, vector<1x1x16xf32>,
        %swap3A_697 = vector.shape_cast %swap3A_696 : vector<1x1x16xf32> to vector<16xf32>
        %swap3A_698 = vector.shape_cast %mul3A_689 : vector<16xf32> to vector<1x1x16xf32>
        tpu.vector_store %arg6[%swap3A_693, %swap3A_694, %swap3A_695], %swap3A_698 {strides = array<i32>} : memref<5x128x128xf32, #tpu.memory_space<vmem>>, vector<1x1x16xf32>,
        %add3A_699 = arith.constant 2 : i32
        %add3A_700 = arith.addi %mul3A_320, %add3A_699 : i32
        %get3A_701 = arith.constant 2 : i32
        %get3A_702 = arith.index_cast %get3A_701 : i32 to index
        %get3A_703 = arith.index_cast %add3A_700 : i32 to index
        %get3A_704 = arith.constant 48 : index
        %get3A_705 = tpu.vector_load %arg6[%get3A_702, %get3A_703, %get3A_704] {strides = array<i32>} : memref<5x128x128xf32, #tpu.memory_space<vmem>>, vector<1x1x16xf32>,
        %get3A_706 = vector.shape_cast %get3A_705 : vector<1x1x16xf32> to vector<16xf32>
        %mul3A_707 = arith.constant 11.3137083 : f32
        %mul3A_708 = vector.broadcast %mul3A_707 : f32 to vector<16xf32>
        %mul3A_709 = arith.mulf %get3A_706, %mul3A_708 : vector<16xf32>
        %add3A_710 = arith.constant 2 : i32
        %add3A_711 = arith.addi %mul3A_320, %add3A_710 : i32
        %swap3A_712 = arith.constant 2 : i32
        %swap3A_713 = arith.index_cast %swap3A_712 : i32 to index
        %swap3A_714 = arith.index_cast %add3A_711 : i32 to index
        %swap3A_715 = arith.constant 48 : index
        %swap3A_716 = tpu.vector_load %arg6[%swap3A_713, %swap3A_714, %swap3A_715] {strides = array<i32>} : memref<5x128x128xf32, #tpu.memory_space<vmem>>, vector<1x1x16xf32>,
        %swap3A_717 = vector.shape_cast %swap3A_716 : vector<1x1x16xf32> to vector<16xf32>
        %swap3A_718 = vector.shape_cast %mul3A_709 : vector<16xf32> to vector<1x1x16xf32>
        tpu.vector_store %arg6[%swap3A_713, %swap3A_714, %swap3A_715], %swap3A_718 {strides = array<i32>} : memref<5x128x128xf32, #tpu.memory_space<vmem>>, vector<1x1x16xf32>,
        %add3A_719 = arith.constant 2 : i32
        %add3A_720 = arith.addi %mul3A_320, %add3A_719 : i32
        %get3A_721 = arith.constant 2 : i32
        %get3A_722 = arith.index_cast %get3A_721 : i32 to index
        %get3A_723 = arith.index_cast %add3A_720 : i32 to index
        %get3A_724 = arith.constant 64 : index
        %get3A_725 = tpu.vector_load %arg6[%get3A_722, %get3A_723, %get3A_724] {strides = array<i32>} : memref<5x128x128xf32, #tpu.memory_space<vmem>>, vector<1x1x16xf32>,
        %get3A_726 = vector.shape_cast %get3A_725 : vector<1x1x16xf32> to vector<16xf32>
        %mul3A_727 = arith.constant 11.3137083 : f32
        %mul3A_728 = vector.broadcast %mul3A_727 : f32 to vector<16xf32>
        %mul3A_729 = arith.mulf %get3A_726, %mul3A_728 : vector<16xf32>
        %add3A_730 = arith.constant 2 : i32
        %add3A_731 = arith.addi %mul3A_320, %add3A_730 : i32
        %swap3A_732 = arith.constant 2 : i32
        %swap3A_733 = arith.index_cast %swap3A_732 : i32 to index
        %swap3A_734 = arith.index_cast %add3A_731 : i32 to index
        %swap3A_735 = arith.constant 64 : index
        %swap3A_736 = tpu.vector_load %arg6[%swap3A_733, %swap3A_734, %swap3A_735] {strides = array<i32>} : memref<5x128x128xf32, #tpu.memory_space<vmem>>, vector<1x1x16xf32>,
        %swap3A_737 = vector.shape_cast %swap3A_736 : vector<1x1x16xf32> to vector<16xf32>
        %swap3A_738 = vector.shape_cast %mul3A_729 : vector<16xf32> to vector<1x1x16xf32>
        tpu.vector_store %arg6[%swap3A_733, %swap3A_734, %swap3A_735], %swap3A_738 {strides = array<i32>} : memref<5x128x128xf32, #tpu.memory_space<vmem>>, vector<1x1x16xf32>,
        %add3A_739 = arith.constant 2 : i32
        %add3A_740 = arith.addi %mul3A_320, %add3A_739 : i32
        %get3A_741 = arith.constant 2 : i32
        %get3A_742 = arith.index_cast %get3A_741 : i32 to index
        %get3A_743 = arith.index_cast %add3A_740 : i32 to index
        %get3A_744 = arith.constant 80 : index
        %get3A_745 = tpu.vector_load %arg6[%get3A_742, %get3A_743, %get3A_744] {strides = array<i32>} : memref<5x128x128xf32, #tpu.memory_space<vmem>>, vector<1x1x16xf32>,
        %get3A_746 = vector.shape_cast %get3A_745 : vector<1x1x16xf32> to vector<16xf32>
        %mul3A_747 = arith.constant 11.3137083 : f32
        %mul3A_748 = vector.broadcast %mul3A_747 : f32 to vector<16xf32>
        %mul3A_749 = arith.mulf %get3A_746, %mul3A_748 : vector<16xf32>
        %add3A_750 = arith.constant 2 : i32
        %add3A_751 = arith.addi %mul3A_320, %add3A_750 : i32
        %swap3A_752 = arith.constant 2 : i32
        %swap3A_753 = arith.index_cast %swap3A_752 : i32 to index
        %swap3A_754 = arith.index_cast %add3A_751 : i32 to index
        %swap3A_755 = arith.constant 80 : index
        %swap3A_756 = tpu.vector_load %arg6[%swap3A_753, %swap3A_754, %swap3A_755] {strides = array<i32>} : memref<5x128x128xf32, #tpu.memory_space<vmem>>, vector<1x1x16xf32>,
        %swap3A_757 = vector.shape_cast %swap3A_756 : vector<1x1x16xf32> to vector<16xf32>
        %swap3A_758 = vector.shape_cast %mul3A_749 : vector<16xf32> to vector<1x1x16xf32>
        tpu.vector_store %arg6[%swap3A_753, %swap3A_754, %swap3A_755], %swap3A_758 {strides = array<i32>} : memref<5x128x128xf32, #tpu.memory_space<vmem>>, vector<1x1x16xf32>,
        %add3A_759 = arith.constant 2 : i32
        %add3A_760 = arith.addi %mul3A_320, %add3A_759 : i32
        %get3A_761 = arith.constant 2 : i32
        %get3A_762 = arith.index_cast %get3A_761 : i32 to index
        %get3A_763 = arith.index_cast %add3A_760 : i32 to index
        %get3A_764 = arith.constant 96 : index
        %get3A_765 = tpu.vector_load %arg6[%get3A_762, %get3A_763, %get3A_764] {strides = array<i32>} : memref<5x128x128xf32, #tpu.memory_space<vmem>>, vector<1x1x16xf32>,
        %get3A_766 = vector.shape_cast %get3A_765 : vector<1x1x16xf32> to vector<16xf32>
        %mul3A_767 = arith.constant 11.3137083 : f32
        %mul3A_768 = vector.broadcast %mul3A_767 : f32 to vector<16xf32>
        %mul3A_769 = arith.mulf %get3A_766, %mul3A_768 : vector<16xf32>
        %add3A_770 = arith.constant 2 : i32
        %add3A_771 = arith.addi %mul3A_320, %add3A_770 : i32
        %swap3A_772 = arith.constant 2 : i32
        %swap3A_773 = arith.index_cast %swap3A_772 : i32 to index
        %swap3A_774 = arith.index_cast %add3A_771 : i32 to index
        %swap3A_775 = arith.constant 96 : index
        %swap3A_776 = tpu.vector_load %arg6[%swap3A_773, %swap3A_774, %swap3A_775] {strides = array<i32>} : memref<5x128x128xf32, #tpu.memory_space<vmem>>, vector<1x1x16xf32>,
        %swap3A_777 = vector.shape_cast %swap3A_776 : vector<1x1x16xf32> to vector<16xf32>
        %swap3A_778 = vector.shape_cast %mul3A_769 : vector<16xf32> to vector<1x1x16xf32>
        tpu.vector_store %arg6[%swap3A_773, %swap3A_774, %swap3A_775], %swap3A_778 {strides = array<i32>} : memref<5x128x128xf32, #tpu.memory_space<vmem>>, vector<1x1x16xf32>,
        %add3A_779 = arith.constant 2 : i32
        %add3A_780 = arith.addi %mul3A_320, %add3A_779 : i32
        %get3A_781 = arith.constant 2 : i32
        %get3A_782 = arith.index_cast %get3A_781 : i32 to index
        %get3A_783 = arith.index_cast %add3A_780 : i32 to index
        %get3A_784 = arith.constant 112 : index
        %get3A_785 = tpu.vector_load %arg6[%get3A_782, %get3A_783, %get3A_784] {strides = array<i32>} : memref<5x128x128xf32, #tpu.memory_space<vmem>>, vector<1x1x16xf32>,
        %get3A_786 = vector.shape_cast %get3A_785 : vector<1x1x16xf32> to vector<16xf32>
        %mul3A_787 = arith.constant 11.3137083 : f32
        %mul3A_788 = vector.broadcast %mul3A_787 : f32 to vector<16xf32>
        %mul3A_789 = arith.mulf %get3A_786, %mul3A_788 : vector<16xf32>
        %add3A_790 = arith.constant 2 : i32
        %add3A_791 = arith.addi %mul3A_320, %add3A_790 : i32
        %swap3A_792 = arith.constant 2 : i32
        %swap3A_793 = arith.index_cast %swap3A_792 : i32 to index
        %swap3A_794 = arith.index_cast %add3A_791 : i32 to index
        %swap3A_795 = arith.constant 112 : index
        %swap3A_796 = tpu.vector_load %arg6[%swap3A_793, %swap3A_794, %swap3A_795] {strides = array<i32>} : memref<5x128x128xf32, #tpu.memory_space<vmem>>, vector<1x1x16xf32>,
        %swap3A_797 = vector.shape_cast %swap3A_796 : vector<1x1x16xf32> to vector<16xf32>
        %swap3A_798 = vector.shape_cast %mul3A_789 : vector<16xf32> to vector<1x1x16xf32>
        tpu.vector_store %arg6[%swap3A_793, %swap3A_794, %swap3A_795], %swap3A_798 {strides = array<i32>} : memref<5x128x128xf32, #tpu.memory_space<vmem>>, vector<1x1x16xf32>,
        %add3A_799 = arith.constant 3 : i32
        %add3A_800 = arith.addi %mul3A_320, %add3A_799 : i32
        %get3A_801 = arith.constant 2 : i32
        %get3A_802 = arith.index_cast %get3A_801 : i32 to index
        %get3A_803 = arith.index_cast %add3A_800 : i32 to index
        %get3A_804 = arith.constant 0 : index
        %get3A_805 = tpu.vector_load %arg6[%get3A_802, %get3A_803, %get3A_804] {strides = array<i32>} : memref<5x128x128xf32, #tpu.memory_space<vmem>>, vector<1x1x16xf32>,
        %get3A_806 = vector.shape_cast %get3A_805 : vector<1x1x16xf32> to vector<16xf32>
        %mul3A_807 = arith.constant 11.3137083 : f32
        %mul3A_808 = vector.broadcast %mul3A_807 : f32 to vector<16xf32>
        %mul3A_809 = arith.mulf %get3A_806, %mul3A_808 : vector<16xf32>
        %add3A_810 = arith.constant 3 : i32
        %add3A_811 = arith.addi %mul3A_320, %add3A_810 : i32
        %swap3A_812 = arith.constant 2 : i32
        %swap3A_813 = arith.index_cast %swap3A_812 : i32 to index
        %swap3A_814 = arith.index_cast %add3A_811 : i32 to index
        %swap3A_815 = arith.constant 0 : index
        %swap3A_816 = tpu.vector_load %arg6[%swap3A_813, %swap3A_814, %swap3A_815] {strides = array<i32>} : memref<5x128x128xf32, #tpu.memory_space<vmem>>, vector<1x1x16xf32>,
        %swap3A_817 = vector.shape_cast %swap3A_816 : vector<1x1x16xf32> to vector<16xf32>
        %swap3A_818 = vector.shape_cast %mul3A_809 : vector<16xf32> to vector<1x1x16xf32>
        tpu.vector_store %arg6[%swap3A_813, %swap3A_814, %swap3A_815], %swap3A_818 {strides = array<i32>} : memref<5x128x128xf32, #tpu.memory_space<vmem>>, vector<1x1x16xf32>,
        %add3A_819 = arith.constant 3 : i32
        %add3A_820 = arith.addi %mul3A_320, %add3A_819 : i32
        %get3A_821 = arith.constant 2 : i32
        %get3A_822 = arith.index_cast %get3A_821 : i32 to index
        %get3A_823 = arith.index_cast %add3A_820 : i32 to index
        %get3A_824 = arith.constant 16 : index
        %get3A_825 = tpu.vector_load %arg6[%get3A_822, %get3A_823, %get3A_824] {strides = array<i32>} : memref<5x128x128xf32, #tpu.memory_space<vmem>>, vector<1x1x16xf32>,
        %get3A_826 = vector.shape_cast %get3A_825 : vector<1x1x16xf32> to vector<16xf32>
        %mul3A_827 = arith.constant 11.3137083 : f32
        %mul3A_828 = vector.broadcast %mul3A_827 : f32 to vector<16xf32>
        %mul3A_829 = arith.mulf %get3A_826, %mul3A_828 : vector<16xf32>
        %add3A_830 = arith.constant 3 : i32
        %add3A_831 = arith.addi %mul3A_320, %add3A_830 : i32
        %swap3A_832 = arith.constant 2 : i32
        %swap3A_833 = arith.index_cast %swap3A_832 : i32 to index
        %swap3A_834 = arith.index_cast %add3A_831 : i32 to index
        %swap3A_835 = arith.constant 16 : index
        %swap3A_836 = tpu.vector_load %arg6[%swap3A_833, %swap3A_834, %swap3A_835] {strides = array<i32>} : memref<5x128x128xf32, #tpu.memory_space<vmem>>, vector<1x1x16xf32>,
        %swap3A_837 = vector.shape_cast %swap3A_836 : vector<1x1x16xf32> to vector<16xf32>
        %swap3A_838 = vector.shape_cast %mul3A_829 : vector<16xf32> to vector<1x1x16xf32>
        tpu.vector_store %arg6[%swap3A_833, %swap3A_834, %swap3A_835], %swap3A_838 {strides = array<i32>} : memref<5x128x128xf32, #tpu.memory_space<vmem>>, vector<1x1x16xf32>,
        %add3A_839 = arith.constant 3 : i32
        %add3A_840 = arith.addi %mul3A_320, %add3A_839 : i32
        %get3A_841 = arith.constant 2 : i32
        %get3A_842 = arith.index_cast %get3A_841 : i32 to index
        %get3A_843 = arith.index_cast %add3A_840 : i32 to index
        %get3A_844 = arith.constant 32 : index
        %get3A_845 = tpu.vector_load %arg6[%get3A_842, %get3A_843, %get3A_844] {strides = array<i32>} : memref<5x128x128xf32, #tpu.memory_space<vmem>>, vector<1x1x16xf32>,
        %get3A_846 = vector.shape_cast %get3A_845 : vector<1x1x16xf32> to vector<16xf32>
        %mul3A_847 = arith.constant 11.3137083 : f32
        %mul3A_848 = vector.broadcast %mul3A_847 : f32 to vector<16xf32>
        %mul3A_849 = arith.mulf %get3A_846, %mul3A_848 : vector<16xf32>
        %add3A_850 = arith.constant 3 : i32
        %add3A_851 = arith.addi %mul3A_320, %add3A_850 : i32
        %swap3A_852 = arith.constant 2 : i32
        %swap3A_853 = arith.index_cast %swap3A_852 : i32 to index
        %swap3A_854 = arith.index_cast %add3A_851 : i32 to index
        %swap3A_855 = arith.constant 32 : index
        %swap3A_856 = tpu.vector_load %arg6[%swap3A_853, %swap3A_854, %swap3A_855] {strides = array<i32>} : memref<5x128x128xf32, #tpu.memory_space<vmem>>, vector<1x1x16xf32>,
        %swap3A_857 = vector.shape_cast %swap3A_856 : vector<1x1x16xf32> to vector<16xf32>
        %swap3A_858 = vector.shape_cast %mul3A_849 : vector<16xf32> to vector<1x1x16xf32>
        tpu.vector_store %arg6[%swap3A_853, %swap3A_854, %swap3A_855], %swap3A_858 {strides = array<i32>} : memref<5x128x128xf32, #tpu.memory_space<vmem>>, vector<1x1x16xf32>,
        %add3A_859 = arith.constant 3 : i32
        %add3A_860 = arith.addi %mul3A_320, %add3A_859 : i32
        %get3A_861 = arith.constant 2 : i32
        %get3A_862 = arith.index_cast %get3A_861 : i32 to index
        %get3A_863 = arith.index_cast %add3A_860 : i32 to index
        %get3A_864 = arith.constant 48 : index
        %get3A_865 = tpu.vector_load %arg6[%get3A_862, %get3A_863, %get3A_864] {strides = array<i32>} : memref<5x128x128xf32, #tpu.memory_space<vmem>>, vector<1x1x16xf32>,
        %get3A_866 = vector.shape_cast %get3A_865 : vector<1x1x16xf32> to vector<16xf32>
        %mul3A_867 = arith.constant 11.3137083 : f32
        %mul3A_868 = vector.broadcast %mul3A_867 : f32 to vector<16xf32>
        %mul3A_869 = arith.mulf %get3A_866, %mul3A_868 : vector<16xf32>
        %add3A_870 = arith.constant 3 : i32
        %add3A_871 = arith.addi %mul3A_320, %add3A_870 : i32
        %swap3A_872 = arith.constant 2 : i32
        %swap3A_873 = arith.index_cast %swap3A_872 : i32 to index
        %swap3A_874 = arith.index_cast %add3A_871 : i32 to index
        %swap3A_875 = arith.constant 48 : index
        %swap3A_876 = tpu.vector_load %arg6[%swap3A_873, %swap3A_874, %swap3A_875] {strides = array<i32>} : memref<5x128x128xf32, #tpu.memory_space<vmem>>, vector<1x1x16xf32>,
        %swap3A_877 = vector.shape_cast %swap3A_876 : vector<1x1x16xf32> to vector<16xf32>
        %swap3A_878 = vector.shape_cast %mul3A_869 : vector<16xf32> to vector<1x1x16xf32>
        tpu.vector_store %arg6[%swap3A_873, %swap3A_874, %swap3A_875], %swap3A_878 {strides = array<i32>} : memref<5x128x128xf32, #tpu.memory_space<vmem>>, vector<1x1x16xf32>,
        %add3A_879 = arith.constant 3 : i32
        %add3A_880 = arith.addi %mul3A_320, %add3A_879 : i32
        %get3A_881 = arith.constant 2 : i32
        %get3A_882 = arith.index_cast %get3A_881 : i32 to index
        %get3A_883 = arith.index_cast %add3A_880 : i32 to index
        %get3A_884 = arith.constant 64 : index
        %get3A_885 = tpu.vector_load %arg6[%get3A_882, %get3A_883, %get3A_884] {strides = array<i32>} : memref<5x128x128xf32, #tpu.memory_space<vmem>>, vector<1x1x16xf32>,
        %get3A_886 = vector.shape_cast %get3A_885 : vector<1x1x16xf32> to vector<16xf32>
        %mul3A_887 = arith.constant 11.3137083 : f32
        %mul3A_888 = vector.broadcast %mul3A_887 : f32 to vector<16xf32>
        %mul3A_889 = arith.mulf %get3A_886, %mul3A_888 : vector<16xf32>
        %add3A_890 = arith.constant 3 : i32
        %add3A_891 = arith.addi %mul3A_320, %add3A_890 : i32
        %swap3A_892 = arith.constant 2 : i32
        %swap3A_893 = arith.index_cast %swap3A_892 : i32 to index
        %swap3A_894 = arith.index_cast %add3A_891 : i32 to index
        %swap3A_895 = arith.constant 64 : index
        %swap3A_896 = tpu.vector_load %arg6[%swap3A_893, %swap3A_894, %swap3A_895] {strides = array<i32>} : memref<5x128x128xf32, #tpu.memory_space<vmem>>, vector<1x1x16xf32>,
        %swap3A_897 = vector.shape_cast %swap3A_896 : vector<1x1x16xf32> to vector<16xf32>
        %swap3A_898 = vector.shape_cast %mul3A_889 : vector<16xf32> to vector<1x1x16xf32>
        tpu.vector_store %arg6[%swap3A_893, %swap3A_894, %swap3A_895], %swap3A_898 {strides = array<i32>} : memref<5x128x128xf32, #tpu.memory_space<vmem>>, vector<1x1x16xf32>,
        %add3A_899 = arith.constant 3 : i32
        %add3A_900 = arith.addi %mul3A_320, %add3A_899 : i32
        %get3A_901 = arith.constant 2 : i32
        %get3A_902 = arith.index_cast %get3A_901 : i32 to index
        %get3A_903 = arith.index_cast %add3A_900 : i32 to index
        %get3A_904 = arith.constant 80 : index
        %get3A_905 = tpu.vector_load %arg6[%get3A_902, %get3A_903, %get3A_904] {strides = array<i32>} : memref<5x128x128xf32, #tpu.memory_space<vmem>>, vector<1x1x16xf32>,
        %get3A_906 = vector.shape_cast %get3A_905 : vector<1x1x16xf32> to vector<16xf32>
        %mul3A_907 = arith.constant 11.3137083 : f32
        %mul3A_908 = vector.broadcast %mul3A_907 : f32 to vector<16xf32>
        %mul3A_909 = arith.mulf %get3A_906, %mul3A_908 : vector<16xf32>
        %add3A_910 = arith.constant 3 : i32
        %add3A_911 = arith.addi %mul3A_320, %add3A_910 : i32
        %swap3A_912 = arith.constant 2 : i32
        %swap3A_913 = arith.index_cast %swap3A_912 : i32 to index
        %swap3A_914 = arith.index_cast %add3A_911 : i32 to index
        %swap3A_915 = arith.constant 80 : index
        %swap3A_916 = tpu.vector_load %arg6[%swap3A_913, %swap3A_914, %swap3A_915] {strides = array<i32>} : memref<5x128x128xf32, #tpu.memory_space<vmem>>, vector<1x1x16xf32>,
        %swap3A_917 = vector.shape_cast %swap3A_916 : vector<1x1x16xf32> to vector<16xf32>
        %swap3A_918 = vector.shape_cast %mul3A_909 : vector<16xf32> to vector<1x1x16xf32>
        tpu.vector_store %arg6[%swap3A_913, %swap3A_914, %swap3A_915], %swap3A_918 {strides = array<i32>} : memref<5x128x128xf32, #tpu.memory_space<vmem>>, vector<1x1x16xf32>,
        %add3A_919 = arith.constant 3 : i32
        %add3A_920 = arith.addi %mul3A_320, %add3A_919 : i32
        %get3A_921 = arith.constant 2 : i32
        %get3A_922 = arith.index_cast %get3A_921 : i32 to index
        %get3A_923 = arith.index_cast %add3A_920 : i32 to index
        %get3A_924 = arith.constant 96 : index
        %get3A_925 = tpu.vector_load %arg6[%get3A_922, %get3A_923, %get3A_924] {strides = array<i32>} : memref<5x128x128xf32, #tpu.memory_space<vmem>>, vector<1x1x16xf32>,
        %get3A_926 = vector.shape_cast %get3A_925 : vector<1x1x16xf32> to vector<16xf32>
        %mul3A_927 = arith.constant 11.3137083 : f32
        %mul3A_928 = vector.broadcast %mul3A_927 : f32 to vector<16xf32>
        %mul3A_929 = arith.mulf %get3A_926, %mul3A_928 : vector<16xf32>
        %add3A_930 = arith.constant 3 : i32
        %add3A_931 = arith.addi %mul3A_320, %add3A_930 : i32
        %swap3A_932 = arith.constant 2 : i32
        %swap3A_933 = arith.index_cast %swap3A_932 : i32 to index
        %swap3A_934 = arith.index_cast %add3A_931 : i32 to index
        %swap3A_935 = arith.constant 96 : index
        %swap3A_936 = tpu.vector_load %arg6[%swap3A_933, %swap3A_934, %swap3A_935] {strides = array<i32>} : memref<5x128x128xf32, #tpu.memory_space<vmem>>, vector<1x1x16xf32>,
        %swap3A_937 = vector.shape_cast %swap3A_936 : vector<1x1x16xf32> to vector<16xf32>
        %swap3A_938 = vector.shape_cast %mul3A_929 : vector<16xf32> to vector<1x1x16xf32>
        tpu.vector_store %arg6[%swap3A_933, %swap3A_934, %swap3A_935], %swap3A_938 {strides = array<i32>} : memref<5x128x128xf32, #tpu.memory_space<vmem>>, vector<1x1x16xf32>,
        %add3A_939 = arith.constant 3 : i32
        %add3A_940 = arith.addi %mul3A_320, %add3A_939 : i32
        %get3A_941 = arith.constant 2 : i32
        %get3A_942 = arith.index_cast %get3A_941 : i32 to index
        %get3A_943 = arith.index_cast %add3A_940 : i32 to index
        %get3A_944 = arith.constant 112 : index
        %get3A_945 = tpu.vector_load %arg6[%get3A_942, %get3A_943, %get3A_944] {strides = array<i32>} : memref<5x128x128xf32, #tpu.memory_space<vmem>>, vector<1x1x16xf32>,
        %get3A_946 = vector.shape_cast %get3A_945 : vector<1x1x16xf32> to vector<16xf32>
        %mul3A_947 = arith.constant 11.3137083 : f32
        %mul3A_948 = vector.broadcast %mul3A_947 : f32 to vector<16xf32>
        %mul3A_949 = arith.mulf %get3A_946, %mul3A_948 : vector<16xf32>
        %add3A_950 = arith.constant 3 : i32
        %add3A_951 = arith.addi %mul3A_320, %add3A_950 : i32
        %swap3A_952 = arith.constant 2 : i32
        %swap3A_953 = arith.index_cast %swap3A_952 : i32 to index
        %swap3A_954 = arith.index_cast %add3A_951 : i32 to index
        %swap3A_955 = arith.constant 112 : index
        %swap3A_956 = tpu.vector_load %arg6[%swap3A_953, %swap3A_954, %swap3A_955] {strides = array<i32>} : memref<5x128x128xf32, #tpu.memory_space<vmem>>, vector<1x1x16xf32>,
        %swap3A_957 = vector.shape_cast %swap3A_956 : vector<1x1x16xf32> to vector<16xf32>
        %swap3A_958 = vector.shape_cast %mul3A_949 : vector<16xf32> to vector<1x1x16xf32>
        tpu.vector_store %arg6[%swap3A_953, %swap3A_954, %swap3A_955], %swap3A_958 {strides = array<i32>} : memref<5x128x128xf32, #tpu.memory_space<vmem>>, vector<1x1x16xf32>,
      }
      %scan3A_212 = arith.constant 32 : i32
      %mul3A_213 = arith.constant 128 : i32
      %mul3A_214 = arith.muli %add3A_193, %mul3A_213 : i32
      %add3A_215 = arith.addi %mul3A_4, %mul3A_214 : i32
      %dma_start3A_216 = arith.constant 2 : i32
      %dma_start3A_217 = arith.constant 0 : i32
      %dma_start3A_218 = arith.constant 0 : i32
      %dma_start3A_219 = tpu.memref_slice %arg6[%dma_start3A_216, %dma_start3A_217, %dma_start3A_218] : memref<5x128x128xf32, #tpu.memory_space<vmem>> -> memref<1x128x128xf32, #tpu.memory_space<vmem>>
      %dma_start3A_220 = tpu.memref_squeeze %dma_start3A_219 : memref<1x128x128xf32, #tpu.memory_space<vmem>> -> memref<128x128xf32, #tpu.memory_space<vmem>>
      %dma_start3A_221 = arith.constant 0 : i32
      %dma_start3A_222 = tpu.memref_slice %arg4[%add3A_215, %dma_start3A_221] : memref<819200x128xf32, #tpu.memory_space<hbm>> -> memref<128x128xf32, #tpu.memory_space<hbm>>
      %dma_start3A_223 = arith.constant 0 : i32
      %dma_start3A_224 = tpu.memref_slice %arg4[%add3A_215, %dma_start3A_223] : memref<819200x128xf32, #tpu.memory_space<hbm>> -> memref<128x128xf32, #tpu.memory_space<hbm>>
      %dma_start3A_225 = arith.constant 0 : i32
      %dma_start3A_226 = arith.constant 0 : i32
      %dma_start3A_227 = tpu.memref_slice %arg6[%dma_start3A_216, %dma_start3A_225, %dma_start3A_226] : memref<5x128x128xf32, #tpu.memory_space<vmem>> -> memref<1x128x128xf32, #tpu.memory_space<vmem>>
      %dma_start3A_228 = tpu.memref_squeeze %dma_start3A_227 : memref<1x128x128xf32, #tpu.memory_space<vmem>> -> memref<128x128xf32, #tpu.memory_space<vmem>>
      tpu.enqueue_dma source(%dma_start3A_228 : memref<128x128xf32, #tpu.memory_space<vmem>>) target(%dma_start3A_224 : memref<128x128xf32, #tpu.memory_space<hbm>>) target_semaphore(%arg14 : memref<!tpu.dma_semaphore, #tpu.memory_space<semaphore_mem>>)
      %lt3A_229 = arith.constant 200 : i32
      %lt3A_230 = arith.cmpi slt, %add3A_195, %lt3A_229 : i32
      %convert_element_type3A_231 = arith.extui %lt3A_230 : i1 to i32
      %cond3A_232 = arith.constant 0 : i32
      %cond3A_233 = arith.cmpi ne, %convert_element_type3A_231, %cond3A_232 : i32
      scf.if %cond3A_233 {
        %ge3A = arith.constant 5 : i32
        %ge3A_318 = arith.cmpi sge, %add3A_195, %ge3A : i32
        %convert_element_type3A_319 = arith.extui %ge3A_318 : i1 to i32
        %cond3A_320 = arith.constant 0 : i32
        %cond3A_321 = arith.cmpi ne, %convert_element_type3A_319, %cond3A_320 : i32
        scf.if %cond3A_321 {
          %dma_wait3A_333 = arith.constant 0 : i32
          %dma_wait3A_334 = arith.constant 0 : i32
          %dma_wait3A_335 = arith.constant 0 : i32
          %dma_wait3A_336 = tpu.memref_slice %arg6[%dma_wait3A_333, %dma_wait3A_334, %dma_wait3A_335] : memref<5x128x128xf32, #tpu.memory_space<vmem>> -> memref<1x128x128xf32, #tpu.memory_space<vmem>>
          %dma_wait3A_337 = tpu.memref_squeeze %dma_wait3A_336 : memref<1x128x128xf32, #tpu.memory_space<vmem>> -> memref<128x128xf32, #tpu.memory_space<vmem>>
          %dma_wait3A_338 = arith.constant 0 : i32
          %dma_wait3A_339 = tpu.memref_slice %arg4[%mul3A_4, %dma_wait3A_338] : memref<819200x128xf32, #tpu.memory_space<hbm>> -> memref<128x128xf32, #tpu.memory_space<hbm>>
          %dma_wait3A_340 = arith.constant 0 : i32
          %dma_wait3A_341 = tpu.memref_slice %arg4[%mul3A_4, %dma_wait3A_340] : memref<819200x128xf32, #tpu.memory_space<hbm>> -> memref<128x128xf32, #tpu.memory_space<hbm>>
          %dma_wait3A_342 = arith.constant 0 : i32
          %dma_wait3A_343 = arith.constant 0 : i32
          %dma_wait3A_344 = tpu.memref_slice %arg6[%dma_wait3A_333, %dma_wait3A_342, %dma_wait3A_343] : memref<5x128x128xf32, #tpu.memory_space<vmem>> -> memref<1x128x128xf32, #tpu.memory_space<vmem>>
          %dma_wait3A_345 = tpu.memref_squeeze %dma_wait3A_344 : memref<1x128x128xf32, #tpu.memory_space<vmem>> -> memref<128x128xf32, #tpu.memory_space<vmem>>
          tpu.wait_dma2 semaphore(%arg12 : memref<!tpu.dma_semaphore, #tpu.memory_space<semaphore_mem>>) src(%dma_wait3A_345 : memref<128x128xf32, #tpu.memory_space<vmem>>) dst(%dma_wait3A_341 : memref<128x128xf32, #tpu.memory_space<hbm>>)
        } else {
        }
        %dma_start3A_322 = arith.constant 0 : i32
        %dma_start3A_323 = arith.constant 0 : i32
        %dma_start3A_324 = arith.constant 0 : i32
        %dma_start3A_325 = tpu.memref_slice %arg6[%dma_start3A_322, %dma_start3A_323, %dma_start3A_324] : memref<5x128x128xf32, #tpu.memory_space<vmem>> -> memref<1x128x128xf32, #tpu.memory_space<vmem>>
        %dma_start3A_326 = tpu.memref_squeeze %dma_start3A_325 : memref<1x128x128xf32, #tpu.memory_space<vmem>> -> memref<128x128xf32, #tpu.memory_space<vmem>>
        %dma_start3A_327 = arith.constant 0 : i32
        %dma_start3A_328 = tpu.memref_slice %arg5[%add3A_195, %dma_start3A_327] : memref<200x128xi32, #tpu.memory_space<vmem>> -> memref<1x128xi32, #tpu.memory_space<vmem>>
        %dma_start3A_329 = tpu.memref_squeeze %dma_start3A_328 : memref<1x128xi32, #tpu.memory_space<vmem>> -> memref<128xi32, #tpu.memory_space<vmem>>
        %dma_start3A_330 = arith.constant 0 : i32
        %dma_start3A_331 = arith.constant 0 : i32
        %dma_start3A_332 = tpu.memref_slice %arg3[%dma_start3A_330, %dma_start3A_331] : memref<100000x128xf32, #tpu.memory_space<hbm>> -> memref<100000x128xf32, #tpu.memory_space<hbm>>
        tpu.enqueue_indirect_dma source(%dma_start3A_332 : memref<100000x128xf32, #tpu.memory_space<hbm>>) target(%dma_start3A_326 : memref<128x128xf32, #tpu.memory_space<vmem>>) offsets(%dma_start3A_329 : memref<128xi32, #tpu.memory_space<vmem>>) semaphore(%arg7 : memref<!tpu.dma_semaphore, #tpu.memory_space<semaphore_mem>>)
      } else {
      }
      %add3A_234 = arith.constant 3 : i32
      %add3A_235 = arith.addi %mul3A_110, %add3A_234 : i32
      %add3A_236 = arith.constant 3 : i32
      %add3A_237 = arith.addi %add3A_235, %add3A_236 : i32
      %dma_wait3A_238 = arith.constant 0 : i32
      %dma_wait3A_239 = arith.constant 3 : i32
      %dma_wait3A_240 = arith.constant 0 : i32
      %dma_wait3A_241 = arith.constant 0 : i32
      %dma_wait3A_242 = tpu.memref_slice %arg6[%dma_wait3A_239, %dma_wait3A_240, %dma_wait3A_241] : memref<5x128x128xf32, #tpu.memory_space<vmem>> -> memref<1x128x128xf32, #tpu.memory_space<vmem>>
      %dma_wait3A_243 = tpu.memref_squeeze %dma_wait3A_242 : memref<1x128x128xf32, #tpu.memory_space<vmem>> -> memref<128x128xf32, #tpu.memory_space<vmem>>
      %dma_wait3A_244 = arith.constant 0 : i32
      %dma_wait3A_245 = tpu.memref_slice %arg5[%dma_wait3A_238, %dma_wait3A_244] : memref<200x128xi32, #tpu.memory_space<vmem>> -> memref<1x128xi32, #tpu.memory_space<vmem>>
      %dma_wait3A_246 = tpu.memref_squeeze %dma_wait3A_245 : memref<1x128xi32, #tpu.memory_space<vmem>> -> memref<128xi32, #tpu.memory_space<vmem>>
      %dma_wait3A_247 = arith.constant 0 : i32
      %dma_wait3A_248 = arith.constant 0 : i32
      %dma_wait3A_249 = tpu.memref_slice %arg3[%dma_wait3A_247, %dma_wait3A_248] : memref<100000x128xf32, #tpu.memory_space<hbm>> -> memref<100000x128xf32, #tpu.memory_space<hbm>>
      tpu.wait_indirect_dma semaphore(%arg10 : memref<!tpu.dma_semaphore, #tpu.memory_space<semaphore_mem>>) src(%dma_wait3A_249 : memref<100000x128xf32, #tpu.memory_space<hbm>>) dst(%dma_wait3A_243 : memref<128x128xf32, #tpu.memory_space<vmem>>)
      %scan3A_250 = arith.constant 0 : i32
      %scan3A_251 = arith.constant 32 : i32
      %scan3A_252 = arith.addi %scan3A_250, %scan3A_251 : i32
      %scan3A_253 = arith.constant 1 : i32
      scf.for %scan3A_318 = %scan3A_250 to %scan3A_252 step %scan3A_253  : i32 {
        %mul3A_319 = arith.constant 4 : i32
        %mul3A_320 = arith.muli %scan3A_318, %mul3A_319 : i32
        %add3A_321 = arith.constant 0 : i32
        %add3A_322 = arith.addi %mul3A_320, %add3A_321 : i32
        %get3A = arith.constant 3 : i32
        %get3A_323 = arith.index_cast %get3A : i32 to index
        %get3A_324 = arith.index_cast %add3A_322 : i32 to index
        %get3A_325 = arith.constant 0 : index
        %get3A_326 = tpu.vector_load %arg6[%get3A_323, %get3A_324, %get3A_325] {strides = array<i32>} : memref<5x128x128xf32, #tpu.memory_space<vmem>>, vector<1x1x16xf32>,
        %get3A_327 = vector.shape_cast %get3A_326 : vector<1x1x16xf32> to vector<16xf32>
        %mul3A_328 = arith.constant 11.3137083 : f32
        %mul3A_329 = vector.broadcast %mul3A_328 : f32 to vector<16xf32>
        %mul3A_330 = arith.mulf %get3A_327, %mul3A_329 : vector<16xf32>
        %add3A_331 = arith.constant 0 : i32
        %add3A_332 = arith.addi %mul3A_320, %add3A_331 : i32
        %swap3A = arith.constant 3 : i32
        %swap3A_333 = arith.index_cast %swap3A : i32 to index
        %swap3A_334 = arith.index_cast %add3A_332 : i32 to index
        %swap3A_335 = arith.constant 0 : index
        %swap3A_336 = tpu.vector_load %arg6[%swap3A_333, %swap3A_334, %swap3A_335] {strides = array<i32>} : memref<5x128x128xf32, #tpu.memory_space<vmem>>, vector<1x1x16xf32>,
        %swap3A_337 = vector.shape_cast %swap3A_336 : vector<1x1x16xf32> to vector<16xf32>
        %swap3A_338 = vector.shape_cast %mul3A_330 : vector<16xf32> to vector<1x1x16xf32>
        tpu.vector_store %arg6[%swap3A_333, %swap3A_334, %swap3A_335], %swap3A_338 {strides = array<i32>} : memref<5x128x128xf32, #tpu.memory_space<vmem>>, vector<1x1x16xf32>,
        %add3A_339 = arith.constant 0 : i32
        %add3A_340 = arith.addi %mul3A_320, %add3A_339 : i32
        %get3A_341 = arith.constant 3 : i32
        %get3A_342 = arith.index_cast %get3A_341 : i32 to index
        %get3A_343 = arith.index_cast %add3A_340 : i32 to index
        %get3A_344 = arith.constant 16 : index
        %get3A_345 = tpu.vector_load %arg6[%get3A_342, %get3A_343, %get3A_344] {strides = array<i32>} : memref<5x128x128xf32, #tpu.memory_space<vmem>>, vector<1x1x16xf32>,
        %get3A_346 = vector.shape_cast %get3A_345 : vector<1x1x16xf32> to vector<16xf32>
        %mul3A_347 = arith.constant 11.3137083 : f32
        %mul3A_348 = vector.broadcast %mul3A_347 : f32 to vector<16xf32>
        %mul3A_349 = arith.mulf %get3A_346, %mul3A_348 : vector<16xf32>
        %add3A_350 = arith.constant 0 : i32
        %add3A_351 = arith.addi %mul3A_320, %add3A_350 : i32
        %swap3A_352 = arith.constant 3 : i32
        %swap3A_353 = arith.index_cast %swap3A_352 : i32 to index
        %swap3A_354 = arith.index_cast %add3A_351 : i32 to index
        %swap3A_355 = arith.constant 16 : index
        %swap3A_356 = tpu.vector_load %arg6[%swap3A_353, %swap3A_354, %swap3A_355] {strides = array<i32>} : memref<5x128x128xf32, #tpu.memory_space<vmem>>, vector<1x1x16xf32>,
        %swap3A_357 = vector.shape_cast %swap3A_356 : vector<1x1x16xf32> to vector<16xf32>
        %swap3A_358 = vector.shape_cast %mul3A_349 : vector<16xf32> to vector<1x1x16xf32>
        tpu.vector_store %arg6[%swap3A_353, %swap3A_354, %swap3A_355], %swap3A_358 {strides = array<i32>} : memref<5x128x128xf32, #tpu.memory_space<vmem>>, vector<1x1x16xf32>,
        %add3A_359 = arith.constant 0 : i32
        %add3A_360 = arith.addi %mul3A_320, %add3A_359 : i32
        %get3A_361 = arith.constant 3 : i32
        %get3A_362 = arith.index_cast %get3A_361 : i32 to index
        %get3A_363 = arith.index_cast %add3A_360 : i32 to index
        %get3A_364 = arith.constant 32 : index
        %get3A_365 = tpu.vector_load %arg6[%get3A_362, %get3A_363, %get3A_364] {strides = array<i32>} : memref<5x128x128xf32, #tpu.memory_space<vmem>>, vector<1x1x16xf32>,
        %get3A_366 = vector.shape_cast %get3A_365 : vector<1x1x16xf32> to vector<16xf32>
        %mul3A_367 = arith.constant 11.3137083 : f32
        %mul3A_368 = vector.broadcast %mul3A_367 : f32 to vector<16xf32>
        %mul3A_369 = arith.mulf %get3A_366, %mul3A_368 : vector<16xf32>
        %add3A_370 = arith.constant 0 : i32
        %add3A_371 = arith.addi %mul3A_320, %add3A_370 : i32
        %swap3A_372 = arith.constant 3 : i32
        %swap3A_373 = arith.index_cast %swap3A_372 : i32 to index
        %swap3A_374 = arith.index_cast %add3A_371 : i32 to index
        %swap3A_375 = arith.constant 32 : index
        %swap3A_376 = tpu.vector_load %arg6[%swap3A_373, %swap3A_374, %swap3A_375] {strides = array<i32>} : memref<5x128x128xf32, #tpu.memory_space<vmem>>, vector<1x1x16xf32>,
        %swap3A_377 = vector.shape_cast %swap3A_376 : vector<1x1x16xf32> to vector<16xf32>
        %swap3A_378 = vector.shape_cast %mul3A_369 : vector<16xf32> to vector<1x1x16xf32>
        tpu.vector_store %arg6[%swap3A_373, %swap3A_374, %swap3A_375], %swap3A_378 {strides = array<i32>} : memref<5x128x128xf32, #tpu.memory_space<vmem>>, vector<1x1x16xf32>,
        %add3A_379 = arith.constant 0 : i32
        %add3A_380 = arith.addi %mul3A_320, %add3A_379 : i32
        %get3A_381 = arith.constant 3 : i32
        %get3A_382 = arith.index_cast %get3A_381 : i32 to index
        %get3A_383 = arith.index_cast %add3A_380 : i32 to index
        %get3A_384 = arith.constant 48 : index
        %get3A_385 = tpu.vector_load %arg6[%get3A_382, %get3A_383, %get3A_384] {strides = array<i32>} : memref<5x128x128xf32, #tpu.memory_space<vmem>>, vector<1x1x16xf32>,
        %get3A_386 = vector.shape_cast %get3A_385 : vector<1x1x16xf32> to vector<16xf32>
        %mul3A_387 = arith.constant 11.3137083 : f32
        %mul3A_388 = vector.broadcast %mul3A_387 : f32 to vector<16xf32>
        %mul3A_389 = arith.mulf %get3A_386, %mul3A_388 : vector<16xf32>
        %add3A_390 = arith.constant 0 : i32
        %add3A_391 = arith.addi %mul3A_320, %add3A_390 : i32
        %swap3A_392 = arith.constant 3 : i32
        %swap3A_393 = arith.index_cast %swap3A_392 : i32 to index
        %swap3A_394 = arith.index_cast %add3A_391 : i32 to index
        %swap3A_395 = arith.constant 48 : index
        %swap3A_396 = tpu.vector_load %arg6[%swap3A_393, %swap3A_394, %swap3A_395] {strides = array<i32>} : memref<5x128x128xf32, #tpu.memory_space<vmem>>, vector<1x1x16xf32>,
        %swap3A_397 = vector.shape_cast %swap3A_396 : vector<1x1x16xf32> to vector<16xf32>
        %swap3A_398 = vector.shape_cast %mul3A_389 : vector<16xf32> to vector<1x1x16xf32>
        tpu.vector_store %arg6[%swap3A_393, %swap3A_394, %swap3A_395], %swap3A_398 {strides = array<i32>} : memref<5x128x128xf32, #tpu.memory_space<vmem>>, vector<1x1x16xf32>,
        %add3A_399 = arith.constant 0 : i32
        %add3A_400 = arith.addi %mul3A_320, %add3A_399 : i32
        %get3A_401 = arith.constant 3 : i32
        %get3A_402 = arith.index_cast %get3A_401 : i32 to index
        %get3A_403 = arith.index_cast %add3A_400 : i32 to index
        %get3A_404 = arith.constant 64 : index
        %get3A_405 = tpu.vector_load %arg6[%get3A_402, %get3A_403, %get3A_404] {strides = array<i32>} : memref<5x128x128xf32, #tpu.memory_space<vmem>>, vector<1x1x16xf32>,
        %get3A_406 = vector.shape_cast %get3A_405 : vector<1x1x16xf32> to vector<16xf32>
        %mul3A_407 = arith.constant 11.3137083 : f32
        %mul3A_408 = vector.broadcast %mul3A_407 : f32 to vector<16xf32>
        %mul3A_409 = arith.mulf %get3A_406, %mul3A_408 : vector<16xf32>
        %add3A_410 = arith.constant 0 : i32
        %add3A_411 = arith.addi %mul3A_320, %add3A_410 : i32
        %swap3A_412 = arith.constant 3 : i32
        %swap3A_413 = arith.index_cast %swap3A_412 : i32 to index
        %swap3A_414 = arith.index_cast %add3A_411 : i32 to index
        %swap3A_415 = arith.constant 64 : index
        %swap3A_416 = tpu.vector_load %arg6[%swap3A_413, %swap3A_414, %swap3A_415] {strides = array<i32>} : memref<5x128x128xf32, #tpu.memory_space<vmem>>, vector<1x1x16xf32>,
        %swap3A_417 = vector.shape_cast %swap3A_416 : vector<1x1x16xf32> to vector<16xf32>
        %swap3A_418 = vector.shape_cast %mul3A_409 : vector<16xf32> to vector<1x1x16xf32>
        tpu.vector_store %arg6[%swap3A_413, %swap3A_414, %swap3A_415], %swap3A_418 {strides = array<i32>} : memref<5x128x128xf32, #tpu.memory_space<vmem>>, vector<1x1x16xf32>,
        %add3A_419 = arith.constant 0 : i32
        %add3A_420 = arith.addi %mul3A_320, %add3A_419 : i32
        %get3A_421 = arith.constant 3 : i32
        %get3A_422 = arith.index_cast %get3A_421 : i32 to index
        %get3A_423 = arith.index_cast %add3A_420 : i32 to index
        %get3A_424 = arith.constant 80 : index
        %get3A_425 = tpu.vector_load %arg6[%get3A_422, %get3A_423, %get3A_424] {strides = array<i32>} : memref<5x128x128xf32, #tpu.memory_space<vmem>>, vector<1x1x16xf32>,
        %get3A_426 = vector.shape_cast %get3A_425 : vector<1x1x16xf32> to vector<16xf32>
        %mul3A_427 = arith.constant 11.3137083 : f32
        %mul3A_428 = vector.broadcast %mul3A_427 : f32 to vector<16xf32>
        %mul3A_429 = arith.mulf %get3A_426, %mul3A_428 : vector<16xf32>
        %add3A_430 = arith.constant 0 : i32
        %add3A_431 = arith.addi %mul3A_320, %add3A_430 : i32
        %swap3A_432 = arith.constant 3 : i32
        %swap3A_433 = arith.index_cast %swap3A_432 : i32 to index
        %swap3A_434 = arith.index_cast %add3A_431 : i32 to index
        %swap3A_435 = arith.constant 80 : index
        %swap3A_436 = tpu.vector_load %arg6[%swap3A_433, %swap3A_434, %swap3A_435] {strides = array<i32>} : memref<5x128x128xf32, #tpu.memory_space<vmem>>, vector<1x1x16xf32>,
        %swap3A_437 = vector.shape_cast %swap3A_436 : vector<1x1x16xf32> to vector<16xf32>
        %swap3A_438 = vector.shape_cast %mul3A_429 : vector<16xf32> to vector<1x1x16xf32>
        tpu.vector_store %arg6[%swap3A_433, %swap3A_434, %swap3A_435], %swap3A_438 {strides = array<i32>} : memref<5x128x128xf32, #tpu.memory_space<vmem>>, vector<1x1x16xf32>,
        %add3A_439 = arith.constant 0 : i32
        %add3A_440 = arith.addi %mul3A_320, %add3A_439 : i32
        %get3A_441 = arith.constant 3 : i32
        %get3A_442 = arith.index_cast %get3A_441 : i32 to index
        %get3A_443 = arith.index_cast %add3A_440 : i32 to index
        %get3A_444 = arith.constant 96 : index
        %get3A_445 = tpu.vector_load %arg6[%get3A_442, %get3A_443, %get3A_444] {strides = array<i32>} : memref<5x128x128xf32, #tpu.memory_space<vmem>>, vector<1x1x16xf32>,
        %get3A_446 = vector.shape_cast %get3A_445 : vector<1x1x16xf32> to vector<16xf32>
        %mul3A_447 = arith.constant 11.3137083 : f32
        %mul3A_448 = vector.broadcast %mul3A_447 : f32 to vector<16xf32>
        %mul3A_449 = arith.mulf %get3A_446, %mul3A_448 : vector<16xf32>
        %add3A_450 = arith.constant 0 : i32
        %add3A_451 = arith.addi %mul3A_320, %add3A_450 : i32
        %swap3A_452 = arith.constant 3 : i32
        %swap3A_453 = arith.index_cast %swap3A_452 : i32 to index
        %swap3A_454 = arith.index_cast %add3A_451 : i32 to index
        %swap3A_455 = arith.constant 96 : index
        %swap3A_456 = tpu.vector_load %arg6[%swap3A_453, %swap3A_454, %swap3A_455] {strides = array<i32>} : memref<5x128x128xf32, #tpu.memory_space<vmem>>, vector<1x1x16xf32>,
        %swap3A_457 = vector.shape_cast %swap3A_456 : vector<1x1x16xf32> to vector<16xf32>
        %swap3A_458 = vector.shape_cast %mul3A_449 : vector<16xf32> to vector<1x1x16xf32>
        tpu.vector_store %arg6[%swap3A_453, %swap3A_454, %swap3A_455], %swap3A_458 {strides = array<i32>} : memref<5x128x128xf32, #tpu.memory_space<vmem>>, vector<1x1x16xf32>,
        %add3A_459 = arith.constant 0 : i32
        %add3A_460 = arith.addi %mul3A_320, %add3A_459 : i32
        %get3A_461 = arith.constant 3 : i32
        %get3A_462 = arith.index_cast %get3A_461 : i32 to index
        %get3A_463 = arith.index_cast %add3A_460 : i32 to index
        %get3A_464 = arith.constant 112 : index
        %get3A_465 = tpu.vector_load %arg6[%get3A_462, %get3A_463, %get3A_464] {strides = array<i32>} : memref<5x128x128xf32, #tpu.memory_space<vmem>>, vector<1x1x16xf32>,
        %get3A_466 = vector.shape_cast %get3A_465 : vector<1x1x16xf32> to vector<16xf32>
        %mul3A_467 = arith.constant 11.3137083 : f32
        %mul3A_468 = vector.broadcast %mul3A_467 : f32 to vector<16xf32>
        %mul3A_469 = arith.mulf %get3A_466, %mul3A_468 : vector<16xf32>
        %add3A_470 = arith.constant 0 : i32
        %add3A_471 = arith.addi %mul3A_320, %add3A_470 : i32
        %swap3A_472 = arith.constant 3 : i32
        %swap3A_473 = arith.index_cast %swap3A_472 : i32 to index
        %swap3A_474 = arith.index_cast %add3A_471 : i32 to index
        %swap3A_475 = arith.constant 112 : index
        %swap3A_476 = tpu.vector_load %arg6[%swap3A_473, %swap3A_474, %swap3A_475] {strides = array<i32>} : memref<5x128x128xf32, #tpu.memory_space<vmem>>, vector<1x1x16xf32>,
        %swap3A_477 = vector.shape_cast %swap3A_476 : vector<1x1x16xf32> to vector<16xf32>
        %swap3A_478 = vector.shape_cast %mul3A_469 : vector<16xf32> to vector<1x1x16xf32>
        tpu.vector_store %arg6[%swap3A_473, %swap3A_474, %swap3A_475], %swap3A_478 {strides = array<i32>} : memref<5x128x128xf32, #tpu.memory_space<vmem>>, vector<1x1x16xf32>,
        %add3A_479 = arith.constant 1 : i32
        %add3A_480 = arith.addi %mul3A_320, %add3A_479 : i32
        %get3A_481 = arith.constant 3 : i32
        %get3A_482 = arith.index_cast %get3A_481 : i32 to index
        %get3A_483 = arith.index_cast %add3A_480 : i32 to index
        %get3A_484 = arith.constant 0 : index
        %get3A_485 = tpu.vector_load %arg6[%get3A_482, %get3A_483, %get3A_484] {strides = array<i32>} : memref<5x128x128xf32, #tpu.memory_space<vmem>>, vector<1x1x16xf32>,
        %get3A_486 = vector.shape_cast %get3A_485 : vector<1x1x16xf32> to vector<16xf32>
        %mul3A_487 = arith.constant 11.3137083 : f32
        %mul3A_488 = vector.broadcast %mul3A_487 : f32 to vector<16xf32>
        %mul3A_489 = arith.mulf %get3A_486, %mul3A_488 : vector<16xf32>
        %add3A_490 = arith.constant 1 : i32
        %add3A_491 = arith.addi %mul3A_320, %add3A_490 : i32
        %swap3A_492 = arith.constant 3 : i32
        %swap3A_493 = arith.index_cast %swap3A_492 : i32 to index
        %swap3A_494 = arith.index_cast %add3A_491 : i32 to index
        %swap3A_495 = arith.constant 0 : index
        %swap3A_496 = tpu.vector_load %arg6[%swap3A_493, %swap3A_494, %swap3A_495] {strides = array<i32>} : memref<5x128x128xf32, #tpu.memory_space<vmem>>, vector<1x1x16xf32>,
        %swap3A_497 = vector.shape_cast %swap3A_496 : vector<1x1x16xf32> to vector<16xf32>
        %swap3A_498 = vector.shape_cast %mul3A_489 : vector<16xf32> to vector<1x1x16xf32>
        tpu.vector_store %arg6[%swap3A_493, %swap3A_494, %swap3A_495], %swap3A_498 {strides = array<i32>} : memref<5x128x128xf32, #tpu.memory_space<vmem>>, vector<1x1x16xf32>,
        %add3A_499 = arith.constant 1 : i32
        %add3A_500 = arith.addi %mul3A_320, %add3A_499 : i32
        %get3A_501 = arith.constant 3 : i32
        %get3A_502 = arith.index_cast %get3A_501 : i32 to index
        %get3A_503 = arith.index_cast %add3A_500 : i32 to index
        %get3A_504 = arith.constant 16 : index
        %get3A_505 = tpu.vector_load %arg6[%get3A_502, %get3A_503, %get3A_504] {strides = array<i32>} : memref<5x128x128xf32, #tpu.memory_space<vmem>>, vector<1x1x16xf32>,
        %get3A_506 = vector.shape_cast %get3A_505 : vector<1x1x16xf32> to vector<16xf32>
        %mul3A_507 = arith.constant 11.3137083 : f32
        %mul3A_508 = vector.broadcast %mul3A_507 : f32 to vector<16xf32>
        %mul3A_509 = arith.mulf %get3A_506, %mul3A_508 : vector<16xf32>
        %add3A_510 = arith.constant 1 : i32
        %add3A_511 = arith.addi %mul3A_320, %add3A_510 : i32
        %swap3A_512 = arith.constant 3 : i32
        %swap3A_513 = arith.index_cast %swap3A_512 : i32 to index
        %swap3A_514 = arith.index_cast %add3A_511 : i32 to index
        %swap3A_515 = arith.constant 16 : index
        %swap3A_516 = tpu.vector_load %arg6[%swap3A_513, %swap3A_514, %swap3A_515] {strides = array<i32>} : memref<5x128x128xf32, #tpu.memory_space<vmem>>, vector<1x1x16xf32>,
        %swap3A_517 = vector.shape_cast %swap3A_516 : vector<1x1x16xf32> to vector<16xf32>
        %swap3A_518 = vector.shape_cast %mul3A_509 : vector<16xf32> to vector<1x1x16xf32>
        tpu.vector_store %arg6[%swap3A_513, %swap3A_514, %swap3A_515], %swap3A_518 {strides = array<i32>} : memref<5x128x128xf32, #tpu.memory_space<vmem>>, vector<1x1x16xf32>,
        %add3A_519 = arith.constant 1 : i32
        %add3A_520 = arith.addi %mul3A_320, %add3A_519 : i32
        %get3A_521 = arith.constant 3 : i32
        %get3A_522 = arith.index_cast %get3A_521 : i32 to index
        %get3A_523 = arith.index_cast %add3A_520 : i32 to index
        %get3A_524 = arith.constant 32 : index
        %get3A_525 = tpu.vector_load %arg6[%get3A_522, %get3A_523, %get3A_524] {strides = array<i32>} : memref<5x128x128xf32, #tpu.memory_space<vmem>>, vector<1x1x16xf32>,
        %get3A_526 = vector.shape_cast %get3A_525 : vector<1x1x16xf32> to vector<16xf32>
        %mul3A_527 = arith.constant 11.3137083 : f32
        %mul3A_528 = vector.broadcast %mul3A_527 : f32 to vector<16xf32>
        %mul3A_529 = arith.mulf %get3A_526, %mul3A_528 : vector<16xf32>
        %add3A_530 = arith.constant 1 : i32
        %add3A_531 = arith.addi %mul3A_320, %add3A_530 : i32
        %swap3A_532 = arith.constant 3 : i32
        %swap3A_533 = arith.index_cast %swap3A_532 : i32 to index
        %swap3A_534 = arith.index_cast %add3A_531 : i32 to index
        %swap3A_535 = arith.constant 32 : index
        %swap3A_536 = tpu.vector_load %arg6[%swap3A_533, %swap3A_534, %swap3A_535] {strides = array<i32>} : memref<5x128x128xf32, #tpu.memory_space<vmem>>, vector<1x1x16xf32>,
        %swap3A_537 = vector.shape_cast %swap3A_536 : vector<1x1x16xf32> to vector<16xf32>
        %swap3A_538 = vector.shape_cast %mul3A_529 : vector<16xf32> to vector<1x1x16xf32>
        tpu.vector_store %arg6[%swap3A_533, %swap3A_534, %swap3A_535], %swap3A_538 {strides = array<i32>} : memref<5x128x128xf32, #tpu.memory_space<vmem>>, vector<1x1x16xf32>,
        %add3A_539 = arith.constant 1 : i32
        %add3A_540 = arith.addi %mul3A_320, %add3A_539 : i32
        %get3A_541 = arith.constant 3 : i32
        %get3A_542 = arith.index_cast %get3A_541 : i32 to index
        %get3A_543 = arith.index_cast %add3A_540 : i32 to index
        %get3A_544 = arith.constant 48 : index
        %get3A_545 = tpu.vector_load %arg6[%get3A_542, %get3A_543, %get3A_544] {strides = array<i32>} : memref<5x128x128xf32, #tpu.memory_space<vmem>>, vector<1x1x16xf32>,
        %get3A_546 = vector.shape_cast %get3A_545 : vector<1x1x16xf32> to vector<16xf32>
        %mul3A_547 = arith.constant 11.3137083 : f32
        %mul3A_548 = vector.broadcast %mul3A_547 : f32 to vector<16xf32>
        %mul3A_549 = arith.mulf %get3A_546, %mul3A_548 : vector<16xf32>
        %add3A_550 = arith.constant 1 : i32
        %add3A_551 = arith.addi %mul3A_320, %add3A_550 : i32
        %swap3A_552 = arith.constant 3 : i32
        %swap3A_553 = arith.index_cast %swap3A_552 : i32 to index
        %swap3A_554 = arith.index_cast %add3A_551 : i32 to index
        %swap3A_555 = arith.constant 48 : index
        %swap3A_556 = tpu.vector_load %arg6[%swap3A_553, %swap3A_554, %swap3A_555] {strides = array<i32>} : memref<5x128x128xf32, #tpu.memory_space<vmem>>, vector<1x1x16xf32>,
        %swap3A_557 = vector.shape_cast %swap3A_556 : vector<1x1x16xf32> to vector<16xf32>
        %swap3A_558 = vector.shape_cast %mul3A_549 : vector<16xf32> to vector<1x1x16xf32>
        tpu.vector_store %arg6[%swap3A_553, %swap3A_554, %swap3A_555], %swap3A_558 {strides = array<i32>} : memref<5x128x128xf32, #tpu.memory_space<vmem>>, vector<1x1x16xf32>,
        %add3A_559 = arith.constant 1 : i32
        %add3A_560 = arith.addi %mul3A_320, %add3A_559 : i32
        %get3A_561 = arith.constant 3 : i32
        %get3A_562 = arith.index_cast %get3A_561 : i32 to index
        %get3A_563 = arith.index_cast %add3A_560 : i32 to index
        %get3A_564 = arith.constant 64 : index
        %get3A_565 = tpu.vector_load %arg6[%get3A_562, %get3A_563, %get3A_564] {strides = array<i32>} : memref<5x128x128xf32, #tpu.memory_space<vmem>>, vector<1x1x16xf32>,
        %get3A_566 = vector.shape_cast %get3A_565 : vector<1x1x16xf32> to vector<16xf32>
        %mul3A_567 = arith.constant 11.3137083 : f32
        %mul3A_568 = vector.broadcast %mul3A_567 : f32 to vector<16xf32>
        %mul3A_569 = arith.mulf %get3A_566, %mul3A_568 : vector<16xf32>
        %add3A_570 = arith.constant 1 : i32
        %add3A_571 = arith.addi %mul3A_320, %add3A_570 : i32
        %swap3A_572 = arith.constant 3 : i32
        %swap3A_573 = arith.index_cast %swap3A_572 : i32 to index
        %swap3A_574 = arith.index_cast %add3A_571 : i32 to index
        %swap3A_575 = arith.constant 64 : index
        %swap3A_576 = tpu.vector_load %arg6[%swap3A_573, %swap3A_574, %swap3A_575] {strides = array<i32>} : memref<5x128x128xf32, #tpu.memory_space<vmem>>, vector<1x1x16xf32>,
        %swap3A_577 = vector.shape_cast %swap3A_576 : vector<1x1x16xf32> to vector<16xf32>
        %swap3A_578 = vector.shape_cast %mul3A_569 : vector<16xf32> to vector<1x1x16xf32>
        tpu.vector_store %arg6[%swap3A_573, %swap3A_574, %swap3A_575], %swap3A_578 {strides = array<i32>} : memref<5x128x128xf32, #tpu.memory_space<vmem>>, vector<1x1x16xf32>,
        %add3A_579 = arith.constant 1 : i32
        %add3A_580 = arith.addi %mul3A_320, %add3A_579 : i32
        %get3A_581 = arith.constant 3 : i32
        %get3A_582 = arith.index_cast %get3A_581 : i32 to index
        %get3A_583 = arith.index_cast %add3A_580 : i32 to index
        %get3A_584 = arith.constant 80 : index
        %get3A_585 = tpu.vector_load %arg6[%get3A_582, %get3A_583, %get3A_584] {strides = array<i32>} : memref<5x128x128xf32, #tpu.memory_space<vmem>>, vector<1x1x16xf32>,
        %get3A_586 = vector.shape_cast %get3A_585 : vector<1x1x16xf32> to vector<16xf32>
        %mul3A_587 = arith.constant 11.3137083 : f32
        %mul3A_588 = vector.broadcast %mul3A_587 : f32 to vector<16xf32>
        %mul3A_589 = arith.mulf %get3A_586, %mul3A_588 : vector<16xf32>
        %add3A_590 = arith.constant 1 : i32
        %add3A_591 = arith.addi %mul3A_320, %add3A_590 : i32
        %swap3A_592 = arith.constant 3 : i32
        %swap3A_593 = arith.index_cast %swap3A_592 : i32 to index
        %swap3A_594 = arith.index_cast %add3A_591 : i32 to index
        %swap3A_595 = arith.constant 80 : index
        %swap3A_596 = tpu.vector_load %arg6[%swap3A_593, %swap3A_594, %swap3A_595] {strides = array<i32>} : memref<5x128x128xf32, #tpu.memory_space<vmem>>, vector<1x1x16xf32>,
        %swap3A_597 = vector.shape_cast %swap3A_596 : vector<1x1x16xf32> to vector<16xf32>
        %swap3A_598 = vector.shape_cast %mul3A_589 : vector<16xf32> to vector<1x1x16xf32>
        tpu.vector_store %arg6[%swap3A_593, %swap3A_594, %swap3A_595], %swap3A_598 {strides = array<i32>} : memref<5x128x128xf32, #tpu.memory_space<vmem>>, vector<1x1x16xf32>,
        %add3A_599 = arith.constant 1 : i32
        %add3A_600 = arith.addi %mul3A_320, %add3A_599 : i32
        %get3A_601 = arith.constant 3 : i32
        %get3A_602 = arith.index_cast %get3A_601 : i32 to index
        %get3A_603 = arith.index_cast %add3A_600 : i32 to index
        %get3A_604 = arith.constant 96 : index
        %get3A_605 = tpu.vector_load %arg6[%get3A_602, %get3A_603, %get3A_604] {strides = array<i32>} : memref<5x128x128xf32, #tpu.memory_space<vmem>>, vector<1x1x16xf32>,
        %get3A_606 = vector.shape_cast %get3A_605 : vector<1x1x16xf32> to vector<16xf32>
        %mul3A_607 = arith.constant 11.3137083 : f32
        %mul3A_608 = vector.broadcast %mul3A_607 : f32 to vector<16xf32>
        %mul3A_609 = arith.mulf %get3A_606, %mul3A_608 : vector<16xf32>
        %add3A_610 = arith.constant 1 : i32
        %add3A_611 = arith.addi %mul3A_320, %add3A_610 : i32
        %swap3A_612 = arith.constant 3 : i32
        %swap3A_613 = arith.index_cast %swap3A_612 : i32 to index
        %swap3A_614 = arith.index_cast %add3A_611 : i32 to index
        %swap3A_615 = arith.constant 96 : index
        %swap3A_616 = tpu.vector_load %arg6[%swap3A_613, %swap3A_614, %swap3A_615] {strides = array<i32>} : memref<5x128x128xf32, #tpu.memory_space<vmem>>, vector<1x1x16xf32>,
        %swap3A_617 = vector.shape_cast %swap3A_616 : vector<1x1x16xf32> to vector<16xf32>
        %swap3A_618 = vector.shape_cast %mul3A_609 : vector<16xf32> to vector<1x1x16xf32>
        tpu.vector_store %arg6[%swap3A_613, %swap3A_614, %swap3A_615], %swap3A_618 {strides = array<i32>} : memref<5x128x128xf32, #tpu.memory_space<vmem>>, vector<1x1x16xf32>,
        %add3A_619 = arith.constant 1 : i32
        %add3A_620 = arith.addi %mul3A_320, %add3A_619 : i32
        %get3A_621 = arith.constant 3 : i32
        %get3A_622 = arith.index_cast %get3A_621 : i32 to index
        %get3A_623 = arith.index_cast %add3A_620 : i32 to index
        %get3A_624 = arith.constant 112 : index
        %get3A_625 = tpu.vector_load %arg6[%get3A_622, %get3A_623, %get3A_624] {strides = array<i32>} : memref<5x128x128xf32, #tpu.memory_space<vmem>>, vector<1x1x16xf32>,
        %get3A_626 = vector.shape_cast %get3A_625 : vector<1x1x16xf32> to vector<16xf32>
        %mul3A_627 = arith.constant 11.3137083 : f32
        %mul3A_628 = vector.broadcast %mul3A_627 : f32 to vector<16xf32>
        %mul3A_629 = arith.mulf %get3A_626, %mul3A_628 : vector<16xf32>
        %add3A_630 = arith.constant 1 : i32
        %add3A_631 = arith.addi %mul3A_320, %add3A_630 : i32
        %swap3A_632 = arith.constant 3 : i32
        %swap3A_633 = arith.index_cast %swap3A_632 : i32 to index
        %swap3A_634 = arith.index_cast %add3A_631 : i32 to index
        %swap3A_635 = arith.constant 112 : index
        %swap3A_636 = tpu.vector_load %arg6[%swap3A_633, %swap3A_634, %swap3A_635] {strides = array<i32>} : memref<5x128x128xf32, #tpu.memory_space<vmem>>, vector<1x1x16xf32>,
        %swap3A_637 = vector.shape_cast %swap3A_636 : vector<1x1x16xf32> to vector<16xf32>
        %swap3A_638 = vector.shape_cast %mul3A_629 : vector<16xf32> to vector<1x1x16xf32>
        tpu.vector_store %arg6[%swap3A_633, %swap3A_634, %swap3A_635], %swap3A_638 {strides = array<i32>} : memref<5x128x128xf32, #tpu.memory_space<vmem>>, vector<1x1x16xf32>,
        %add3A_639 = arith.constant 2 : i32
        %add3A_640 = arith.addi %mul3A_320, %add3A_639 : i32
        %get3A_641 = arith.constant 3 : i32
        %get3A_642 = arith.index_cast %get3A_641 : i32 to index
        %get3A_643 = arith.index_cast %add3A_640 : i32 to index
        %get3A_644 = arith.constant 0 : index
        %get3A_645 = tpu.vector_load %arg6[%get3A_642, %get3A_643, %get3A_644] {strides = array<i32>} : memref<5x128x128xf32, #tpu.memory_space<vmem>>, vector<1x1x16xf32>,
        %get3A_646 = vector.shape_cast %get3A_645 : vector<1x1x16xf32> to vector<16xf32>
        %mul3A_647 = arith.constant 11.3137083 : f32
        %mul3A_648 = vector.broadcast %mul3A_647 : f32 to vector<16xf32>
        %mul3A_649 = arith.mulf %get3A_646, %mul3A_648 : vector<16xf32>
        %add3A_650 = arith.constant 2 : i32
        %add3A_651 = arith.addi %mul3A_320, %add3A_650 : i32
        %swap3A_652 = arith.constant 3 : i32
        %swap3A_653 = arith.index_cast %swap3A_652 : i32 to index
        %swap3A_654 = arith.index_cast %add3A_651 : i32 to index
        %swap3A_655 = arith.constant 0 : index
        %swap3A_656 = tpu.vector_load %arg6[%swap3A_653, %swap3A_654, %swap3A_655] {strides = array<i32>} : memref<5x128x128xf32, #tpu.memory_space<vmem>>, vector<1x1x16xf32>,
        %swap3A_657 = vector.shape_cast %swap3A_656 : vector<1x1x16xf32> to vector<16xf32>
        %swap3A_658 = vector.shape_cast %mul3A_649 : vector<16xf32> to vector<1x1x16xf32>
        tpu.vector_store %arg6[%swap3A_653, %swap3A_654, %swap3A_655], %swap3A_658 {strides = array<i32>} : memref<5x128x128xf32, #tpu.memory_space<vmem>>, vector<1x1x16xf32>,
        %add3A_659 = arith.constant 2 : i32
        %add3A_660 = arith.addi %mul3A_320, %add3A_659 : i32
        %get3A_661 = arith.constant 3 : i32
        %get3A_662 = arith.index_cast %get3A_661 : i32 to index
        %get3A_663 = arith.index_cast %add3A_660 : i32 to index
        %get3A_664 = arith.constant 16 : index
        %get3A_665 = tpu.vector_load %arg6[%get3A_662, %get3A_663, %get3A_664] {strides = array<i32>} : memref<5x128x128xf32, #tpu.memory_space<vmem>>, vector<1x1x16xf32>,
        %get3A_666 = vector.shape_cast %get3A_665 : vector<1x1x16xf32> to vector<16xf32>
        %mul3A_667 = arith.constant 11.3137083 : f32
        %mul3A_668 = vector.broadcast %mul3A_667 : f32 to vector<16xf32>
        %mul3A_669 = arith.mulf %get3A_666, %mul3A_668 : vector<16xf32>
        %add3A_670 = arith.constant 2 : i32
        %add3A_671 = arith.addi %mul3A_320, %add3A_670 : i32
        %swap3A_672 = arith.constant 3 : i32
        %swap3A_673 = arith.index_cast %swap3A_672 : i32 to index
        %swap3A_674 = arith.index_cast %add3A_671 : i32 to index
        %swap3A_675 = arith.constant 16 : index
        %swap3A_676 = tpu.vector_load %arg6[%swap3A_673, %swap3A_674, %swap3A_675] {strides = array<i32>} : memref<5x128x128xf32, #tpu.memory_space<vmem>>, vector<1x1x16xf32>,
        %swap3A_677 = vector.shape_cast %swap3A_676 : vector<1x1x16xf32> to vector<16xf32>
        %swap3A_678 = vector.shape_cast %mul3A_669 : vector<16xf32> to vector<1x1x16xf32>
        tpu.vector_store %arg6[%swap3A_673, %swap3A_674, %swap3A_675], %swap3A_678 {strides = array<i32>} : memref<5x128x128xf32, #tpu.memory_space<vmem>>, vector<1x1x16xf32>,
        %add3A_679 = arith.constant 2 : i32
        %add3A_680 = arith.addi %mul3A_320, %add3A_679 : i32
        %get3A_681 = arith.constant 3 : i32
        %get3A_682 = arith.index_cast %get3A_681 : i32 to index
        %get3A_683 = arith.index_cast %add3A_680 : i32 to index
        %get3A_684 = arith.constant 32 : index
        %get3A_685 = tpu.vector_load %arg6[%get3A_682, %get3A_683, %get3A_684] {strides = array<i32>} : memref<5x128x128xf32, #tpu.memory_space<vmem>>, vector<1x1x16xf32>,
        %get3A_686 = vector.shape_cast %get3A_685 : vector<1x1x16xf32> to vector<16xf32>
        %mul3A_687 = arith.constant 11.3137083 : f32
        %mul3A_688 = vector.broadcast %mul3A_687 : f32 to vector<16xf32>
        %mul3A_689 = arith.mulf %get3A_686, %mul3A_688 : vector<16xf32>
        %add3A_690 = arith.constant 2 : i32
        %add3A_691 = arith.addi %mul3A_320, %add3A_690 : i32
        %swap3A_692 = arith.constant 3 : i32
        %swap3A_693 = arith.index_cast %swap3A_692 : i32 to index
        %swap3A_694 = arith.index_cast %add3A_691 : i32 to index
        %swap3A_695 = arith.constant 32 : index
        %swap3A_696 = tpu.vector_load %arg6[%swap3A_693, %swap3A_694, %swap3A_695] {strides = array<i32>} : memref<5x128x128xf32, #tpu.memory_space<vmem>>, vector<1x1x16xf32>,
        %swap3A_697 = vector.shape_cast %swap3A_696 : vector<1x1x16xf32> to vector<16xf32>
        %swap3A_698 = vector.shape_cast %mul3A_689 : vector<16xf32> to vector<1x1x16xf32>
        tpu.vector_store %arg6[%swap3A_693, %swap3A_694, %swap3A_695], %swap3A_698 {strides = array<i32>} : memref<5x128x128xf32, #tpu.memory_space<vmem>>, vector<1x1x16xf32>,
        %add3A_699 = arith.constant 2 : i32
        %add3A_700 = arith.addi %mul3A_320, %add3A_699 : i32
        %get3A_701 = arith.constant 3 : i32
        %get3A_702 = arith.index_cast %get3A_701 : i32 to index
        %get3A_703 = arith.index_cast %add3A_700 : i32 to index
        %get3A_704 = arith.constant 48 : index
        %get3A_705 = tpu.vector_load %arg6[%get3A_702, %get3A_703, %get3A_704] {strides = array<i32>} : memref<5x128x128xf32, #tpu.memory_space<vmem>>, vector<1x1x16xf32>,
        %get3A_706 = vector.shape_cast %get3A_705 : vector<1x1x16xf32> to vector<16xf32>
        %mul3A_707 = arith.constant 11.3137083 : f32
        %mul3A_708 = vector.broadcast %mul3A_707 : f32 to vector<16xf32>
        %mul3A_709 = arith.mulf %get3A_706, %mul3A_708 : vector<16xf32>
        %add3A_710 = arith.constant 2 : i32
        %add3A_711 = arith.addi %mul3A_320, %add3A_710 : i32
        %swap3A_712 = arith.constant 3 : i32
        %swap3A_713 = arith.index_cast %swap3A_712 : i32 to index
        %swap3A_714 = arith.index_cast %add3A_711 : i32 to index
        %swap3A_715 = arith.constant 48 : index
        %swap3A_716 = tpu.vector_load %arg6[%swap3A_713, %swap3A_714, %swap3A_715] {strides = array<i32>} : memref<5x128x128xf32, #tpu.memory_space<vmem>>, vector<1x1x16xf32>,
        %swap3A_717 = vector.shape_cast %swap3A_716 : vector<1x1x16xf32> to vector<16xf32>
        %swap3A_718 = vector.shape_cast %mul3A_709 : vector<16xf32> to vector<1x1x16xf32>
        tpu.vector_store %arg6[%swap3A_713, %swap3A_714, %swap3A_715], %swap3A_718 {strides = array<i32>} : memref<5x128x128xf32, #tpu.memory_space<vmem>>, vector<1x1x16xf32>,
        %add3A_719 = arith.constant 2 : i32
        %add3A_720 = arith.addi %mul3A_320, %add3A_719 : i32
        %get3A_721 = arith.constant 3 : i32
        %get3A_722 = arith.index_cast %get3A_721 : i32 to index
        %get3A_723 = arith.index_cast %add3A_720 : i32 to index
        %get3A_724 = arith.constant 64 : index
        %get3A_725 = tpu.vector_load %arg6[%get3A_722, %get3A_723, %get3A_724] {strides = array<i32>} : memref<5x128x128xf32, #tpu.memory_space<vmem>>, vector<1x1x16xf32>,
        %get3A_726 = vector.shape_cast %get3A_725 : vector<1x1x16xf32> to vector<16xf32>
        %mul3A_727 = arith.constant 11.3137083 : f32
        %mul3A_728 = vector.broadcast %mul3A_727 : f32 to vector<16xf32>
        %mul3A_729 = arith.mulf %get3A_726, %mul3A_728 : vector<16xf32>
        %add3A_730 = arith.constant 2 : i32
        %add3A_731 = arith.addi %mul3A_320, %add3A_730 : i32
        %swap3A_732 = arith.constant 3 : i32
        %swap3A_733 = arith.index_cast %swap3A_732 : i32 to index
        %swap3A_734 = arith.index_cast %add3A_731 : i32 to index
        %swap3A_735 = arith.constant 64 : index
        %swap3A_736 = tpu.vector_load %arg6[%swap3A_733, %swap3A_734, %swap3A_735] {strides = array<i32>} : memref<5x128x128xf32, #tpu.memory_space<vmem>>, vector<1x1x16xf32>,
        %swap3A_737 = vector.shape_cast %swap3A_736 : vector<1x1x16xf32> to vector<16xf32>
        %swap3A_738 = vector.shape_cast %mul3A_729 : vector<16xf32> to vector<1x1x16xf32>
        tpu.vector_store %arg6[%swap3A_733, %swap3A_734, %swap3A_735], %swap3A_738 {strides = array<i32>} : memref<5x128x128xf32, #tpu.memory_space<vmem>>, vector<1x1x16xf32>,
        %add3A_739 = arith.constant 2 : i32
        %add3A_740 = arith.addi %mul3A_320, %add3A_739 : i32
        %get3A_741 = arith.constant 3 : i32
        %get3A_742 = arith.index_cast %get3A_741 : i32 to index
        %get3A_743 = arith.index_cast %add3A_740 : i32 to index
        %get3A_744 = arith.constant 80 : index
        %get3A_745 = tpu.vector_load %arg6[%get3A_742, %get3A_743, %get3A_744] {strides = array<i32>} : memref<5x128x128xf32, #tpu.memory_space<vmem>>, vector<1x1x16xf32>,
        %get3A_746 = vector.shape_cast %get3A_745 : vector<1x1x16xf32> to vector<16xf32>
        %mul3A_747 = arith.constant 11.3137083 : f32
        %mul3A_748 = vector.broadcast %mul3A_747 : f32 to vector<16xf32>
        %mul3A_749 = arith.mulf %get3A_746, %mul3A_748 : vector<16xf32>
        %add3A_750 = arith.constant 2 : i32
        %add3A_751 = arith.addi %mul3A_320, %add3A_750 : i32
        %swap3A_752 = arith.constant 3 : i32
        %swap3A_753 = arith.index_cast %swap3A_752 : i32 to index
        %swap3A_754 = arith.index_cast %add3A_751 : i32 to index
        %swap3A_755 = arith.constant 80 : index
        %swap3A_756 = tpu.vector_load %arg6[%swap3A_753, %swap3A_754, %swap3A_755] {strides = array<i32>} : memref<5x128x128xf32, #tpu.memory_space<vmem>>, vector<1x1x16xf32>,
        %swap3A_757 = vector.shape_cast %swap3A_756 : vector<1x1x16xf32> to vector<16xf32>
        %swap3A_758 = vector.shape_cast %mul3A_749 : vector<16xf32> to vector<1x1x16xf32>
        tpu.vector_store %arg6[%swap3A_753, %swap3A_754, %swap3A_755], %swap3A_758 {strides = array<i32>} : memref<5x128x128xf32, #tpu.memory_space<vmem>>, vector<1x1x16xf32>,
        %add3A_759 = arith.constant 2 : i32
        %add3A_760 = arith.addi %mul3A_320, %add3A_759 : i32
        %get3A_761 = arith.constant 3 : i32
        %get3A_762 = arith.index_cast %get3A_761 : i32 to index
        %get3A_763 = arith.index_cast %add3A_760 : i32 to index
        %get3A_764 = arith.constant 96 : index
        %get3A_765 = tpu.vector_load %arg6[%get3A_762, %get3A_763, %get3A_764] {strides = array<i32>} : memref<5x128x128xf32, #tpu.memory_space<vmem>>, vector<1x1x16xf32>,
        %get3A_766 = vector.shape_cast %get3A_765 : vector<1x1x16xf32> to vector<16xf32>
        %mul3A_767 = arith.constant 11.3137083 : f32
        %mul3A_768 = vector.broadcast %mul3A_767 : f32 to vector<16xf32>
        %mul3A_769 = arith.mulf %get3A_766, %mul3A_768 : vector<16xf32>
        %add3A_770 = arith.constant 2 : i32
        %add3A_771 = arith.addi %mul3A_320, %add3A_770 : i32
        %swap3A_772 = arith.constant 3 : i32
        %swap3A_773 = arith.index_cast %swap3A_772 : i32 to index
        %swap3A_774 = arith.index_cast %add3A_771 : i32 to index
        %swap3A_775 = arith.constant 96 : index
        %swap3A_776 = tpu.vector_load %arg6[%swap3A_773, %swap3A_774, %swap3A_775] {strides = array<i32>} : memref<5x128x128xf32, #tpu.memory_space<vmem>>, vector<1x1x16xf32>,
        %swap3A_777 = vector.shape_cast %swap3A_776 : vector<1x1x16xf32> to vector<16xf32>
        %swap3A_778 = vector.shape_cast %mul3A_769 : vector<16xf32> to vector<1x1x16xf32>
        tpu.vector_store %arg6[%swap3A_773, %swap3A_774, %swap3A_775], %swap3A_778 {strides = array<i32>} : memref<5x128x128xf32, #tpu.memory_space<vmem>>, vector<1x1x16xf32>,
        %add3A_779 = arith.constant 2 : i32
        %add3A_780 = arith.addi %mul3A_320, %add3A_779 : i32
        %get3A_781 = arith.constant 3 : i32
        %get3A_782 = arith.index_cast %get3A_781 : i32 to index
        %get3A_783 = arith.index_cast %add3A_780 : i32 to index
        %get3A_784 = arith.constant 112 : index
        %get3A_785 = tpu.vector_load %arg6[%get3A_782, %get3A_783, %get3A_784] {strides = array<i32>} : memref<5x128x128xf32, #tpu.memory_space<vmem>>, vector<1x1x16xf32>,
        %get3A_786 = vector.shape_cast %get3A_785 : vector<1x1x16xf32> to vector<16xf32>
        %mul3A_787 = arith.constant 11.3137083 : f32
        %mul3A_788 = vector.broadcast %mul3A_787 : f32 to vector<16xf32>
        %mul3A_789 = arith.mulf %get3A_786, %mul3A_788 : vector<16xf32>
        %add3A_790 = arith.constant 2 : i32
        %add3A_791 = arith.addi %mul3A_320, %add3A_790 : i32
        %swap3A_792 = arith.constant 3 : i32
        %swap3A_793 = arith.index_cast %swap3A_792 : i32 to index
        %swap3A_794 = arith.index_cast %add3A_791 : i32 to index
        %swap3A_795 = arith.constant 112 : index
        %swap3A_796 = tpu.vector_load %arg6[%swap3A_793, %swap3A_794, %swap3A_795] {strides = array<i32>} : memref<5x128x128xf32, #tpu.memory_space<vmem>>, vector<1x1x16xf32>,
        %swap3A_797 = vector.shape_cast %swap3A_796 : vector<1x1x16xf32> to vector<16xf32>
        %swap3A_798 = vector.shape_cast %mul3A_789 : vector<16xf32> to vector<1x1x16xf32>
        tpu.vector_store %arg6[%swap3A_793, %swap3A_794, %swap3A_795], %swap3A_798 {strides = array<i32>} : memref<5x128x128xf32, #tpu.memory_space<vmem>>, vector<1x1x16xf32>,
        %add3A_799 = arith.constant 3 : i32
        %add3A_800 = arith.addi %mul3A_320, %add3A_799 : i32
        %get3A_801 = arith.constant 3 : i32
        %get3A_802 = arith.index_cast %get3A_801 : i32 to index
        %get3A_803 = arith.index_cast %add3A_800 : i32 to index
        %get3A_804 = arith.constant 0 : index
        %get3A_805 = tpu.vector_load %arg6[%get3A_802, %get3A_803, %get3A_804] {strides = array<i32>} : memref<5x128x128xf32, #tpu.memory_space<vmem>>, vector<1x1x16xf32>,
        %get3A_806 = vector.shape_cast %get3A_805 : vector<1x1x16xf32> to vector<16xf32>
        %mul3A_807 = arith.constant 11.3137083 : f32
        %mul3A_808 = vector.broadcast %mul3A_807 : f32 to vector<16xf32>
        %mul3A_809 = arith.mulf %get3A_806, %mul3A_808 : vector<16xf32>
        %add3A_810 = arith.constant 3 : i32
        %add3A_811 = arith.addi %mul3A_320, %add3A_810 : i32
        %swap3A_812 = arith.constant 3 : i32
        %swap3A_813 = arith.index_cast %swap3A_812 : i32 to index
        %swap3A_814 = arith.index_cast %add3A_811 : i32 to index
        %swap3A_815 = arith.constant 0 : index
        %swap3A_816 = tpu.vector_load %arg6[%swap3A_813, %swap3A_814, %swap3A_815] {strides = array<i32>} : memref<5x128x128xf32, #tpu.memory_space<vmem>>, vector<1x1x16xf32>,
        %swap3A_817 = vector.shape_cast %swap3A_816 : vector<1x1x16xf32> to vector<16xf32>
        %swap3A_818 = vector.shape_cast %mul3A_809 : vector<16xf32> to vector<1x1x16xf32>
        tpu.vector_store %arg6[%swap3A_813, %swap3A_814, %swap3A_815], %swap3A_818 {strides = array<i32>} : memref<5x128x128xf32, #tpu.memory_space<vmem>>, vector<1x1x16xf32>,
        %add3A_819 = arith.constant 3 : i32
        %add3A_820 = arith.addi %mul3A_320, %add3A_819 : i32
        %get3A_821 = arith.constant 3 : i32
        %get3A_822 = arith.index_cast %get3A_821 : i32 to index
        %get3A_823 = arith.index_cast %add3A_820 : i32 to index
        %get3A_824 = arith.constant 16 : index
        %get3A_825 = tpu.vector_load %arg6[%get3A_822, %get3A_823, %get3A_824] {strides = array<i32>} : memref<5x128x128xf32, #tpu.memory_space<vmem>>, vector<1x1x16xf32>,
        %get3A_826 = vector.shape_cast %get3A_825 : vector<1x1x16xf32> to vector<16xf32>
        %mul3A_827 = arith.constant 11.3137083 : f32
        %mul3A_828 = vector.broadcast %mul3A_827 : f32 to vector<16xf32>
        %mul3A_829 = arith.mulf %get3A_826, %mul3A_828 : vector<16xf32>
        %add3A_830 = arith.constant 3 : i32
        %add3A_831 = arith.addi %mul3A_320, %add3A_830 : i32
        %swap3A_832 = arith.constant 3 : i32
        %swap3A_833 = arith.index_cast %swap3A_832 : i32 to index
        %swap3A_834 = arith.index_cast %add3A_831 : i32 to index
        %swap3A_835 = arith.constant 16 : index
        %swap3A_836 = tpu.vector_load %arg6[%swap3A_833, %swap3A_834, %swap3A_835] {strides = array<i32>} : memref<5x128x128xf32, #tpu.memory_space<vmem>>, vector<1x1x16xf32>,
        %swap3A_837 = vector.shape_cast %swap3A_836 : vector<1x1x16xf32> to vector<16xf32>
        %swap3A_838 = vector.shape_cast %mul3A_829 : vector<16xf32> to vector<1x1x16xf32>
        tpu.vector_store %arg6[%swap3A_833, %swap3A_834, %swap3A_835], %swap3A_838 {strides = array<i32>} : memref<5x128x128xf32, #tpu.memory_space<vmem>>, vector<1x1x16xf32>,
        %add3A_839 = arith.constant 3 : i32
        %add3A_840 = arith.addi %mul3A_320, %add3A_839 : i32
        %get3A_841 = arith.constant 3 : i32
        %get3A_842 = arith.index_cast %get3A_841 : i32 to index
        %get3A_843 = arith.index_cast %add3A_840 : i32 to index
        %get3A_844 = arith.constant 32 : index
        %get3A_845 = tpu.vector_load %arg6[%get3A_842, %get3A_843, %get3A_844] {strides = array<i32>} : memref<5x128x128xf32, #tpu.memory_space<vmem>>, vector<1x1x16xf32>,
        %get3A_846 = vector.shape_cast %get3A_845 : vector<1x1x16xf32> to vector<16xf32>
        %mul3A_847 = arith.constant 11.3137083 : f32
        %mul3A_848 = vector.broadcast %mul3A_847 : f32 to vector<16xf32>
        %mul3A_849 = arith.mulf %get3A_846, %mul3A_848 : vector<16xf32>
        %add3A_850 = arith.constant 3 : i32
        %add3A_851 = arith.addi %mul3A_320, %add3A_850 : i32
        %swap3A_852 = arith.constant 3 : i32
        %swap3A_853 = arith.index_cast %swap3A_852 : i32 to index
        %swap3A_854 = arith.index_cast %add3A_851 : i32 to index
        %swap3A_855 = arith.constant 32 : index
        %swap3A_856 = tpu.vector_load %arg6[%swap3A_853, %swap3A_854, %swap3A_855] {strides = array<i32>} : memref<5x128x128xf32, #tpu.memory_space<vmem>>, vector<1x1x16xf32>,
        %swap3A_857 = vector.shape_cast %swap3A_856 : vector<1x1x16xf32> to vector<16xf32>
        %swap3A_858 = vector.shape_cast %mul3A_849 : vector<16xf32> to vector<1x1x16xf32>
        tpu.vector_store %arg6[%swap3A_853, %swap3A_854, %swap3A_855], %swap3A_858 {strides = array<i32>} : memref<5x128x128xf32, #tpu.memory_space<vmem>>, vector<1x1x16xf32>,
        %add3A_859 = arith.constant 3 : i32
        %add3A_860 = arith.addi %mul3A_320, %add3A_859 : i32
        %get3A_861 = arith.constant 3 : i32
        %get3A_862 = arith.index_cast %get3A_861 : i32 to index
        %get3A_863 = arith.index_cast %add3A_860 : i32 to index
        %get3A_864 = arith.constant 48 : index
        %get3A_865 = tpu.vector_load %arg6[%get3A_862, %get3A_863, %get3A_864] {strides = array<i32>} : memref<5x128x128xf32, #tpu.memory_space<vmem>>, vector<1x1x16xf32>,
        %get3A_866 = vector.shape_cast %get3A_865 : vector<1x1x16xf32> to vector<16xf32>
        %mul3A_867 = arith.constant 11.3137083 : f32
        %mul3A_868 = vector.broadcast %mul3A_867 : f32 to vector<16xf32>
        %mul3A_869 = arith.mulf %get3A_866, %mul3A_868 : vector<16xf32>
        %add3A_870 = arith.constant 3 : i32
        %add3A_871 = arith.addi %mul3A_320, %add3A_870 : i32
        %swap3A_872 = arith.constant 3 : i32
        %swap3A_873 = arith.index_cast %swap3A_872 : i32 to index
        %swap3A_874 = arith.index_cast %add3A_871 : i32 to index
        %swap3A_875 = arith.constant 48 : index
        %swap3A_876 = tpu.vector_load %arg6[%swap3A_873, %swap3A_874, %swap3A_875] {strides = array<i32>} : memref<5x128x128xf32, #tpu.memory_space<vmem>>, vector<1x1x16xf32>,
        %swap3A_877 = vector.shape_cast %swap3A_876 : vector<1x1x16xf32> to vector<16xf32>
        %swap3A_878 = vector.shape_cast %mul3A_869 : vector<16xf32> to vector<1x1x16xf32>
        tpu.vector_store %arg6[%swap3A_873, %swap3A_874, %swap3A_875], %swap3A_878 {strides = array<i32>} : memref<5x128x128xf32, #tpu.memory_space<vmem>>, vector<1x1x16xf32>,
        %add3A_879 = arith.constant 3 : i32
        %add3A_880 = arith.addi %mul3A_320, %add3A_879 : i32
        %get3A_881 = arith.constant 3 : i32
        %get3A_882 = arith.index_cast %get3A_881 : i32 to index
        %get3A_883 = arith.index_cast %add3A_880 : i32 to index
        %get3A_884 = arith.constant 64 : index
        %get3A_885 = tpu.vector_load %arg6[%get3A_882, %get3A_883, %get3A_884] {strides = array<i32>} : memref<5x128x128xf32, #tpu.memory_space<vmem>>, vector<1x1x16xf32>,
        %get3A_886 = vector.shape_cast %get3A_885 : vector<1x1x16xf32> to vector<16xf32>
        %mul3A_887 = arith.constant 11.3137083 : f32
        %mul3A_888 = vector.broadcast %mul3A_887 : f32 to vector<16xf32>
        %mul3A_889 = arith.mulf %get3A_886, %mul3A_888 : vector<16xf32>
        %add3A_890 = arith.constant 3 : i32
        %add3A_891 = arith.addi %mul3A_320, %add3A_890 : i32
        %swap3A_892 = arith.constant 3 : i32
        %swap3A_893 = arith.index_cast %swap3A_892 : i32 to index
        %swap3A_894 = arith.index_cast %add3A_891 : i32 to index
        %swap3A_895 = arith.constant 64 : index
        %swap3A_896 = tpu.vector_load %arg6[%swap3A_893, %swap3A_894, %swap3A_895] {strides = array<i32>} : memref<5x128x128xf32, #tpu.memory_space<vmem>>, vector<1x1x16xf32>,
        %swap3A_897 = vector.shape_cast %swap3A_896 : vector<1x1x16xf32> to vector<16xf32>
        %swap3A_898 = vector.shape_cast %mul3A_889 : vector<16xf32> to vector<1x1x16xf32>
        tpu.vector_store %arg6[%swap3A_893, %swap3A_894, %swap3A_895], %swap3A_898 {strides = array<i32>} : memref<5x128x128xf32, #tpu.memory_space<vmem>>, vector<1x1x16xf32>,
        %add3A_899 = arith.constant 3 : i32
        %add3A_900 = arith.addi %mul3A_320, %add3A_899 : i32
        %get3A_901 = arith.constant 3 : i32
        %get3A_902 = arith.index_cast %get3A_901 : i32 to index
        %get3A_903 = arith.index_cast %add3A_900 : i32 to index
        %get3A_904 = arith.constant 80 : index
        %get3A_905 = tpu.vector_load %arg6[%get3A_902, %get3A_903, %get3A_904] {strides = array<i32>} : memref<5x128x128xf32, #tpu.memory_space<vmem>>, vector<1x1x16xf32>,
        %get3A_906 = vector.shape_cast %get3A_905 : vector<1x1x16xf32> to vector<16xf32>
        %mul3A_907 = arith.constant 11.3137083 : f32
        %mul3A_908 = vector.broadcast %mul3A_907 : f32 to vector<16xf32>
        %mul3A_909 = arith.mulf %get3A_906, %mul3A_908 : vector<16xf32>
        %add3A_910 = arith.constant 3 : i32
        %add3A_911 = arith.addi %mul3A_320, %add3A_910 : i32
        %swap3A_912 = arith.constant 3 : i32
        %swap3A_913 = arith.index_cast %swap3A_912 : i32 to index
        %swap3A_914 = arith.index_cast %add3A_911 : i32 to index
        %swap3A_915 = arith.constant 80 : index
        %swap3A_916 = tpu.vector_load %arg6[%swap3A_913, %swap3A_914, %swap3A_915] {strides = array<i32>} : memref<5x128x128xf32, #tpu.memory_space<vmem>>, vector<1x1x16xf32>,
        %swap3A_917 = vector.shape_cast %swap3A_916 : vector<1x1x16xf32> to vector<16xf32>
        %swap3A_918 = vector.shape_cast %mul3A_909 : vector<16xf32> to vector<1x1x16xf32>
        tpu.vector_store %arg6[%swap3A_913, %swap3A_914, %swap3A_915], %swap3A_918 {strides = array<i32>} : memref<5x128x128xf32, #tpu.memory_space<vmem>>, vector<1x1x16xf32>,
        %add3A_919 = arith.constant 3 : i32
        %add3A_920 = arith.addi %mul3A_320, %add3A_919 : i32
        %get3A_921 = arith.constant 3 : i32
        %get3A_922 = arith.index_cast %get3A_921 : i32 to index
        %get3A_923 = arith.index_cast %add3A_920 : i32 to index
        %get3A_924 = arith.constant 96 : index
        %get3A_925 = tpu.vector_load %arg6[%get3A_922, %get3A_923, %get3A_924] {strides = array<i32>} : memref<5x128x128xf32, #tpu.memory_space<vmem>>, vector<1x1x16xf32>,
        %get3A_926 = vector.shape_cast %get3A_925 : vector<1x1x16xf32> to vector<16xf32>
        %mul3A_927 = arith.constant 11.3137083 : f32
        %mul3A_928 = vector.broadcast %mul3A_927 : f32 to vector<16xf32>
        %mul3A_929 = arith.mulf %get3A_926, %mul3A_928 : vector<16xf32>
        %add3A_930 = arith.constant 3 : i32
        %add3A_931 = arith.addi %mul3A_320, %add3A_930 : i32
        %swap3A_932 = arith.constant 3 : i32
        %swap3A_933 = arith.index_cast %swap3A_932 : i32 to index
        %swap3A_934 = arith.index_cast %add3A_931 : i32 to index
        %swap3A_935 = arith.constant 96 : index
        %swap3A_936 = tpu.vector_load %arg6[%swap3A_933, %swap3A_934, %swap3A_935] {strides = array<i32>} : memref<5x128x128xf32, #tpu.memory_space<vmem>>, vector<1x1x16xf32>,
        %swap3A_937 = vector.shape_cast %swap3A_936 : vector<1x1x16xf32> to vector<16xf32>
        %swap3A_938 = vector.shape_cast %mul3A_929 : vector<16xf32> to vector<1x1x16xf32>
        tpu.vector_store %arg6[%swap3A_933, %swap3A_934, %swap3A_935], %swap3A_938 {strides = array<i32>} : memref<5x128x128xf32, #tpu.memory_space<vmem>>, vector<1x1x16xf32>,
        %add3A_939 = arith.constant 3 : i32
        %add3A_940 = arith.addi %mul3A_320, %add3A_939 : i32
        %get3A_941 = arith.constant 3 : i32
        %get3A_942 = arith.index_cast %get3A_941 : i32 to index
        %get3A_943 = arith.index_cast %add3A_940 : i32 to index
        %get3A_944 = arith.constant 112 : index
        %get3A_945 = tpu.vector_load %arg6[%get3A_942, %get3A_943, %get3A_944] {strides = array<i32>} : memref<5x128x128xf32, #tpu.memory_space<vmem>>, vector<1x1x16xf32>,
        %get3A_946 = vector.shape_cast %get3A_945 : vector<1x1x16xf32> to vector<16xf32>
        %mul3A_947 = arith.constant 11.3137083 : f32
        %mul3A_948 = vector.broadcast %mul3A_947 : f32 to vector<16xf32>
        %mul3A_949 = arith.mulf %get3A_946, %mul3A_948 : vector<16xf32>
        %add3A_950 = arith.constant 3 : i32
        %add3A_951 = arith.addi %mul3A_320, %add3A_950 : i32
        %swap3A_952 = arith.constant 3 : i32
        %swap3A_953 = arith.index_cast %swap3A_952 : i32 to index
        %swap3A_954 = arith.index_cast %add3A_951 : i32 to index
        %swap3A_955 = arith.constant 112 : index
        %swap3A_956 = tpu.vector_load %arg6[%swap3A_953, %swap3A_954, %swap3A_955] {strides = array<i32>} : memref<5x128x128xf32, #tpu.memory_space<vmem>>, vector<1x1x16xf32>,
        %swap3A_957 = vector.shape_cast %swap3A_956 : vector<1x1x16xf32> to vector<16xf32>
        %swap3A_958 = vector.shape_cast %mul3A_949 : vector<16xf32> to vector<1x1x16xf32>
        tpu.vector_store %arg6[%swap3A_953, %swap3A_954, %swap3A_955], %swap3A_958 {strides = array<i32>} : memref<5x128x128xf32, #tpu.memory_space<vmem>>, vector<1x1x16xf32>,
      }
      %scan3A_254 = arith.constant 32 : i32
      %mul3A_255 = arith.constant 128 : i32
      %mul3A_256 = arith.muli %add3A_235, %mul3A_255 : i32
      %add3A_257 = arith.addi %mul3A_4, %mul3A_256 : i32
      %dma_start3A_258 = arith.constant 3 : i32
      %dma_start3A_259 = arith.constant 0 : i32
      %dma_start3A_260 = arith.constant 0 : i32
      %dma_start3A_261 = tpu.memref_slice %arg6[%dma_start3A_258, %dma_start3A_259, %dma_start3A_260] : memref<5x128x128xf32, #tpu.memory_space<vmem>> -> memref<1x128x128xf32, #tpu.memory_space<vmem>>
      %dma_start3A_262 = tpu.memref_squeeze %dma_start3A_261 : memref<1x128x128xf32, #tpu.memory_space<vmem>> -> memref<128x128xf32, #tpu.memory_space<vmem>>
      %dma_start3A_263 = arith.constant 0 : i32
      %dma_start3A_264 = tpu.memref_slice %arg4[%add3A_257, %dma_start3A_263] : memref<819200x128xf32, #tpu.memory_space<hbm>> -> memref<128x128xf32, #tpu.memory_space<hbm>>
      %dma_start3A_265 = arith.constant 0 : i32
      %dma_start3A_266 = tpu.memref_slice %arg4[%add3A_257, %dma_start3A_265] : memref<819200x128xf32, #tpu.memory_space<hbm>> -> memref<128x128xf32, #tpu.memory_space<hbm>>
      %dma_start3A_267 = arith.constant 0 : i32
      %dma_start3A_268 = arith.constant 0 : i32
      %dma_start3A_269 = tpu.memref_slice %arg6[%dma_start3A_258, %dma_start3A_267, %dma_start3A_268] : memref<5x128x128xf32, #tpu.memory_space<vmem>> -> memref<1x128x128xf32, #tpu.memory_space<vmem>>
      %dma_start3A_270 = tpu.memref_squeeze %dma_start3A_269 : memref<1x128x128xf32, #tpu.memory_space<vmem>> -> memref<128x128xf32, #tpu.memory_space<vmem>>
      tpu.enqueue_dma source(%dma_start3A_270 : memref<128x128xf32, #tpu.memory_space<vmem>>) target(%dma_start3A_266 : memref<128x128xf32, #tpu.memory_space<hbm>>) target_semaphore(%arg15 : memref<!tpu.dma_semaphore, #tpu.memory_space<semaphore_mem>>)
      %lt3A_271 = arith.constant 200 : i32
      %lt3A_272 = arith.cmpi slt, %add3A_237, %lt3A_271 : i32
      %convert_element_type3A_273 = arith.extui %lt3A_272 : i1 to i32
      %cond3A_274 = arith.constant 0 : i32
      %cond3A_275 = arith.cmpi ne, %convert_element_type3A_273, %cond3A_274 : i32
      scf.if %cond3A_275 {
        %ge3A = arith.constant 5 : i32
        %ge3A_318 = arith.cmpi sge, %add3A_237, %ge3A : i32
        %convert_element_type3A_319 = arith.extui %ge3A_318 : i1 to i32
        %cond3A_320 = arith.constant 0 : i32
        %cond3A_321 = arith.cmpi ne, %convert_element_type3A_319, %cond3A_320 : i32
        scf.if %cond3A_321 {
          %dma_wait3A_333 = arith.constant 1 : i32
          %dma_wait3A_334 = arith.constant 0 : i32
          %dma_wait3A_335 = arith.constant 0 : i32
          %dma_wait3A_336 = tpu.memref_slice %arg6[%dma_wait3A_333, %dma_wait3A_334, %dma_wait3A_335] : memref<5x128x128xf32, #tpu.memory_space<vmem>> -> memref<1x128x128xf32, #tpu.memory_space<vmem>>
          %dma_wait3A_337 = tpu.memref_squeeze %dma_wait3A_336 : memref<1x128x128xf32, #tpu.memory_space<vmem>> -> memref<128x128xf32, #tpu.memory_space<vmem>>
          %dma_wait3A_338 = arith.constant 0 : i32
          %dma_wait3A_339 = tpu.memref_slice %arg4[%mul3A_4, %dma_wait3A_338] : memref<819200x128xf32, #tpu.memory_space<hbm>> -> memref<128x128xf32, #tpu.memory_space<hbm>>
          %dma_wait3A_340 = arith.constant 0 : i32
          %dma_wait3A_341 = tpu.memref_slice %arg4[%mul3A_4, %dma_wait3A_340] : memref<819200x128xf32, #tpu.memory_space<hbm>> -> memref<128x128xf32, #tpu.memory_space<hbm>>
          %dma_wait3A_342 = arith.constant 0 : i32
          %dma_wait3A_343 = arith.constant 0 : i32
          %dma_wait3A_344 = tpu.memref_slice %arg6[%dma_wait3A_333, %dma_wait3A_342, %dma_wait3A_343] : memref<5x128x128xf32, #tpu.memory_space<vmem>> -> memref<1x128x128xf32, #tpu.memory_space<vmem>>
          %dma_wait3A_345 = tpu.memref_squeeze %dma_wait3A_344 : memref<1x128x128xf32, #tpu.memory_space<vmem>> -> memref<128x128xf32, #tpu.memory_space<vmem>>
          tpu.wait_dma2 semaphore(%arg13 : memref<!tpu.dma_semaphore, #tpu.memory_space<semaphore_mem>>) src(%dma_wait3A_345 : memref<128x128xf32, #tpu.memory_space<vmem>>) dst(%dma_wait3A_341 : memref<128x128xf32, #tpu.memory_space<hbm>>)
        } else {
        }
        %dma_start3A_322 = arith.constant 1 : i32
        %dma_start3A_323 = arith.constant 0 : i32
        %dma_start3A_324 = arith.constant 0 : i32
        %dma_start3A_325 = tpu.memref_slice %arg6[%dma_start3A_322, %dma_start3A_323, %dma_start3A_324] : memref<5x128x128xf32, #tpu.memory_space<vmem>> -> memref<1x128x128xf32, #tpu.memory_space<vmem>>
        %dma_start3A_326 = tpu.memref_squeeze %dma_start3A_325 : memref<1x128x128xf32, #tpu.memory_space<vmem>> -> memref<128x128xf32, #tpu.memory_space<vmem>>
        %dma_start3A_327 = arith.constant 0 : i32
        %dma_start3A_328 = tpu.memref_slice %arg5[%add3A_237, %dma_start3A_327] : memref<200x128xi32, #tpu.memory_space<vmem>> -> memref<1x128xi32, #tpu.memory_space<vmem>>
        %dma_start3A_329 = tpu.memref_squeeze %dma_start3A_328 : memref<1x128xi32, #tpu.memory_space<vmem>> -> memref<128xi32, #tpu.memory_space<vmem>>
        %dma_start3A_330 = arith.constant 0 : i32
        %dma_start3A_331 = arith.constant 0 : i32
        %dma_start3A_332 = tpu.memref_slice %arg3[%dma_start3A_330, %dma_start3A_331] : memref<100000x128xf32, #tpu.memory_space<hbm>> -> memref<100000x128xf32, #tpu.memory_space<hbm>>
        tpu.enqueue_indirect_dma source(%dma_start3A_332 : memref<100000x128xf32, #tpu.memory_space<hbm>>) target(%dma_start3A_326 : memref<128x128xf32, #tpu.memory_space<vmem>>) offsets(%dma_start3A_329 : memref<128xi32, #tpu.memory_space<vmem>>) semaphore(%arg8 : memref<!tpu.dma_semaphore, #tpu.memory_space<semaphore_mem>>)
      } else {
      }
      %add3A_276 = arith.constant 4 : i32
      %add3A_277 = arith.addi %mul3A_110, %add3A_276 : i32
      %add3A_278 = arith.constant 3 : i32
      %add3A_279 = arith.addi %add3A_277, %add3A_278 : i32
      %dma_wait3A_280 = arith.constant 0 : i32
      %dma_wait3A_281 = arith.constant 4 : i32
      %dma_wait3A_282 = arith.constant 0 : i32
      %dma_wait3A_283 = arith.constant 0 : i32
      %dma_wait3A_284 = tpu.memref_slice %arg6[%dma_wait3A_281, %dma_wait3A_282, %dma_wait3A_283] : memref<5x128x128xf32, #tpu.memory_space<vmem>> -> memref<1x128x128xf32, #tpu.memory_space<vmem>>
      %dma_wait3A_285 = tpu.memref_squeeze %dma_wait3A_284 : memref<1x128x128xf32, #tpu.memory_space<vmem>> -> memref<128x128xf32, #tpu.memory_space<vmem>>
      %dma_wait3A_286 = arith.constant 0 : i32
      %dma_wait3A_287 = tpu.memref_slice %arg5[%dma_wait3A_280, %dma_wait3A_286] : memref<200x128xi32, #tpu.memory_space<vmem>> -> memref<1x128xi32, #tpu.memory_space<vmem>>
      %dma_wait3A_288 = tpu.memref_squeeze %dma_wait3A_287 : memref<1x128xi32, #tpu.memory_space<vmem>> -> memref<128xi32, #tpu.memory_space<vmem>>
      %dma_wait3A_289 = arith.constant 0 : i32
      %dma_wait3A_290 = arith.constant 0 : i32
      %dma_wait3A_291 = tpu.memref_slice %arg3[%dma_wait3A_289, %dma_wait3A_290] : memref<100000x128xf32, #tpu.memory_space<hbm>> -> memref<100000x128xf32, #tpu.memory_space<hbm>>
      tpu.wait_indirect_dma semaphore(%arg11 : memref<!tpu.dma_semaphore, #tpu.memory_space<semaphore_mem>>) src(%dma_wait3A_291 : memref<100000x128xf32, #tpu.memory_space<hbm>>) dst(%dma_wait3A_285 : memref<128x128xf32, #tpu.memory_space<vmem>>)
      %scan3A_292 = arith.constant 0 : i32
      %scan3A_293 = arith.constant 32 : i32
      %scan3A_294 = arith.addi %scan3A_292, %scan3A_293 : i32
      %scan3A_295 = arith.constant 1 : i32
      scf.for %scan3A_318 = %scan3A_292 to %scan3A_294 step %scan3A_295  : i32 {
        %mul3A_319 = arith.constant 4 : i32
        %mul3A_320 = arith.muli %scan3A_318, %mul3A_319 : i32
        %add3A_321 = arith.constant 0 : i32
        %add3A_322 = arith.addi %mul3A_320, %add3A_321 : i32
        %get3A = arith.constant 4 : i32
        %get3A_323 = arith.index_cast %get3A : i32 to index
        %get3A_324 = arith.index_cast %add3A_322 : i32 to index
        %get3A_325 = arith.constant 0 : index
        %get3A_326 = tpu.vector_load %arg6[%get3A_323, %get3A_324, %get3A_325] {strides = array<i32>} : memref<5x128x128xf32, #tpu.memory_space<vmem>>, vector<1x1x16xf32>,
        %get3A_327 = vector.shape_cast %get3A_326 : vector<1x1x16xf32> to vector<16xf32>
        %mul3A_328 = arith.constant 11.3137083 : f32
        %mul3A_329 = vector.broadcast %mul3A_328 : f32 to vector<16xf32>
        %mul3A_330 = arith.mulf %get3A_327, %mul3A_329 : vector<16xf32>
        %add3A_331 = arith.constant 0 : i32
        %add3A_332 = arith.addi %mul3A_320, %add3A_331 : i32
        %swap3A = arith.constant 4 : i32
        %swap3A_333 = arith.index_cast %swap3A : i32 to index
        %swap3A_334 = arith.index_cast %add3A_332 : i32 to index
        %swap3A_335 = arith.constant 0 : index
        %swap3A_336 = tpu.vector_load %arg6[%swap3A_333, %swap3A_334, %swap3A_335] {strides = array<i32>} : memref<5x128x128xf32, #tpu.memory_space<vmem>>, vector<1x1x16xf32>,
        %swap3A_337 = vector.shape_cast %swap3A_336 : vector<1x1x16xf32> to vector<16xf32>
        %swap3A_338 = vector.shape_cast %mul3A_330 : vector<16xf32> to vector<1x1x16xf32>
        tpu.vector_store %arg6[%swap3A_333, %swap3A_334, %swap3A_335], %swap3A_338 {strides = array<i32>} : memref<5x128x128xf32, #tpu.memory_space<vmem>>, vector<1x1x16xf32>,
        %add3A_339 = arith.constant 0 : i32
        %add3A_340 = arith.addi %mul3A_320, %add3A_339 : i32
        %get3A_341 = arith.constant 4 : i32
        %get3A_342 = arith.index_cast %get3A_341 : i32 to index
        %get3A_343 = arith.index_cast %add3A_340 : i32 to index
        %get3A_344 = arith.constant 16 : index
        %get3A_345 = tpu.vector_load %arg6[%get3A_342, %get3A_343, %get3A_344] {strides = array<i32>} : memref<5x128x128xf32, #tpu.memory_space<vmem>>, vector<1x1x16xf32>,
        %get3A_346 = vector.shape_cast %get3A_345 : vector<1x1x16xf32> to vector<16xf32>
        %mul3A_347 = arith.constant 11.3137083 : f32
        %mul3A_348 = vector.broadcast %mul3A_347 : f32 to vector<16xf32>
        %mul3A_349 = arith.mulf %get3A_346, %mul3A_348 : vector<16xf32>
        %add3A_350 = arith.constant 0 : i32
        %add3A_351 = arith.addi %mul3A_320, %add3A_350 : i32
        %swap3A_352 = arith.constant 4 : i32
        %swap3A_353 = arith.index_cast %swap3A_352 : i32 to index
        %swap3A_354 = arith.index_cast %add3A_351 : i32 to index
        %swap3A_355 = arith.constant 16 : index
        %swap3A_356 = tpu.vector_load %arg6[%swap3A_353, %swap3A_354, %swap3A_355] {strides = array<i32>} : memref<5x128x128xf32, #tpu.memory_space<vmem>>, vector<1x1x16xf32>,
        %swap3A_357 = vector.shape_cast %swap3A_356 : vector<1x1x16xf32> to vector<16xf32>
        %swap3A_358 = vector.shape_cast %mul3A_349 : vector<16xf32> to vector<1x1x16xf32>
        tpu.vector_store %arg6[%swap3A_353, %swap3A_354, %swap3A_355], %swap3A_358 {strides = array<i32>} : memref<5x128x128xf32, #tpu.memory_space<vmem>>, vector<1x1x16xf32>,
        %add3A_359 = arith.constant 0 : i32
        %add3A_360 = arith.addi %mul3A_320, %add3A_359 : i32
        %get3A_361 = arith.constant 4 : i32
        %get3A_362 = arith.index_cast %get3A_361 : i32 to index
        %get3A_363 = arith.index_cast %add3A_360 : i32 to index
        %get3A_364 = arith.constant 32 : index
        %get3A_365 = tpu.vector_load %arg6[%get3A_362, %get3A_363, %get3A_364] {strides = array<i32>} : memref<5x128x128xf32, #tpu.memory_space<vmem>>, vector<1x1x16xf32>,
        %get3A_366 = vector.shape_cast %get3A_365 : vector<1x1x16xf32> to vector<16xf32>
        %mul3A_367 = arith.constant 11.3137083 : f32
        %mul3A_368 = vector.broadcast %mul3A_367 : f32 to vector<16xf32>
        %mul3A_369 = arith.mulf %get3A_366, %mul3A_368 : vector<16xf32>
        %add3A_370 = arith.constant 0 : i32
        %add3A_371 = arith.addi %mul3A_320, %add3A_370 : i32
        %swap3A_372 = arith.constant 4 : i32
        %swap3A_373 = arith.index_cast %swap3A_372 : i32 to index
        %swap3A_374 = arith.index_cast %add3A_371 : i32 to index
        %swap3A_375 = arith.constant 32 : index
        %swap3A_376 = tpu.vector_load %arg6[%swap3A_373, %swap3A_374, %swap3A_375] {strides = array<i32>} : memref<5x128x128xf32, #tpu.memory_space<vmem>>, vector<1x1x16xf32>,
        %swap3A_377 = vector.shape_cast %swap3A_376 : vector<1x1x16xf32> to vector<16xf32>
        %swap3A_378 = vector.shape_cast %mul3A_369 : vector<16xf32> to vector<1x1x16xf32>
        tpu.vector_store %arg6[%swap3A_373, %swap3A_374, %swap3A_375], %swap3A_378 {strides = array<i32>} : memref<5x128x128xf32, #tpu.memory_space<vmem>>, vector<1x1x16xf32>,
        %add3A_379 = arith.constant 0 : i32
        %add3A_380 = arith.addi %mul3A_320, %add3A_379 : i32
        %get3A_381 = arith.constant 4 : i32
        %get3A_382 = arith.index_cast %get3A_381 : i32 to index
        %get3A_383 = arith.index_cast %add3A_380 : i32 to index
        %get3A_384 = arith.constant 48 : index
        %get3A_385 = tpu.vector_load %arg6[%get3A_382, %get3A_383, %get3A_384] {strides = array<i32>} : memref<5x128x128xf32, #tpu.memory_space<vmem>>, vector<1x1x16xf32>,
        %get3A_386 = vector.shape_cast %get3A_385 : vector<1x1x16xf32> to vector<16xf32>
        %mul3A_387 = arith.constant 11.3137083 : f32
        %mul3A_388 = vector.broadcast %mul3A_387 : f32 to vector<16xf32>
        %mul3A_389 = arith.mulf %get3A_386, %mul3A_388 : vector<16xf32>
        %add3A_390 = arith.constant 0 : i32
        %add3A_391 = arith.addi %mul3A_320, %add3A_390 : i32
        %swap3A_392 = arith.constant 4 : i32
        %swap3A_393 = arith.index_cast %swap3A_392 : i32 to index
        %swap3A_394 = arith.index_cast %add3A_391 : i32 to index
        %swap3A_395 = arith.constant 48 : index
        %swap3A_396 = tpu.vector_load %arg6[%swap3A_393, %swap3A_394, %swap3A_395] {strides = array<i32>} : memref<5x128x128xf32, #tpu.memory_space<vmem>>, vector<1x1x16xf32>,
        %swap3A_397 = vector.shape_cast %swap3A_396 : vector<1x1x16xf32> to vector<16xf32>
        %swap3A_398 = vector.shape_cast %mul3A_389 : vector<16xf32> to vector<1x1x16xf32>
        tpu.vector_store %arg6[%swap3A_393, %swap3A_394, %swap3A_395], %swap3A_398 {strides = array<i32>} : memref<5x128x128xf32, #tpu.memory_space<vmem>>, vector<1x1x16xf32>,
        %add3A_399 = arith.constant 0 : i32
        %add3A_400 = arith.addi %mul3A_320, %add3A_399 : i32
        %get3A_401 = arith.constant 4 : i32
        %get3A_402 = arith.index_cast %get3A_401 : i32 to index
        %get3A_403 = arith.index_cast %add3A_400 : i32 to index
        %get3A_404 = arith.constant 64 : index
        %get3A_405 = tpu.vector_load %arg6[%get3A_402, %get3A_403, %get3A_404] {strides = array<i32>} : memref<5x128x128xf32, #tpu.memory_space<vmem>>, vector<1x1x16xf32>,
        %get3A_406 = vector.shape_cast %get3A_405 : vector<1x1x16xf32> to vector<16xf32>
        %mul3A_407 = arith.constant 11.3137083 : f32
        %mul3A_408 = vector.broadcast %mul3A_407 : f32 to vector<16xf32>
        %mul3A_409 = arith.mulf %get3A_406, %mul3A_408 : vector<16xf32>
        %add3A_410 = arith.constant 0 : i32
        %add3A_411 = arith.addi %mul3A_320, %add3A_410 : i32
        %swap3A_412 = arith.constant 4 : i32
        %swap3A_413 = arith.index_cast %swap3A_412 : i32 to index
        %swap3A_414 = arith.index_cast %add3A_411 : i32 to index
        %swap3A_415 = arith.constant 64 : index
        %swap3A_416 = tpu.vector_load %arg6[%swap3A_413, %swap3A_414, %swap3A_415] {strides = array<i32>} : memref<5x128x128xf32, #tpu.memory_space<vmem>>, vector<1x1x16xf32>,
        %swap3A_417 = vector.shape_cast %swap3A_416 : vector<1x1x16xf32> to vector<16xf32>
        %swap3A_418 = vector.shape_cast %mul3A_409 : vector<16xf32> to vector<1x1x16xf32>
        tpu.vector_store %arg6[%swap3A_413, %swap3A_414, %swap3A_415], %swap3A_418 {strides = array<i32>} : memref<5x128x128xf32, #tpu.memory_space<vmem>>, vector<1x1x16xf32>,
        %add3A_419 = arith.constant 0 : i32
        %add3A_420 = arith.addi %mul3A_320, %add3A_419 : i32
        %get3A_421 = arith.constant 4 : i32
        %get3A_422 = arith.index_cast %get3A_421 : i32 to index
        %get3A_423 = arith.index_cast %add3A_420 : i32 to index
        %get3A_424 = arith.constant 80 : index
        %get3A_425 = tpu.vector_load %arg6[%get3A_422, %get3A_423, %get3A_424] {strides = array<i32>} : memref<5x128x128xf32, #tpu.memory_space<vmem>>, vector<1x1x16xf32>,
        %get3A_426 = vector.shape_cast %get3A_425 : vector<1x1x16xf32> to vector<16xf32>
        %mul3A_427 = arith.constant 11.3137083 : f32
        %mul3A_428 = vector.broadcast %mul3A_427 : f32 to vector<16xf32>
        %mul3A_429 = arith.mulf %get3A_426, %mul3A_428 : vector<16xf32>
        %add3A_430 = arith.constant 0 : i32
        %add3A_431 = arith.addi %mul3A_320, %add3A_430 : i32
        %swap3A_432 = arith.constant 4 : i32
        %swap3A_433 = arith.index_cast %swap3A_432 : i32 to index
        %swap3A_434 = arith.index_cast %add3A_431 : i32 to index
        %swap3A_435 = arith.constant 80 : index
        %swap3A_436 = tpu.vector_load %arg6[%swap3A_433, %swap3A_434, %swap3A_435] {strides = array<i32>} : memref<5x128x128xf32, #tpu.memory_space<vmem>>, vector<1x1x16xf32>,
        %swap3A_437 = vector.shape_cast %swap3A_436 : vector<1x1x16xf32> to vector<16xf32>
        %swap3A_438 = vector.shape_cast %mul3A_429 : vector<16xf32> to vector<1x1x16xf32>
        tpu.vector_store %arg6[%swap3A_433, %swap3A_434, %swap3A_435], %swap3A_438 {strides = array<i32>} : memref<5x128x128xf32, #tpu.memory_space<vmem>>, vector<1x1x16xf32>,
        %add3A_439 = arith.constant 0 : i32
        %add3A_440 = arith.addi %mul3A_320, %add3A_439 : i32
        %get3A_441 = arith.constant 4 : i32
        %get3A_442 = arith.index_cast %get3A_441 : i32 to index
        %get3A_443 = arith.index_cast %add3A_440 : i32 to index
        %get3A_444 = arith.constant 96 : index
        %get3A_445 = tpu.vector_load %arg6[%get3A_442, %get3A_443, %get3A_444] {strides = array<i32>} : memref<5x128x128xf32, #tpu.memory_space<vmem>>, vector<1x1x16xf32>,
        %get3A_446 = vector.shape_cast %get3A_445 : vector<1x1x16xf32> to vector<16xf32>
        %mul3A_447 = arith.constant 11.3137083 : f32
        %mul3A_448 = vector.broadcast %mul3A_447 : f32 to vector<16xf32>
        %mul3A_449 = arith.mulf %get3A_446, %mul3A_448 : vector<16xf32>
        %add3A_450 = arith.constant 0 : i32
        %add3A_451 = arith.addi %mul3A_320, %add3A_450 : i32
        %swap3A_452 = arith.constant 4 : i32
        %swap3A_453 = arith.index_cast %swap3A_452 : i32 to index
        %swap3A_454 = arith.index_cast %add3A_451 : i32 to index
        %swap3A_455 = arith.constant 96 : index
        %swap3A_456 = tpu.vector_load %arg6[%swap3A_453, %swap3A_454, %swap3A_455] {strides = array<i32>} : memref<5x128x128xf32, #tpu.memory_space<vmem>>, vector<1x1x16xf32>,
        %swap3A_457 = vector.shape_cast %swap3A_456 : vector<1x1x16xf32> to vector<16xf32>
        %swap3A_458 = vector.shape_cast %mul3A_449 : vector<16xf32> to vector<1x1x16xf32>
        tpu.vector_store %arg6[%swap3A_453, %swap3A_454, %swap3A_455], %swap3A_458 {strides = array<i32>} : memref<5x128x128xf32, #tpu.memory_space<vmem>>, vector<1x1x16xf32>,
        %add3A_459 = arith.constant 0 : i32
        %add3A_460 = arith.addi %mul3A_320, %add3A_459 : i32
        %get3A_461 = arith.constant 4 : i32
        %get3A_462 = arith.index_cast %get3A_461 : i32 to index
        %get3A_463 = arith.index_cast %add3A_460 : i32 to index
        %get3A_464 = arith.constant 112 : index
        %get3A_465 = tpu.vector_load %arg6[%get3A_462, %get3A_463, %get3A_464] {strides = array<i32>} : memref<5x128x128xf32, #tpu.memory_space<vmem>>, vector<1x1x16xf32>,
        %get3A_466 = vector.shape_cast %get3A_465 : vector<1x1x16xf32> to vector<16xf32>
        %mul3A_467 = arith.constant 11.3137083 : f32
        %mul3A_468 = vector.broadcast %mul3A_467 : f32 to vector<16xf32>
        %mul3A_469 = arith.mulf %get3A_466, %mul3A_468 : vector<16xf32>
        %add3A_470 = arith.constant 0 : i32
        %add3A_471 = arith.addi %mul3A_320, %add3A_470 : i32
        %swap3A_472 = arith.constant 4 : i32
        %swap3A_473 = arith.index_cast %swap3A_472 : i32 to index
        %swap3A_474 = arith.index_cast %add3A_471 : i32 to index
        %swap3A_475 = arith.constant 112 : index
        %swap3A_476 = tpu.vector_load %arg6[%swap3A_473, %swap3A_474, %swap3A_475] {strides = array<i32>} : memref<5x128x128xf32, #tpu.memory_space<vmem>>, vector<1x1x16xf32>,
        %swap3A_477 = vector.shape_cast %swap3A_476 : vector<1x1x16xf32> to vector<16xf32>
        %swap3A_478 = vector.shape_cast %mul3A_469 : vector<16xf32> to vector<1x1x16xf32>
        tpu.vector_store %arg6[%swap3A_473, %swap3A_474, %swap3A_475], %swap3A_478 {strides = array<i32>} : memref<5x128x128xf32, #tpu.memory_space<vmem>>, vector<1x1x16xf32>,
        %add3A_479 = arith.constant 1 : i32
        %add3A_480 = arith.addi %mul3A_320, %add3A_479 : i32
        %get3A_481 = arith.constant 4 : i32
        %get3A_482 = arith.index_cast %get3A_481 : i32 to index
        %get3A_483 = arith.index_cast %add3A_480 : i32 to index
        %get3A_484 = arith.constant 0 : index
        %get3A_485 = tpu.vector_load %arg6[%get3A_482, %get3A_483, %get3A_484] {strides = array<i32>} : memref<5x128x128xf32, #tpu.memory_space<vmem>>, vector<1x1x16xf32>,
        %get3A_486 = vector.shape_cast %get3A_485 : vector<1x1x16xf32> to vector<16xf32>
        %mul3A_487 = arith.constant 11.3137083 : f32
        %mul3A_488 = vector.broadcast %mul3A_487 : f32 to vector<16xf32>
        %mul3A_489 = arith.mulf %get3A_486, %mul3A_488 : vector<16xf32>
        %add3A_490 = arith.constant 1 : i32
        %add3A_491 = arith.addi %mul3A_320, %add3A_490 : i32
        %swap3A_492 = arith.constant 4 : i32
        %swap3A_493 = arith.index_cast %swap3A_492 : i32 to index
        %swap3A_494 = arith.index_cast %add3A_491 : i32 to index
        %swap3A_495 = arith.constant 0 : index
        %swap3A_496 = tpu.vector_load %arg6[%swap3A_493, %swap3A_494, %swap3A_495] {strides = array<i32>} : memref<5x128x128xf32, #tpu.memory_space<vmem>>, vector<1x1x16xf32>,
        %swap3A_497 = vector.shape_cast %swap3A_496 : vector<1x1x16xf32> to vector<16xf32>
        %swap3A_498 = vector.shape_cast %mul3A_489 : vector<16xf32> to vector<1x1x16xf32>
        tpu.vector_store %arg6[%swap3A_493, %swap3A_494, %swap3A_495], %swap3A_498 {strides = array<i32>} : memref<5x128x128xf32, #tpu.memory_space<vmem>>, vector<1x1x16xf32>,
        %add3A_499 = arith.constant 1 : i32
        %add3A_500 = arith.addi %mul3A_320, %add3A_499 : i32
        %get3A_501 = arith.constant 4 : i32
        %get3A_502 = arith.index_cast %get3A_501 : i32 to index
        %get3A_503 = arith.index_cast %add3A_500 : i32 to index
        %get3A_504 = arith.constant 16 : index
        %get3A_505 = tpu.vector_load %arg6[%get3A_502, %get3A_503, %get3A_504] {strides = array<i32>} : memref<5x128x128xf32, #tpu.memory_space<vmem>>, vector<1x1x16xf32>,
        %get3A_506 = vector.shape_cast %get3A_505 : vector<1x1x16xf32> to vector<16xf32>
        %mul3A_507 = arith.constant 11.3137083 : f32
        %mul3A_508 = vector.broadcast %mul3A_507 : f32 to vector<16xf32>
        %mul3A_509 = arith.mulf %get3A_506, %mul3A_508 : vector<16xf32>
        %add3A_510 = arith.constant 1 : i32
        %add3A_511 = arith.addi %mul3A_320, %add3A_510 : i32
        %swap3A_512 = arith.constant 4 : i32
        %swap3A_513 = arith.index_cast %swap3A_512 : i32 to index
        %swap3A_514 = arith.index_cast %add3A_511 : i32 to index
        %swap3A_515 = arith.constant 16 : index
        %swap3A_516 = tpu.vector_load %arg6[%swap3A_513, %swap3A_514, %swap3A_515] {strides = array<i32>} : memref<5x128x128xf32, #tpu.memory_space<vmem>>, vector<1x1x16xf32>,
        %swap3A_517 = vector.shape_cast %swap3A_516 : vector<1x1x16xf32> to vector<16xf32>
        %swap3A_518 = vector.shape_cast %mul3A_509 : vector<16xf32> to vector<1x1x16xf32>
        tpu.vector_store %arg6[%swap3A_513, %swap3A_514, %swap3A_515], %swap3A_518 {strides = array<i32>} : memref<5x128x128xf32, #tpu.memory_space<vmem>>, vector<1x1x16xf32>,
        %add3A_519 = arith.constant 1 : i32
        %add3A_520 = arith.addi %mul3A_320, %add3A_519 : i32
        %get3A_521 = arith.constant 4 : i32
        %get3A_522 = arith.index_cast %get3A_521 : i32 to index
        %get3A_523 = arith.index_cast %add3A_520 : i32 to index
        %get3A_524 = arith.constant 32 : index
        %get3A_525 = tpu.vector_load %arg6[%get3A_522, %get3A_523, %get3A_524] {strides = array<i32>} : memref<5x128x128xf32, #tpu.memory_space<vmem>>, vector<1x1x16xf32>,
        %get3A_526 = vector.shape_cast %get3A_525 : vector<1x1x16xf32> to vector<16xf32>
        %mul3A_527 = arith.constant 11.3137083 : f32
        %mul3A_528 = vector.broadcast %mul3A_527 : f32 to vector<16xf32>
        %mul3A_529 = arith.mulf %get3A_526, %mul3A_528 : vector<16xf32>
        %add3A_530 = arith.constant 1 : i32
        %add3A_531 = arith.addi %mul3A_320, %add3A_530 : i32
        %swap3A_532 = arith.constant 4 : i32
        %swap3A_533 = arith.index_cast %swap3A_532 : i32 to index
        %swap3A_534 = arith.index_cast %add3A_531 : i32 to index
        %swap3A_535 = arith.constant 32 : index
        %swap3A_536 = tpu.vector_load %arg6[%swap3A_533, %swap3A_534, %swap3A_535] {strides = array<i32>} : memref<5x128x128xf32, #tpu.memory_space<vmem>>, vector<1x1x16xf32>,
        %swap3A_537 = vector.shape_cast %swap3A_536 : vector<1x1x16xf32> to vector<16xf32>
        %swap3A_538 = vector.shape_cast %mul3A_529 : vector<16xf32> to vector<1x1x16xf32>
        tpu.vector_store %arg6[%swap3A_533, %swap3A_534, %swap3A_535], %swap3A_538 {strides = array<i32>} : memref<5x128x128xf32, #tpu.memory_space<vmem>>, vector<1x1x16xf32>,
        %add3A_539 = arith.constant 1 : i32
        %add3A_540 = arith.addi %mul3A_320, %add3A_539 : i32
        %get3A_541 = arith.constant 4 : i32
        %get3A_542 = arith.index_cast %get3A_541 : i32 to index
        %get3A_543 = arith.index_cast %add3A_540 : i32 to index
        %get3A_544 = arith.constant 48 : index
        %get3A_545 = tpu.vector_load %arg6[%get3A_542, %get3A_543, %get3A_544] {strides = array<i32>} : memref<5x128x128xf32, #tpu.memory_space<vmem>>, vector<1x1x16xf32>,
        %get3A_546 = vector.shape_cast %get3A_545 : vector<1x1x16xf32> to vector<16xf32>
        %mul3A_547 = arith.constant 11.3137083 : f32
        %mul3A_548 = vector.broadcast %mul3A_547 : f32 to vector<16xf32>
        %mul3A_549 = arith.mulf %get3A_546, %mul3A_548 : vector<16xf32>
        %add3A_550 = arith.constant 1 : i32
        %add3A_551 = arith.addi %mul3A_320, %add3A_550 : i32
        %swap3A_552 = arith.constant 4 : i32
        %swap3A_553 = arith.index_cast %swap3A_552 : i32 to index
        %swap3A_554 = arith.index_cast %add3A_551 : i32 to index
        %swap3A_555 = arith.constant 48 : index
        %swap3A_556 = tpu.vector_load %arg6[%swap3A_553, %swap3A_554, %swap3A_555] {strides = array<i32>} : memref<5x128x128xf32, #tpu.memory_space<vmem>>, vector<1x1x16xf32>,
        %swap3A_557 = vector.shape_cast %swap3A_556 : vector<1x1x16xf32> to vector<16xf32>
        %swap3A_558 = vector.shape_cast %mul3A_549 : vector<16xf32> to vector<1x1x16xf32>
        tpu.vector_store %arg6[%swap3A_553, %swap3A_554, %swap3A_555], %swap3A_558 {strides = array<i32>} : memref<5x128x128xf32, #tpu.memory_space<vmem>>, vector<1x1x16xf32>,
        %add3A_559 = arith.constant 1 : i32
        %add3A_560 = arith.addi %mul3A_320, %add3A_559 : i32
        %get3A_561 = arith.constant 4 : i32
        %get3A_562 = arith.index_cast %get3A_561 : i32 to index
        %get3A_563 = arith.index_cast %add3A_560 : i32 to index
        %get3A_564 = arith.constant 64 : index
        %get3A_565 = tpu.vector_load %arg6[%get3A_562, %get3A_563, %get3A_564] {strides = array<i32>} : memref<5x128x128xf32, #tpu.memory_space<vmem>>, vector<1x1x16xf32>,
        %get3A_566 = vector.shape_cast %get3A_565 : vector<1x1x16xf32> to vector<16xf32>
        %mul3A_567 = arith.constant 11.3137083 : f32
        %mul3A_568 = vector.broadcast %mul3A_567 : f32 to vector<16xf32>
        %mul3A_569 = arith.mulf %get3A_566, %mul3A_568 : vector<16xf32>
        %add3A_570 = arith.constant 1 : i32
        %add3A_571 = arith.addi %mul3A_320, %add3A_570 : i32
        %swap3A_572 = arith.constant 4 : i32
        %swap3A_573 = arith.index_cast %swap3A_572 : i32 to index
        %swap3A_574 = arith.index_cast %add3A_571 : i32 to index
        %swap3A_575 = arith.constant 64 : index
        %swap3A_576 = tpu.vector_load %arg6[%swap3A_573, %swap3A_574, %swap3A_575] {strides = array<i32>} : memref<5x128x128xf32, #tpu.memory_space<vmem>>, vector<1x1x16xf32>,
        %swap3A_577 = vector.shape_cast %swap3A_576 : vector<1x1x16xf32> to vector<16xf32>
        %swap3A_578 = vector.shape_cast %mul3A_569 : vector<16xf32> to vector<1x1x16xf32>
        tpu.vector_store %arg6[%swap3A_573, %swap3A_574, %swap3A_575], %swap3A_578 {strides = array<i32>} : memref<5x128x128xf32, #tpu.memory_space<vmem>>, vector<1x1x16xf32>,
        %add3A_579 = arith.constant 1 : i32
        %add3A_580 = arith.addi %mul3A_320, %add3A_579 : i32
        %get3A_581 = arith.constant 4 : i32
        %get3A_582 = arith.index_cast %get3A_581 : i32 to index
        %get3A_583 = arith.index_cast %add3A_580 : i32 to index
        %get3A_584 = arith.constant 80 : index
        %get3A_585 = tpu.vector_load %arg6[%get3A_582, %get3A_583, %get3A_584] {strides = array<i32>} : memref<5x128x128xf32, #tpu.memory_space<vmem>>, vector<1x1x16xf32>,
        %get3A_586 = vector.shape_cast %get3A_585 : vector<1x1x16xf32> to vector<16xf32>
        %mul3A_587 = arith.constant 11.3137083 : f32
        %mul3A_588 = vector.broadcast %mul3A_587 : f32 to vector<16xf32>
        %mul3A_589 = arith.mulf %get3A_586, %mul3A_588 : vector<16xf32>
        %add3A_590 = arith.constant 1 : i32
        %add3A_591 = arith.addi %mul3A_320, %add3A_590 : i32
        %swap3A_592 = arith.constant 4 : i32
        %swap3A_593 = arith.index_cast %swap3A_592 : i32 to index
        %swap3A_594 = arith.index_cast %add3A_591 : i32 to index
        %swap3A_595 = arith.constant 80 : index
        %swap3A_596 = tpu.vector_load %arg6[%swap3A_593, %swap3A_594, %swap3A_595] {strides = array<i32>} : memref<5x128x128xf32, #tpu.memory_space<vmem>>, vector<1x1x16xf32>,
        %swap3A_597 = vector.shape_cast %swap3A_596 : vector<1x1x16xf32> to vector<16xf32>
        %swap3A_598 = vector.shape_cast %mul3A_589 : vector<16xf32> to vector<1x1x16xf32>
        tpu.vector_store %arg6[%swap3A_593, %swap3A_594, %swap3A_595], %swap3A_598 {strides = array<i32>} : memref<5x128x128xf32, #tpu.memory_space<vmem>>, vector<1x1x16xf32>,
        %add3A_599 = arith.constant 1 : i32
        %add3A_600 = arith.addi %mul3A_320, %add3A_599 : i32
        %get3A_601 = arith.constant 4 : i32
        %get3A_602 = arith.index_cast %get3A_601 : i32 to index
        %get3A_603 = arith.index_cast %add3A_600 : i32 to index
        %get3A_604 = arith.constant 96 : index
        %get3A_605 = tpu.vector_load %arg6[%get3A_602, %get3A_603, %get3A_604] {strides = array<i32>} : memref<5x128x128xf32, #tpu.memory_space<vmem>>, vector<1x1x16xf32>,
        %get3A_606 = vector.shape_cast %get3A_605 : vector<1x1x16xf32> to vector<16xf32>
        %mul3A_607 = arith.constant 11.3137083 : f32
        %mul3A_608 = vector.broadcast %mul3A_607 : f32 to vector<16xf32>
        %mul3A_609 = arith.mulf %get3A_606, %mul3A_608 : vector<16xf32>
        %add3A_610 = arith.constant 1 : i32
        %add3A_611 = arith.addi %mul3A_320, %add3A_610 : i32
        %swap3A_612 = arith.constant 4 : i32
        %swap3A_613 = arith.index_cast %swap3A_612 : i32 to index
        %swap3A_614 = arith.index_cast %add3A_611 : i32 to index
        %swap3A_615 = arith.constant 96 : index
        %swap3A_616 = tpu.vector_load %arg6[%swap3A_613, %swap3A_614, %swap3A_615] {strides = array<i32>} : memref<5x128x128xf32, #tpu.memory_space<vmem>>, vector<1x1x16xf32>,
        %swap3A_617 = vector.shape_cast %swap3A_616 : vector<1x1x16xf32> to vector<16xf32>
        %swap3A_618 = vector.shape_cast %mul3A_609 : vector<16xf32> to vector<1x1x16xf32>
        tpu.vector_store %arg6[%swap3A_613, %swap3A_614, %swap3A_615], %swap3A_618 {strides = array<i32>} : memref<5x128x128xf32, #tpu.memory_space<vmem>>, vector<1x1x16xf32>,
        %add3A_619 = arith.constant 1 : i32
        %add3A_620 = arith.addi %mul3A_320, %add3A_619 : i32
        %get3A_621 = arith.constant 4 : i32
        %get3A_622 = arith.index_cast %get3A_621 : i32 to index
        %get3A_623 = arith.index_cast %add3A_620 : i32 to index
        %get3A_624 = arith.constant 112 : index
        %get3A_625 = tpu.vector_load %arg6[%get3A_622, %get3A_623, %get3A_624] {strides = array<i32>} : memref<5x128x128xf32, #tpu.memory_space<vmem>>, vector<1x1x16xf32>,
        %get3A_626 = vector.shape_cast %get3A_625 : vector<1x1x16xf32> to vector<16xf32>
        %mul3A_627 = arith.constant 11.3137083 : f32
        %mul3A_628 = vector.broadcast %mul3A_627 : f32 to vector<16xf32>
        %mul3A_629 = arith.mulf %get3A_626, %mul3A_628 : vector<16xf32>
        %add3A_630 = arith.constant 1 : i32
        %add3A_631 = arith.addi %mul3A_320, %add3A_630 : i32
        %swap3A_632 = arith.constant 4 : i32
        %swap3A_633 = arith.index_cast %swap3A_632 : i32 to index
        %swap3A_634 = arith.index_cast %add3A_631 : i32 to index
        %swap3A_635 = arith.constant 112 : index
        %swap3A_636 = tpu.vector_load %arg6[%swap3A_633, %swap3A_634, %swap3A_635] {strides = array<i32>} : memref<5x128x128xf32, #tpu.memory_space<vmem>>, vector<1x1x16xf32>,
        %swap3A_637 = vector.shape_cast %swap3A_636 : vector<1x1x16xf32> to vector<16xf32>
        %swap3A_638 = vector.shape_cast %mul3A_629 : vector<16xf32> to vector<1x1x16xf32>
        tpu.vector_store %arg6[%swap3A_633, %swap3A_634, %swap3A_635], %swap3A_638 {strides = array<i32>} : memref<5x128x128xf32, #tpu.memory_space<vmem>>, vector<1x1x16xf32>,
        %add3A_639 = arith.constant 2 : i32
        %add3A_640 = arith.addi %mul3A_320, %add3A_639 : i32
        %get3A_641 = arith.constant 4 : i32
        %get3A_642 = arith.index_cast %get3A_641 : i32 to index
        %get3A_643 = arith.index_cast %add3A_640 : i32 to index
        %get3A_644 = arith.constant 0 : index
        %get3A_645 = tpu.vector_load %arg6[%get3A_642, %get3A_643, %get3A_644] {strides = array<i32>} : memref<5x128x128xf32, #tpu.memory_space<vmem>>, vector<1x1x16xf32>,
        %get3A_646 = vector.shape_cast %get3A_645 : vector<1x1x16xf32> to vector<16xf32>
        %mul3A_647 = arith.constant 11.3137083 : f32
        %mul3A_648 = vector.broadcast %mul3A_647 : f32 to vector<16xf32>
        %mul3A_649 = arith.mulf %get3A_646, %mul3A_648 : vector<16xf32>
        %add3A_650 = arith.constant 2 : i32
        %add3A_651 = arith.addi %mul3A_320, %add3A_650 : i32
        %swap3A_652 = arith.constant 4 : i32
        %swap3A_653 = arith.index_cast %swap3A_652 : i32 to index
        %swap3A_654 = arith.index_cast %add3A_651 : i32 to index
        %swap3A_655 = arith.constant 0 : index
        %swap3A_656 = tpu.vector_load %arg6[%swap3A_653, %swap3A_654, %swap3A_655] {strides = array<i32>} : memref<5x128x128xf32, #tpu.memory_space<vmem>>, vector<1x1x16xf32>,
        %swap3A_657 = vector.shape_cast %swap3A_656 : vector<1x1x16xf32> to vector<16xf32>
        %swap3A_658 = vector.shape_cast %mul3A_649 : vector<16xf32> to vector<1x1x16xf32>
        tpu.vector_store %arg6[%swap3A_653, %swap3A_654, %swap3A_655], %swap3A_658 {strides = array<i32>} : memref<5x128x128xf32, #tpu.memory_space<vmem>>, vector<1x1x16xf32>,
        %add3A_659 = arith.constant 2 : i32
        %add3A_660 = arith.addi %mul3A_320, %add3A_659 : i32
        %get3A_661 = arith.constant 4 : i32
        %get3A_662 = arith.index_cast %get3A_661 : i32 to index
        %get3A_663 = arith.index_cast %add3A_660 : i32 to index
        %get3A_664 = arith.constant 16 : index
        %get3A_665 = tpu.vector_load %arg6[%get3A_662, %get3A_663, %get3A_664] {strides = array<i32>} : memref<5x128x128xf32, #tpu.memory_space<vmem>>, vector<1x1x16xf32>,
        %get3A_666 = vector.shape_cast %get3A_665 : vector<1x1x16xf32> to vector<16xf32>
        %mul3A_667 = arith.constant 11.3137083 : f32
        %mul3A_668 = vector.broadcast %mul3A_667 : f32 to vector<16xf32>
        %mul3A_669 = arith.mulf %get3A_666, %mul3A_668 : vector<16xf32>
        %add3A_670 = arith.constant 2 : i32
        %add3A_671 = arith.addi %mul3A_320, %add3A_670 : i32
        %swap3A_672 = arith.constant 4 : i32
        %swap3A_673 = arith.index_cast %swap3A_672 : i32 to index
        %swap3A_674 = arith.index_cast %add3A_671 : i32 to index
        %swap3A_675 = arith.constant 16 : index
        %swap3A_676 = tpu.vector_load %arg6[%swap3A_673, %swap3A_674, %swap3A_675] {strides = array<i32>} : memref<5x128x128xf32, #tpu.memory_space<vmem>>, vector<1x1x16xf32>,
        %swap3A_677 = vector.shape_cast %swap3A_676 : vector<1x1x16xf32> to vector<16xf32>
        %swap3A_678 = vector.shape_cast %mul3A_669 : vector<16xf32> to vector<1x1x16xf32>
        tpu.vector_store %arg6[%swap3A_673, %swap3A_674, %swap3A_675], %swap3A_678 {strides = array<i32>} : memref<5x128x128xf32, #tpu.memory_space<vmem>>, vector<1x1x16xf32>,
        %add3A_679 = arith.constant 2 : i32
        %add3A_680 = arith.addi %mul3A_320, %add3A_679 : i32
        %get3A_681 = arith.constant 4 : i32
        %get3A_682 = arith.index_cast %get3A_681 : i32 to index
        %get3A_683 = arith.index_cast %add3A_680 : i32 to index
        %get3A_684 = arith.constant 32 : index
        %get3A_685 = tpu.vector_load %arg6[%get3A_682, %get3A_683, %get3A_684] {strides = array<i32>} : memref<5x128x128xf32, #tpu.memory_space<vmem>>, vector<1x1x16xf32>,
        %get3A_686 = vector.shape_cast %get3A_685 : vector<1x1x16xf32> to vector<16xf32>
        %mul3A_687 = arith.constant 11.3137083 : f32
        %mul3A_688 = vector.broadcast %mul3A_687 : f32 to vector<16xf32>
        %mul3A_689 = arith.mulf %get3A_686, %mul3A_688 : vector<16xf32>
        %add3A_690 = arith.constant 2 : i32
        %add3A_691 = arith.addi %mul3A_320, %add3A_690 : i32
        %swap3A_692 = arith.constant 4 : i32
        %swap3A_693 = arith.index_cast %swap3A_692 : i32 to index
        %swap3A_694 = arith.index_cast %add3A_691 : i32 to index
        %swap3A_695 = arith.constant 32 : index
        %swap3A_696 = tpu.vector_load %arg6[%swap3A_693, %swap3A_694, %swap3A_695] {strides = array<i32>} : memref<5x128x128xf32, #tpu.memory_space<vmem>>, vector<1x1x16xf32>,
        %swap3A_697 = vector.shape_cast %swap3A_696 : vector<1x1x16xf32> to vector<16xf32>
        %swap3A_698 = vector.shape_cast %mul3A_689 : vector<16xf32> to vector<1x1x16xf32>
        tpu.vector_store %arg6[%swap3A_693, %swap3A_694, %swap3A_695], %swap3A_698 {strides = array<i32>} : memref<5x128x128xf32, #tpu.memory_space<vmem>>, vector<1x1x16xf32>,
        %add3A_699 = arith.constant 2 : i32
        %add3A_700 = arith.addi %mul3A_320, %add3A_699 : i32
        %get3A_701 = arith.constant 4 : i32
        %get3A_702 = arith.index_cast %get3A_701 : i32 to index
        %get3A_703 = arith.index_cast %add3A_700 : i32 to index
        %get3A_704 = arith.constant 48 : index
        %get3A_705 = tpu.vector_load %arg6[%get3A_702, %get3A_703, %get3A_704] {strides = array<i32>} : memref<5x128x128xf32, #tpu.memory_space<vmem>>, vector<1x1x16xf32>,
        %get3A_706 = vector.shape_cast %get3A_705 : vector<1x1x16xf32> to vector<16xf32>
        %mul3A_707 = arith.constant 11.3137083 : f32
        %mul3A_708 = vector.broadcast %mul3A_707 : f32 to vector<16xf32>
        %mul3A_709 = arith.mulf %get3A_706, %mul3A_708 : vector<16xf32>
        %add3A_710 = arith.constant 2 : i32
        %add3A_711 = arith.addi %mul3A_320, %add3A_710 : i32
        %swap3A_712 = arith.constant 4 : i32
        %swap3A_713 = arith.index_cast %swap3A_712 : i32 to index
        %swap3A_714 = arith.index_cast %add3A_711 : i32 to index
        %swap3A_715 = arith.constant 48 : index
        %swap3A_716 = tpu.vector_load %arg6[%swap3A_713, %swap3A_714, %swap3A_715] {strides = array<i32>} : memref<5x128x128xf32, #tpu.memory_space<vmem>>, vector<1x1x16xf32>,
        %swap3A_717 = vector.shape_cast %swap3A_716 : vector<1x1x16xf32> to vector<16xf32>
        %swap3A_718 = vector.shape_cast %mul3A_709 : vector<16xf32> to vector<1x1x16xf32>
        tpu.vector_store %arg6[%swap3A_713, %swap3A_714, %swap3A_715], %swap3A_718 {strides = array<i32>} : memref<5x128x128xf32, #tpu.memory_space<vmem>>, vector<1x1x16xf32>,
        %add3A_719 = arith.constant 2 : i32
        %add3A_720 = arith.addi %mul3A_320, %add3A_719 : i32
        %get3A_721 = arith.constant 4 : i32
        %get3A_722 = arith.index_cast %get3A_721 : i32 to index
        %get3A_723 = arith.index_cast %add3A_720 : i32 to index
        %get3A_724 = arith.constant 64 : index
        %get3A_725 = tpu.vector_load %arg6[%get3A_722, %get3A_723, %get3A_724] {strides = array<i32>} : memref<5x128x128xf32, #tpu.memory_space<vmem>>, vector<1x1x16xf32>,
        %get3A_726 = vector.shape_cast %get3A_725 : vector<1x1x16xf32> to vector<16xf32>
        %mul3A_727 = arith.constant 11.3137083 : f32
        %mul3A_728 = vector.broadcast %mul3A_727 : f32 to vector<16xf32>
        %mul3A_729 = arith.mulf %get3A_726, %mul3A_728 : vector<16xf32>
        %add3A_730 = arith.constant 2 : i32
        %add3A_731 = arith.addi %mul3A_320, %add3A_730 : i32
        %swap3A_732 = arith.constant 4 : i32
        %swap3A_733 = arith.index_cast %swap3A_732 : i32 to index
        %swap3A_734 = arith.index_cast %add3A_731 : i32 to index
        %swap3A_735 = arith.constant 64 : index
        %swap3A_736 = tpu.vector_load %arg6[%swap3A_733, %swap3A_734, %swap3A_735] {strides = array<i32>} : memref<5x128x128xf32, #tpu.memory_space<vmem>>, vector<1x1x16xf32>,
        %swap3A_737 = vector.shape_cast %swap3A_736 : vector<1x1x16xf32> to vector<16xf32>
        %swap3A_738 = vector.shape_cast %mul3A_729 : vector<16xf32> to vector<1x1x16xf32>
        tpu.vector_store %arg6[%swap3A_733, %swap3A_734, %swap3A_735], %swap3A_738 {strides = array<i32>} : memref<5x128x128xf32, #tpu.memory_space<vmem>>, vector<1x1x16xf32>,
        %add3A_739 = arith.constant 2 : i32
        %add3A_740 = arith.addi %mul3A_320, %add3A_739 : i32
        %get3A_741 = arith.constant 4 : i32
        %get3A_742 = arith.index_cast %get3A_741 : i32 to index
        %get3A_743 = arith.index_cast %add3A_740 : i32 to index
        %get3A_744 = arith.constant 80 : index
        %get3A_745 = tpu.vector_load %arg6[%get3A_742, %get3A_743, %get3A_744] {strides = array<i32>} : memref<5x128x128xf32, #tpu.memory_space<vmem>>, vector<1x1x16xf32>,
        %get3A_746 = vector.shape_cast %get3A_745 : vector<1x1x16xf32> to vector<16xf32>
        %mul3A_747 = arith.constant 11.3137083 : f32
        %mul3A_748 = vector.broadcast %mul3A_747 : f32 to vector<16xf32>
        %mul3A_749 = arith.mulf %get3A_746, %mul3A_748 : vector<16xf32>
        %add3A_750 = arith.constant 2 : i32
        %add3A_751 = arith.addi %mul3A_320, %add3A_750 : i32
        %swap3A_752 = arith.constant 4 : i32
        %swap3A_753 = arith.index_cast %swap3A_752 : i32 to index
        %swap3A_754 = arith.index_cast %add3A_751 : i32 to index
        %swap3A_755 = arith.constant 80 : index
        %swap3A_756 = tpu.vector_load %arg6[%swap3A_753, %swap3A_754, %swap3A_755] {strides = array<i32>} : memref<5x128x128xf32, #tpu.memory_space<vmem>>, vector<1x1x16xf32>,
        %swap3A_757 = vector.shape_cast %swap3A_756 : vector<1x1x16xf32> to vector<16xf32>
        %swap3A_758 = vector.shape_cast %mul3A_749 : vector<16xf32> to vector<1x1x16xf32>
        tpu.vector_store %arg6[%swap3A_753, %swap3A_754, %swap3A_755], %swap3A_758 {strides = array<i32>} : memref<5x128x128xf32, #tpu.memory_space<vmem>>, vector<1x1x16xf32>,
        %add3A_759 = arith.constant 2 : i32
        %add3A_760 = arith.addi %mul3A_320, %add3A_759 : i32
        %get3A_761 = arith.constant 4 : i32
        %get3A_762 = arith.index_cast %get3A_761 : i32 to index
        %get3A_763 = arith.index_cast %add3A_760 : i32 to index
        %get3A_764 = arith.constant 96 : index
        %get3A_765 = tpu.vector_load %arg6[%get3A_762, %get3A_763, %get3A_764] {strides = array<i32>} : memref<5x128x128xf32, #tpu.memory_space<vmem>>, vector<1x1x16xf32>,
        %get3A_766 = vector.shape_cast %get3A_765 : vector<1x1x16xf32> to vector<16xf32>
        %mul3A_767 = arith.constant 11.3137083 : f32
        %mul3A_768 = vector.broadcast %mul3A_767 : f32 to vector<16xf32>
        %mul3A_769 = arith.mulf %get3A_766, %mul3A_768 : vector<16xf32>
        %add3A_770 = arith.constant 2 : i32
        %add3A_771 = arith.addi %mul3A_320, %add3A_770 : i32
        %swap3A_772 = arith.constant 4 : i32
        %swap3A_773 = arith.index_cast %swap3A_772 : i32 to index
        %swap3A_774 = arith.index_cast %add3A_771 : i32 to index
        %swap3A_775 = arith.constant 96 : index
        %swap3A_776 = tpu.vector_load %arg6[%swap3A_773, %swap3A_774, %swap3A_775] {strides = array<i32>} : memref<5x128x128xf32, #tpu.memory_space<vmem>>, vector<1x1x16xf32>,
        %swap3A_777 = vector.shape_cast %swap3A_776 : vector<1x1x16xf32> to vector<16xf32>
        %swap3A_778 = vector.shape_cast %mul3A_769 : vector<16xf32> to vector<1x1x16xf32>
        tpu.vector_store %arg6[%swap3A_773, %swap3A_774, %swap3A_775], %swap3A_778 {strides = array<i32>} : memref<5x128x128xf32, #tpu.memory_space<vmem>>, vector<1x1x16xf32>,
        %add3A_779 = arith.constant 2 : i32
        %add3A_780 = arith.addi %mul3A_320, %add3A_779 : i32
        %get3A_781 = arith.constant 4 : i32
        %get3A_782 = arith.index_cast %get3A_781 : i32 to index
        %get3A_783 = arith.index_cast %add3A_780 : i32 to index
        %get3A_784 = arith.constant 112 : index
        %get3A_785 = tpu.vector_load %arg6[%get3A_782, %get3A_783, %get3A_784] {strides = array<i32>} : memref<5x128x128xf32, #tpu.memory_space<vmem>>, vector<1x1x16xf32>,
        %get3A_786 = vector.shape_cast %get3A_785 : vector<1x1x16xf32> to vector<16xf32>
        %mul3A_787 = arith.constant 11.3137083 : f32
        %mul3A_788 = vector.broadcast %mul3A_787 : f32 to vector<16xf32>
        %mul3A_789 = arith.mulf %get3A_786, %mul3A_788 : vector<16xf32>
        %add3A_790 = arith.constant 2 : i32
        %add3A_791 = arith.addi %mul3A_320, %add3A_790 : i32
        %swap3A_792 = arith.constant 4 : i32
        %swap3A_793 = arith.index_cast %swap3A_792 : i32 to index
        %swap3A_794 = arith.index_cast %add3A_791 : i32 to index
        %swap3A_795 = arith.constant 112 : index
        %swap3A_796 = tpu.vector_load %arg6[%swap3A_793, %swap3A_794, %swap3A_795] {strides = array<i32>} : memref<5x128x128xf32, #tpu.memory_space<vmem>>, vector<1x1x16xf32>,
        %swap3A_797 = vector.shape_cast %swap3A_796 : vector<1x1x16xf32> to vector<16xf32>
        %swap3A_798 = vector.shape_cast %mul3A_789 : vector<16xf32> to vector<1x1x16xf32>
        tpu.vector_store %arg6[%swap3A_793, %swap3A_794, %swap3A_795], %swap3A_798 {strides = array<i32>} : memref<5x128x128xf32, #tpu.memory_space<vmem>>, vector<1x1x16xf32>,
        %add3A_799 = arith.constant 3 : i32
        %add3A_800 = arith.addi %mul3A_320, %add3A_799 : i32
        %get3A_801 = arith.constant 4 : i32
        %get3A_802 = arith.index_cast %get3A_801 : i32 to index
        %get3A_803 = arith.index_cast %add3A_800 : i32 to index
        %get3A_804 = arith.constant 0 : index
        %get3A_805 = tpu.vector_load %arg6[%get3A_802, %get3A_803, %get3A_804] {strides = array<i32>} : memref<5x128x128xf32, #tpu.memory_space<vmem>>, vector<1x1x16xf32>,
        %get3A_806 = vector.shape_cast %get3A_805 : vector<1x1x16xf32> to vector<16xf32>
        %mul3A_807 = arith.constant 11.3137083 : f32
        %mul3A_808 = vector.broadcast %mul3A_807 : f32 to vector<16xf32>
        %mul3A_809 = arith.mulf %get3A_806, %mul3A_808 : vector<16xf32>
        %add3A_810 = arith.constant 3 : i32
        %add3A_811 = arith.addi %mul3A_320, %add3A_810 : i32
        %swap3A_812 = arith.constant 4 : i32
        %swap3A_813 = arith.index_cast %swap3A_812 : i32 to index
        %swap3A_814 = arith.index_cast %add3A_811 : i32 to index
        %swap3A_815 = arith.constant 0 : index
        %swap3A_816 = tpu.vector_load %arg6[%swap3A_813, %swap3A_814, %swap3A_815] {strides = array<i32>} : memref<5x128x128xf32, #tpu.memory_space<vmem>>, vector<1x1x16xf32>,
        %swap3A_817 = vector.shape_cast %swap3A_816 : vector<1x1x16xf32> to vector<16xf32>
        %swap3A_818 = vector.shape_cast %mul3A_809 : vector<16xf32> to vector<1x1x16xf32>
        tpu.vector_store %arg6[%swap3A_813, %swap3A_814, %swap3A_815], %swap3A_818 {strides = array<i32>} : memref<5x128x128xf32, #tpu.memory_space<vmem>>, vector<1x1x16xf32>,
        %add3A_819 = arith.constant 3 : i32
        %add3A_820 = arith.addi %mul3A_320, %add3A_819 : i32
        %get3A_821 = arith.constant 4 : i32
        %get3A_822 = arith.index_cast %get3A_821 : i32 to index
        %get3A_823 = arith.index_cast %add3A_820 : i32 to index
        %get3A_824 = arith.constant 16 : index
        %get3A_825 = tpu.vector_load %arg6[%get3A_822, %get3A_823, %get3A_824] {strides = array<i32>} : memref<5x128x128xf32, #tpu.memory_space<vmem>>, vector<1x1x16xf32>,
        %get3A_826 = vector.shape_cast %get3A_825 : vector<1x1x16xf32> to vector<16xf32>
        %mul3A_827 = arith.constant 11.3137083 : f32
        %mul3A_828 = vector.broadcast %mul3A_827 : f32 to vector<16xf32>
        %mul3A_829 = arith.mulf %get3A_826, %mul3A_828 : vector<16xf32>
        %add3A_830 = arith.constant 3 : i32
        %add3A_831 = arith.addi %mul3A_320, %add3A_830 : i32
        %swap3A_832 = arith.constant 4 : i32
        %swap3A_833 = arith.index_cast %swap3A_832 : i32 to index
        %swap3A_834 = arith.index_cast %add3A_831 : i32 to index
        %swap3A_835 = arith.constant 16 : index
        %swap3A_836 = tpu.vector_load %arg6[%swap3A_833, %swap3A_834, %swap3A_835] {strides = array<i32>} : memref<5x128x128xf32, #tpu.memory_space<vmem>>, vector<1x1x16xf32>,
        %swap3A_837 = vector.shape_cast %swap3A_836 : vector<1x1x16xf32> to vector<16xf32>
        %swap3A_838 = vector.shape_cast %mul3A_829 : vector<16xf32> to vector<1x1x16xf32>
        tpu.vector_store %arg6[%swap3A_833, %swap3A_834, %swap3A_835], %swap3A_838 {strides = array<i32>} : memref<5x128x128xf32, #tpu.memory_space<vmem>>, vector<1x1x16xf32>,
        %add3A_839 = arith.constant 3 : i32
        %add3A_840 = arith.addi %mul3A_320, %add3A_839 : i32
        %get3A_841 = arith.constant 4 : i32
        %get3A_842 = arith.index_cast %get3A_841 : i32 to index
        %get3A_843 = arith.index_cast %add3A_840 : i32 to index
        %get3A_844 = arith.constant 32 : index
        %get3A_845 = tpu.vector_load %arg6[%get3A_842, %get3A_843, %get3A_844] {strides = array<i32>} : memref<5x128x128xf32, #tpu.memory_space<vmem>>, vector<1x1x16xf32>,
        %get3A_846 = vector.shape_cast %get3A_845 : vector<1x1x16xf32> to vector<16xf32>
        %mul3A_847 = arith.constant 11.3137083 : f32
        %mul3A_848 = vector.broadcast %mul3A_847 : f32 to vector<16xf32>
        %mul3A_849 = arith.mulf %get3A_846, %mul3A_848 : vector<16xf32>
        %add3A_850 = arith.constant 3 : i32
        %add3A_851 = arith.addi %mul3A_320, %add3A_850 : i32
        %swap3A_852 = arith.constant 4 : i32
        %swap3A_853 = arith.index_cast %swap3A_852 : i32 to index
        %swap3A_854 = arith.index_cast %add3A_851 : i32 to index
        %swap3A_855 = arith.constant 32 : index
        %swap3A_856 = tpu.vector_load %arg6[%swap3A_853, %swap3A_854, %swap3A_855] {strides = array<i32>} : memref<5x128x128xf32, #tpu.memory_space<vmem>>, vector<1x1x16xf32>,
        %swap3A_857 = vector.shape_cast %swap3A_856 : vector<1x1x16xf32> to vector<16xf32>
        %swap3A_858 = vector.shape_cast %mul3A_849 : vector<16xf32> to vector<1x1x16xf32>
        tpu.vector_store %arg6[%swap3A_853, %swap3A_854, %swap3A_855], %swap3A_858 {strides = array<i32>} : memref<5x128x128xf32, #tpu.memory_space<vmem>>, vector<1x1x16xf32>,
        %add3A_859 = arith.constant 3 : i32
        %add3A_860 = arith.addi %mul3A_320, %add3A_859 : i32
        %get3A_861 = arith.constant 4 : i32
        %get3A_862 = arith.index_cast %get3A_861 : i32 to index
        %get3A_863 = arith.index_cast %add3A_860 : i32 to index
        %get3A_864 = arith.constant 48 : index
        %get3A_865 = tpu.vector_load %arg6[%get3A_862, %get3A_863, %get3A_864] {strides = array<i32>} : memref<5x128x128xf32, #tpu.memory_space<vmem>>, vector<1x1x16xf32>,
        %get3A_866 = vector.shape_cast %get3A_865 : vector<1x1x16xf32> to vector<16xf32>
        %mul3A_867 = arith.constant 11.3137083 : f32
        %mul3A_868 = vector.broadcast %mul3A_867 : f32 to vector<16xf32>
        %mul3A_869 = arith.mulf %get3A_866, %mul3A_868 : vector<16xf32>
        %add3A_870 = arith.constant 3 : i32
        %add3A_871 = arith.addi %mul3A_320, %add3A_870 : i32
        %swap3A_872 = arith.constant 4 : i32
        %swap3A_873 = arith.index_cast %swap3A_872 : i32 to index
        %swap3A_874 = arith.index_cast %add3A_871 : i32 to index
        %swap3A_875 = arith.constant 48 : index
        %swap3A_876 = tpu.vector_load %arg6[%swap3A_873, %swap3A_874, %swap3A_875] {strides = array<i32>} : memref<5x128x128xf32, #tpu.memory_space<vmem>>, vector<1x1x16xf32>,
        %swap3A_877 = vector.shape_cast %swap3A_876 : vector<1x1x16xf32> to vector<16xf32>
        %swap3A_878 = vector.shape_cast %mul3A_869 : vector<16xf32> to vector<1x1x16xf32>
        tpu.vector_store %arg6[%swap3A_873, %swap3A_874, %swap3A_875], %swap3A_878 {strides = array<i32>} : memref<5x128x128xf32, #tpu.memory_space<vmem>>, vector<1x1x16xf32>,
        %add3A_879 = arith.constant 3 : i32
        %add3A_880 = arith.addi %mul3A_320, %add3A_879 : i32
        %get3A_881 = arith.constant 4 : i32
        %get3A_882 = arith.index_cast %get3A_881 : i32 to index
        %get3A_883 = arith.index_cast %add3A_880 : i32 to index
        %get3A_884 = arith.constant 64 : index
        %get3A_885 = tpu.vector_load %arg6[%get3A_882, %get3A_883, %get3A_884] {strides = array<i32>} : memref<5x128x128xf32, #tpu.memory_space<vmem>>, vector<1x1x16xf32>,
        %get3A_886 = vector.shape_cast %get3A_885 : vector<1x1x16xf32> to vector<16xf32>
        %mul3A_887 = arith.constant 11.3137083 : f32
        %mul3A_888 = vector.broadcast %mul3A_887 : f32 to vector<16xf32>
        %mul3A_889 = arith.mulf %get3A_886, %mul3A_888 : vector<16xf32>
        %add3A_890 = arith.constant 3 : i32
        %add3A_891 = arith.addi %mul3A_320, %add3A_890 : i32
        %swap3A_892 = arith.constant 4 : i32
        %swap3A_893 = arith.index_cast %swap3A_892 : i32 to index
        %swap3A_894 = arith.index_cast %add3A_891 : i32 to index
        %swap3A_895 = arith.constant 64 : index
        %swap3A_896 = tpu.vector_load %arg6[%swap3A_893, %swap3A_894, %swap3A_895] {strides = array<i32>} : memref<5x128x128xf32, #tpu.memory_space<vmem>>, vector<1x1x16xf32>,
        %swap3A_897 = vector.shape_cast %swap3A_896 : vector<1x1x16xf32> to vector<16xf32>
        %swap3A_898 = vector.shape_cast %mul3A_889 : vector<16xf32> to vector<1x1x16xf32>
        tpu.vector_store %arg6[%swap3A_893, %swap3A_894, %swap3A_895], %swap3A_898 {strides = array<i32>} : memref<5x128x128xf32, #tpu.memory_space<vmem>>, vector<1x1x16xf32>,
        %add3A_899 = arith.constant 3 : i32
        %add3A_900 = arith.addi %mul3A_320, %add3A_899 : i32
        %get3A_901 = arith.constant 4 : i32
        %get3A_902 = arith.index_cast %get3A_901 : i32 to index
        %get3A_903 = arith.index_cast %add3A_900 : i32 to index
        %get3A_904 = arith.constant 80 : index
        %get3A_905 = tpu.vector_load %arg6[%get3A_902, %get3A_903, %get3A_904] {strides = array<i32>} : memref<5x128x128xf32, #tpu.memory_space<vmem>>, vector<1x1x16xf32>,
        %get3A_906 = vector.shape_cast %get3A_905 : vector<1x1x16xf32> to vector<16xf32>
        %mul3A_907 = arith.constant 11.3137083 : f32
        %mul3A_908 = vector.broadcast %mul3A_907 : f32 to vector<16xf32>
        %mul3A_909 = arith.mulf %get3A_906, %mul3A_908 : vector<16xf32>
        %add3A_910 = arith.constant 3 : i32
        %add3A_911 = arith.addi %mul3A_320, %add3A_910 : i32
        %swap3A_912 = arith.constant 4 : i32
        %swap3A_913 = arith.index_cast %swap3A_912 : i32 to index
        %swap3A_914 = arith.index_cast %add3A_911 : i32 to index
        %swap3A_915 = arith.constant 80 : index
        %swap3A_916 = tpu.vector_load %arg6[%swap3A_913, %swap3A_914, %swap3A_915] {strides = array<i32>} : memref<5x128x128xf32, #tpu.memory_space<vmem>>, vector<1x1x16xf32>,
        %swap3A_917 = vector.shape_cast %swap3A_916 : vector<1x1x16xf32> to vector<16xf32>
        %swap3A_918 = vector.shape_cast %mul3A_909 : vector<16xf32> to vector<1x1x16xf32>
        tpu.vector_store %arg6[%swap3A_913, %swap3A_914, %swap3A_915], %swap3A_918 {strides = array<i32>} : memref<5x128x128xf32, #tpu.memory_space<vmem>>, vector<1x1x16xf32>,
        %add3A_919 = arith.constant 3 : i32
        %add3A_920 = arith.addi %mul3A_320, %add3A_919 : i32
        %get3A_921 = arith.constant 4 : i32
        %get3A_922 = arith.index_cast %get3A_921 : i32 to index
        %get3A_923 = arith.index_cast %add3A_920 : i32 to index
        %get3A_924 = arith.constant 96 : index
        %get3A_925 = tpu.vector_load %arg6[%get3A_922, %get3A_923, %get3A_924] {strides = array<i32>} : memref<5x128x128xf32, #tpu.memory_space<vmem>>, vector<1x1x16xf32>,
        %get3A_926 = vector.shape_cast %get3A_925 : vector<1x1x16xf32> to vector<16xf32>
        %mul3A_927 = arith.constant 11.3137083 : f32
        %mul3A_928 = vector.broadcast %mul3A_927 : f32 to vector<16xf32>
        %mul3A_929 = arith.mulf %get3A_926, %mul3A_928 : vector<16xf32>
        %add3A_930 = arith.constant 3 : i32
        %add3A_931 = arith.addi %mul3A_320, %add3A_930 : i32
        %swap3A_932 = arith.constant 4 : i32
        %swap3A_933 = arith.index_cast %swap3A_932 : i32 to index
        %swap3A_934 = arith.index_cast %add3A_931 : i32 to index
        %swap3A_935 = arith.constant 96 : index
        %swap3A_936 = tpu.vector_load %arg6[%swap3A_933, %swap3A_934, %swap3A_935] {strides = array<i32>} : memref<5x128x128xf32, #tpu.memory_space<vmem>>, vector<1x1x16xf32>,
        %swap3A_937 = vector.shape_cast %swap3A_936 : vector<1x1x16xf32> to vector<16xf32>
        %swap3A_938 = vector.shape_cast %mul3A_929 : vector<16xf32> to vector<1x1x16xf32>
        tpu.vector_store %arg6[%swap3A_933, %swap3A_934, %swap3A_935], %swap3A_938 {strides = array<i32>} : memref<5x128x128xf32, #tpu.memory_space<vmem>>, vector<1x1x16xf32>,
        %add3A_939 = arith.constant 3 : i32
        %add3A_940 = arith.addi %mul3A_320, %add3A_939 : i32
        %get3A_941 = arith.constant 4 : i32
        %get3A_942 = arith.index_cast %get3A_941 : i32 to index
        %get3A_943 = arith.index_cast %add3A_940 : i32 to index
        %get3A_944 = arith.constant 112 : index
        %get3A_945 = tpu.vector_load %arg6[%get3A_942, %get3A_943, %get3A_944] {strides = array<i32>} : memref<5x128x128xf32, #tpu.memory_space<vmem>>, vector<1x1x16xf32>,
        %get3A_946 = vector.shape_cast %get3A_945 : vector<1x1x16xf32> to vector<16xf32>
        %mul3A_947 = arith.constant 11.3137083 : f32
        %mul3A_948 = vector.broadcast %mul3A_947 : f32 to vector<16xf32>
        %mul3A_949 = arith.mulf %get3A_946, %mul3A_948 : vector<16xf32>
        %add3A_950 = arith.constant 3 : i32
        %add3A_951 = arith.addi %mul3A_320, %add3A_950 : i32
        %swap3A_952 = arith.constant 4 : i32
        %swap3A_953 = arith.index_cast %swap3A_952 : i32 to index
        %swap3A_954 = arith.index_cast %add3A_951 : i32 to index
        %swap3A_955 = arith.constant 112 : index
        %swap3A_956 = tpu.vector_load %arg6[%swap3A_953, %swap3A_954, %swap3A_955] {strides = array<i32>} : memref<5x128x128xf32, #tpu.memory_space<vmem>>, vector<1x1x16xf32>,
        %swap3A_957 = vector.shape_cast %swap3A_956 : vector<1x1x16xf32> to vector<16xf32>
        %swap3A_958 = vector.shape_cast %mul3A_949 : vector<16xf32> to vector<1x1x16xf32>
        tpu.vector_store %arg6[%swap3A_953, %swap3A_954, %swap3A_955], %swap3A_958 {strides = array<i32>} : memref<5x128x128xf32, #tpu.memory_space<vmem>>, vector<1x1x16xf32>,
      }
      %scan3A_296 = arith.constant 32 : i32
      %mul3A_297 = arith.constant 128 : i32
      %mul3A_298 = arith.muli %add3A_277, %mul3A_297 : i32
      %add3A_299 = arith.addi %mul3A_4, %mul3A_298 : i32
      %dma_start3A_300 = arith.constant 4 : i32
      %dma_start3A_301 = arith.constant 0 : i32
      %dma_start3A_302 = arith.constant 0 : i32
      %dma_start3A_303 = tpu.memref_slice %arg6[%dma_start3A_300, %dma_start3A_301, %dma_start3A_302] : memref<5x128x128xf32, #tpu.memory_space<vmem>> -> memref<1x128x128xf32, #tpu.memory_space<vmem>>
      %dma_start3A_304 = tpu.memref_squeeze %dma_start3A_303 : memref<1x128x128xf32, #tpu.memory_space<vmem>> -> memref<128x128xf32, #tpu.memory_space<vmem>>
      %dma_start3A_305 = arith.constant 0 : i32
      %dma_start3A_306 = tpu.memref_slice %arg4[%add3A_299, %dma_start3A_305] : memref<819200x128xf32, #tpu.memory_space<hbm>> -> memref<128x128xf32, #tpu.memory_space<hbm>>
      %dma_start3A_307 = arith.constant 0 : i32
      %dma_start3A_308 = tpu.memref_slice %arg4[%add3A_299, %dma_start3A_307] : memref<819200x128xf32, #tpu.memory_space<hbm>> -> memref<128x128xf32, #tpu.memory_space<hbm>>
      %dma_start3A_309 = arith.constant 0 : i32
      %dma_start3A_310 = arith.constant 0 : i32
      %dma_start3A_311 = tpu.memref_slice %arg6[%dma_start3A_300, %dma_start3A_309, %dma_start3A_310] : memref<5x128x128xf32, #tpu.memory_space<vmem>> -> memref<1x128x128xf32, #tpu.memory_space<vmem>>
      %dma_start3A_312 = tpu.memref_squeeze %dma_start3A_311 : memref<1x128x128xf32, #tpu.memory_space<vmem>> -> memref<128x128xf32, #tpu.memory_space<vmem>>
      tpu.enqueue_dma source(%dma_start3A_312 : memref<128x128xf32, #tpu.memory_space<vmem>>) target(%dma_start3A_308 : memref<128x128xf32, #tpu.memory_space<hbm>>) target_semaphore(%arg16 : memref<!tpu.dma_semaphore, #tpu.memory_space<semaphore_mem>>)
      %lt3A_313 = arith.constant 200 : i32
      %lt3A_314 = arith.cmpi slt, %add3A_279, %lt3A_313 : i32
      %convert_element_type3A_315 = arith.extui %lt3A_314 : i1 to i32
      %cond3A_316 = arith.constant 0 : i32
      %cond3A_317 = arith.cmpi ne, %convert_element_type3A_315, %cond3A_316 : i32
      scf.if %cond3A_317 {
        %ge3A = arith.constant 5 : i32
        %ge3A_318 = arith.cmpi sge, %add3A_279, %ge3A : i32
        %convert_element_type3A_319 = arith.extui %ge3A_318 : i1 to i32
        %cond3A_320 = arith.constant 0 : i32
        %cond3A_321 = arith.cmpi ne, %convert_element_type3A_319, %cond3A_320 : i32
        scf.if %cond3A_321 {
          %dma_wait3A_333 = arith.constant 2 : i32
          %dma_wait3A_334 = arith.constant 0 : i32
          %dma_wait3A_335 = arith.constant 0 : i32
          %dma_wait3A_336 = tpu.memref_slice %arg6[%dma_wait3A_333, %dma_wait3A_334, %dma_wait3A_335] : memref<5x128x128xf32, #tpu.memory_space<vmem>> -> memref<1x128x128xf32, #tpu.memory_space<vmem>>
          %dma_wait3A_337 = tpu.memref_squeeze %dma_wait3A_336 : memref<1x128x128xf32, #tpu.memory_space<vmem>> -> memref<128x128xf32, #tpu.memory_space<vmem>>
          %dma_wait3A_338 = arith.constant 0 : i32
          %dma_wait3A_339 = tpu.memref_slice %arg4[%mul3A_4, %dma_wait3A_338] : memref<819200x128xf32, #tpu.memory_space<hbm>> -> memref<128x128xf32, #tpu.memory_space<hbm>>
          %dma_wait3A_340 = arith.constant 0 : i32
          %dma_wait3A_341 = tpu.memref_slice %arg4[%mul3A_4, %dma_wait3A_340] : memref<819200x128xf32, #tpu.memory_space<hbm>> -> memref<128x128xf32, #tpu.memory_space<hbm>>
          %dma_wait3A_342 = arith.constant 0 : i32
          %dma_wait3A_343 = arith.constant 0 : i32
          %dma_wait3A_344 = tpu.memref_slice %arg6[%dma_wait3A_333, %dma_wait3A_342, %dma_wait3A_343] : memref<5x128x128xf32, #tpu.memory_space<vmem>> -> memref<1x128x128xf32, #tpu.memory_space<vmem>>
          %dma_wait3A_345 = tpu.memref_squeeze %dma_wait3A_344 : memref<1x128x128xf32, #tpu.memory_space<vmem>> -> memref<128x128xf32, #tpu.memory_space<vmem>>
          tpu.wait_dma2 semaphore(%arg14 : memref<!tpu.dma_semaphore, #tpu.memory_space<semaphore_mem>>) src(%dma_wait3A_345 : memref<128x128xf32, #tpu.memory_space<vmem>>) dst(%dma_wait3A_341 : memref<128x128xf32, #tpu.memory_space<hbm>>)
        } else {
        }
        %dma_start3A_322 = arith.constant 2 : i32
        %dma_start3A_323 = arith.constant 0 : i32
        %dma_start3A_324 = arith.constant 0 : i32
        %dma_start3A_325 = tpu.memref_slice %arg6[%dma_start3A_322, %dma_start3A_323, %dma_start3A_324] : memref<5x128x128xf32, #tpu.memory_space<vmem>> -> memref<1x128x128xf32, #tpu.memory_space<vmem>>
        %dma_start3A_326 = tpu.memref_squeeze %dma_start3A_325 : memref<1x128x128xf32, #tpu.memory_space<vmem>> -> memref<128x128xf32, #tpu.memory_space<vmem>>
        %dma_start3A_327 = arith.constant 0 : i32
        %dma_start3A_328 = tpu.memref_slice %arg5[%add3A_279, %dma_start3A_327] : memref<200x128xi32, #tpu.memory_space<vmem>> -> memref<1x128xi32, #tpu.memory_space<vmem>>
        %dma_start3A_329 = tpu.memref_squeeze %dma_start3A_328 : memref<1x128xi32, #tpu.memory_space<vmem>> -> memref<128xi32, #tpu.memory_space<vmem>>
        %dma_start3A_330 = arith.constant 0 : i32
        %dma_start3A_331 = arith.constant 0 : i32
        %dma_start3A_332 = tpu.memref_slice %arg3[%dma_start3A_330, %dma_start3A_331] : memref<100000x128xf32, #tpu.memory_space<hbm>> -> memref<100000x128xf32, #tpu.memory_space<hbm>>
        tpu.enqueue_indirect_dma source(%dma_start3A_332 : memref<100000x128xf32, #tpu.memory_space<hbm>>) target(%dma_start3A_326 : memref<128x128xf32, #tpu.memory_space<vmem>>) offsets(%dma_start3A_329 : memref<128xi32, #tpu.memory_space<vmem>>) semaphore(%arg9 : memref<!tpu.dma_semaphore, #tpu.memory_space<semaphore_mem>>)
      } else {
      }
    }
    %scan3A_43 = arith.constant 40 : i32
    %dma_wait3A = arith.constant 0 : i32
    %dma_wait3A_44 = arith.constant 0 : i32
    %dma_wait3A_45 = arith.constant 0 : i32
    %dma_wait3A_46 = tpu.memref_slice %arg6[%dma_wait3A, %dma_wait3A_44, %dma_wait3A_45] : memref<5x128x128xf32, #tpu.memory_space<vmem>> -> memref<1x128x128xf32, #tpu.memory_space<vmem>>
    %dma_wait3A_47 = tpu.memref_squeeze %dma_wait3A_46 : memref<1x128x128xf32, #tpu.memory_space<vmem>> -> memref<128x128xf32, #tpu.memory_space<vmem>>
    %dma_wait3A_48 = arith.constant 0 : i32
    %dma_wait3A_49 = tpu.memref_slice %arg4[%mul3A_4, %dma_wait3A_48] : memref<819200x128xf32, #tpu.memory_space<hbm>> -> memref<128x128xf32, #tpu.memory_space<hbm>>
    %dma_wait3A_50 = arith.constant 0 : i32
    %dma_wait3A_51 = tpu.memref_slice %arg4[%mul3A_4, %dma_wait3A_50] : memref<819200x128xf32, #tpu.memory_space<hbm>> -> memref<128x128xf32, #tpu.memory_space<hbm>>
    %dma_wait3A_52 = arith.constant 0 : i32
    %dma_wait3A_53 = arith.constant 0 : i32
    %dma_wait3A_54 = tpu.memref_slice %arg6[%dma_wait3A, %dma_wait3A_52, %dma_wait3A_53] : memref<5x128x128xf32, #tpu.memory_space<vmem>> -> memref<1x128x128xf32, #tpu.memory_space<vmem>>
    %dma_wait3A_55 = tpu.memref_squeeze %dma_wait3A_54 : memref<1x128x128xf32, #tpu.memory_space<vmem>> -> memref<128x128xf32, #tpu.memory_space<vmem>>
    tpu.wait_dma2 semaphore(%arg12 : memref<!tpu.dma_semaphore, #tpu.memory_space<semaphore_mem>>) src(%dma_wait3A_55 : memref<128x128xf32, #tpu.memory_space<vmem>>) dst(%dma_wait3A_51 : memref<128x128xf32, #tpu.memory_space<hbm>>)
    %dma_wait3A_56 = arith.constant 1 : i32
    %dma_wait3A_57 = arith.constant 0 : i32
    %dma_wait3A_58 = arith.constant 0 : i32
    %dma_wait3A_59 = tpu.memref_slice %arg6[%dma_wait3A_56, %dma_wait3A_57, %dma_wait3A_58] : memref<5x128x128xf32, #tpu.memory_space<vmem>> -> memref<1x128x128xf32, #tpu.memory_space<vmem>>
    %dma_wait3A_60 = tpu.memref_squeeze %dma_wait3A_59 : memref<1x128x128xf32, #tpu.memory_space<vmem>> -> memref<128x128xf32, #tpu.memory_space<vmem>>
    %dma_wait3A_61 = arith.constant 0 : i32
    %dma_wait3A_62 = tpu.memref_slice %arg4[%mul3A_4, %dma_wait3A_61] : memref<819200x128xf32, #tpu.memory_space<hbm>> -> memref<128x128xf32, #tpu.memory_space<hbm>>
    %dma_wait3A_63 = arith.constant 0 : i32
    %dma_wait3A_64 = tpu.memref_slice %arg4[%mul3A_4, %dma_wait3A_63] : memref<819200x128xf32, #tpu.memory_space<hbm>> -> memref<128x128xf32, #tpu.memory_space<hbm>>
    %dma_wait3A_65 = arith.constant 0 : i32
    %dma_wait3A_66 = arith.constant 0 : i32
    %dma_wait3A_67 = tpu.memref_slice %arg6[%dma_wait3A_56, %dma_wait3A_65, %dma_wait3A_66] : memref<5x128x128xf32, #tpu.memory_space<vmem>> -> memref<1x128x128xf32, #tpu.memory_space<vmem>>
    %dma_wait3A_68 = tpu.memref_squeeze %dma_wait3A_67 : memref<1x128x128xf32, #tpu.memory_space<vmem>> -> memref<128x128xf32, #tpu.memory_space<vmem>>
    tpu.wait_dma2 semaphore(%arg13 : memref<!tpu.dma_semaphore, #tpu.memory_space<semaphore_mem>>) src(%dma_wait3A_68 : memref<128x128xf32, #tpu.memory_space<vmem>>) dst(%dma_wait3A_64 : memref<128x128xf32, #tpu.memory_space<hbm>>)
    %dma_wait3A_69 = arith.constant 2 : i32
    %dma_wait3A_70 = arith.constant 0 : i32
    %dma_wait3A_71 = arith.constant 0 : i32
    %dma_wait3A_72 = tpu.memref_slice %arg6[%dma_wait3A_69, %dma_wait3A_70, %dma_wait3A_71] : memref<5x128x128xf32, #tpu.memory_space<vmem>> -> memref<1x128x128xf32, #tpu.memory_space<vmem>>
    %dma_wait3A_73 = tpu.memref_squeeze %dma_wait3A_72 : memref<1x128x128xf32, #tpu.memory_space<vmem>> -> memref<128x128xf32, #tpu.memory_space<vmem>>
    %dma_wait3A_74 = arith.constant 0 : i32
    %dma_wait3A_75 = tpu.memref_slice %arg4[%mul3A_4, %dma_wait3A_74] : memref<819200x128xf32, #tpu.memory_space<hbm>> -> memref<128x128xf32, #tpu.memory_space<hbm>>
    %dma_wait3A_76 = arith.constant 0 : i32
    %dma_wait3A_77 = tpu.memref_slice %arg4[%mul3A_4, %dma_wait3A_76] : memref<819200x128xf32, #tpu.memory_space<hbm>> -> memref<128x128xf32, #tpu.memory_space<hbm>>
    %dma_wait3A_78 = arith.constant 0 : i32
    %dma_wait3A_79 = arith.constant 0 : i32
    %dma_wait3A_80 = tpu.memref_slice %arg6[%dma_wait3A_69, %dma_wait3A_78, %dma_wait3A_79] : memref<5x128x128xf32, #tpu.memory_space<vmem>> -> memref<1x128x128xf32, #tpu.memory_space<vmem>>
    %dma_wait3A_81 = tpu.memref_squeeze %dma_wait3A_80 : memref<1x128x128xf32, #tpu.memory_space<vmem>> -> memref<128x128xf32, #tpu.memory_space<vmem>>
    tpu.wait_dma2 semaphore(%arg14 : memref<!tpu.dma_semaphore, #tpu.memory_space<semaphore_mem>>) src(%dma_wait3A_81 : memref<128x128xf32, #tpu.memory_space<vmem>>) dst(%dma_wait3A_77 : memref<128x128xf32, #tpu.memory_space<hbm>>)
    %dma_wait3A_82 = arith.constant 3 : i32
    %dma_wait3A_83 = arith.constant 0 : i32
    %dma_wait3A_84 = arith.constant 0 : i32
    %dma_wait3A_85 = tpu.memref_slice %arg6[%dma_wait3A_82, %dma_wait3A_83, %dma_wait3A_84] : memref<5x128x128xf32, #tpu.memory_space<vmem>> -> memref<1x128x128xf32, #tpu.memory_space<vmem>>
    %dma_wait3A_86 = tpu.memref_squeeze %dma_wait3A_85 : memref<1x128x128xf32, #tpu.memory_space<vmem>> -> memref<128x128xf32, #tpu.memory_space<vmem>>
    %dma_wait3A_87 = arith.constant 0 : i32
    %dma_wait3A_88 = tpu.memref_slice %arg4[%mul3A_4, %dma_wait3A_87] : memref<819200x128xf32, #tpu.memory_space<hbm>> -> memref<128x128xf32, #tpu.memory_space<hbm>>
    %dma_wait3A_89 = arith.constant 0 : i32
    %dma_wait3A_90 = tpu.memref_slice %arg4[%mul3A_4, %dma_wait3A_89] : memref<819200x128xf32, #tpu.memory_space<hbm>> -> memref<128x128xf32, #tpu.memory_space<hbm>>
    %dma_wait3A_91 = arith.constant 0 : i32
    %dma_wait3A_92 = arith.constant 0 : i32
    %dma_wait3A_93 = tpu.memref_slice %arg6[%dma_wait3A_82, %dma_wait3A_91, %dma_wait3A_92] : memref<5x128x128xf32, #tpu.memory_space<vmem>> -> memref<1x128x128xf32, #tpu.memory_space<vmem>>
    %dma_wait3A_94 = tpu.memref_squeeze %dma_wait3A_93 : memref<1x128x128xf32, #tpu.memory_space<vmem>> -> memref<128x128xf32, #tpu.memory_space<vmem>>
    tpu.wait_dma2 semaphore(%arg15 : memref<!tpu.dma_semaphore, #tpu.memory_space<semaphore_mem>>) src(%dma_wait3A_94 : memref<128x128xf32, #tpu.memory_space<vmem>>) dst(%dma_wait3A_90 : memref<128x128xf32, #tpu.memory_space<hbm>>)
    %dma_wait3A_95 = arith.constant 4 : i32
    %dma_wait3A_96 = arith.constant 0 : i32
    %dma_wait3A_97 = arith.constant 0 : i32
    %dma_wait3A_98 = tpu.memref_slice %arg6[%dma_wait3A_95, %dma_wait3A_96, %dma_wait3A_97] : memref<5x128x128xf32, #tpu.memory_space<vmem>> -> memref<1x128x128xf32, #tpu.memory_space<vmem>>
    %dma_wait3A_99 = tpu.memref_squeeze %dma_wait3A_98 : memref<1x128x128xf32, #tpu.memory_space<vmem>> -> memref<128x128xf32, #tpu.memory_space<vmem>>
    %dma_wait3A_100 = arith.constant 0 : i32
    %dma_wait3A_101 = tpu.memref_slice %arg4[%mul3A_4, %dma_wait3A_100] : memref<819200x128xf32, #tpu.memory_space<hbm>> -> memref<128x128xf32, #tpu.memory_space<hbm>>
    %dma_wait3A_102 = arith.constant 0 : i32
    %dma_wait3A_103 = tpu.memref_slice %arg4[%mul3A_4, %dma_wait3A_102] : memref<819200x128xf32, #tpu.memory_space<hbm>> -> memref<128x128xf32, #tpu.memory_space<hbm>>
    %dma_wait3A_104 = arith.constant 0 : i32
    %dma_wait3A_105 = arith.constant 0 : i32
    %dma_wait3A_106 = tpu.memref_slice %arg6[%dma_wait3A_95, %dma_wait3A_104, %dma_wait3A_105] : memref<5x128x128xf32, #tpu.memory_space<vmem>> -> memref<1x128x128xf32, #tpu.memory_space<vmem>>
    %dma_wait3A_107 = tpu.memref_squeeze %dma_wait3A_106 : memref<1x128x128xf32, #tpu.memory_space<vmem>> -> memref<128x128xf32, #tpu.memory_space<vmem>>
    tpu.wait_dma2 semaphore(%arg16 : memref<!tpu.dma_semaphore, #tpu.memory_space<semaphore_mem>>) src(%dma_wait3A_107 : memref<128x128xf32, #tpu.memory_space<vmem>>) dst(%dma_wait3A_103 : memref<128x128xf32, #tpu.memory_space<hbm>>)
    return
  }
}

</mosaic_0001>

<sc_bundles>
// kernel: kernel.3.cloned.1.call-start
scs
__scs_entry_jumppad:
0x0: {  	(pc) =	sbr.rel $0x88, $3  }
0x1: {  	(tag) =	ssettag $0x0;
	lr =	simm.s32 $0x1  }
0x2: {  	[smem:$0x3F9F] =	sst lr;
	_ =	strace $0xD0000000  }
0x3: {  	_ = 	snop  }
0x4: {  	_ = 	snop  }
0x5: {  	_ = 	snop  }
0x6: {  	_ = 	snop  }
0x7: {  	_ = 	snop  }
__scs_overlays_trampoline_lowered:
0x8: {  	[smem:$0x3FAE] =	sst s0  }
0x9: {  	[smem:$0x3FAF] =	sst s1  }
0xa: {  	[smem:$0x3FB0] =	sst s2  }
0xb: {  	[smem:$0x3FB1] =	sst s3  }
0xc: {  	[smem:$0x3FB2] =	sst s4  }
0xd: {  	[smem:$0x3FB3] =	sst s5  }
0xe: {  	[smem:$0x3FB4] =	sst s6  }
0xf: {  	[smem:$0x3FB5] =	sst s7  }
0x10: {  	[smem:$0x3FB6] =	sst s8  }
0x11: {  	[smem:$0x3FB7] =	sst s9;
	s0 =	simm.s32 @!p0 $0x0  }
0x12: {  	s1 =	sld [smem:$0x3F9D];
	s0 =	simm.s32 @p0 $0x1  }
0x13: {  	[smem:$0x3FB8] =	sst s0;
	s0 =	simm.s32 @!p1 $0x0  }
0x14: {  	s2 =	sld [smem:$0x3F9C];
	s0 =	simm.s32 @p1 $0x1  }
0x15: {  	[smem:$0x3FB9] =	sst s0;
	s0 =	simm.s32 @!p2 $0x0  }
0x16: {  	s3 =	sld [smem:$0x3FDB];
	s0 =	simm.s32 @p2 $0x1  }
0x17: {  	s4 =	simm.s32 $0x1BF5;
	[smem:$0x3FBB] =	sst s0  }
0x18: {  	s0 =	sld [smem:$0x3F9E];
	_ =	swait.ge [sflag:s4], $0x0  }
0x19: {  	s7 =	sld [smem:$0x3F9F]  }
0x1a: {  	s8 =	sadd.s32 $0xFFFFE003, lr  }
0x1b: {  	s9 =	sadd.s32 $0xFFFFFEF7, lr;
	s5 =	simm.s32 $0xFFFFFFFF;
	p2 =	slt.u32 s8, $0xFFFFF086  }
0x1c: {  	p1 =	slt.u32 s9, $0xF7A;
	s5 =	simm.s32 @!p2 $0x0  }
0x1d: {  	s5 =	simm.s32 @p1 $0x1;
	p0 =	seq.s32 s7, s2  }
0x1e: {  	s7 =	smul.u32 @!p0 $0xF7A, s2;
	p2 =	seq.s32 @!p0 s5, $0x0  }
0x1f: {  	s9 =	smul.u32 $0xF7A, s1;
	s8 =	simm.s32 @!p0 $0x1BF5;
	p2 =	por !p2, p0  }
0x20: {  	[sflag:s8] =	ssyncset.s32 @!p0 $0xFFFFF086;
	s6 =	sadd.s32 @!p0 s3, s7;
	s7 =	simm.s32 @!p0 $0x108  }
0x21: {  	s3 =	sadd.s32 s3, s9;
	s6 =	sadd.s32 @!p0 $0x88, s6;
	s7 =	simm.s32 @p2 $0x1082  }
0x22: {  	[simem:s7], [sflag:s8] =	dma.local @!p0 [hbm:s6], $0xF7A  }
0x23: {  	s9 =	sor.u32 $0xD0000000, s2;
	s6 =	simm.s32 $0x108;
	_ =	swait.ge @!p0 [sflag:s8], $0x0  }
0x24: {  	s3 =	sadd.s32 $0x88, s3;
	s6 =	simm.s32 @!p1 $0x1082;
	[sflag:s4] =	ssyncset.s32 $0xFFFFF086  }
0x25: {  	[simem:s6], [sflag:s4] =	dma.local [hbm:s3], $0xF7A  }
0x26: {  	[smem:$0x3F9F] =	sst s1;
	(tag) =	ssettag s2;
	_ =	strace s9  }
0x27: {  	s1 =	sld [smem:$0x3FAF]  }
0x28: {  	s2 =	sld [smem:$0x3FB0]  }
0x29: {  	s4 =	sld [smem:$0x3FB2]  }
0x2a: {  	p0 =	seq.s32 s5, $0x0;
	s5 =	sld [smem:$0x3FB3]  }
0x2b: {  	s6 =	sld [smem:$0x3FB4]  }
0x2c: {  	s7 =	sld [smem:$0x3FB5]  }
0x2d: {  	s3 =	simm.s32 $0x108;
	s8 =	sld [smem:$0x3FB6]  }
0x2e: {  	s3 =	simm.s32 @!p0 $0x1082;
	s9 =	sld [smem:$0x3FB7]  }
0x2f: {  	lr =	sadd.s32 s0, s3;
	s0 =	sld [smem:$0x3FAE]  }
0x30: {  	s3 =	sld [smem:$0x3FB1]  }
0x31: {  	[smem:$0x3FBA] =	sst s10  }
0x32: {  	s10 =	sld [smem:$0x3FB8];
	_ =	sdelay $0x3  }
0x33: {  	p0 =	seq.s32 s10, $0x1;
	s10 =	sld [smem:$0x3FBA];
	_ =	sdelay $0x3  }
0x34: {  	[smem:$0x3FBA] =	sst s10  }
0x35: {  	s10 =	sld [smem:$0x3FB9];
	_ =	sdelay $0x3  }
0x36: {  	p1 =	seq.s32 s10, $0x1;
	s10 =	sld [smem:$0x3FBA];
	_ =	sdelay $0x3  }
0x37: {  	[smem:$0x3FBA] =	sst s10  }
0x38: {  	s10 =	sld [smem:$0x3FBB]  }
0x39: {  	_ = 	snop;
	(pc) =	sbr.ind lr, $3  }
0x3a: {  	_ = 	snop  }
0x3b: {  	_ = 	snop  }
0x3c: {  	p2 =	seq.s32 s10, $0x1;
	s10 =	sld [smem:$0x3FBA]  }
0x3d: {  	_ =	shalt  }
0x3e: {  	_ =	shalt  }
0x3f: {  	_ =	shalt  }
0x40: {  	_ =	shalt  }
0x41: {  	_ =	shalt  }
0x42: {  	_ =	shalt  }
0x43: {  	_ =	shalt  }
0x44: {  	_ =	shalt  }
0x45: {  	_ =	shalt  }
0x46: {  	_ =	shalt  }
0x47: {  	_ =	shalt  }
0x48: {  	_ =	shalt  }
0x49: {  	_ =	shalt  }
0x4a: {  	_ =	shalt  }
0x4b: {  	_ =	shalt  }
0x4c: {  	_ =	shalt  }
0x4d: {  	_ =	shalt  }
0x4e: {  	_ =	shalt  }
0x4f: {  	_ =	shalt  }
0x50: {  	_ =	shalt  }
0x51: {  	_ =	shalt  }
0x52: {  	_ =	shalt  }
0x53: {  	_ =	shalt  }
0x54: {  	_ =	shalt  }
0x55: {  	_ =	shalt  }
0x56: {  	_ =	shalt  }
0x57: {  	_ =	shalt  }
0x58: {  	_ =	shalt  }
0x59: {  	_ =	shalt  }
0x5a: {  	_ =	shalt  }
0x5b: {  	_ =	shalt  }
0x5c: {  	_ =	shalt  }
0x5d: {  	_ =	shalt  }
0x5e: {  	_ =	shalt  }
0x5f: {  	_ =	shalt  }
0x60: {  	_ =	shalt  }
0x61: {  	_ =	shalt  }
0x62: {  	_ =	shalt  }
0x63: {  	_ =	shalt  }
0x64: {  	_ =	shalt  }
0x65: {  	_ =	shalt  }
0x66: {  	_ =	shalt  }
0x67: {  	_ =	shalt  }
0x68: {  	_ =	shalt  }
0x69: {  	_ =	shalt  }
0x6a: {  	_ =	shalt  }
0x6b: {  	_ =	shalt  }
0x6c: {  	_ =	shalt  }
0x6d: {  	_ =	shalt  }
0x6e: {  	_ =	shalt  }
0x6f: {  	_ =	shalt  }
0x70: {  	_ =	shalt  }
0x71: {  	_ =	shalt  }
0x72: {  	_ =	shalt  }
0x73: {  	_ =	shalt  }
0x74: {  	_ =	shalt  }
0x75: {  	_ =	shalt  }
0x76: {  	_ =	shalt  }
0x77: {  	_ =	shalt  }
0x78: {  	_ =	shalt  }
0x79: {  	_ =	shalt  }
0x7a: {  	_ =	shalt  }
0x7b: {  	_ =	shalt  }
0x7c: {  	_ =	shalt  }
0x7d: {  	_ =	shalt  }
0x7e: {  	_ =	shalt  }
0x7f: {  	_ =	shalt  }
0x80: {  	_ =	shalt  }
0x81: {  	_ =	shalt  }
0x82: {  	_ =	shalt  }
0x83: {  	_ =	shalt  }
0x84: {  	_ =	shalt  }
0x85: {  	_ =	shalt  }
0x86: {  	_ =	shalt  }
0x87: {  	_ =	shalt  }
.Lfunc_end0:
.L_simem_size_0:
called_computation_lowered:
.L_overlay_start_0:
0x88: {  	s2 =	sld [smem:$0x3FD9]  }
0x89: {  	s3 =	sld [smem:$0x3FFE];
	_ =	sdelay $0x1  }
0x8a: {  	s1 =	srdreg.scid  }
0x8b: {  	s0 =	sand.u32 $0x1, s1  }
0x8c: {  	s17 =	sshll.u32 s0, $0xA;
	s2 =	sadd.s32 s3, s2  }
0x8d: {  	s2 =	sadd.s32 s2, s17  }
0x8e: {  	[smem:$0x3FC6] =	sst s2  }
0x8f: {  	_ = 	snop  }
0x90: {  	s2 =	sld [smem:$0x3FC8]  }
0x91: {  	s18 =	sld [smem:$0x3FD0];
	(tm) =	ssettm $0x1  }
0x92: {  	s4 =	sld [smem:$0x3FFB];
	_ =	sdelay $0x3  }
0x93: {  	_ =	strace s4  }
0x94: {  	s4 =	sld [smem:$0x3FFC];
	_ =	sdelay $0x3  }
0x95: {  	_ =	strace s4  }
0x96: {  	s4 =	sld [smem:$0x3FFD];
	_ =	sdelay $0x3  }
0x97: {  	_ =	strace s4  }
0x98: {  	_ =	strace $0x8FFFFFFF  }
0x99: {  	s19 =	sld [smem:$0x3FDB];
	_ =	sdelay $0x1  }
0x9a: {  	s5 =	simm.s32 $_scs_section_size  }
0x9b: {  	s6 =	simm.s32 $_size__tile_overlayer_lowered;
	s7 =	simm.s32 $_tile_overlayer_lowered  }
0x9c: {  	s22 =	simm.s32 $0x1BFF;
	s21 =	sshll.u32 s7, $0x1;
	s4 =	sadd.s32 s5, s19  }
0x9d: {  	s8 =	simm.s32 $0x0;
	s20 =	sshll.u32 s6, $0x1;
	s6 =	sadd.s32 s21, s4  }
0x9e: {  	[timem:s8], [sflag:s22] =	dma.local [hbm:s6], s20  }
0x9f: {  	_ =	swait.ge [sflag:s22], s20  }
0xa0: {  	s5 =	ssub.s32 $0x0, s20;
	[sflag:s22] =	ssyncset.done $0x0  }
0xa1: {  	[sflag:s22] =	ssyncadd.s32 s5;
	_ =	sdelay $0x1  }
0xa2: {  	s23 =	simm.s32 $0x1B8B  }
0xa3: {  	_ =	swait.ge [sflag:s23], $0x1  }
0xa4: {  	[sflag:s23] =	ssyncset.done $0x0  }
0xa5: {  	s25 =	simm.s32 $0x1B8E;
	s24 =	sld [smem:$0x3FFE];
	[sflag:s23] =	ssyncadd.s32 $0xFFFFFFFF  }
0xa6: {  	s26 =	simm.s32 $execute0_lowered;
	[smem:$0x3FD2] =	sst s25  }
0xa7: {  	s6 =	sshll.u32 s26, $0x1;
	_ =	strace $0x80000046;
	[dreg:$0x1] =	wrdreg $0xFFFFFFFF  }
0xa8: {  	s28 =	simm.s32 $_size_execute0_lowered;
	s4 =	sadd.s32 s4, s6;
	[dreg:$0x0] =	wrdreg $0x0  }
0xa9: {  	s6 =	sshll.u32 s28, $0x1;
	[dreg:$0x2] =	wrdreg s4  }
0xaa: {  	[dreg:$0x3] =	wrdreg s6  }
0xab: {  	[dreg:$0x4] =	wrdreg $0xC0  }
0xac: {  	_ =	task [dreg:s8], $0x5FFFF  }
0xad: {  	[dreg:$0x1] =	wrdreg $0xFFFFFFFF  }
0xae: {  	[dreg:$0x0] =	wrdreg $0x60  }
0xaf: {  	[dreg:$0x2] =	wrdreg s24  }
0xb0: {  	[dreg:$0x3] =	wrdreg s2  }
0xb1: {  	[dreg:$0x4] =	wrdreg s18  }
0xb2: {  	[dreg:$0x5] =	wrdreg $0x9  }
0xb3: {  	_ =	task.clear_ibuf [dreg:s8], $0x6FFFF;
	_ =	strace $0x90000046  }
0xb4: {  	s29 =	simm.s32 $0x9;
	_ =	strace $0x80000048  }
0xb5: {  	_ =	swait.ge [sflag:s29], $0x1  }
0xb6: {  	[sflag:s29] =	ssyncadd.s32 $0xFFFFFFFF  }
0xb7: {  	_ =	strace $0x90000048  }
0xb8: {  	_ =	sfence  }
0xb9: {  	s30 =	sld [smem:$0x0];
	_ =	sdelay $0x2  }
0xba: {  	s31 =	sshll.u32 s1, $0xD;
	s1 =	sshrl.u32 s1, $0x2  }
0xbb: {  	s3 =	sand.u32 $0x4000, s31;
	s1 =	sadd.s32 s1, s30  }
0xbc: {  	s0 =	sor.u32 s3, s0;
	s1 =	sshll.u32 s1, $0x11  }
0xbd: {  	s0 =	sor.u32 s1, s0  }
0xbe: {  	s0 =	sadd.s32 $0x8F2B, s0  }
0xbf: {  	[sflag:s0] =	ssyncadd.remote.s32 $0x1  }
0xc0: {  	_ =	sfence.sel $0xFFFF  }
0xc1: {  	[dreg:$0x0] =	wrdreg $0xFFFFFFFF;
	(pc) =	sbr.abs _section_cstart, $3  }
0xc2: {  	[dreg:$0x1] =	wrdreg $0xFFFFFFFF  }
0xc3: {  	_ =	task.clear_ibuf [dreg:s8], $0x2FFFF;
	_ =	strace $0x9FFFFFFF  }
0xc4: {  	(tm) =	ssettm $0x7FFFFFFF  }
0xc5: {  	_ =	shalt  }
tec
execute0_lowered:
.L_overlay_start_1:
0x0: {  	(tag) =	ssettag $0x1  }
0x1: {  	s0 =	rddreg [dreg:$0x0]  }
0x2: {  	s2 =	rddreg [dreg:$0x1];
	s1 =	srdreg.scid  }
0x3: {  	s4 =	stileid.u32;
	s3 =	rddreg [dreg:$0x2];
	s12 =	simm.s32 $0x80  }
0x4: {  	s13 =	simm.s32 $0x6400;
	s14 =	simm.s32 $0xA400;
	s16 =	simm.s32 $0xE400  }
0x5: {  	s17 =	simm.s32 $0x1;
	s18 =	simm.s32 $0x12400;
	s19 =	simm.s32 $0x2  }
0x6: {  	s20 =	simm.s32 $0x16400;
	s21 =	simm.s32 $0x3;
	s22 =	simm.s32 $0x4  }
0x7: {  	s23 =	simm.s32 $0x5;
	s24 =	simm.s32 $0x6;
	s25 =	simm.s32 $0x7  }
0x8: {  	s26 =	simm.s32 $0x8;
	s1 =	sand.u32 $0x1, s1;
	s4 =	sshll.u32 s4, $0x1  }
0x9: {  	s28 =	simm.s32 $0x9;
	s29 =	simm.s32 $0xA;
	s6 =	sor.u32 s1, s4  }
0xa: {  	s30 =	simm.s32 $0x0;
	s1 =	ssub.s32 $0x2, s1;
	s7 =	smul.u32 $0xC80, s6  }
.Ltmp0:
0xb: {  	s4 =	simm.s32 $0x0;
	s8 =	sshrl.u32 s1, $0x1;
	(pc) =	sbr.rel .LBB2_1-.Ltmp0, $4  }
0xc: {  	[smem:$0x7FF] =	sst s4;
	s5 =	smul.u32 $0x6400, s6;
	s1 =	ssub.s32 s1, s8  }
0xd: {  	s9 =	smul.u32 $0x320000, s6;
	s0 =	sadd.s32 s7, s0;
	s31 =	smax.u32 s1, $0x1  }
0xe: {  	_ =	strace $0x80000047;
	s0 =	sadd.s32 $0x400, s0;
	[dreg:$0x5] =	wrdreg s31  }
0xf: {  	s7 =	sor.u32 $0x80, s5;
	s8 =	sor.u32 $0x100, s5;
	[dreg:$0x4] =	wrdreg s0  }
.LBB2_14:
0x10: {  	_ =	swait.ge [sflag:s24], $0x4000  }
0x11: {  	[sflag:s24] =	ssyncset.done $0x0  }
0x12: {  	[sflag:s24] =	ssyncadd.s32 $0xFFFFC000  }
0x13: {  	_ =	swait.ge [sflag:s25], $0x4000  }
0x14: {  	[sflag:s25] =	ssyncset.done $0x0  }
0x15: {  	[sflag:s25] =	ssyncadd.s32 $0xFFFFC000  }
0x16: {  	_ =	swait.ge [sflag:s26], $0x4000  }
0x17: {  	[sflag:s26] =	ssyncset.done $0x0  }
0x18: {  	[sflag:s26] =	ssyncadd.s32 $0xFFFFC000  }
0x19: {  	_ =	swait.ge [sflag:s28], $0x4000  }
0x1a: {  	[sflag:s28] =	ssyncset.done $0x0  }
0x1b: {  	[sflag:s28] =	ssyncadd.s32 $0xFFFFC000  }
0x1c: {  	_ =	swait.ge [sflag:s29], $0x4000  }
0x1d: {  	s30 =	sadd.s32 $0x1, s30;
	s0 =	rddreg [dreg:$0x5]  }
0x1e: {  	p0 =	sne.s32 s30, s0  }
.Ltmp1:
0x1f: {  	_ = 	snop;
	(pc) =	sbr.rel @!p0 .LBB2_15-.Ltmp1, $3  }
0x20: {  	_ =	sdelay $0x1  }
0x21: {  	[sflag:s29] =	ssyncset.done $0x0  }
0x22: {  	[sflag:s29] =	ssyncadd.s32 $0xFFFFC000  }
.LBB2_1:
0x23: {  	s0 =	rddreg [dreg:$0x4];
	s11 =	simm.s32 $0xB  }
0x24: {  	[tilespmem:s4], [sflag:$0xB] =	stream.linear.gather [hbm4b:s0+s4], $0x6400, $0x38;
	[tilespmem:$0x1A400] =	vst v63  }
0x25: {  	_ =	swait.ge [sflag:s11], $0x6400  }
0x26: {  	[sflag:s11] =	ssyncset.done $0x0  }
0x27: {  	[sflag:s11] =	ssyncadd.s32 $0xFFFF9C00  }
0x28: {  	[tilespmem:s13], [sflag:$0x1] =	stream.indirect.gather [hbm4b:s2+s12], $0x80, s4, s12, $0xb8;
	[tilespmem:$0x1A400] =	vst v63  }
0x29: {  	_ = 	snop  }
0x2a: {  	[tilespmem:s14], [sflag:$0x2] =	stream.indirect.gather [hbm4b:s2+s12], $0x80, s12, s12, $0xb8;
	[tilespmem:$0x1A400] =	vst v63  }
0x2b: {  	s15 =	simm.s32 $0x100;
	s31 =	simm.s32 $0x0  }
0x2c: {  	[tilespmem:s16], [sflag:$0x3] =	stream.indirect.gather [hbm4b:s2+s12], $0x80, s15, s12, $0xb8;
	[tilespmem:$0x1A400] =	vst v63  }
.LBB2_2:
0x2d: {  	_ =	swait.ge [sflag:s17], $0x4000  }
0x2e: {  	[sflag:s17] =	ssyncset.done $0x0  }
0x2f: {  	s0 =	simm.s32 $0x0;
	[sflag:s17] =	ssyncadd.s32 $0xFFFFC000  }
0x30: {  	v0 =	vld [tilespmem:s0+$0x6400]  }
0x31: {  	v1 =	vld [tilespmem:s0+$0x6410]  }
0x32: {  	v2 =	vld [tilespmem:s0+$0x6420]  }
0x33: {  	v3 =	vld [tilespmem:s0+$0x6430]  }
0x34: {  	v4 =	vld [tilespmem:s0+$0x6440]  }
0x35: {  	v5 =	vld [tilespmem:s0+$0x6450];
	v0 =	vmul.f32 $1.131370830e+01, v0  }
0x36: {  	v6 =	vld [tilespmem:s0+$0x6460];
	v1 =	vmul.f32 $1.131370830e+01, v1  }
0x37: {  	v2 =	vmul.f32 $1.131370830e+01, v2;
	[tilespmem:s0+$0x6400] =	vst v0;
	v0 =	vld [tilespmem:s0+$0x6470]  }
0x38: {  	v3 =	vmul.f32 $1.131370830e+01, v3;
	[tilespmem:s0+$0x6410] =	vst v1;
	v1 =	vld [tilespmem:s0+$0x6480]  }
0x39: {  	v4 =	vmul.f32 $1.131370830e+01, v4;
	[tilespmem:s0+$0x6420] =	vst v2;
	v2 =	vld [tilespmem:s0+$0x6490]  }
0x3a: {  	v5 =	vmul.f32 $1.131370830e+01, v5;
	[tilespmem:s0+$0x6430] =	vst v3;
	v3 =	vld [tilespmem:s0+$0x64A0]  }
0x3b: {  	v6 =	vmul.f32 $1.131370830e+01, v6;
	[tilespmem:s0+$0x6440] =	vst v4;
	v4 =	vld [tilespmem:s0+$0x64B0]  }
0x3c: {  	[tilespmem:s0+$0x6450] =	vst v5;
	v5 =	vld [tilespmem:s0+$0x64C0];
	v0 =	vmul.f32 $1.131370830e+01, v0  }
0x3d: {  	[tilespmem:s0+$0x6460] =	vst v6;
	v6 =	vld [tilespmem:s0+$0x64D0];
	v1 =	vmul.f32 $1.131370830e+01, v1  }
0x3e: {  	v2 =	vmul.f32 $1.131370830e+01, v2;
	[tilespmem:s0+$0x6470] =	vst v0;
	v0 =	vld [tilespmem:s0+$0x64E0]  }
0x3f: {  	v3 =	vmul.f32 $1.131370830e+01, v3;
	[tilespmem:s0+$0x6480] =	vst v1;
	v1 =	vld [tilespmem:s0+$0x64F0]  }
0x40: {  	v4 =	vmul.f32 $1.131370830e+01, v4;
	[tilespmem:s0+$0x6490] =	vst v2;
	v2 =	vld [tilespmem:s0+$0x6500]  }
0x41: {  	v5 =	vmul.f32 $1.131370830e+01, v5;
	[tilespmem:s0+$0x64A0] =	vst v3;
	v3 =	vld [tilespmem:s0+$0x6510]  }
0x42: {  	v6 =	vmul.f32 $1.131370830e+01, v6;
	[tilespmem:s0+$0x64B0] =	vst v4;
	v4 =	vld [tilespmem:s0+$0x6520]  }
0x43: {  	[tilespmem:s0+$0x64C0] =	vst v5;
	v5 =	vld [tilespmem:s0+$0x6530];
	v0 =	vmul.f32 $1.131370830e+01, v0  }
0x44: {  	[tilespmem:s0+$0x64D0] =	vst v6;
	v6 =	vld [tilespmem:s0+$0x6540]  }
0x45: {  	v1 =	vmul.f32 $1.131370830e+01, v1;
	[tilespmem:s0+$0x64E0] =	vst v0;
	v0 =	vld [tilespmem:s0+$0x6550]  }
0x46: {  	v2 =	vmul.f32 $1.131370830e+01, v2  }
0x47: {  	[tilespmem:s0+$0x64F0] =	vst v1;
	v1 =	vmul.f32 $1.131370830e+01, v3;
	v3 =	vld [tilespmem:s0+$0x6570]  }
0x48: {  	v7 =	vld [tilespmem:s0+$0x6560];
	[tilespmem:s0+$0x6500] =	vst v2;
	v2 =	vmul.f32 $1.131370830e+01, v4  }
0x49: {  	v4 =	vld [tilespmem:s0+$0x6580];
	[tilespmem:s0+$0x6510] =	vst v1;
	v1 =	vmul.f32 $1.131370830e+01, v5  }
0x4a: {  	[tilespmem:s0+$0x6520] =	vst v2;
	v5 =	vld [tilespmem:s0+$0x6590];
	v2 =	vmul.f32 $1.131370830e+01, v6;
	v6 =	vmul.f32 $1.131370830e+01, v0  }
0x4b: {  	[tilespmem:s0+$0x6530] =	vst v1;
	v1 =	vld [tilespmem:s0+$0x65A0]  }
0x4c: {  	v0 =	vld [tilespmem:s0+$0x65B0];
	[tilespmem:s0+$0x6550] =	vst v6;
	v6 =	vmul.f32 $1.131370830e+01, v3  }
0x4d: {  	v7 =	vmul.f32 $1.131370830e+01, v7;
	[tilespmem:s0+$0x6540] =	vst v2;
	v2 =	vld [tilespmem:s0+$0x65C0]  }
0x4e: {  	v3 =	vld [tilespmem:s0+$0x65D0];
	[tilespmem:s0+$0x6570] =	vst v6;
	v6 =	vmul.f32 $1.131370830e+01, v4  }
0x4f: {  	s1 =	simm.s32 $0x800;
	[tilespmem:s0+$0x6560] =	vst v7;
	v5 =	vmul.f32 $1.131370830e+01, v5;
	v4 =	vld [tilespmem:s0+$0x65E0]  }
.LBB2_3:
0x50: {  	s6 =	sshra.s32 s1, $0x2;
	p0 =	sne.s32 s1, $0xF800;
	[tilespmem:s0+$0x6580] =	vst v6;
	v1 =	vmul.f32 $1.131370830e+01, v1;
	v6 =	vld [tilespmem:s0+$0x65F0]  }
0x51: {  	v7 =	vld [tilespmem:s6+$0x6400];
	[tilespmem:s0+$0x6590] =	vst v5;
	v0 =	vmul.f32 $1.131370830e+01, v0  }
0x52: {  	v5 =	vld [tilespmem:s6+$0x6410];
	[tilespmem:s0+$0x65A0] =	vst v1;
	v1 =	vmul.f32 $1.131370830e+01, v2  }
0x53: {  	v2 =	vld [tilespmem:s6+$0x6420];
	[tilespmem:s0+$0x65B0] =	vst v0;
	v0 =	vmul.f32 $1.131370830e+01, v3  }
0x54: {  	v3 =	vld [tilespmem:s6+$0x6430];
	[tilespmem:s0+$0x65C0] =	vst v1;
	v1 =	vmul.f32 $1.131370830e+01, v4  }
0x55: {  	v4 =	vld [tilespmem:s6+$0x6440];
	[tilespmem:s0+$0x65D0] =	vst v0;
	v0 =	vmul.f32 $1.131370830e+01, v6  }
0x56: {  	v6 =	vmul.f32 $1.131370830e+01, v7;
	v7 =	vld [tilespmem:s6+$0x6450];
	[tilespmem:s0+$0x65E0] =	vst v1  }
0x57: {  	v1 =	vmul.f32 $1.131370830e+01, v5;
	v5 =	vld [tilespmem:s6+$0x6460];
	[tilespmem:s0+$0x65F0] =	vst v0;
	s0 =	smov.u32 s6  }
0x58: {  	[tilespmem:s0+$0x6400] =	vst v6;
	v0 =	vmul.f32 $1.131370830e+01, v2;
	v2 =	vld [tilespmem:s0+$0x6470]  }
0x59: {  	[tilespmem:s0+$0x6410] =	vst v1;
	v1 =	vmul.f32 $1.131370830e+01, v3;
	v3 =	vld [tilespmem:s0+$0x6480]  }
0x5a: {  	[tilespmem:s0+$0x6420] =	vst v0;
	v0 =	vmul.f32 $1.131370830e+01, v4;
	v4 =	vld [tilespmem:s0+$0x6490]  }
0x5b: {  	[tilespmem:s0+$0x6430] =	vst v1;
	v1 =	vmul.f32 $1.131370830e+01, v7;
	v6 =	vld [tilespmem:s0+$0x64A0]  }
0x5c: {  	[tilespmem:s0+$0x6440] =	vst v0;
	v0 =	vmul.f32 $1.131370830e+01, v5;
	v5 =	vld [tilespmem:s0+$0x64B0]  }
0x5d: {  	[tilespmem:s0+$0x6450] =	vst v1;
	v1 =	vmul.f32 $1.131370830e+01, v2;
	v2 =	vld [tilespmem:s0+$0x64C0]  }
0x5e: {  	[tilespmem:s0+$0x6460] =	vst v0;
	v0 =	vmul.f32 $1.131370830e+01, v3;
	v3 =	vld [tilespmem:s0+$0x64D0]  }
0x5f: {  	[tilespmem:s0+$0x6470] =	vst v1;
	v1 =	vmul.f32 $1.131370830e+01, v4;
	v4 =	vld [tilespmem:s0+$0x64E0]  }
0x60: {  	[tilespmem:s0+$0x6480] =	vst v0;
	v0 =	vmul.f32 $1.131370830e+01, v6;
	v6 =	vld [tilespmem:s0+$0x64F0]  }
0x61: {  	[tilespmem:s0+$0x6490] =	vst v1;
	v1 =	vmul.f32 $1.131370830e+01, v5;
	v5 =	vld [tilespmem:s0+$0x6500]  }
0x62: {  	[tilespmem:s0+$0x64A0] =	vst v0;
	v0 =	vmul.f32 $1.131370830e+01, v2;
	v2 =	vld [tilespmem:s0+$0x6510]  }
0x63: {  	[tilespmem:s0+$0x64B0] =	vst v1;
	v1 =	vmul.f32 $1.131370830e+01, v3;
	v3 =	vld [tilespmem:s0+$0x6520]  }
0x64: {  	[tilespmem:s0+$0x64C0] =	vst v0;
	v0 =	vmul.f32 $1.131370830e+01, v4;
	v4 =	vld [tilespmem:s0+$0x6530]  }
0x65: {  	[tilespmem:s0+$0x64D0] =	vst v1;
	v1 =	vmul.f32 $1.131370830e+01, v6;
	v6 =	vld [tilespmem:s0+$0x6540]  }
0x66: {  	[tilespmem:s0+$0x64E0] =	vst v0;
	v0 =	vmul.f32 $1.131370830e+01, v5;
	v5 =	vld [tilespmem:s0+$0x6550]  }
0x67: {  	[tilespmem:s0+$0x64F0] =	vst v1;
	v1 =	vmul.f32 $1.131370830e+01, v2;
	v2 =	vld [tilespmem:s0+$0x6560]  }
0x68: {  	[tilespmem:s0+$0x6500] =	vst v0;
	v0 =	vmul.f32 $1.131370830e+01, v3;
	v3 =	vld [tilespmem:s0+$0x6570]  }
0x69: {  	[tilespmem:s0+$0x6510] =	vst v1;
	v1 =	vmul.f32 $1.131370830e+01, v4;
	v4 =	vld [tilespmem:s0+$0x6580]  }
0x6a: {  	[tilespmem:s0+$0x6520] =	vst v0;
	v0 =	vmul.f32 $1.131370830e+01, v6;
	v7 =	vld [tilespmem:s0+$0x6590]  }
.Ltmp2:
0x6b: {  	[tilespmem:s0+$0x6530] =	vst v1;
	v5 =	vmul.f32 $1.131370830e+01, v5;
	v1 =	vld [tilespmem:s0+$0x65A0];
	(pc) =	sbr.rel @p0 .LBB2_3-.Ltmp2, $4  }
0x6c: {  	[tilespmem:s0+$0x6540] =	vst v0;
	v6 =	vmul.f32 $1.131370830e+01, v2;
	v0 =	vld [tilespmem:s0+$0x65B0]  }
0x6d: {  	[tilespmem:s0+$0x6550] =	vst v5;
	v5 =	vmul.f32 $1.131370830e+01, v3;
	v2 =	vld [tilespmem:s0+$0x65C0]  }
0x6e: {  	[tilespmem:s0+$0x6560] =	vst v6;
	v6 =	vmul.f32 $1.131370830e+01, v4;
	v3 =	vld [tilespmem:s0+$0x65D0]  }
0x6f: {  	s1 =	sadd.s32 $0x800, s1;
	[tilespmem:s0+$0x6570] =	vst v5;
	v5 =	vmul.f32 $1.131370830e+01, v7;
	v4 =	vld [tilespmem:s0+$0x65E0]  }
0x70: {  	[tilespmem:s0+$0x6580] =	vst v6;
	v1 =	vmul.f32 $1.131370830e+01, v1;
	v6 =	vld [tilespmem:s0+$0x65F0]  }
0x71: {  	[tilespmem:s0+$0x6590] =	vst v5;
	v0 =	vmul.f32 $1.131370830e+01, v0  }
0x72: {  	[tilespmem:s0+$0x65A0] =	vst v1;
	v1 =	vmul.f32 $1.131370830e+01, v2  }
0x73: {  	s15 =	smul.u32 $0x280, s31;
	[tilespmem:s0+$0x65B0] =	vst v0;
	v0 =	vmul.f32 $1.131370830e+01, v3  }
0x74: {  	[tilespmem:s0+$0x65C0] =	vst v1;
	v1 =	vmul.f32 $1.131370830e+01, v4  }
0x75: {  	s1 =	sadd.s32 s5, s15;
	[tilespmem:s0+$0x65D0] =	vst v0;
	v0 =	vmul.f32 $1.131370830e+01, v6  }
0x76: {  	p0 =	seq.s32 s31, $0x0;
	s1 =	sshll.u32 s1, $0x4;
	[tilespmem:s0+$0x65E0] =	vst v1  }
0x77: {  	s6 =	simm.s32 @!p0 $0x9;
	s10 =	sadd.s32 s3, s1;
	s1 =	smul.u32 $0x5, s31;
	[tilespmem:s0+$0x65F0] =	vst v0  }
0x78: {  	[hbm4b:s10+s4] =	stream.linear.scatter [tilespmem:s13], [sflag:$0x6], $0x4000, $0x38;
	[tilespmem:$0x1A400] =	vst v63  }
0x79: {  	s0 =	sadd.s32 $0x3, s1;
	_ =	swait.ge @!p0 [sflag:s6], $0x4000  }
0x7a: {  	s10 =	sshll.u32 s0, $0x7;
	[sflag:s6] =	ssyncset.done @!p0 $0x0  }
0x7b: {  	s11 =	sand.u32 $0x3FFFFF80, s10;
	[sflag:s6] =	ssyncadd.s32 @!p0 $0xFFFFC000  }
0x7c: {  	[tilespmem:s18], [sflag:$0x4] =	stream.indirect.gather [hbm4b:s2+s12], $0x80, s11, s12, $0xb8;
	[tilespmem:$0x1A400] =	vst v63  }
0x7d: {  	_ =	swait.ge [sflag:s19], $0x4000  }
0x7e: {  	[sflag:s19] =	ssyncset.done $0x0  }
0x7f: {  	s6 =	simm.s32 $0x0;
	[sflag:s19] =	ssyncadd.s32 $0xFFFFC000  }
0x80: {  	v0 =	vld [tilespmem:s6+$0xA400]  }
0x81: {  	v1 =	vld [tilespmem:s6+$0xA410]  }
0x82: {  	v2 =	vld [tilespmem:s6+$0xA420]  }
0x83: {  	v3 =	vld [tilespmem:s6+$0xA430]  }
0x84: {  	v4 =	vld [tilespmem:s6+$0xA440]  }
0x85: {  	v5 =	vld [tilespmem:s6+$0xA450];
	v0 =	vmul.f32 $1.131370830e+01, v0  }
0x86: {  	v6 =	vld [tilespmem:s6+$0xA460];
	v1 =	vmul.f32 $1.131370830e+01, v1  }
0x87: {  	v2 =	vmul.f32 $1.131370830e+01, v2;
	[tilespmem:s6+$0xA400] =	vst v0;
	v0 =	vld [tilespmem:s6+$0xA470]  }
0x88: {  	v3 =	vmul.f32 $1.131370830e+01, v3;
	[tilespmem:s6+$0xA410] =	vst v1;
	v1 =	vld [tilespmem:s6+$0xA480]  }
0x89: {  	v4 =	vmul.f32 $1.131370830e+01, v4;
	[tilespmem:s6+$0xA420] =	vst v2;
	v2 =	vld [tilespmem:s6+$0xA490]  }
0x8a: {  	v5 =	vmul.f32 $1.131370830e+01, v5;
	[tilespmem:s6+$0xA430] =	vst v3;
	v3 =	vld [tilespmem:s6+$0xA4A0]  }
0x8b: {  	v6 =	vmul.f32 $1.131370830e+01, v6;
	[tilespmem:s6+$0xA440] =	vst v4;
	v4 =	vld [tilespmem:s6+$0xA4B0]  }
0x8c: {  	[tilespmem:s6+$0xA450] =	vst v5;
	v5 =	vld [tilespmem:s6+$0xA4C0];
	v0 =	vmul.f32 $1.131370830e+01, v0  }
0x8d: {  	[tilespmem:s6+$0xA460] =	vst v6;
	v6 =	vld [tilespmem:s6+$0xA4D0];
	v1 =	vmul.f32 $1.131370830e+01, v1  }
0x8e: {  	v2 =	vmul.f32 $1.131370830e+01, v2;
	[tilespmem:s6+$0xA470] =	vst v0;
	v0 =	vld [tilespmem:s6+$0xA4E0]  }
0x8f: {  	v3 =	vmul.f32 $1.131370830e+01, v3;
	[tilespmem:s6+$0xA480] =	vst v1;
	v1 =	vld [tilespmem:s6+$0xA4F0]  }
0x90: {  	v4 =	vmul.f32 $1.131370830e+01, v4;
	[tilespmem:s6+$0xA490] =	vst v2;
	v2 =	vld [tilespmem:s6+$0xA500]  }
0x91: {  	v5 =	vmul.f32 $1.131370830e+01, v5;
	[tilespmem:s6+$0xA4A0] =	vst v3;
	v3 =	vld [tilespmem:s6+$0xA510]  }
0x92: {  	v6 =	vmul.f32 $1.131370830e+01, v6;
	[tilespmem:s6+$0xA4B0] =	vst v4;
	v4 =	vld [tilespmem:s6+$0xA520]  }
0x93: {  	[tilespmem:s6+$0xA4C0] =	vst v5;
	v5 =	vld [tilespmem:s6+$0xA530];
	v0 =	vmul.f32 $1.131370830e+01, v0  }
0x94: {  	[tilespmem:s6+$0xA4D0] =	vst v6;
	v6 =	vld [tilespmem:s6+$0xA540]  }
0x95: {  	v1 =	vmul.f32 $1.131370830e+01, v1;
	[tilespmem:s6+$0xA4E0] =	vst v0;
	v0 =	vld [tilespmem:s6+$0xA550]  }
0x96: {  	v2 =	vmul.f32 $1.131370830e+01, v2  }
0x97: {  	[tilespmem:s6+$0xA4F0] =	vst v1;
	v1 =	vmul.f32 $1.131370830e+01, v3;
	v3 =	vld [tilespmem:s6+$0xA570]  }
0x98: {  	v7 =	vld [tilespmem:s6+$0xA560];
	[tilespmem:s6+$0xA500] =	vst v2;
	v2 =	vmul.f32 $1.131370830e+01, v4  }
0x99: {  	v4 =	vld [tilespmem:s6+$0xA580];
	[tilespmem:s6+$0xA510] =	vst v1;
	v1 =	vmul.f32 $1.131370830e+01, v5  }
0x9a: {  	[tilespmem:s6+$0xA520] =	vst v2;
	v5 =	vld [tilespmem:s6+$0xA590];
	v2 =	vmul.f32 $1.131370830e+01, v6;
	v6 =	vmul.f32 $1.131370830e+01, v0  }
0x9b: {  	[tilespmem:s6+$0xA530] =	vst v1;
	v1 =	vld [tilespmem:s6+$0xA5A0]  }
0x9c: {  	v0 =	vld [tilespmem:s6+$0xA5B0];
	[tilespmem:s6+$0xA550] =	vst v6;
	v6 =	vmul.f32 $1.131370830e+01, v3  }
0x9d: {  	v7 =	vmul.f32 $1.131370830e+01, v7;
	[tilespmem:s6+$0xA540] =	vst v2;
	v2 =	vld [tilespmem:s6+$0xA5C0]  }
0x9e: {  	v3 =	vld [tilespmem:s6+$0xA5D0];
	[tilespmem:s6+$0xA570] =	vst v6;
	v6 =	vmul.f32 $1.131370830e+01, v4  }
0x9f: {  	s10 =	simm.s32 $0x800;
	[tilespmem:s6+$0xA560] =	vst v7;
	v5 =	vmul.f32 $1.131370830e+01, v5;
	v4 =	vld [tilespmem:s6+$0xA5E0]  }
.LBB2_5:
0xa0: {  	s11 =	sshra.s32 s10, $0x2;
	p1 =	sne.s32 s10, $0xF800;
	[tilespmem:s6+$0xA580] =	vst v6;
	v1 =	vmul.f32 $1.131370830e+01, v1;
	v6 =	vld [tilespmem:s6+$0xA5F0]  }
0xa1: {  	v7 =	vld [tilespmem:s11+$0xA400];
	[tilespmem:s6+$0xA590] =	vst v5;
	v0 =	vmul.f32 $1.131370830e+01, v0  }
0xa2: {  	v5 =	vld [tilespmem:s11+$0xA410];
	[tilespmem:s6+$0xA5A0] =	vst v1;
	v1 =	vmul.f32 $1.131370830e+01, v2  }
0xa3: {  	v2 =	vld [tilespmem:s11+$0xA420];
	[tilespmem:s6+$0xA5B0] =	vst v0;
	v0 =	vmul.f32 $1.131370830e+01, v3  }
0xa4: {  	v3 =	vld [tilespmem:s11+$0xA430];
	[tilespmem:s6+$0xA5C0] =	vst v1;
	v1 =	vmul.f32 $1.131370830e+01, v4  }
0xa5: {  	v4 =	vld [tilespmem:s11+$0xA440];
	[tilespmem:s6+$0xA5D0] =	vst v0;
	v0 =	vmul.f32 $1.131370830e+01, v6  }
0xa6: {  	v6 =	vmul.f32 $1.131370830e+01, v7;
	v7 =	vld [tilespmem:s11+$0xA450];
	[tilespmem:s6+$0xA5E0] =	vst v1  }
0xa7: {  	v1 =	vmul.f32 $1.131370830e+01, v5;
	v5 =	vld [tilespmem:s11+$0xA460];
	[tilespmem:s6+$0xA5F0] =	vst v0;
	s6 =	smov.u32 s11  }
0xa8: {  	[tilespmem:s6+$0xA400] =	vst v6;
	v0 =	vmul.f32 $1.131370830e+01, v2;
	v2 =	vld [tilespmem:s6+$0xA470]  }
0xa9: {  	[tilespmem:s6+$0xA410] =	vst v1;
	v1 =	vmul.f32 $1.131370830e+01, v3;
	v3 =	vld [tilespmem:s6+$0xA480]  }
0xaa: {  	[tilespmem:s6+$0xA420] =	vst v0;
	v0 =	vmul.f32 $1.131370830e+01, v4;
	v4 =	vld [tilespmem:s6+$0xA490]  }
0xab: {  	[tilespmem:s6+$0xA430] =	vst v1;
	v1 =	vmul.f32 $1.131370830e+01, v7;
	v6 =	vld [tilespmem:s6+$0xA4A0]  }
0xac: {  	[tilespmem:s6+$0xA440] =	vst v0;
	v0 =	vmul.f32 $1.131370830e+01, v5;
	v5 =	vld [tilespmem:s6+$0xA4B0]  }
0xad: {  	[tilespmem:s6+$0xA450] =	vst v1;
	v1 =	vmul.f32 $1.131370830e+01, v2;
	v2 =	vld [tilespmem:s6+$0xA4C0]  }
0xae: {  	[tilespmem:s6+$0xA460] =	vst v0;
	v0 =	vmul.f32 $1.131370830e+01, v3;
	v3 =	vld [tilespmem:s6+$0xA4D0]  }
0xaf: {  	[tilespmem:s6+$0xA470] =	vst v1;
	v1 =	vmul.f32 $1.131370830e+01, v4;
	v4 =	vld [tilespmem:s6+$0xA4E0]  }
0xb0: {  	[tilespmem:s6+$0xA480] =	vst v0;
	v0 =	vmul.f32 $1.131370830e+01, v6;
	v6 =	vld [tilespmem:s6+$0xA4F0]  }
0xb1: {  	[tilespmem:s6+$0xA490] =	vst v1;
	v1 =	vmul.f32 $1.131370830e+01, v5;
	v5 =	vld [tilespmem:s6+$0xA500]  }
0xb2: {  	[tilespmem:s6+$0xA4A0] =	vst v0;
	v0 =	vmul.f32 $1.131370830e+01, v2;
	v2 =	vld [tilespmem:s6+$0xA510]  }
0xb3: {  	[tilespmem:s6+$0xA4B0] =	vst v1;
	v1 =	vmul.f32 $1.131370830e+01, v3;
	v3 =	vld [tilespmem:s6+$0xA520]  }
0xb4: {  	[tilespmem:s6+$0xA4C0] =	vst v0;
	v0 =	vmul.f32 $1.131370830e+01, v4;
	v4 =	vld [tilespmem:s6+$0xA530]  }
0xb5: {  	[tilespmem:s6+$0xA4D0] =	vst v1;
	v1 =	vmul.f32 $1.131370830e+01, v6;
	v6 =	vld [tilespmem:s6+$0xA540]  }
0xb6: {  	[tilespmem:s6+$0xA4E0] =	vst v0;
	v0 =	vmul.f32 $1.131370830e+01, v5;
	v5 =	vld [tilespmem:s6+$0xA550]  }
0xb7: {  	[tilespmem:s6+$0xA4F0] =	vst v1;
	v1 =	vmul.f32 $1.131370830e+01, v2;
	v2 =	vld [tilespmem:s6+$0xA560]  }
0xb8: {  	[tilespmem:s6+$0xA500] =	vst v0;
	v0 =	vmul.f32 $1.131370830e+01, v3;
	v3 =	vld [tilespmem:s6+$0xA570]  }
0xb9: {  	[tilespmem:s6+$0xA510] =	vst v1;
	v1 =	vmul.f32 $1.131370830e+01, v4;
	v4 =	vld [tilespmem:s6+$0xA580]  }
0xba: {  	[tilespmem:s6+$0xA520] =	vst v0;
	v0 =	vmul.f32 $1.131370830e+01, v6;
	v7 =	vld [tilespmem:s6+$0xA590]  }
.Ltmp3:
0xbb: {  	[tilespmem:s6+$0xA530] =	vst v1;
	v5 =	vmul.f32 $1.131370830e+01, v5;
	v1 =	vld [tilespmem:s6+$0xA5A0];
	(pc) =	sbr.rel @p1 .LBB2_5-.Ltmp3, $4  }
0xbc: {  	[tilespmem:s6+$0xA540] =	vst v0;
	v6 =	vmul.f32 $1.131370830e+01, v2;
	v0 =	vld [tilespmem:s6+$0xA5B0]  }
0xbd: {  	[tilespmem:s6+$0xA550] =	vst v5;
	v5 =	vmul.f32 $1.131370830e+01, v3;
	v2 =	vld [tilespmem:s6+$0xA5C0]  }
0xbe: {  	[tilespmem:s6+$0xA560] =	vst v6;
	v6 =	vmul.f32 $1.131370830e+01, v4;
	v3 =	vld [tilespmem:s6+$0xA5D0]  }
0xbf: {  	s10 =	sadd.s32 $0x800, s10;
	[tilespmem:s6+$0xA570] =	vst v5;
	v5 =	vmul.f32 $1.131370830e+01, v7;
	v4 =	vld [tilespmem:s6+$0xA5E0]  }
0xc0: {  	[tilespmem:s6+$0xA580] =	vst v6;
	v1 =	vmul.f32 $1.131370830e+01, v1;
	v6 =	vld [tilespmem:s6+$0xA5F0]  }
0xc1: {  	[tilespmem:s6+$0xA590] =	vst v5;
	v0 =	vmul.f32 $1.131370830e+01, v0  }
0xc2: {  	[tilespmem:s6+$0xA5A0] =	vst v1;
	v1 =	vmul.f32 $1.131370830e+01, v2  }
0xc3: {  	[tilespmem:s6+$0xA5B0] =	vst v0;
	v0 =	vmul.f32 $1.131370830e+01, v3  }
0xc4: {  	[tilespmem:s6+$0xA5C0] =	vst v1;
	v1 =	vmul.f32 $1.131370830e+01, v4  }
0xc5: {  	s10 =	sadd.s32 s15, s7;
	[tilespmem:s6+$0xA5D0] =	vst v0;
	v0 =	vmul.f32 $1.131370830e+01, v6  }
0xc6: {  	s10 =	sshll.u32 s10, $0x4;
	[tilespmem:s6+$0xA5E0] =	vst v1  }
0xc7: {  	s10 =	sadd.s32 s3, s10;
	[tilespmem:s6+$0xA5F0] =	vst v0;
	s6 =	simm.s32 @!p0 $0xA  }
0xc8: {  	[hbm4b:s10+s4] =	stream.linear.scatter [tilespmem:s14], [sflag:$0x7], $0x4000, $0x38;
	[tilespmem:$0x1A400] =	vst v63  }
0xc9: {  	s1 =	sadd.s32 $0x4, s1;
	_ =	swait.ge @!p0 [sflag:s6], $0x4000  }
0xca: {  	s11 =	sshll.u32 s1, $0x7;
	[sflag:s6] =	ssyncset.done @!p0 $0x0  }
0xcb: {  	s11 =	sand.u32 $0x3FFFFF80, s11;
	[sflag:s6] =	ssyncadd.s32 @!p0 $0xFFFFC000  }
0xcc: {  	[tilespmem:s20], [sflag:$0x5] =	stream.indirect.gather [hbm4b:s2+s12], $0x80, s11, s12, $0xb8;
	[tilespmem:$0x1A400] =	vst v63  }
0xcd: {  	_ =	swait.ge [sflag:s21], $0x4000  }
0xce: {  	[sflag:s21] =	ssyncset.done $0x0  }
0xcf: {  	s6 =	simm.s32 $0x0;
	[sflag:s21] =	ssyncadd.s32 $0xFFFFC000  }
0xd0: {  	v0 =	vld [tilespmem:s6+$0xE400]  }
0xd1: {  	v1 =	vld [tilespmem:s6+$0xE410]  }
0xd2: {  	v2 =	vld [tilespmem:s6+$0xE420]  }
0xd3: {  	v3 =	vld [tilespmem:s6+$0xE430]  }
0xd4: {  	v4 =	vld [tilespmem:s6+$0xE440]  }
0xd5: {  	v5 =	vld [tilespmem:s6+$0xE450];
	v0 =	vmul.f32 $1.131370830e+01, v0  }
0xd6: {  	v6 =	vld [tilespmem:s6+$0xE460];
	v1 =	vmul.f32 $1.131370830e+01, v1  }
0xd7: {  	v2 =	vmul.f32 $1.131370830e+01, v2;
	[tilespmem:s6+$0xE400] =	vst v0;
	v0 =	vld [tilespmem:s6+$0xE470]  }
0xd8: {  	v3 =	vmul.f32 $1.131370830e+01, v3;
	[tilespmem:s6+$0xE410] =	vst v1;
	v1 =	vld [tilespmem:s6+$0xE480]  }
0xd9: {  	v4 =	vmul.f32 $1.131370830e+01, v4;
	[tilespmem:s6+$0xE420] =	vst v2;
	v2 =	vld [tilespmem:s6+$0xE490]  }
0xda: {  	v5 =	vmul.f32 $1.131370830e+01, v5;
	[tilespmem:s6+$0xE430] =	vst v3;
	v3 =	vld [tilespmem:s6+$0xE4A0]  }
0xdb: {  	v6 =	vmul.f32 $1.131370830e+01, v6;
	[tilespmem:s6+$0xE440] =	vst v4;
	v4 =	vld [tilespmem:s6+$0xE4B0]  }
0xdc: {  	[tilespmem:s6+$0xE450] =	vst v5;
	v5 =	vld [tilespmem:s6+$0xE4C0];
	v0 =	vmul.f32 $1.131370830e+01, v0  }
0xdd: {  	[tilespmem:s6+$0xE460] =	vst v6;
	v6 =	vld [tilespmem:s6+$0xE4D0];
	v1 =	vmul.f32 $1.131370830e+01, v1  }
0xde: {  	v2 =	vmul.f32 $1.131370830e+01, v2;
	[tilespmem:s6+$0xE470] =	vst v0;
	v0 =	vld [tilespmem:s6+$0xE4E0]  }
0xdf: {  	v3 =	vmul.f32 $1.131370830e+01, v3;
	[tilespmem:s6+$0xE480] =	vst v1;
	v1 =	vld [tilespmem:s6+$0xE4F0]  }
0xe0: {  	v4 =	vmul.f32 $1.131370830e+01, v4;
	[tilespmem:s6+$0xE490] =	vst v2;
	v2 =	vld [tilespmem:s6+$0xE500]  }
0xe1: {  	v5 =	vmul.f32 $1.131370830e+01, v5;
	[tilespmem:s6+$0xE4A0] =	vst v3;
	v3 =	vld [tilespmem:s6+$0xE510]  }
0xe2: {  	v6 =	vmul.f32 $1.131370830e+01, v6;
	[tilespmem:s6+$0xE4B0] =	vst v4;
	v4 =	vld [tilespmem:s6+$0xE520]  }
0xe3: {  	[tilespmem:s6+$0xE4C0] =	vst v5;
	v5 =	vld [tilespmem:s6+$0xE530];
	v0 =	vmul.f32 $1.131370830e+01, v0  }
0xe4: {  	[tilespmem:s6+$0xE4D0] =	vst v6;
	v6 =	vld [tilespmem:s6+$0xE540]  }
0xe5: {  	v1 =	vmul.f32 $1.131370830e+01, v1;
	[tilespmem:s6+$0xE4E0] =	vst v0;
	v0 =	vld [tilespmem:s6+$0xE550]  }
0xe6: {  	v2 =	vmul.f32 $1.131370830e+01, v2  }
0xe7: {  	[tilespmem:s6+$0xE4F0] =	vst v1;
	v1 =	vmul.f32 $1.131370830e+01, v3;
	v3 =	vld [tilespmem:s6+$0xE570]  }
0xe8: {  	v7 =	vld [tilespmem:s6+$0xE560];
	[tilespmem:s6+$0xE500] =	vst v2;
	v2 =	vmul.f32 $1.131370830e+01, v4  }
0xe9: {  	v4 =	vld [tilespmem:s6+$0xE580];
	[tilespmem:s6+$0xE510] =	vst v1;
	v1 =	vmul.f32 $1.131370830e+01, v5  }
0xea: {  	[tilespmem:s6+$0xE520] =	vst v2;
	v5 =	vld [tilespmem:s6+$0xE590];
	v2 =	vmul.f32 $1.131370830e+01, v6;
	v6 =	vmul.f32 $1.131370830e+01, v0  }
0xeb: {  	[tilespmem:s6+$0xE530] =	vst v1;
	v1 =	vld [tilespmem:s6+$0xE5A0]  }
0xec: {  	v0 =	vld [tilespmem:s6+$0xE5B0];
	[tilespmem:s6+$0xE550] =	vst v6;
	v6 =	vmul.f32 $1.131370830e+01, v3  }
0xed: {  	v7 =	vmul.f32 $1.131370830e+01, v7;
	[tilespmem:s6+$0xE540] =	vst v2;
	v2 =	vld [tilespmem:s6+$0xE5C0]  }
0xee: {  	v3 =	vld [tilespmem:s6+$0xE5D0];
	[tilespmem:s6+$0xE570] =	vst v6;
	v6 =	vmul.f32 $1.131370830e+01, v4  }
0xef: {  	s10 =	simm.s32 $0x800;
	[tilespmem:s6+$0xE560] =	vst v7;
	v5 =	vmul.f32 $1.131370830e+01, v5;
	v4 =	vld [tilespmem:s6+$0xE5E0]  }
.LBB2_7:
0xf0: {  	s11 =	sshra.s32 s10, $0x2;
	p0 =	sne.s32 s10, $0xF800;
	[tilespmem:s6+$0xE580] =	vst v6;
	v1 =	vmul.f32 $1.131370830e+01, v1;
	v6 =	vld [tilespmem:s6+$0xE5F0]  }
0xf1: {  	v7 =	vld [tilespmem:s11+$0xE400];
	[tilespmem:s6+$0xE590] =	vst v5;
	v0 =	vmul.f32 $1.131370830e+01, v0  }
0xf2: {  	v5 =	vld [tilespmem:s11+$0xE410];
	[tilespmem:s6+$0xE5A0] =	vst v1;
	v1 =	vmul.f32 $1.131370830e+01, v2  }
0xf3: {  	v2 =	vld [tilespmem:s11+$0xE420];
	[tilespmem:s6+$0xE5B0] =	vst v0;
	v0 =	vmul.f32 $1.131370830e+01, v3  }
0xf4: {  	v3 =	vld [tilespmem:s11+$0xE430];
	[tilespmem:s6+$0xE5C0] =	vst v1;
	v1 =	vmul.f32 $1.131370830e+01, v4  }
0xf5: {  	v4 =	vld [tilespmem:s11+$0xE440];
	[tilespmem:s6+$0xE5D0] =	vst v0;
	v0 =	vmul.f32 $1.131370830e+01, v6  }
0xf6: {  	v6 =	vmul.f32 $1.131370830e+01, v7;
	v7 =	vld [tilespmem:s11+$0xE450];
	[tilespmem:s6+$0xE5E0] =	vst v1  }
0xf7: {  	v1 =	vmul.f32 $1.131370830e+01, v5;
	v5 =	vld [tilespmem:s11+$0xE460];
	[tilespmem:s6+$0xE5F0] =	vst v0;
	s6 =	smov.u32 s11  }
0xf8: {  	[tilespmem:s6+$0xE400] =	vst v6;
	v0 =	vmul.f32 $1.131370830e+01, v2;
	v2 =	vld [tilespmem:s6+$0xE470]  }
0xf9: {  	[tilespmem:s6+$0xE410] =	vst v1;
	v1 =	vmul.f32 $1.131370830e+01, v3;
	v3 =	vld [tilespmem:s6+$0xE480]  }
0xfa: {  	[tilespmem:s6+$0xE420] =	vst v0;
	v0 =	vmul.f32 $1.131370830e+01, v4;
	v4 =	vld [tilespmem:s6+$0xE490]  }
0xfb: {  	[tilespmem:s6+$0xE430] =	vst v1;
	v1 =	vmul.f32 $1.131370830e+01, v7;
	v6 =	vld [tilespmem:s6+$0xE4A0]  }
0xfc: {  	[tilespmem:s6+$0xE440] =	vst v0;
	v0 =	vmul.f32 $1.131370830e+01, v5;
	v5 =	vld [tilespmem:s6+$0xE4B0]  }
0xfd: {  	[tilespmem:s6+$0xE450] =	vst v1;
	v1 =	vmul.f32 $1.131370830e+01, v2;
	v2 =	vld [tilespmem:s6+$0xE4C0]  }
0xfe: {  	[tilespmem:s6+$0xE460] =	vst v0;
	v0 =	vmul.f32 $1.131370830e+01, v3;
	v3 =	vld [tilespmem:s6+$0xE4D0]  }
0xff: {  	[tilespmem:s6+$0xE470] =	vst v1;
	v1 =	vmul.f32 $1.131370830e+01, v4;
	v4 =	vld [tilespmem:s6+$0xE4E0]  }
0x100: {  	[tilespmem:s6+$0xE480] =	vst v0;
	v0 =	vmul.f32 $1.131370830e+01, v6;
	v6 =	vld [tilespmem:s6+$0xE4F0]  }
0x101: {  	[tilespmem:s6+$0xE490] =	vst v1;
	v1 =	vmul.f32 $1.131370830e+01, v5;
	v5 =	vld [tilespmem:s6+$0xE500]  }
0x102: {  	[tilespmem:s6+$0xE4A0] =	vst v0;
	v0 =	vmul.f32 $1.131370830e+01, v2;
	v2 =	vld [tilespmem:s6+$0xE510]  }
0x103: {  	[tilespmem:s6+$0xE4B0] =	vst v1;
	v1 =	vmul.f32 $1.131370830e+01, v3;
	v3 =	vld [tilespmem:s6+$0xE520]  }
0x104: {  	[tilespmem:s6+$0xE4C0] =	vst v0;
	v0 =	vmul.f32 $1.131370830e+01, v4;
	v4 =	vld [tilespmem:s6+$0xE530]  }
0x105: {  	[tilespmem:s6+$0xE4D0] =	vst v1;
	v1 =	vmul.f32 $1.131370830e+01, v6;
	v6 =	vld [tilespmem:s6+$0xE540]  }
0x106: {  	[tilespmem:s6+$0xE4E0] =	vst v0;
	v0 =	vmul.f32 $1.131370830e+01, v5;
	v5 =	vld [tilespmem:s6+$0xE550]  }
0x107: {  	[tilespmem:s6+$0xE4F0] =	vst v1;
	v1 =	vmul.f32 $1.131370830e+01, v2;
	v2 =	vld [tilespmem:s6+$0xE560]  }
0x108: {  	[tilespmem:s6+$0xE500] =	vst v0;
	v0 =	vmul.f32 $1.131370830e+01, v3;
	v3 =	vld [tilespmem:s6+$0xE570]  }
0x109: {  	[tilespmem:s6+$0xE510] =	vst v1;
	v1 =	vmul.f32 $1.131370830e+01, v4;
	v4 =	vld [tilespmem:s6+$0xE580]  }
0x10a: {  	[tilespmem:s6+$0xE520] =	vst v0;
	v0 =	vmul.f32 $1.131370830e+01, v6;
	v7 =	vld [tilespmem:s6+$0xE590]  }
.Ltmp4:
0x10b: {  	[tilespmem:s6+$0xE530] =	vst v1;
	v5 =	vmul.f32 $1.131370830e+01, v5;
	v1 =	vld [tilespmem:s6+$0xE5A0];
	(pc) =	sbr.rel @p0 .LBB2_7-.Ltmp4, $4  }
0x10c: {  	[tilespmem:s6+$0xE540] =	vst v0;
	v6 =	vmul.f32 $1.131370830e+01, v2;
	v0 =	vld [tilespmem:s6+$0xE5B0]  }
0x10d: {  	[tilespmem:s6+$0xE550] =	vst v5;
	v5 =	vmul.f32 $1.131370830e+01, v3;
	v2 =	vld [tilespmem:s6+$0xE5C0]  }
0x10e: {  	[tilespmem:s6+$0xE560] =	vst v6;
	v6 =	vmul.f32 $1.131370830e+01, v4;
	v3 =	vld [tilespmem:s6+$0xE5D0]  }
0x10f: {  	s10 =	sadd.s32 $0x800, s10;
	[tilespmem:s6+$0xE570] =	vst v5;
	v5 =	vmul.f32 $1.131370830e+01, v7;
	v4 =	vld [tilespmem:s6+$0xE5E0]  }
0x110: {  	[tilespmem:s6+$0xE580] =	vst v6;
	v1 =	vmul.f32 $1.131370830e+01, v1;
	v6 =	vld [tilespmem:s6+$0xE5F0]  }
0x111: {  	[tilespmem:s6+$0xE590] =	vst v5;
	v0 =	vmul.f32 $1.131370830e+01, v0  }
0x112: {  	[tilespmem:s6+$0xE5A0] =	vst v1;
	v1 =	vmul.f32 $1.131370830e+01, v2  }
0x113: {  	[tilespmem:s6+$0xE5B0] =	vst v0;
	v0 =	vmul.f32 $1.131370830e+01, v3  }
0x114: {  	[tilespmem:s6+$0xE5C0] =	vst v1;
	v1 =	vmul.f32 $1.131370830e+01, v4  }
0x115: {  	s10 =	sadd.s32 s15, s8;
	[tilespmem:s6+$0xE5D0] =	vst v0;
	v0 =	vmul.f32 $1.131370830e+01, v6  }
0x116: {  	p0 =	seq.s32 s31, $0x27;
	s10 =	sshll.u32 s10, $0x4;
	[tilespmem:s6+$0xE5E0] =	vst v1  }
0x117: {  	s15 =	sadd.s32 s3, s10;
	s10 =	smul.u32 @!p0 $0xA00, s31;
	[tilespmem:s6+$0xE5F0] =	vst v0;
	s6 =	simm.s32 @!p0 $0x6  }
0x118: {  	[hbm4b:s15+s4] =	stream.linear.scatter [tilespmem:s16], [sflag:$0x8], $0x4000, $0x38;
	[tilespmem:$0x1A400] =	vst v63  }
0x119: {  	_ =	swait.ge @!p0 [sflag:s6], $0x4000  }
0x11a: {  	s11 =	simm.s32 @!p0 $0x6400;
	s15 =	sshra.s32 @!p0 s10, $0x2;
	[sflag:s6] =	ssyncset.done @!p0 $0x0  }
0x11b: {  	s10 =	simm.s32 @!p0 $0x80;
	[sflag:s6] =	ssyncadd.s32 @!p0 $0xFFFFC000;
	s6 =	sadd.s32 @!p0 $0x280, s15  }
0x11c: {  	[tilespmem:s11], [sflag:$0x1] =	stream.indirect.gather @!p0 [hbm4b:s2+s10], $0x80, s6, s10, $0xb8;
	[tilespmem:$0x1A400] =	vst v63  }
0x11d: {  	_ =	swait.ge [sflag:s22], $0x4000  }
0x11e: {  	[sflag:s22] =	ssyncset.done $0x0  }
0x11f: {  	s6 =	simm.s32 $0x0;
	[sflag:s22] =	ssyncadd.s32 $0xFFFFC000  }
0x120: {  	v0 =	vld [tilespmem:s6+$0x12400]  }
0x121: {  	v1 =	vld [tilespmem:s6+$0x12410]  }
0x122: {  	v2 =	vld [tilespmem:s6+$0x12420]  }
0x123: {  	v3 =	vld [tilespmem:s6+$0x12430]  }
0x124: {  	v4 =	vld [tilespmem:s6+$0x12440]  }
0x125: {  	v5 =	vld [tilespmem:s6+$0x12450];
	v0 =	vmul.f32 $1.131370830e+01, v0  }
0x126: {  	v6 =	vld [tilespmem:s6+$0x12460];
	v1 =	vmul.f32 $1.131370830e+01, v1  }
0x127: {  	v2 =	vmul.f32 $1.131370830e+01, v2;
	[tilespmem:s6+$0x12400] =	vst v0;
	v0 =	vld [tilespmem:s6+$0x12470]  }
0x128: {  	v3 =	vmul.f32 $1.131370830e+01, v3;
	[tilespmem:s6+$0x12410] =	vst v1;
	v1 =	vld [tilespmem:s6+$0x12480]  }
0x129: {  	v4 =	vmul.f32 $1.131370830e+01, v4;
	[tilespmem:s6+$0x12420] =	vst v2;
	v2 =	vld [tilespmem:s6+$0x12490]  }
0x12a: {  	v5 =	vmul.f32 $1.131370830e+01, v5;
	[tilespmem:s6+$0x12430] =	vst v3;
	v3 =	vld [tilespmem:s6+$0x124A0]  }
0x12b: {  	v6 =	vmul.f32 $1.131370830e+01, v6;
	[tilespmem:s6+$0x12440] =	vst v4;
	v4 =	vld [tilespmem:s6+$0x124B0]  }
0x12c: {  	[tilespmem:s6+$0x12450] =	vst v5;
	v5 =	vld [tilespmem:s6+$0x124C0];
	v0 =	vmul.f32 $1.131370830e+01, v0  }
0x12d: {  	[tilespmem:s6+$0x12460] =	vst v6;
	v6 =	vld [tilespmem:s6+$0x124D0];
	v1 =	vmul.f32 $1.131370830e+01, v1  }
0x12e: {  	v2 =	vmul.f32 $1.131370830e+01, v2;
	[tilespmem:s6+$0x12470] =	vst v0;
	v0 =	vld [tilespmem:s6+$0x124E0]  }
0x12f: {  	v3 =	vmul.f32 $1.131370830e+01, v3;
	[tilespmem:s6+$0x12480] =	vst v1;
	v1 =	vld [tilespmem:s6+$0x124F0]  }
0x130: {  	v4 =	vmul.f32 $1.131370830e+01, v4;
	[tilespmem:s6+$0x12490] =	vst v2;
	v2 =	vld [tilespmem:s6+$0x12500]  }
0x131: {  	v5 =	vmul.f32 $1.131370830e+01, v5;
	[tilespmem:s6+$0x124A0] =	vst v3;
	v3 =	vld [tilespmem:s6+$0x12510]  }
0x132: {  	v6 =	vmul.f32 $1.131370830e+01, v6;
	[tilespmem:s6+$0x124B0] =	vst v4;
	v4 =	vld [tilespmem:s6+$0x12520]  }
0x133: {  	[tilespmem:s6+$0x124C0] =	vst v5;
	v5 =	vld [tilespmem:s6+$0x12530];
	v0 =	vmul.f32 $1.131370830e+01, v0  }
0x134: {  	[tilespmem:s6+$0x124D0] =	vst v6;
	v6 =	vld [tilespmem:s6+$0x12540]  }
0x135: {  	v1 =	vmul.f32 $1.131370830e+01, v1;
	[tilespmem:s6+$0x124E0] =	vst v0;
	v0 =	vld [tilespmem:s6+$0x12550]  }
0x136: {  	v2 =	vmul.f32 $1.131370830e+01, v2  }
0x137: {  	[tilespmem:s6+$0x124F0] =	vst v1;
	v1 =	vmul.f32 $1.131370830e+01, v3;
	v3 =	vld [tilespmem:s6+$0x12570]  }
0x138: {  	v7 =	vld [tilespmem:s6+$0x12560];
	[tilespmem:s6+$0x12500] =	vst v2;
	v2 =	vmul.f32 $1.131370830e+01, v4  }
0x139: {  	v4 =	vld [tilespmem:s6+$0x12580];
	[tilespmem:s6+$0x12510] =	vst v1;
	v1 =	vmul.f32 $1.131370830e+01, v5  }
0x13a: {  	[tilespmem:s6+$0x12520] =	vst v2;
	v5 =	vld [tilespmem:s6+$0x12590];
	v2 =	vmul.f32 $1.131370830e+01, v6;
	v6 =	vmul.f32 $1.131370830e+01, v0  }
0x13b: {  	[tilespmem:s6+$0x12530] =	vst v1;
	v1 =	vld [tilespmem:s6+$0x125A0]  }
0x13c: {  	v0 =	vld [tilespmem:s6+$0x125B0];
	[tilespmem:s6+$0x12550] =	vst v6;
	v6 =	vmul.f32 $1.131370830e+01, v3  }
0x13d: {  	v7 =	vmul.f32 $1.131370830e+01, v7;
	[tilespmem:s6+$0x12540] =	vst v2;
	v2 =	vld [tilespmem:s6+$0x125C0]  }
0x13e: {  	v3 =	vld [tilespmem:s6+$0x125D0];
	[tilespmem:s6+$0x12570] =	vst v6;
	v6 =	vmul.f32 $1.131370830e+01, v4  }
0x13f: {  	s10 =	simm.s32 $0x800;
	[tilespmem:s6+$0x12560] =	vst v7;
	v5 =	vmul.f32 $1.131370830e+01, v5;
	v4 =	vld [tilespmem:s6+$0x125E0]  }
.LBB2_9:
0x140: {  	s11 =	sshra.s32 s10, $0x2;
	p1 =	sne.s32 s10, $0xF800;
	[tilespmem:s6+$0x12580] =	vst v6;
	v1 =	vmul.f32 $1.131370830e+01, v1;
	v6 =	vld [tilespmem:s6+$0x125F0]  }
0x141: {  	v7 =	vld [tilespmem:s11+$0x12400];
	[tilespmem:s6+$0x12590] =	vst v5;
	v0 =	vmul.f32 $1.131370830e+01, v0  }
0x142: {  	v5 =	vld [tilespmem:s11+$0x12410];
	[tilespmem:s6+$0x125A0] =	vst v1;
	v1 =	vmul.f32 $1.131370830e+01, v2  }
0x143: {  	v2 =	vld [tilespmem:s11+$0x12420];
	[tilespmem:s6+$0x125B0] =	vst v0;
	v0 =	vmul.f32 $1.131370830e+01, v3  }
0x144: {  	v3 =	vld [tilespmem:s11+$0x12430];
	[tilespmem:s6+$0x125C0] =	vst v1;
	v1 =	vmul.f32 $1.131370830e+01, v4  }
0x145: {  	v4 =	vld [tilespmem:s11+$0x12440];
	[tilespmem:s6+$0x125D0] =	vst v0;
	v0 =	vmul.f32 $1.131370830e+01, v6  }
0x146: {  	v6 =	vmul.f32 $1.131370830e+01, v7;
	v7 =	vld [tilespmem:s11+$0x12450];
	[tilespmem:s6+$0x125E0] =	vst v1  }
0x147: {  	v1 =	vmul.f32 $1.131370830e+01, v5;
	v5 =	vld [tilespmem:s11+$0x12460];
	[tilespmem:s6+$0x125F0] =	vst v0;
	s6 =	smov.u32 s11  }
0x148: {  	[tilespmem:s6+$0x12400] =	vst v6;
	v0 =	vmul.f32 $1.131370830e+01, v2;
	v2 =	vld [tilespmem:s6+$0x12470]  }
0x149: {  	[tilespmem:s6+$0x12410] =	vst v1;
	v1 =	vmul.f32 $1.131370830e+01, v3;
	v3 =	vld [tilespmem:s6+$0x12480]  }
0x14a: {  	[tilespmem:s6+$0x12420] =	vst v0;
	v0 =	vmul.f32 $1.131370830e+01, v4;
	v4 =	vld [tilespmem:s6+$0x12490]  }
0x14b: {  	[tilespmem:s6+$0x12430] =	vst v1;
	v1 =	vmul.f32 $1.131370830e+01, v7;
	v6 =	vld [tilespmem:s6+$0x124A0]  }
0x14c: {  	[tilespmem:s6+$0x12440] =	vst v0;
	v0 =	vmul.f32 $1.131370830e+01, v5;
	v5 =	vld [tilespmem:s6+$0x124B0]  }
0x14d: {  	[tilespmem:s6+$0x12450] =	vst v1;
	v1 =	vmul.f32 $1.131370830e+01, v2;
	v2 =	vld [tilespmem:s6+$0x124C0]  }
0x14e: {  	[tilespmem:s6+$0x12460] =	vst v0;
	v0 =	vmul.f32 $1.131370830e+01, v3;
	v3 =	vld [tilespmem:s6+$0x124D0]  }
0x14f: {  	[tilespmem:s6+$0x12470] =	vst v1;
	v1 =	vmul.f32 $1.131370830e+01, v4;
	v4 =	vld [tilespmem:s6+$0x124E0]  }
0x150: {  	[tilespmem:s6+$0x12480] =	vst v0;
	v0 =	vmul.f32 $1.131370830e+01, v6;
	v6 =	vld [tilespmem:s6+$0x124F0]  }
0x151: {  	[tilespmem:s6+$0x12490] =	vst v1;
	v1 =	vmul.f32 $1.131370830e+01, v5;
	v5 =	vld [tilespmem:s6+$0x12500]  }
0x152: {  	[tilespmem:s6+$0x124A0] =	vst v0;
	v0 =	vmul.f32 $1.131370830e+01, v2;
	v2 =	vld [tilespmem:s6+$0x12510]  }
0x153: {  	[tilespmem:s6+$0x124B0] =	vst v1;
	v1 =	vmul.f32 $1.131370830e+01, v3;
	v3 =	vld [tilespmem:s6+$0x12520]  }
0x154: {  	[tilespmem:s6+$0x124C0] =	vst v0;
	v0 =	vmul.f32 $1.131370830e+01, v4;
	v4 =	vld [tilespmem:s6+$0x12530]  }
0x155: {  	[tilespmem:s6+$0x124D0] =	vst v1;
	v1 =	vmul.f32 $1.131370830e+01, v6;
	v6 =	vld [tilespmem:s6+$0x12540]  }
0x156: {  	[tilespmem:s6+$0x124E0] =	vst v0;
	v0 =	vmul.f32 $1.131370830e+01, v5;
	v5 =	vld [tilespmem:s6+$0x12550]  }
0x157: {  	[tilespmem:s6+$0x124F0] =	vst v1;
	v1 =	vmul.f32 $1.131370830e+01, v2;
	v2 =	vld [tilespmem:s6+$0x12560]  }
0x158: {  	[tilespmem:s6+$0x12500] =	vst v0;
	v0 =	vmul.f32 $1.131370830e+01, v3;
	v3 =	vld [tilespmem:s6+$0x12570]  }
0x159: {  	[tilespmem:s6+$0x12510] =	vst v1;
	v1 =	vmul.f32 $1.131370830e+01, v4;
	v4 =	vld [tilespmem:s6+$0x12580]  }
0x15a: {  	[tilespmem:s6+$0x12520] =	vst v0;
	v0 =	vmul.f32 $1.131370830e+01, v6;
	v7 =	vld [tilespmem:s6+$0x12590]  }
.Ltmp5:
0x15b: {  	[tilespmem:s6+$0x12530] =	vst v1;
	v5 =	vmul.f32 $1.131370830e+01, v5;
	v1 =	vld [tilespmem:s6+$0x125A0];
	(pc) =	sbr.rel @p1 .LBB2_9-.Ltmp5, $4  }
0x15c: {  	[tilespmem:s6+$0x12540] =	vst v0;
	v6 =	vmul.f32 $1.131370830e+01, v2;
	v0 =	vld [tilespmem:s6+$0x125B0]  }
0x15d: {  	[tilespmem:s6+$0x12550] =	vst v5;
	v5 =	vmul.f32 $1.131370830e+01, v3;
	v2 =	vld [tilespmem:s6+$0x125C0]  }
0x15e: {  	[tilespmem:s6+$0x12560] =	vst v6;
	v6 =	vmul.f32 $1.131370830e+01, v4;
	v3 =	vld [tilespmem:s6+$0x125D0]  }
0x15f: {  	s10 =	sadd.s32 $0x800, s10;
	[tilespmem:s6+$0x12570] =	vst v5;
	v5 =	vmul.f32 $1.131370830e+01, v7;
	v4 =	vld [tilespmem:s6+$0x125E0]  }
0x160: {  	[tilespmem:s6+$0x12580] =	vst v6;
	v1 =	vmul.f32 $1.131370830e+01, v1;
	v6 =	vld [tilespmem:s6+$0x125F0]  }
0x161: {  	[tilespmem:s6+$0x12590] =	vst v5;
	v0 =	vmul.f32 $1.131370830e+01, v0  }
0x162: {  	[tilespmem:s6+$0x125A0] =	vst v1;
	v1 =	vmul.f32 $1.131370830e+01, v2  }
0x163: {  	[tilespmem:s6+$0x125B0] =	vst v0;
	v0 =	vmul.f32 $1.131370830e+01, v3  }
0x164: {  	s0 =	sshll.u32 s0, $0xE;
	[tilespmem:s6+$0x125C0] =	vst v1;
	v1 =	vmul.f32 $1.131370830e+01, v4  }
0x165: {  	s0 =	sadd.s32 s9, s0;
	[tilespmem:s6+$0x125D0] =	vst v0;
	v0 =	vmul.f32 $1.131370830e+01, v6  }
0x166: {  	s0 =	sshrl.u32 s0, $0x3;
	[tilespmem:s6+$0x125E0] =	vst v1  }
0x167: {  	s0 =	sadd.s32 s3, s0;
	[tilespmem:s6+$0x125F0] =	vst v0  }
0x168: {  	[hbm4b:s0+s4] =	stream.linear.scatter [tilespmem:s18], [sflag:$0x9], $0x4000, $0x38;
	[tilespmem:$0x1A400] =	vst v63  }
0x169: {  	s0 =	simm.s32 @!p0 $0x7  }
0x16a: {  	_ =	swait.ge @!p0 [sflag:s0], $0x4000  }
0x16b: {  	s10 =	simm.s32 @!p0 $0xA400;
	[sflag:s0] =	ssyncset.done @!p0 $0x0  }
0x16c: {  	s6 =	simm.s32 @!p0 $0x80;
	[sflag:s0] =	ssyncadd.s32 @!p0 $0xFFFFC000;
	s0 =	sadd.s32 @!p0 $0x300, s15  }
0x16d: {  	[tilespmem:s10], [sflag:$0x2] =	stream.indirect.gather @!p0 [hbm4b:s2+s6], $0x80, s0, s6, $0xb8;
	[tilespmem:$0x1A400] =	vst v63  }
0x16e: {  	_ =	swait.ge [sflag:s23], $0x4000  }
0x16f: {  	[sflag:s23] =	ssyncset.done $0x0  }
0x170: {  	s0 =	simm.s32 $0x0;
	[sflag:s23] =	ssyncadd.s32 $0xFFFFC000  }
0x171: {  	v0 =	vld [tilespmem:s0+$0x16400]  }
0x172: {  	v1 =	vld [tilespmem:s0+$0x16410]  }
0x173: {  	v2 =	vld [tilespmem:s0+$0x16420]  }
0x174: {  	v3 =	vld [tilespmem:s0+$0x16430]  }
0x175: {  	v4 =	vld [tilespmem:s0+$0x16440]  }
0x176: {  	v5 =	vld [tilespmem:s0+$0x16450];
	v0 =	vmul.f32 $1.131370830e+01, v0  }
0x177: {  	v6 =	vld [tilespmem:s0+$0x16460];
	v1 =	vmul.f32 $1.131370830e+01, v1  }
0x178: {  	v2 =	vmul.f32 $1.131370830e+01, v2;
	[tilespmem:s0+$0x16400] =	vst v0;
	v0 =	vld [tilespmem:s0+$0x16470]  }
0x179: {  	v3 =	vmul.f32 $1.131370830e+01, v3;
	[tilespmem:s0+$0x16410] =	vst v1;
	v1 =	vld [tilespmem:s0+$0x16480]  }
0x17a: {  	v4 =	vmul.f32 $1.131370830e+01, v4;
	[tilespmem:s0+$0x16420] =	vst v2;
	v2 =	vld [tilespmem:s0+$0x16490]  }
0x17b: {  	v5 =	vmul.f32 $1.131370830e+01, v5;
	[tilespmem:s0+$0x16430] =	vst v3;
	v3 =	vld [tilespmem:s0+$0x164A0]  }
0x17c: {  	v6 =	vmul.f32 $1.131370830e+01, v6;
	[tilespmem:s0+$0x16440] =	vst v4;
	v4 =	vld [tilespmem:s0+$0x164B0]  }
0x17d: {  	[tilespmem:s0+$0x16450] =	vst v5;
	v5 =	vld [tilespmem:s0+$0x164C0];
	v0 =	vmul.f32 $1.131370830e+01, v0  }
0x17e: {  	[tilespmem:s0+$0x16460] =	vst v6;
	v6 =	vld [tilespmem:s0+$0x164D0];
	v1 =	vmul.f32 $1.131370830e+01, v1  }
0x17f: {  	v2 =	vmul.f32 $1.131370830e+01, v2;
	[tilespmem:s0+$0x16470] =	vst v0;
	v0 =	vld [tilespmem:s0+$0x164E0]  }
0x180: {  	v3 =	vmul.f32 $1.131370830e+01, v3;
	[tilespmem:s0+$0x16480] =	vst v1;
	v1 =	vld [tilespmem:s0+$0x164F0]  }
0x181: {  	v4 =	vmul.f32 $1.131370830e+01, v4;
	[tilespmem:s0+$0x16490] =	vst v2;
	v2 =	vld [tilespmem:s0+$0x16500]  }
0x182: {  	v5 =	vmul.f32 $1.131370830e+01, v5;
	[tilespmem:s0+$0x164A0] =	vst v3;
	v3 =	vld [tilespmem:s0+$0x16510]  }
0x183: {  	v6 =	vmul.f32 $1.131370830e+01, v6;
	[tilespmem:s0+$0x164B0] =	vst v4;
	v4 =	vld [tilespmem:s0+$0x16520]  }
0x184: {  	[tilespmem:s0+$0x164C0] =	vst v5;
	v5 =	vld [tilespmem:s0+$0x16530];
	v0 =	vmul.f32 $1.131370830e+01, v0  }
0x185: {  	[tilespmem:s0+$0x164D0] =	vst v6;
	v6 =	vld [tilespmem:s0+$0x16540]  }
0x186: {  	v1 =	vmul.f32 $1.131370830e+01, v1;
	[tilespmem:s0+$0x164E0] =	vst v0;
	v0 =	vld [tilespmem:s0+$0x16550]  }
0x187: {  	v2 =	vmul.f32 $1.131370830e+01, v2  }
0x188: {  	[tilespmem:s0+$0x164F0] =	vst v1;
	v1 =	vmul.f32 $1.131370830e+01, v3;
	v3 =	vld [tilespmem:s0+$0x16570]  }
0x189: {  	v7 =	vld [tilespmem:s0+$0x16560];
	[tilespmem:s0+$0x16500] =	vst v2;
	v2 =	vmul.f32 $1.131370830e+01, v4  }
0x18a: {  	v4 =	vld [tilespmem:s0+$0x16580];
	[tilespmem:s0+$0x16510] =	vst v1;
	v1 =	vmul.f32 $1.131370830e+01, v5  }
0x18b: {  	[tilespmem:s0+$0x16520] =	vst v2;
	v5 =	vld [tilespmem:s0+$0x16590];
	v2 =	vmul.f32 $1.131370830e+01, v6;
	v6 =	vmul.f32 $1.131370830e+01, v0  }
0x18c: {  	[tilespmem:s0+$0x16530] =	vst v1;
	v1 =	vld [tilespmem:s0+$0x165A0]  }
0x18d: {  	v0 =	vld [tilespmem:s0+$0x165B0];
	[tilespmem:s0+$0x16550] =	vst v6;
	v6 =	vmul.f32 $1.131370830e+01, v3  }
0x18e: {  	v7 =	vmul.f32 $1.131370830e+01, v7;
	[tilespmem:s0+$0x16540] =	vst v2;
	v2 =	vld [tilespmem:s0+$0x165C0]  }
0x18f: {  	v3 =	vld [tilespmem:s0+$0x165D0];
	[tilespmem:s0+$0x16570] =	vst v6;
	v6 =	vmul.f32 $1.131370830e+01, v4  }
0x190: {  	s6 =	simm.s32 $0x800;
	[tilespmem:s0+$0x16560] =	vst v7;
	v5 =	vmul.f32 $1.131370830e+01, v5;
	v4 =	vld [tilespmem:s0+$0x165E0]  }
.LBB2_11:
0x191: {  	s10 =	sshra.s32 s6, $0x2;
	p1 =	sne.s32 s6, $0xF800;
	[tilespmem:s0+$0x16580] =	vst v6;
	v1 =	vmul.f32 $1.131370830e+01, v1;
	v6 =	vld [tilespmem:s0+$0x165F0]  }
0x192: {  	v7 =	vld [tilespmem:s10+$0x16400];
	[tilespmem:s0+$0x16590] =	vst v5;
	v0 =	vmul.f32 $1.131370830e+01, v0  }
0x193: {  	v5 =	vld [tilespmem:s10+$0x16410];
	[tilespmem:s0+$0x165A0] =	vst v1;
	v1 =	vmul.f32 $1.131370830e+01, v2  }
0x194: {  	v2 =	vld [tilespmem:s10+$0x16420];
	[tilespmem:s0+$0x165B0] =	vst v0;
	v0 =	vmul.f32 $1.131370830e+01, v3  }
0x195: {  	v3 =	vld [tilespmem:s10+$0x16430];
	[tilespmem:s0+$0x165C0] =	vst v1;
	v1 =	vmul.f32 $1.131370830e+01, v4  }
0x196: {  	v4 =	vld [tilespmem:s10+$0x16440];
	[tilespmem:s0+$0x165D0] =	vst v0;
	v0 =	vmul.f32 $1.131370830e+01, v6  }
0x197: {  	v6 =	vmul.f32 $1.131370830e+01, v7;
	v7 =	vld [tilespmem:s10+$0x16450];
	[tilespmem:s0+$0x165E0] =	vst v1  }
0x198: {  	v1 =	vmul.f32 $1.131370830e+01, v5;
	v5 =	vld [tilespmem:s10+$0x16460];
	[tilespmem:s0+$0x165F0] =	vst v0;
	s0 =	smov.u32 s10  }
0x199: {  	[tilespmem:s0+$0x16400] =	vst v6;
	v0 =	vmul.f32 $1.131370830e+01, v2;
	v2 =	vld [tilespmem:s0+$0x16470]  }
0x19a: {  	[tilespmem:s0+$0x16410] =	vst v1;
	v1 =	vmul.f32 $1.131370830e+01, v3;
	v3 =	vld [tilespmem:s0+$0x16480]  }
0x19b: {  	[tilespmem:s0+$0x16420] =	vst v0;
	v0 =	vmul.f32 $1.131370830e+01, v4;
	v4 =	vld [tilespmem:s0+$0x16490]  }
0x19c: {  	[tilespmem:s0+$0x16430] =	vst v1;
	v1 =	vmul.f32 $1.131370830e+01, v7;
	v6 =	vld [tilespmem:s0+$0x164A0]  }
0x19d: {  	[tilespmem:s0+$0x16440] =	vst v0;
	v0 =	vmul.f32 $1.131370830e+01, v5;
	v5 =	vld [tilespmem:s0+$0x164B0]  }
0x19e: {  	[tilespmem:s0+$0x16450] =	vst v1;
	v1 =	vmul.f32 $1.131370830e+01, v2;
	v2 =	vld [tilespmem:s0+$0x164C0]  }
0x19f: {  	[tilespmem:s0+$0x16460] =	vst v0;
	v0 =	vmul.f32 $1.131370830e+01, v3;
	v3 =	vld [tilespmem:s0+$0x164D0]  }
0x1a0: {  	[tilespmem:s0+$0x16470] =	vst v1;
	v1 =	vmul.f32 $1.131370830e+01, v4;
	v4 =	vld [tilespmem:s0+$0x164E0]  }
0x1a1: {  	[tilespmem:s0+$0x16480] =	vst v0;
	v0 =	vmul.f32 $1.131370830e+01, v6;
	v6 =	vld [tilespmem:s0+$0x164F0]  }
0x1a2: {  	[tilespmem:s0+$0x16490] =	vst v1;
	v1 =	vmul.f32 $1.131370830e+01, v5;
	v5 =	vld [tilespmem:s0+$0x16500]  }
0x1a3: {  	[tilespmem:s0+$0x164A0] =	vst v0;
	v0 =	vmul.f32 $1.131370830e+01, v2;
	v2 =	vld [tilespmem:s0+$0x16510]  }
0x1a4: {  	[tilespmem:s0+$0x164B0] =	vst v1;
	v1 =	vmul.f32 $1.131370830e+01, v3;
	v3 =	vld [tilespmem:s0+$0x16520]  }
0x1a5: {  	[tilespmem:s0+$0x164C0] =	vst v0;
	v0 =	vmul.f32 $1.131370830e+01, v4;
	v4 =	vld [tilespmem:s0+$0x16530]  }
0x1a6: {  	[tilespmem:s0+$0x164D0] =	vst v1;
	v1 =	vmul.f32 $1.131370830e+01, v6;
	v6 =	vld [tilespmem:s0+$0x16540]  }
0x1a7: {  	[tilespmem:s0+$0x164E0] =	vst v0;
	v0 =	vmul.f32 $1.131370830e+01, v5;
	v5 =	vld [tilespmem:s0+$0x16550]  }
0x1a8: {  	[tilespmem:s0+$0x164F0] =	vst v1;
	v1 =	vmul.f32 $1.131370830e+01, v2;
	v2 =	vld [tilespmem:s0+$0x16560]  }
0x1a9: {  	[tilespmem:s0+$0x16500] =	vst v0;
	v0 =	vmul.f32 $1.131370830e+01, v3;
	v3 =	vld [tilespmem:s0+$0x16570]  }
0x1aa: {  	[tilespmem:s0+$0x16510] =	vst v1;
	v1 =	vmul.f32 $1.131370830e+01, v4;
	v4 =	vld [tilespmem:s0+$0x16580]  }
0x1ab: {  	[tilespmem:s0+$0x16520] =	vst v0;
	v0 =	vmul.f32 $1.131370830e+01, v6;
	v7 =	vld [tilespmem:s0+$0x16590]  }
.Ltmp6:
0x1ac: {  	[tilespmem:s0+$0x16530] =	vst v1;
	v5 =	vmul.f32 $1.131370830e+01, v5;
	v1 =	vld [tilespmem:s0+$0x165A0];
	(pc) =	sbr.rel @p1 .LBB2_11-.Ltmp6, $4  }
0x1ad: {  	[tilespmem:s0+$0x16540] =	vst v0;
	v6 =	vmul.f32 $1.131370830e+01, v2;
	v0 =	vld [tilespmem:s0+$0x165B0]  }
0x1ae: {  	[tilespmem:s0+$0x16550] =	vst v5;
	v5 =	vmul.f32 $1.131370830e+01, v3;
	v2 =	vld [tilespmem:s0+$0x165C0]  }
0x1af: {  	[tilespmem:s0+$0x16560] =	vst v6;
	v6 =	vmul.f32 $1.131370830e+01, v4;
	v3 =	vld [tilespmem:s0+$0x165D0]  }
0x1b0: {  	s6 =	sadd.s32 $0x800, s6;
	[tilespmem:s0+$0x16570] =	vst v5;
	v5 =	vmul.f32 $1.131370830e+01, v7;
	v4 =	vld [tilespmem:s0+$0x165E0]  }
0x1b1: {  	[tilespmem:s0+$0x16580] =	vst v6;
	v1 =	vmul.f32 $1.131370830e+01, v1;
	v59 =	vld [tilespmem:s0+$0x165F0]  }
0x1b2: {  	[tilespmem:s0+$0x16590] =	vst v5;
	v0 =	vmul.f32 $1.131370830e+01, v0  }
0x1b3: {  	[tilespmem:s0+$0x165A0] =	vst v1;
	v60 =	vmul.f32 $1.131370830e+01, v2  }
0x1b4: {  	[tilespmem:s0+$0x165B0] =	vst v0;
	v61 =	vmul.f32 $1.131370830e+01, v3  }
.Ltmp7:
0x1b5: {  	s1 =	sshll.u32 s1, $0xE;
	[tilespmem:s0+$0x165C0] =	vst v60;
	v62 =	vmul.f32 $1.131370830e+01, v4;
	(pc) =	sbr.rel @p0 .LBB2_14-.Ltmp7, $4  }
0x1b6: {  	s1 =	sadd.s32 s9, s1;
	[tilespmem:s0+$0x165D0] =	vst v61;
	v63 =	vmul.f32 $1.131370830e+01, v59  }
0x1b7: {  	s1 =	sshrl.u32 s1, $0x3;
	[tilespmem:s0+$0x165E0] =	vst v62  }
0x1b8: {  	s15 =	sadd.s32 s3, s1;
	[tilespmem:s0+$0x165F0] =	vst v63  }
0x1b9: {  	[hbm4b:s15+s4] =	stream.linear.scatter [tilespmem:s20], [sflag:$0xA], $0x4000, $0x38;
	[tilespmem:$0x1A400] =	vst v63  }
0x1ba: {  	s0 =	smul.u32 $0xA00, s31  }
.Ltmp8:
0x1bb: {  	_ = 	snop;
	(pc) =	sbr.rel .LBB2_2-.Ltmp8, $4  }
0x1bc: {  	_ =	swait.ge [sflag:s26], $0x4000  }
0x1bd: {  	[sflag:s26] =	ssyncset.done $0x0;
	s0 =	sshra.s32 s0, $0x2  }
0x1be: {  	s31 =	sadd.s32 $0x1, s31;
	[sflag:s26] =	ssyncadd.s32 $0xFFFFC000;
	s0 =	sadd.s32 $0x380, s0  }
0x1bf: {  	[tilespmem:s16], [sflag:$0x3] =	stream.indirect.gather [hbm4b:s2+s12], $0x80, s0, s12, $0xb8;
	[tilespmem:$0x1A400] =	vst v63  }
.LBB2_15:
0x1c0: {  	_ =	sfence.sel $0x180000  }
0x1c1: {  	[bflag:$0x0] =	sbarrier.arrive $0xFFFF  }
0x1c2: {  	_ =	strace $0x90000047  }
0x1c3: {  	s0 =	stileid.u32;
	[bflag:$0x2] =	sbarrier.arrive $0xFFFF  }
0x1c4: {  	p0 =	sne.s32 s0, $0x0;
	s0 =	rddreg [dreg:$0x3]  }
0x1c5: {  	s0 =	sadd.s32 @!p0 $0x100000, s0  }
0x1c6: {  	[sflag:s0] =	ssyncadd.tile.s32 @!p0 $0x1;
	_ =	shalt  }
.Lfunc_end2:
_tile_overlayer_lowered:
.L_overlay_start_2:
0x1c7: {  	(tag) =	ssettag $0x2  }
0x1c8: {  	s0 =	rddreg [dreg:$0x0];
	s2 =	stileid.u32  }
0x1c9: {  	s1 =	rddreg [dreg:$0x1];
	p0 =	sne.s32 s2, $0x0  }
0x1ca: {  	s3 =	rddreg [dreg:$0x2];
	[bflag:$0x3] =	sbarrier.arrive $0xFFFF;
	s2 =	simm.s32 @!p0 $0x1C0B  }
0x1cb: {  	[timem:s3], [sflag:s2] =	dma.local @!p0 [hbm:s0], s1  }
0x1cc: {  	s0 =	simm.s32 @!p0 $0xB  }
0x1cd: {  	_ =	swait.ge @!p0 [sflag:s0], s1  }
0x1ce: {  	s1 =	ssub.s32 @!p0 $0x0, s1;
	[sflag:s0] =	ssyncset.done @!p0 $0x0  }
0x1cf: {  	[sflag:s0] =	ssyncadd.s32 @!p0 s1  }
0x1d0: {  	[bflag:$0x3] =	sbarrier.arrive $0xFFFF  }
0x1d1: {  	_ =	shalt  }

</sc_bundles>
